<compile_context>
chip_gen: v7x
topology: tpu7x:2x2x1
jax: 0.10.2.dev20260603
libtpu: 0.0.44.dev20260713+nightly
codegen_flags: <defaults>
</compile_context>

<pallas_src>
import functools

import jax
import jax.numpy as jnp
from jax import lax
from jax.experimental import pallas as pl
from jax.experimental.pallas import tpu as pltpu
from jax.experimental.pallas import tpu_sc as plsc

N = 10000
D = 128
E = 320000

NW = 32
K = 256
NCH = 40
EPW = NCH * K
E_PAD = NW * EPW
N_PAD = 10512
RPT = N_PAD // 16
ZR = 73

_mesh = plsc.VectorSubcoreMesh(core_axis_name="c", subcore_axis_name="s")


def _sc_scatter(F, Kc, NC):

  @functools.partial(
      pl.kernel,
      out_type=jax.ShapeDtypeStruct((2, N_PAD, F), jnp.float32),
      mesh=_mesh,
      compiler_params=pltpu.CompilerParams(use_tc_tiling_on_sc=False),
      scratch_types=[
          pltpu.VMEM((NC + 2, Kc), jnp.int32),
          pltpu.VMEM((NC + 1, Kc), jnp.int32),
          pltpu.VMEM((3, Kc, F), jnp.float32),
          pltpu.VMEM((ZR, F), jnp.float32),
          pltpu.VMEM_SHARED((N_PAD, F), jnp.float32),
          pltpu.SemaphoreType.DMA,
          pltpu.SemaphoreType.DMA,
          pltpu.SemaphoreType.DMA,
          pltpu.SemaphoreType.DMA,
          pltpu.SemaphoreType.DMA,
          pltpu.SemaphoreType.DMA,
      ],
  )
  def k(u_hbm, srcp_hbm, dstp_hbm, out_hbm, src_t, dst_t, rows, zbuf, acc,
        g0, g1, g2, s0, s1, s2):
    gsems = (g0, g1, g2)
    ssems = (s0, s1, s2)
    c = lax.axis_index("c")
    s = lax.axis_index("s")
    wid = s * 2 + c

    def zrow(r, carry):
      for t in range(F // 16):
        zbuf[r, pl.ds(t * 16, 16)] = jnp.zeros((16,), jnp.float32)
      return carry

    lax.fori_loop(0, ZR, zrow, 0)

    def zcp(i, carry):
      pltpu.sync_copy(zbuf, acc.at[pl.ds(s * RPT + i * ZR, ZR)])
      return carry

    lax.fori_loop(0, RPT // ZR, zcp, 0)

    pltpu.sync_copy(srcp_hbm.at[wid], src_t)
    pltpu.sync_copy(dstp_hbm.at[wid], dst_t)
    plsc.subcore_barrier()

    def gfire(j, b):
      pltpu.async_copy(u_hbm.at[src_t.at[j]], rows.at[b], gsems[b])

    def gwait(b):
      pltpu.make_async_copy(u_hbm.at[src_t.at[0]], rows.at[b],
                            gsems[b]).wait()

    def sfire(j, b):
      pltpu.async_copy(rows.at[b], acc.at[dst_t.at[j]], ssems[b], add=True)

    def swait(b):
      pltpu.make_async_copy(rows.at[b], acc.at[dst_t.at[0]], ssems[b]).wait()

    gfire(0, 0)
    gfire(1, 1)
    sfire(NC, 2)

    def body(i, carry):
      j0 = 3 * i
      for t in range(3):
        j = j0 + t
        gwait(t)
        sfire(j, t)
        swait((t + 2) % 3)
        gfire(j + 2, (t + 2) % 3)
      return carry

    lb = NC // 3
    lax.fori_loop(0, lb, body, 0)
    for j in range(3 * lb, NC):
      b = j % 3
      gwait(b)
      sfire(j, b)
      swait((b + 2) % 3)
      gfire(j + 2, (b + 2) % 3)
    swait((NC - 1) % 3)
    gwait(NC % 3)
    gwait((NC + 1) % 3)
    plsc.subcore_barrier()
    pltpu.sync_copy(acc.at[pl.ds(s * RPT, RPT)],
                    out_hbm.at[c, pl.ds(s * RPT, RPT)])

  return k


def _sc_degree():

  @functools.partial(
      pl.kernel,
      out_type=jax.ShapeDtypeStruct((2, N_PAD, 16), jnp.float32),
      mesh=_mesh,
      compiler_params=pltpu.CompilerParams(use_tc_tiling_on_sc=False),
      scratch_types=[
          pltpu.VMEM((NCH + 1, K), jnp.int32),
          pltpu.VMEM((K, 16), jnp.float32),
          pltpu.VMEM((ZR, 16), jnp.float32),
          pltpu.VMEM_SHARED((N_PAD, 16), jnp.float32),
          pltpu.SemaphoreType.DMA,
      ],
  )
  def k(dstp_hbm, out_hbm, dst_t, ones_b, zbuf, acc, ssem):
    c = lax.axis_index("c")
    s = lax.axis_index("s")
    wid = s * 2 + c

    def zrow(r, carry):
      zbuf[r, pl.ds(0, 16)] = jnp.zeros((16,), jnp.float32)
      return carry

    lax.fori_loop(0, ZR, zrow, 0)

    def orow(r, carry):
      ones_b[r, pl.ds(0, 16)] = jnp.ones((16,), jnp.float32)
      return carry

    lax.fori_loop(0, K, orow, 0)

    def zcp(i, carry):
      pltpu.sync_copy(zbuf, acc.at[pl.ds(s * RPT + i * ZR, ZR)])
      return carry

    lax.fori_loop(0, RPT // ZR, zcp, 0)

    pltpu.sync_copy(dstp_hbm.at[wid], dst_t)
    plsc.subcore_barrier()

    def body(i, carry):
      for b in range(8):
        pltpu.async_copy(ones_b, acc.at[dst_t.at[i * 8 + b]], ssem, add=True)
      for b in range(8):
        pltpu.make_async_copy(ones_b, acc.at[dst_t.at[0]], ssem).wait()
      return carry

    lax.fori_loop(0, NCH // 8, body, 0)
    plsc.subcore_barrier()
    pltpu.sync_copy(acc.at[pl.ds(s * RPT, RPT)],
                    out_hbm.at[c, pl.ds(s * RPT, RPT)])

  return k


_B = 10000


def _tc_mm_body(x_ref, W_ref, o_ref):
  o_ref[...] = jnp.dot(x_ref[...], W_ref[...],
                       preferred_element_type=jnp.float32)


def _tc_scale_body(p_ref, dpA, dpB, ou_ref, od_ref):
  deg = dpA[0][:, :1] + dpB[0][:, :1] + 1.0
  dinv = 1.0 / jnp.sqrt(deg)
  ou_ref[...] = dinv * p_ref[...]
  od_ref[...] = jnp.broadcast_to(dinv, od_ref.shape)


def _tc_mid_body(spA, spB, u_ref, dv_ref, W_ref, b_ref, o_ref):
  dinv = dv_ref[:, :1]
  h = jnp.maximum(dinv * (spA[0] + spB[0] + u_ref[...]) + b_ref[:1], 0.0)
  o_ref[...] = dinv * jnp.dot(h, W_ref[...], preferred_element_type=jnp.float32)


def _tc_out_body(spA, spB, u_ref, dv_ref, b_ref, Wl_ref, bl_ref, o_ref):
  dinv = dv_ref[:, :1]
  h = dinv * (spA[0] + spB[0] + u_ref[...]) + b_ref[:1]
  o_ref[...] = jnp.dot(h, Wl_ref[...],
                       preferred_element_type=jnp.float32) + bl_ref[:1]


def _row_spec(Fdim):
  return pl.BlockSpec((_B, Fdim), lambda i: (i, 0))


def _part_spec(Fdim):
  n = Fdim

  def a(i):
    return (0, i, 0)

  def b(i):
    return (1, i, 0)

  return (pl.BlockSpec((1, _B, n), a), pl.BlockSpec((1, _B, n), b))


def _full_spec(shape):
  nd = len(shape)
  return pl.BlockSpec(shape, lambda i: (0,) * nd)


def kernel(x, edge_index, W1, b1, W2, b2, W3, b3, Wl, bl):
  src = edge_index[0].astype(jnp.int32)
  dst = edge_index[1].astype(jnp.int32)

  pad = E_PAD - E
  ar = jnp.arange(pad, dtype=jnp.int32)
  dstp = jnp.concatenate([dst, N + (ar & 511)]).reshape(NW, NCH, K)
  dead = (N + (jnp.arange(NW * K, dtype=jnp.int32) & 511)).reshape(NW, 1, K)
  dst3 = jnp.concatenate([dstp, dead], axis=1)
  dst3 = lax.optimization_barrier(dst3)

  degp = _sc_degree()(dst3)

  srcp = jnp.concatenate([src, ar]).reshape(NW, NCH, K)
  ex = jnp.arange(NW * 2 * K, dtype=jnp.int32) & 8191
  extra = ex.reshape(NW, 2, K)
  src3 = jnp.concatenate([srcp, extra], axis=1)

  K5, NC5 = 512, NCH // 2
  src5 = jnp.concatenate(
      [jnp.concatenate([src, ar]).reshape(NW, NC5, K5),
       (jnp.arange(NW * 2 * K5, dtype=jnp.int32) & 8191).reshape(NW, 2, K5)],
      axis=1)
  dst5 = jnp.concatenate(
      [jnp.concatenate([dst, N + (ar & 511)]).reshape(NW, NC5, K5),
       (N + (jnp.arange(NW * K5, dtype=jnp.int32) & 511)).reshape(NW, 1, K5)],
      axis=1)

  grid = (N // _B,)

  b1r = jnp.broadcast_to(b1[None, :], (8, b1.shape[0]))
  b2r = jnp.broadcast_to(b2[None, :], (8, b2.shape[0]))
  b3r = jnp.broadcast_to(b3[None, :], (8, b3.shape[0]))
  blr = jnp.broadcast_to(bl[None, :], (8, bl.shape[0]))

  p1 = pl.pallas_call(
      _tc_mm_body,
      grid=grid,
      in_specs=[_row_spec(D), _full_spec(W1.shape)],
      out_specs=_row_spec(64),
      out_shape=jax.ShapeDtypeStruct((N, 64), jnp.float32),
  )(x, W1)

  u1, dv = pl.pallas_call(
      _tc_scale_body,
      grid=grid,
      in_specs=[_row_spec(64), *_part_spec(16)],
      out_specs=[_row_spec(64), _row_spec(16)],
      out_shape=[jax.ShapeDtypeStruct((N, 64), jnp.float32),
                 jax.ShapeDtypeStruct((N, 16), jnp.float32)],
  )(p1, degp, degp)

  s1 = _sc_scatter(64, K, NCH)(u1, src3, dst3)

  u2 = pl.pallas_call(
      _tc_mid_body,
      grid=grid,
      in_specs=[*_part_spec(64), _row_spec(64), _row_spec(16),
                _full_spec(W2.shape), _full_spec((8, 64))],
      out_specs=_row_spec(32),
      out_shape=jax.ShapeDtypeStruct((N, 32), jnp.float32),
  )(s1, s1, u1, dv, W2, b1r)

  s2 = _sc_scatter(32, K5, NC5)(u2, src5, dst5)

  u3 = pl.pallas_call(
      _tc_mid_body,
      grid=grid,
      in_specs=[*_part_spec(32), _row_spec(32), _row_spec(16),
                _full_spec(W3.shape), _full_spec((8, 32))],
      out_specs=_row_spec(16),
      out_shape=jax.ShapeDtypeStruct((N, 16), jnp.float32),
  )(s2, s2, u2, dv, W3, b2r)

  s3 = _sc_scatter(16, K5, NC5)(u3, src5, dst5)

  out = pl.pallas_call(
      _tc_out_body,
      grid=grid,
      in_specs=[*_part_spec(16), _row_spec(16), _row_spec(16),
                _full_spec((8, 16)), _full_spec(Wl.shape), _full_spec((8, 7))],
      out_specs=_row_spec(7),
      out_shape=jax.ShapeDtypeStruct((N, 7), jnp.float32),
  )(s3, s3, u3, dv, b3r, Wl, blr)

  return out

# --- scband reference (transcript-rebuilt; emitter-appended) ---
"""Pipeline reference for scband-gcn3-layer-44212393345738 (READ-ONLY COPY).

The authoritative reference and input builder live on the scoring server;
editing this copy changes nothing except your own understanding.
"""

import jax, jax.numpy as jnp
import numpy as np

N = 10000
E = 320000
D = 128


def setup_inputs(seed: int = 0) -> dict:
    key = jax.random.key(seed)
    ks = jax.random.split(key, 8)
    x = jax.random.normal(ks[0], (N, D), dtype=jnp.float32)
    edge_index = jax.random.randint(ks[1], (2, E), 0, N, dtype=jnp.int64)
    # GCNConv weights (Glorot-ish scaling). Note: layer dims chained for runnability:
    # conv1: D->64, conv2: 64->32, conv3: 32->16, linear: 16->7
    W1 = jax.random.normal(ks[2], (D, 64), dtype=jnp.float32) * (1.0 / np.sqrt(D))
    b1 = jnp.zeros((64,), dtype=jnp.float32)
    W2 = jax.random.normal(ks[3], (64, 32), dtype=jnp.float32) * (1.0 / np.sqrt(64))
    b2 = jnp.zeros((32,), dtype=jnp.float32)
    W3 = jax.random.normal(ks[4], (32, 16), dtype=jnp.float32) * (1.0 / np.sqrt(32))
    b3 = jnp.zeros((16,), dtype=jnp.float32)
    Wl = jax.random.normal(ks[5], (16, 7), dtype=jnp.float32) * (1.0 / np.sqrt(16))
    bl = jnp.zeros((7,), dtype=jnp.float32)
    return {"x": x, "edge_index": edge_index, "W1": W1, "b1": b1,
            "W2": W2, "b2": b2, "W3": W3, "b3": b3, "Wl": Wl, "bl": bl}


def reference(x, edge_index, W1, b1, W2, b2, W3, b3, Wl, bl):
    n = x.shape[0]
    loops = jnp.arange(n, dtype=edge_index.dtype)
    src = jnp.concatenate([edge_index[0], loops])
    dst = jnp.concatenate([edge_index[1], loops])
    # symmetric GCN normalization with self-loops: D^{-1/2} A_hat D^{-1/2}
    deg = jax.ops.segment_sum(jnp.ones_like(src, dtype=x.dtype), dst, num_segments=n)
    dinv = jnp.where(deg > 0, deg ** -0.5, 0.0)
    norm = dinv[src] * dinv[dst]

    def gcn_conv(h, W, b):
        h = h @ W  # transform first (as in PyG GCNConv)
        msg = h[src] * norm[:, None]          # gather + scale (SparseCore gather)
        agg = jax.ops.segment_sum(msg, dst, num_segments=n)  # scatter-add
        return agg + b

    # dropout is identity in eval mode
    h = jax.nn.relu(gcn_conv(x, W1, b1))
    h = jax.nn.relu(gcn_conv(h, W2, b2))
    h = gcn_conv(h, W3, b3)
    out = h @ Wl + bl
    return out

if __name__ == "__main__":
    import jax
    _d = setup_inputs()
    print(jax.jit(kernel)(*tuple(_d.values())))

</pallas_src>

<mosaic_0001>
#map = affine_map<(d0, d1) -> (0, 0)>
#map1 = affine_map<(d0, d1) -> (0, 0, 0)>
module attributes {stable_mosaic.version = 14 : i64} {
  func.func @k(%arg0: i32, %arg1: i32, %arg2: memref<10000x64xf32, #tpu.memory_space<hbm>>, %arg3: memref<32x42x256xi32, #tpu.memory_space<hbm>>, %arg4: memref<32x41x256xi32, #tpu.memory_space<hbm>>, %arg5: memref<2x10512x64xf32, #tpu.memory_space<hbm>>, %arg6: memref<42x256xi32, #tpu.memory_space<vmem>>, %arg7: memref<41x256xi32, #tpu.memory_space<vmem>>, %arg8: memref<3x256x64xf32, #tpu.memory_space<vmem>>, %arg9: memref<73x64xf32, #tpu.memory_space<vmem>>, %arg10: memref<10512x64xf32, #tpu.memory_space<vmem_shared>>, %arg11: memref<!tpu.dma_semaphore, #tpu.memory_space<semaphore_mem>>, %arg12: memref<!tpu.dma_semaphore, #tpu.memory_space<semaphore_mem>>, %arg13: memref<!tpu.dma_semaphore, #tpu.memory_space<semaphore_mem>>, %arg14: memref<!tpu.dma_semaphore, #tpu.memory_space<semaphore_mem>>, %arg15: memref<!tpu.dma_semaphore, #tpu.memory_space<semaphore_mem>>, %arg16: memref<!tpu.dma_semaphore, #tpu.memory_space<semaphore_mem>>) attributes {dimension_semantics = [#tpu.dimension_semantics<core_parallel>, #tpu.dimension_semantics<subcore_parallel>], iteration_bounds = array<i64: 2, 16>, scalar_prefetch = 0 : i64, scratch_operands = 11 : i64, tpu.core_type = #tpu.core_type<sc_vector_subcore>, window_params = [{transform_indices = #map}, {transform_indices = #map1}, {transform_indices = #map1}, {transform_indices = #map1}]} {
    %mul3A = arith.constant 2 : i32
    %mul3A_0 = arith.muli %arg1, %mul3A : i32
    %add3A = arith.addi %mul3A_0, %arg0 : i32
    %scan3A = arith.constant 0 : i32
    %scan3A_1 = arith.constant 0 : i32
    %scan3A_2 = arith.constant 73 : i32
    %scan3A_3 = arith.addi %scan3A_1, %scan3A_2 : i32
    %scan3A_4 = arith.constant 1 : i32
    scf.for %scan3A_141 = %scan3A_1 to %scan3A_3 step %scan3A_4  : i32 {
      %broadcast_in_dim3A = arith.constant 0.000000e+00 : f32
      %broadcast_in_dim3A_142 = vector.broadcast %broadcast_in_dim3A : f32 to vector<16xf32>
      %swap3A = arith.index_cast %scan3A_141 : i32 to index
      %swap3A_143 = arith.constant 0 : index
      %swap3A_144 = tpu.vector_load %arg9[%swap3A, %swap3A_143] {strides = array<i32>} : memref<73x64xf32, #tpu.memory_space<vmem>>, vector<1x16xf32>,
      %swap3A_145 = vector.shape_cast %swap3A_144 : vector<1x16xf32> to vector<16xf32>
      %swap3A_146 = vector.shape_cast %broadcast_in_dim3A_142 : vector<16xf32> to vector<1x16xf32>
      tpu.vector_store %arg9[%swap3A, %swap3A_143], %swap3A_146 {strides = array<i32>} : memref<73x64xf32, #tpu.memory_space<vmem>>, vector<1x16xf32>,
      %broadcast_in_dim3A_147 = arith.constant 0.000000e+00 : f32
      %broadcast_in_dim3A_148 = vector.broadcast %broadcast_in_dim3A_147 : f32 to vector<16xf32>
      %swap3A_149 = arith.index_cast %scan3A_141 : i32 to index
      %swap3A_150 = arith.constant 16 : index
      %swap3A_151 = tpu.vector_load %arg9[%swap3A_149, %swap3A_150] {strides = array<i32>} : memref<73x64xf32, #tpu.memory_space<vmem>>, vector<1x16xf32>,
      %swap3A_152 = vector.shape_cast %swap3A_151 : vector<1x16xf32> to vector<16xf32>
      %swap3A_153 = vector.shape_cast %broadcast_in_dim3A_148 : vector<16xf32> to vector<1x16xf32>
      tpu.vector_store %arg9[%swap3A_149, %swap3A_150], %swap3A_153 {strides = array<i32>} : memref<73x64xf32, #tpu.memory_space<vmem>>, vector<1x16xf32>,
      %broadcast_in_dim3A_154 = arith.constant 0.000000e+00 : f32
      %broadcast_in_dim3A_155 = vector.broadcast %broadcast_in_dim3A_154 : f32 to vector<16xf32>
      %swap3A_156 = arith.index_cast %scan3A_141 : i32 to index
      %swap3A_157 = arith.constant 32 : index
      %swap3A_158 = tpu.vector_load %arg9[%swap3A_156, %swap3A_157] {strides = array<i32>} : memref<73x64xf32, #tpu.memory_space<vmem>>, vector<1x16xf32>,
      %swap3A_159 = vector.shape_cast %swap3A_158 : vector<1x16xf32> to vector<16xf32>
      %swap3A_160 = vector.shape_cast %broadcast_in_dim3A_155 : vector<16xf32> to vector<1x16xf32>
      tpu.vector_store %arg9[%swap3A_156, %swap3A_157], %swap3A_160 {strides = array<i32>} : memref<73x64xf32, #tpu.memory_space<vmem>>, vector<1x16xf32>,
      %broadcast_in_dim3A_161 = arith.constant 0.000000e+00 : f32
      %broadcast_in_dim3A_162 = vector.broadcast %broadcast_in_dim3A_161 : f32 to vector<16xf32>
      %swap3A_163 = arith.index_cast %scan3A_141 : i32 to index
      %swap3A_164 = arith.constant 48 : index
      %swap3A_165 = tpu.vector_load %arg9[%swap3A_163, %swap3A_164] {strides = array<i32>} : memref<73x64xf32, #tpu.memory_space<vmem>>, vector<1x16xf32>,
      %swap3A_166 = vector.shape_cast %swap3A_165 : vector<1x16xf32> to vector<16xf32>
      %swap3A_167 = vector.shape_cast %broadcast_in_dim3A_162 : vector<16xf32> to vector<1x16xf32>
      tpu.vector_store %arg9[%swap3A_163, %swap3A_164], %swap3A_167 {strides = array<i32>} : memref<73x64xf32, #tpu.memory_space<vmem>>, vector<1x16xf32>,
    }
    %scan3A_5 = arith.constant 73 : i32
    %scan3A_6 = arith.constant 0 : i32
    %scan3A_7 = arith.constant 0 : i32
    %scan3A_8 = arith.constant 9 : i32
    %scan3A_9 = arith.addi %scan3A_7, %scan3A_8 : i32
    %scan3A_10 = arith.constant 1 : i32
    scf.for %scan3A_141 = %scan3A_7 to %scan3A_9 step %scan3A_10  : i32 {
      %mul3A_142 = arith.constant 657 : i32
      %mul3A_143 = arith.muli %arg1, %mul3A_142 : i32
      %mul3A_144 = arith.constant 73 : i32
      %mul3A_145 = arith.muli %scan3A_141, %mul3A_144 : i32
      %add3A_146 = arith.addi %mul3A_143, %mul3A_145 : i32
      "tpu.region"() ({
        %run_scoped3A = tpu.sem_alloc : memref<!tpu.dma_semaphore, #tpu.memory_space<semaphore_mem>>
        %dma_start3A_147 = arith.constant 0 : i32
        %dma_start3A_148 = tpu.memref_slice %arg10[%add3A_146, %dma_start3A_147] : memref<10512x64xf32, #tpu.memory_space<vmem_shared>> -> memref<73x64xf32, #tpu.memory_space<vmem_shared>>
        %dma_start3A_149 = arith.constant 0 : i32
        %dma_start3A_150 = tpu.memref_slice %arg10[%add3A_146, %dma_start3A_149] : memref<10512x64xf32, #tpu.memory_space<vmem_shared>> -> memref<73x64xf32, #tpu.memory_space<vmem_shared>>
        tpu.enqueue_dma source(%arg9 : memref<73x64xf32, #tpu.memory_space<vmem>>) target(%dma_start3A_150 : memref<73x64xf32, #tpu.memory_space<vmem_shared>>) target_semaphore(%run_scoped3A : memref<!tpu.dma_semaphore, #tpu.memory_space<semaphore_mem>>)
        %dma_wait3A_151 = arith.constant 0 : i32
        %dma_wait3A_152 = tpu.memref_slice %arg10[%add3A_146, %dma_wait3A_151] : memref<10512x64xf32, #tpu.memory_space<vmem_shared>> -> memref<73x64xf32, #tpu.memory_space<vmem_shared>>
        %dma_wait3A_153 = arith.constant 0 : i32
        %dma_wait3A_154 = tpu.memref_slice %arg10[%add3A_146, %dma_wait3A_153] : memref<10512x64xf32, #tpu.memory_space<vmem_shared>> -> memref<73x64xf32, #tpu.memory_space<vmem_shared>>
        tpu.wait_dma2 semaphore(%run_scoped3A : memref<!tpu.dma_semaphore, #tpu.memory_space<semaphore_mem>>) src(%arg9 : memref<73x64xf32, #tpu.memory_space<vmem>>) dst(%dma_wait3A_154 : memref<73x64xf32, #tpu.memory_space<vmem_shared>>)
        tpu.yield
      }) : () -> ()
    }
    %scan3A_11 = arith.constant 9 : i32
    "tpu.region"() ({
      %run_scoped3A = tpu.sem_alloc : memref<!tpu.dma_semaphore, #tpu.memory_space<semaphore_mem>>
      %dma_start3A_141 = arith.constant 0 : i32
      %dma_start3A_142 = arith.constant 0 : i32
      %dma_start3A_143 = tpu.memref_slice %arg3[%add3A, %dma_start3A_141, %dma_start3A_142] : memref<32x42x256xi32, #tpu.memory_space<hbm>> -> memref<1x42x256xi32, #tpu.memory_space<hbm>>
      %dma_start3A_144 = tpu.memref_squeeze %dma_start3A_143 : memref<1x42x256xi32, #tpu.memory_space<hbm>> -> memref<42x256xi32, #tpu.memory_space<hbm>>
      %dma_start3A_145 = arith.constant 0 : i32
      %dma_start3A_146 = arith.constant 0 : i32
      %dma_start3A_147 = tpu.memref_slice %arg3[%add3A, %dma_start3A_145, %dma_start3A_146] : memref<32x42x256xi32, #tpu.memory_space<hbm>> -> memref<1x42x256xi32, #tpu.memory_space<hbm>>
      %dma_start3A_148 = tpu.memref_squeeze %dma_start3A_147 : memref<1x42x256xi32, #tpu.memory_space<hbm>> -> memref<42x256xi32, #tpu.memory_space<hbm>>
      tpu.enqueue_dma source(%dma_start3A_148 : memref<42x256xi32, #tpu.memory_space<hbm>>) target(%arg6 : memref<42x256xi32, #tpu.memory_space<vmem>>) target_semaphore(%run_scoped3A : memref<!tpu.dma_semaphore, #tpu.memory_space<semaphore_mem>>)
      %dma_wait3A_149 = arith.constant 0 : i32
      %dma_wait3A_150 = arith.constant 0 : i32
      %dma_wait3A_151 = tpu.memref_slice %arg3[%add3A, %dma_wait3A_149, %dma_wait3A_150] : memref<32x42x256xi32, #tpu.memory_space<hbm>> -> memref<1x42x256xi32, #tpu.memory_space<hbm>>
      %dma_wait3A_152 = tpu.memref_squeeze %dma_wait3A_151 : memref<1x42x256xi32, #tpu.memory_space<hbm>> -> memref<42x256xi32, #tpu.memory_space<hbm>>
      %dma_wait3A_153 = arith.constant 0 : i32
      %dma_wait3A_154 = arith.constant 0 : i32
      %dma_wait3A_155 = tpu.memref_slice %arg3[%add3A, %dma_wait3A_153, %dma_wait3A_154] : memref<32x42x256xi32, #tpu.memory_space<hbm>> -> memref<1x42x256xi32, #tpu.memory_space<hbm>>
      %dma_wait3A_156 = tpu.memref_squeeze %dma_wait3A_155 : memref<1x42x256xi32, #tpu.memory_space<hbm>> -> memref<42x256xi32, #tpu.memory_space<hbm>>
      tpu.wait_dma2 semaphore(%run_scoped3A : memref<!tpu.dma_semaphore, #tpu.memory_space<semaphore_mem>>) src(%dma_wait3A_156 : memref<42x256xi32, #tpu.memory_space<hbm>>) dst(%arg6 : memref<42x256xi32, #tpu.memory_space<vmem>>)
      tpu.yield
    }) : () -> ()
    "tpu.region"() ({
      %run_scoped3A = tpu.sem_alloc : memref<!tpu.dma_semaphore, #tpu.memory_space<semaphore_mem>>
      %dma_start3A_141 = arith.constant 0 : i32
      %dma_start3A_142 = arith.constant 0 : i32
      %dma_start3A_143 = tpu.memref_slice %arg4[%add3A, %dma_start3A_141, %dma_start3A_142] : memref<32x41x256xi32, #tpu.memory_space<hbm>> -> memref<1x41x256xi32, #tpu.memory_space<hbm>>
      %dma_start3A_144 = tpu.memref_squeeze %dma_start3A_143 : memref<1x41x256xi32, #tpu.memory_space<hbm>> -> memref<41x256xi32, #tpu.memory_space<hbm>>
      %dma_start3A_145 = arith.constant 0 : i32
      %dma_start3A_146 = arith.constant 0 : i32
      %dma_start3A_147 = tpu.memref_slice %arg4[%add3A, %dma_start3A_145, %dma_start3A_146] : memref<32x41x256xi32, #tpu.memory_space<hbm>> -> memref<1x41x256xi32, #tpu.memory_space<hbm>>
      %dma_start3A_148 = tpu.memref_squeeze %dma_start3A_147 : memref<1x41x256xi32, #tpu.memory_space<hbm>> -> memref<41x256xi32, #tpu.memory_space<hbm>>
      tpu.enqueue_dma source(%dma_start3A_148 : memref<41x256xi32, #tpu.memory_space<hbm>>) target(%arg7 : memref<41x256xi32, #tpu.memory_space<vmem>>) target_semaphore(%run_scoped3A : memref<!tpu.dma_semaphore, #tpu.memory_space<semaphore_mem>>)
      %dma_wait3A_149 = arith.constant 0 : i32
      %dma_wait3A_150 = arith.constant 0 : i32
      %dma_wait3A_151 = tpu.memref_slice %arg4[%add3A, %dma_wait3A_149, %dma_wait3A_150] : memref<32x41x256xi32, #tpu.memory_space<hbm>> -> memref<1x41x256xi32, #tpu.memory_space<hbm>>
      %dma_wait3A_152 = tpu.memref_squeeze %dma_wait3A_151 : memref<1x41x256xi32, #tpu.memory_space<hbm>> -> memref<41x256xi32, #tpu.memory_space<hbm>>
      %dma_wait3A_153 = arith.constant 0 : i32
      %dma_wait3A_154 = arith.constant 0 : i32
      %dma_wait3A_155 = tpu.memref_slice %arg4[%add3A, %dma_wait3A_153, %dma_wait3A_154] : memref<32x41x256xi32, #tpu.memory_space<hbm>> -> memref<1x41x256xi32, #tpu.memory_space<hbm>>
      %dma_wait3A_156 = tpu.memref_squeeze %dma_wait3A_155 : memref<1x41x256xi32, #tpu.memory_space<hbm>> -> memref<41x256xi32, #tpu.memory_space<hbm>>
      tpu.wait_dma2 semaphore(%run_scoped3A : memref<!tpu.dma_semaphore, #tpu.memory_space<semaphore_mem>>) src(%dma_wait3A_156 : memref<41x256xi32, #tpu.memory_space<hbm>>) dst(%arg7 : memref<41x256xi32, #tpu.memory_space<vmem>>)
      tpu.yield
    }) : () -> ()
    %barrier3A = arith.constant 0 : index
    tpu.barrier barrier_id(%barrier3A)
    %dma_start3A = arith.constant 0 : i32
    %dma_start3A_12 = arith.constant 0 : i32
    %dma_start3A_13 = arith.constant 0 : i32
    %dma_start3A_14 = arith.constant 0 : i32
    %dma_start3A_15 = tpu.memref_slice %arg8[%dma_start3A_12, %dma_start3A_13, %dma_start3A_14] : memref<3x256x64xf32, #tpu.memory_space<vmem>> -> memref<1x256x64xf32, #tpu.memory_space<vmem>>
    %dma_start3A_16 = tpu.memref_squeeze %dma_start3A_15 : memref<1x256x64xf32, #tpu.memory_space<vmem>> -> memref<256x64xf32, #tpu.memory_space<vmem>>
    %dma_start3A_17 = arith.constant 0 : i32
    %dma_start3A_18 = tpu.memref_slice %arg6[%dma_start3A, %dma_start3A_17] : memref<42x256xi32, #tpu.memory_space<vmem>> -> memref<1x256xi32, #tpu.memory_space<vmem>>
    %dma_start3A_19 = tpu.memref_squeeze %dma_start3A_18 : memref<1x256xi32, #tpu.memory_space<vmem>> -> memref<256xi32, #tpu.memory_space<vmem>>
    %dma_start3A_20 = arith.constant 0 : i32
    %dma_start3A_21 = arith.constant 0 : i32
    %dma_start3A_22 = tpu.memref_slice %arg2[%dma_start3A_20, %dma_start3A_21] : memref<10000x64xf32, #tpu.memory_space<hbm>> -> memref<10000x64xf32, #tpu.memory_space<hbm>>
    tpu.enqueue_indirect_dma source(%dma_start3A_22 : memref<10000x64xf32, #tpu.memory_space<hbm>>) target(%dma_start3A_16 : memref<256x64xf32, #tpu.memory_space<vmem>>) offsets(%dma_start3A_19 : memref<256xi32, #tpu.memory_space<vmem>>) semaphore(%arg11 : memref<!tpu.dma_semaphore, #tpu.memory_space<semaphore_mem>>)
    %dma_start3A_23 = arith.constant 1 : i32
    %dma_start3A_24 = arith.constant 1 : i32
    %dma_start3A_25 = arith.constant 0 : i32
    %dma_start3A_26 = arith.constant 0 : i32
    %dma_start3A_27 = tpu.memref_slice %arg8[%dma_start3A_24, %dma_start3A_25, %dma_start3A_26] : memref<3x256x64xf32, #tpu.memory_space<vmem>> -> memref<1x256x64xf32, #tpu.memory_space<vmem>>
    %dma_start3A_28 = tpu.memref_squeeze %dma_start3A_27 : memref<1x256x64xf32, #tpu.memory_space<vmem>> -> memref<256x64xf32, #tpu.memory_space<vmem>>
    %dma_start3A_29 = arith.constant 0 : i32
    %dma_start3A_30 = tpu.memref_slice %arg6[%dma_start3A_23, %dma_start3A_29] : memref<42x256xi32, #tpu.memory_space<vmem>> -> memref<1x256xi32, #tpu.memory_space<vmem>>
    %dma_start3A_31 = tpu.memref_squeeze %dma_start3A_30 : memref<1x256xi32, #tpu.memory_space<vmem>> -> memref<256xi32, #tpu.memory_space<vmem>>
    %dma_start3A_32 = arith.constant 0 : i32
    %dma_start3A_33 = arith.constant 0 : i32
    %dma_start3A_34 = tpu.memref_slice %arg2[%dma_start3A_32, %dma_start3A_33] : memref<10000x64xf32, #tpu.memory_space<hbm>> -> memref<10000x64xf32, #tpu.memory_space<hbm>>
    tpu.enqueue_indirect_dma source(%dma_start3A_34 : memref<10000x64xf32, #tpu.memory_space<hbm>>) target(%dma_start3A_28 : memref<256x64xf32, #tpu.memory_space<vmem>>) offsets(%dma_start3A_31 : memref<256xi32, #tpu.memory_space<vmem>>) semaphore(%arg12 : memref<!tpu.dma_semaphore, #tpu.memory_space<semaphore_mem>>)
    %dma_start3A_35 = arith.constant 2 : i32
    %dma_start3A_36 = arith.constant 40 : i32
    %dma_start3A_37 = arith.constant 0 : i32
    %dma_start3A_38 = arith.constant 0 : i32
    %dma_start3A_39 = tpu.memref_slice %arg8[%dma_start3A_35, %dma_start3A_37, %dma_start3A_38] : memref<3x256x64xf32, #tpu.memory_space<vmem>> -> memref<1x256x64xf32, #tpu.memory_space<vmem>>
    %dma_start3A_40 = tpu.memref_squeeze %dma_start3A_39 : memref<1x256x64xf32, #tpu.memory_space<vmem>> -> memref<256x64xf32, #tpu.memory_space<vmem>>
    %dma_start3A_41 = arith.constant 0 : i32
    %dma_start3A_42 = tpu.memref_slice %arg7[%dma_start3A_36, %dma_start3A_41] : memref<41x256xi32, #tpu.memory_space<vmem>> -> memref<1x256xi32, #tpu.memory_space<vmem>>
    %dma_start3A_43 = tpu.memref_squeeze %dma_start3A_42 : memref<1x256xi32, #tpu.memory_space<vmem>> -> memref<256xi32, #tpu.memory_space<vmem>>
    %dma_start3A_44 = arith.constant 0 : i32
    %dma_start3A_45 = arith.constant 0 : i32
    %dma_start3A_46 = tpu.memref_slice %arg10[%dma_start3A_44, %dma_start3A_45] : memref<10512x64xf32, #tpu.memory_space<vmem_shared>> -> memref<10512x64xf32, #tpu.memory_space<vmem_shared>>
    tpu.enqueue_indirect_dma source(%dma_start3A_40 : memref<256x64xf32, #tpu.memory_space<vmem>>) target(%dma_start3A_46 : memref<10512x64xf32, #tpu.memory_space<vmem_shared>>) offsets(%dma_start3A_43 : memref<256xi32, #tpu.memory_space<vmem>>) semaphore(%arg16 : memref<!tpu.dma_semaphore, #tpu.memory_space<semaphore_mem>>) {add = true}
    %scan3A_47 = arith.constant 0 : i32
    %scan3A_48 = arith.constant 0 : i32
    %scan3A_49 = arith.constant 13 : i32
    %scan3A_50 = arith.addi %scan3A_48, %scan3A_49 : i32
    %scan3A_51 = arith.constant 1 : i32
    scf.for %scan3A_141 = %scan3A_48 to %scan3A_50 step %scan3A_51  : i32 {
      %mul3A_142 = arith.constant 3 : i32
      %mul3A_143 = arith.muli %mul3A_142, %scan3A_141 : i32
      %add3A_144 = arith.constant 0 : i32
      %add3A_145 = arith.addi %mul3A_143, %add3A_144 : i32
      %dma_wait3A_146 = arith.constant 0 : i32
      %dma_wait3A_147 = arith.constant 0 : i32
      %dma_wait3A_148 = arith.constant 0 : i32
      %dma_wait3A_149 = arith.constant 0 : i32
      %dma_wait3A_150 = tpu.memref_slice %arg8[%dma_wait3A_147, %dma_wait3A_148, %dma_wait3A_149] : memref<3x256x64xf32, #tpu.memory_space<vmem>> -> memref<1x256x64xf32, #tpu.memory_space<vmem>>
      %dma_wait3A_151 = tpu.memref_squeeze %dma_wait3A_150 : memref<1x256x64xf32, #tpu.memory_space<vmem>> -> memref<256x64xf32, #tpu.memory_space<vmem>>
      %dma_wait3A_152 = arith.constant 0 : i32
      %dma_wait3A_153 = tpu.memref_slice %arg6[%dma_wait3A_146, %dma_wait3A_152] : memref<42x256xi32, #tpu.memory_space<vmem>> -> memref<1x256xi32, #tpu.memory_space<vmem>>
      %dma_wait3A_154 = tpu.memref_squeeze %dma_wait3A_153 : memref<1x256xi32, #tpu.memory_space<vmem>> -> memref<256xi32, #tpu.memory_space<vmem>>
      %dma_wait3A_155 = arith.constant 0 : i32
      %dma_wait3A_156 = arith.constant 0 : i32
      %dma_wait3A_157 = tpu.memref_slice %arg2[%dma_wait3A_155, %dma_wait3A_156] : memref<10000x64xf32, #tpu.memory_space<hbm>> -> memref<10000x64xf32, #tpu.memory_space<hbm>>
      tpu.wait_indirect_dma semaphore(%arg11 : memref<!tpu.dma_semaphore, #tpu.memory_space<semaphore_mem>>) src(%dma_wait3A_157 : memref<10000x64xf32, #tpu.memory_space<hbm>>) dst(%dma_wait3A_151 : memref<256x64xf32, #tpu.memory_space<vmem>>)
      %dma_start3A_158 = arith.constant 0 : i32
      %dma_start3A_159 = arith.constant 0 : i32
      %dma_start3A_160 = arith.constant 0 : i32
      %dma_start3A_161 = tpu.memref_slice %arg8[%dma_start3A_158, %dma_start3A_159, %dma_start3A_160] : memref<3x256x64xf32, #tpu.memory_space<vmem>> -> memref<1x256x64xf32, #tpu.memory_space<vmem>>
      %dma_start3A_162 = tpu.memref_squeeze %dma_start3A_161 : memref<1x256x64xf32, #tpu.memory_space<vmem>> -> memref<256x64xf32, #tpu.memory_space<vmem>>
      %dma_start3A_163 = arith.constant 0 : i32
      %dma_start3A_164 = tpu.memref_slice %arg7[%add3A_145, %dma_start3A_163] : memref<41x256xi32, #tpu.memory_space<vmem>> -> memref<1x256xi32, #tpu.memory_space<vmem>>
      %dma_start3A_165 = tpu.memref_squeeze %dma_start3A_164 : memref<1x256xi32, #tpu.memory_space<vmem>> -> memref<256xi32, #tpu.memory_space<vmem>>
      %dma_start3A_166 = arith.constant 0 : i32
      %dma_start3A_167 = arith.constant 0 : i32
      %dma_start3A_168 = tpu.memref_slice %arg10[%dma_start3A_166, %dma_start3A_167] : memref<10512x64xf32, #tpu.memory_space<vmem_shared>> -> memref<10512x64xf32, #tpu.memory_space<vmem_shared>>
      tpu.enqueue_indirect_dma source(%dma_start3A_162 : memref<256x64xf32, #tpu.memory_space<vmem>>) target(%dma_start3A_168 : memref<10512x64xf32, #tpu.memory_space<vmem_shared>>) offsets(%dma_start3A_165 : memref<256xi32, #tpu.memory_space<vmem>>) semaphore(%arg14 : memref<!tpu.dma_semaphore, #tpu.memory_space<semaphore_mem>>) {add = true}
      %dma_wait3A_169 = arith.constant 2 : i32
      %dma_wait3A_170 = arith.constant 0 : i32
      %dma_wait3A_171 = arith.constant 0 : i32
      %dma_wait3A_172 = arith.constant 0 : i32
      %dma_wait3A_173 = tpu.memref_slice %arg8[%dma_wait3A_169, %dma_wait3A_171, %dma_wait3A_172] : memref<3x256x64xf32, #tpu.memory_space<vmem>> -> memref<1x256x64xf32, #tpu.memory_space<vmem>>
      %dma_wait3A_174 = tpu.memref_squeeze %dma_wait3A_173 : memref<1x256x64xf32, #tpu.memory_space<vmem>> -> memref<256x64xf32, #tpu.memory_space<vmem>>
      %dma_wait3A_175 = arith.constant 0 : i32
      %dma_wait3A_176 = tpu.memref_slice %arg7[%dma_wait3A_170, %dma_wait3A_175] : memref<41x256xi32, #tpu.memory_space<vmem>> -> memref<1x256xi32, #tpu.memory_space<vmem>>
      %dma_wait3A_177 = tpu.memref_squeeze %dma_wait3A_176 : memref<1x256xi32, #tpu.memory_space<vmem>> -> memref<256xi32, #tpu.memory_space<vmem>>
      %dma_wait3A_178 = arith.constant 0 : i32
      %dma_wait3A_179 = arith.constant 0 : i32
      %dma_wait3A_180 = tpu.memref_slice %arg10[%dma_wait3A_178, %dma_wait3A_179] : memref<10512x64xf32, #tpu.memory_space<vmem_shared>> -> memref<10512x64xf32, #tpu.memory_space<vmem_shared>>
      tpu.wait_indirect_dma semaphore(%arg16 : memref<!tpu.dma_semaphore, #tpu.memory_space<semaphore_mem>>) src(%dma_wait3A_174 : memref<256x64xf32, #tpu.memory_space<vmem>>) dst(%dma_wait3A_180 : memref<10512x64xf32, #tpu.memory_space<vmem_shared>>)
      %add3A_181 = arith.constant 2 : i32
      %add3A_182 = arith.addi %add3A_145, %add3A_181 : i32
      %dma_start3A_183 = arith.constant 2 : i32
      %dma_start3A_184 = arith.constant 0 : i32
      %dma_start3A_185 = arith.constant 0 : i32
      %dma_start3A_186 = tpu.memref_slice %arg8[%dma_start3A_183, %dma_start3A_184, %dma_start3A_185] : memref<3x256x64xf32, #tpu.memory_space<vmem>> -> memref<1x256x64xf32, #tpu.memory_space<vmem>>
      %dma_start3A_187 = tpu.memref_squeeze %dma_start3A_186 : memref<1x256x64xf32, #tpu.memory_space<vmem>> -> memref<256x64xf32, #tpu.memory_space<vmem>>
      %dma_start3A_188 = arith.constant 0 : i32
      %dma_start3A_189 = tpu.memref_slice %arg6[%add3A_182, %dma_start3A_188] : memref<42x256xi32, #tpu.memory_space<vmem>> -> memref<1x256xi32, #tpu.memory_space<vmem>>
      %dma_start3A_190 = tpu.memref_squeeze %dma_start3A_189 : memref<1x256xi32, #tpu.memory_space<vmem>> -> memref<256xi32, #tpu.memory_space<vmem>>
      %dma_start3A_191 = arith.constant 0 : i32
      %dma_start3A_192 = arith.constant 0 : i32
      %dma_start3A_193 = tpu.memref_slice %arg2[%dma_start3A_191, %dma_start3A_192] : memref<10000x64xf32, #tpu.memory_space<hbm>> -> memref<10000x64xf32, #tpu.memory_space<hbm>>
      tpu.enqueue_indirect_dma source(%dma_start3A_193 : memref<10000x64xf32, #tpu.memory_space<hbm>>) target(%dma_start3A_187 : memref<256x64xf32, #tpu.memory_space<vmem>>) offsets(%dma_start3A_190 : memref<256xi32, #tpu.memory_space<vmem>>) semaphore(%arg13 : memref<!tpu.dma_semaphore, #tpu.memory_space<semaphore_mem>>)
      %add3A_194 = arith.constant 1 : i32
      %add3A_195 = arith.addi %mul3A_143, %add3A_194 : i32
      %dma_wait3A_196 = arith.constant 0 : i32
      %dma_wait3A_197 = arith.constant 1 : i32
      %dma_wait3A_198 = arith.constant 0 : i32
      %dma_wait3A_199 = arith.constant 0 : i32
      %dma_wait3A_200 = tpu.memref_slice %arg8[%dma_wait3A_197, %dma_wait3A_198, %dma_wait3A_199] : memref<3x256x64xf32, #tpu.memory_space<vmem>> -> memref<1x256x64xf32, #tpu.memory_space<vmem>>
      %dma_wait3A_201 = tpu.memref_squeeze %dma_wait3A_200 : memref<1x256x64xf32, #tpu.memory_space<vmem>> -> memref<256x64xf32, #tpu.memory_space<vmem>>
      %dma_wait3A_202 = arith.constant 0 : i32
      %dma_wait3A_203 = tpu.memref_slice %arg6[%dma_wait3A_196, %dma_wait3A_202] : memref<42x256xi32, #tpu.memory_space<vmem>> -> memref<1x256xi32, #tpu.memory_space<vmem>>
      %dma_wait3A_204 = tpu.memref_squeeze %dma_wait3A_203 : memref<1x256xi32, #tpu.memory_space<vmem>> -> memref<256xi32, #tpu.memory_space<vmem>>
      %dma_wait3A_205 = arith.constant 0 : i32
      %dma_wait3A_206 = arith.constant 0 : i32
      %dma_wait3A_207 = tpu.memref_slice %arg2[%dma_wait3A_205, %dma_wait3A_206] : memref<10000x64xf32, #tpu.memory_space<hbm>> -> memref<10000x64xf32, #tpu.memory_space<hbm>>
      tpu.wait_indirect_dma semaphore(%arg12 : memref<!tpu.dma_semaphore, #tpu.memory_space<semaphore_mem>>) src(%dma_wait3A_207 : memref<10000x64xf32, #tpu.memory_space<hbm>>) dst(%dma_wait3A_201 : memref<256x64xf32, #tpu.memory_space<vmem>>)
      %dma_start3A_208 = arith.constant 1 : i32
      %dma_start3A_209 = arith.constant 0 : i32
      %dma_start3A_210 = arith.constant 0 : i32
      %dma_start3A_211 = tpu.memref_slice %arg8[%dma_start3A_208, %dma_start3A_209, %dma_start3A_210] : memref<3x256x64xf32, #tpu.memory_space<vmem>> -> memref<1x256x64xf32, #tpu.memory_space<vmem>>
      %dma_start3A_212 = tpu.memref_squeeze %dma_start3A_211 : memref<1x256x64xf32, #tpu.memory_space<vmem>> -> memref<256x64xf32, #tpu.memory_space<vmem>>
      %dma_start3A_213 = arith.constant 0 : i32
      %dma_start3A_214 = tpu.memref_slice %arg7[%add3A_195, %dma_start3A_213] : memref<41x256xi32, #tpu.memory_space<vmem>> -> memref<1x256xi32, #tpu.memory_space<vmem>>
      %dma_start3A_215 = tpu.memref_squeeze %dma_start3A_214 : memref<1x256xi32, #tpu.memory_space<vmem>> -> memref<256xi32, #tpu.memory_space<vmem>>
      %dma_start3A_216 = arith.constant 0 : i32
      %dma_start3A_217 = arith.constant 0 : i32
      %dma_start3A_218 = tpu.memref_slice %arg10[%dma_start3A_216, %dma_start3A_217] : memref<10512x64xf32, #tpu.memory_space<vmem_shared>> -> memref<10512x64xf32, #tpu.memory_space<vmem_shared>>
      tpu.enqueue_indirect_dma source(%dma_start3A_212 : memref<256x64xf32, #tpu.memory_space<vmem>>) target(%dma_start3A_218 : memref<10512x64xf32, #tpu.memory_space<vmem_shared>>) offsets(%dma_start3A_215 : memref<256xi32, #tpu.memory_space<vmem>>) semaphore(%arg15 : memref<!tpu.dma_semaphore, #tpu.memory_space<semaphore_mem>>) {add = true}
      %dma_wait3A_219 = arith.constant 0 : i32
      %dma_wait3A_220 = arith.constant 0 : i32
      %dma_wait3A_221 = arith.constant 0 : i32
      %dma_wait3A_222 = arith.constant 0 : i32
      %dma_wait3A_223 = tpu.memref_slice %arg8[%dma_wait3A_219, %dma_wait3A_221, %dma_wait3A_222] : memref<3x256x64xf32, #tpu.memory_space<vmem>> -> memref<1x256x64xf32, #tpu.memory_space<vmem>>
      %dma_wait3A_224 = tpu.memref_squeeze %dma_wait3A_223 : memref<1x256x64xf32, #tpu.memory_space<vmem>> -> memref<256x64xf32, #tpu.memory_space<vmem>>
      %dma_wait3A_225 = arith.constant 0 : i32
      %dma_wait3A_226 = tpu.memref_slice %arg7[%dma_wait3A_220, %dma_wait3A_225] : memref<41x256xi32, #tpu.memory_space<vmem>> -> memref<1x256xi32, #tpu.memory_space<vmem>>
      %dma_wait3A_227 = tpu.memref_squeeze %dma_wait3A_226 : memref<1x256xi32, #tpu.memory_space<vmem>> -> memref<256xi32, #tpu.memory_space<vmem>>
      %dma_wait3A_228 = arith.constant 0 : i32
      %dma_wait3A_229 = arith.constant 0 : i32
      %dma_wait3A_230 = tpu.memref_slice %arg10[%dma_wait3A_228, %dma_wait3A_229] : memref<10512x64xf32, #tpu.memory_space<vmem_shared>> -> memref<10512x64xf32, #tpu.memory_space<vmem_shared>>
      tpu.wait_indirect_dma semaphore(%arg14 : memref<!tpu.dma_semaphore, #tpu.memory_space<semaphore_mem>>) src(%dma_wait3A_224 : memref<256x64xf32, #tpu.memory_space<vmem>>) dst(%dma_wait3A_230 : memref<10512x64xf32, #tpu.memory_space<vmem_shared>>)
      %add3A_231 = arith.constant 2 : i32
      %add3A_232 = arith.addi %add3A_195, %add3A_231 : i32
      %dma_start3A_233 = arith.constant 0 : i32
      %dma_start3A_234 = arith.constant 0 : i32
      %dma_start3A_235 = arith.constant 0 : i32
      %dma_start3A_236 = tpu.memref_slice %arg8[%dma_start3A_233, %dma_start3A_234, %dma_start3A_235] : memref<3x256x64xf32, #tpu.memory_space<vmem>> -> memref<1x256x64xf32, #tpu.memory_space<vmem>>
      %dma_start3A_237 = tpu.memref_squeeze %dma_start3A_236 : memref<1x256x64xf32, #tpu.memory_space<vmem>> -> memref<256x64xf32, #tpu.memory_space<vmem>>
      %dma_start3A_238 = arith.constant 0 : i32
      %dma_start3A_239 = tpu.memref_slice %arg6[%add3A_232, %dma_start3A_238] : memref<42x256xi32, #tpu.memory_space<vmem>> -> memref<1x256xi32, #tpu.memory_space<vmem>>
      %dma_start3A_240 = tpu.memref_squeeze %dma_start3A_239 : memref<1x256xi32, #tpu.memory_space<vmem>> -> memref<256xi32, #tpu.memory_space<vmem>>
      %dma_start3A_241 = arith.constant 0 : i32
      %dma_start3A_242 = arith.constant 0 : i32
      %dma_start3A_243 = tpu.memref_slice %arg2[%dma_start3A_241, %dma_start3A_242] : memref<10000x64xf32, #tpu.memory_space<hbm>> -> memref<10000x64xf32, #tpu.memory_space<hbm>>
      tpu.enqueue_indirect_dma source(%dma_start3A_243 : memref<10000x64xf32, #tpu.memory_space<hbm>>) target(%dma_start3A_237 : memref<256x64xf32, #tpu.memory_space<vmem>>) offsets(%dma_start3A_240 : memref<256xi32, #tpu.memory_space<vmem>>) semaphore(%arg11 : memref<!tpu.dma_semaphore, #tpu.memory_space<semaphore_mem>>)
      %add3A_244 = arith.constant 2 : i32
      %add3A_245 = arith.addi %mul3A_143, %add3A_244 : i32
      %dma_wait3A_246 = arith.constant 0 : i32
      %dma_wait3A_247 = arith.constant 2 : i32
      %dma_wait3A_248 = arith.constant 0 : i32
      %dma_wait3A_249 = arith.constant 0 : i32
      %dma_wait3A_250 = tpu.memref_slice %arg8[%dma_wait3A_247, %dma_wait3A_248, %dma_wait3A_249] : memref<3x256x64xf32, #tpu.memory_space<vmem>> -> memref<1x256x64xf32, #tpu.memory_space<vmem>>
      %dma_wait3A_251 = tpu.memref_squeeze %dma_wait3A_250 : memref<1x256x64xf32, #tpu.memory_space<vmem>> -> memref<256x64xf32, #tpu.memory_space<vmem>>
      %dma_wait3A_252 = arith.constant 0 : i32
      %dma_wait3A_253 = tpu.memref_slice %arg6[%dma_wait3A_246, %dma_wait3A_252] : memref<42x256xi32, #tpu.memory_space<vmem>> -> memref<1x256xi32, #tpu.memory_space<vmem>>
      %dma_wait3A_254 = tpu.memref_squeeze %dma_wait3A_253 : memref<1x256xi32, #tpu.memory_space<vmem>> -> memref<256xi32, #tpu.memory_space<vmem>>
      %dma_wait3A_255 = arith.constant 0 : i32
      %dma_wait3A_256 = arith.constant 0 : i32
      %dma_wait3A_257 = tpu.memref_slice %arg2[%dma_wait3A_255, %dma_wait3A_256] : memref<10000x64xf32, #tpu.memory_space<hbm>> -> memref<10000x64xf32, #tpu.memory_space<hbm>>
      tpu.wait_indirect_dma semaphore(%arg13 : memref<!tpu.dma_semaphore, #tpu.memory_space<semaphore_mem>>) src(%dma_wait3A_257 : memref<10000x64xf32, #tpu.memory_space<hbm>>) dst(%dma_wait3A_251 : memref<256x64xf32, #tpu.memory_space<vmem>>)
      %dma_start3A_258 = arith.constant 2 : i32
      %dma_start3A_259 = arith.constant 0 : i32
      %dma_start3A_260 = arith.constant 0 : i32
      %dma_start3A_261 = tpu.memref_slice %arg8[%dma_start3A_258, %dma_start3A_259, %dma_start3A_260] : memref<3x256x64xf32, #tpu.memory_space<vmem>> -> memref<1x256x64xf32, #tpu.memory_space<vmem>>
      %dma_start3A_262 = tpu.memref_squeeze %dma_start3A_261 : memref<1x256x64xf32, #tpu.memory_space<vmem>> -> memref<256x64xf32, #tpu.memory_space<vmem>>
      %dma_start3A_263 = arith.constant 0 : i32
      %dma_start3A_264 = tpu.memref_slice %arg7[%add3A_245, %dma_start3A_263] : memref<41x256xi32, #tpu.memory_space<vmem>> -> memref<1x256xi32, #tpu.memory_space<vmem>>
      %dma_start3A_265 = tpu.memref_squeeze %dma_start3A_264 : memref<1x256xi32, #tpu.memory_space<vmem>> -> memref<256xi32, #tpu.memory_space<vmem>>
      %dma_start3A_266 = arith.constant 0 : i32
      %dma_start3A_267 = arith.constant 0 : i32
      %dma_start3A_268 = tpu.memref_slice %arg10[%dma_start3A_266, %dma_start3A_267] : memref<10512x64xf32, #tpu.memory_space<vmem_shared>> -> memref<10512x64xf32, #tpu.memory_space<vmem_shared>>
      tpu.enqueue_indirect_dma source(%dma_start3A_262 : memref<256x64xf32, #tpu.memory_space<vmem>>) target(%dma_start3A_268 : memref<10512x64xf32, #tpu.memory_space<vmem_shared>>) offsets(%dma_start3A_265 : memref<256xi32, #tpu.memory_space<vmem>>) semaphore(%arg16 : memref<!tpu.dma_semaphore, #tpu.memory_space<semaphore_mem>>) {add = true}
      %dma_wait3A_269 = arith.constant 1 : i32
      %dma_wait3A_270 = arith.constant 0 : i32
      %dma_wait3A_271 = arith.constant 0 : i32
      %dma_wait3A_272 = arith.constant 0 : i32
      %dma_wait3A_273 = tpu.memref_slice %arg8[%dma_wait3A_269, %dma_wait3A_271, %dma_wait3A_272] : memref<3x256x64xf32, #tpu.memory_space<vmem>> -> memref<1x256x64xf32, #tpu.memory_space<vmem>>
      %dma_wait3A_274 = tpu.memref_squeeze %dma_wait3A_273 : memref<1x256x64xf32, #tpu.memory_space<vmem>> -> memref<256x64xf32, #tpu.memory_space<vmem>>
      %dma_wait3A_275 = arith.constant 0 : i32
      %dma_wait3A_276 = tpu.memref_slice %arg7[%dma_wait3A_270, %dma_wait3A_275] : memref<41x256xi32, #tpu.memory_space<vmem>> -> memref<1x256xi32, #tpu.memory_space<vmem>>
      %dma_wait3A_277 = tpu.memref_squeeze %dma_wait3A_276 : memref<1x256xi32, #tpu.memory_space<vmem>> -> memref<256xi32, #tpu.memory_space<vmem>>
      %dma_wait3A_278 = arith.constant 0 : i32
      %dma_wait3A_279 = arith.constant 0 : i32
      %dma_wait3A_280 = tpu.memref_slice %arg10[%dma_wait3A_278, %dma_wait3A_279] : memref<10512x64xf32, #tpu.memory_space<vmem_shared>> -> memref<10512x64xf32, #tpu.memory_space<vmem_shared>>
      tpu.wait_indirect_dma semaphore(%arg15 : memref<!tpu.dma_semaphore, #tpu.memory_space<semaphore_mem>>) src(%dma_wait3A_274 : memref<256x64xf32, #tpu.memory_space<vmem>>) dst(%dma_wait3A_280 : memref<10512x64xf32, #tpu.memory_space<vmem_shared>>)
      %add3A_281 = arith.constant 2 : i32
      %add3A_282 = arith.addi %add3A_245, %add3A_281 : i32
      %dma_start3A_283 = arith.constant 1 : i32
      %dma_start3A_284 = arith.constant 0 : i32
      %dma_start3A_285 = arith.constant 0 : i32
      %dma_start3A_286 = tpu.memref_slice %arg8[%dma_start3A_283, %dma_start3A_284, %dma_start3A_285] : memref<3x256x64xf32, #tpu.memory_space<vmem>> -> memref<1x256x64xf32, #tpu.memory_space<vmem>>
      %dma_start3A_287 = tpu.memref_squeeze %dma_start3A_286 : memref<1x256x64xf32, #tpu.memory_space<vmem>> -> memref<256x64xf32, #tpu.memory_space<vmem>>
      %dma_start3A_288 = arith.constant 0 : i32
      %dma_start3A_289 = tpu.memref_slice %arg6[%add3A_282, %dma_start3A_288] : memref<42x256xi32, #tpu.memory_space<vmem>> -> memref<1x256xi32, #tpu.memory_space<vmem>>
      %dma_start3A_290 = tpu.memref_squeeze %dma_start3A_289 : memref<1x256xi32, #tpu.memory_space<vmem>> -> memref<256xi32, #tpu.memory_space<vmem>>
      %dma_start3A_291 = arith.constant 0 : i32
      %dma_start3A_292 = arith.constant 0 : i32
      %dma_start3A_293 = tpu.memref_slice %arg2[%dma_start3A_291, %dma_start3A_292] : memref<10000x64xf32, #tpu.memory_space<hbm>> -> memref<10000x64xf32, #tpu.memory_space<hbm>>
      tpu.enqueue_indirect_dma source(%dma_start3A_293 : memref<10000x64xf32, #tpu.memory_space<hbm>>) target(%dma_start3A_287 : memref<256x64xf32, #tpu.memory_space<vmem>>) offsets(%dma_start3A_290 : memref<256xi32, #tpu.memory_space<vmem>>) semaphore(%arg12 : memref<!tpu.dma_semaphore, #tpu.memory_space<semaphore_mem>>)
    }
    %scan3A_52 = arith.constant 13 : i32
    %dma_wait3A = arith.constant 0 : i32
    %dma_wait3A_53 = arith.constant 0 : i32
    %dma_wait3A_54 = arith.constant 0 : i32
    %dma_wait3A_55 = arith.constant 0 : i32
    %dma_wait3A_56 = tpu.memref_slice %arg8[%dma_wait3A_53, %dma_wait3A_54, %dma_wait3A_55] : memref<3x256x64xf32, #tpu.memory_space<vmem>> -> memref<1x256x64xf32, #tpu.memory_space<vmem>>
    %dma_wait3A_57 = tpu.memref_squeeze %dma_wait3A_56 : memref<1x256x64xf32, #tpu.memory_space<vmem>> -> memref<256x64xf32, #tpu.memory_space<vmem>>
    %dma_wait3A_58 = arith.constant 0 : i32
    %dma_wait3A_59 = tpu.memref_slice %arg6[%dma_wait3A, %dma_wait3A_58] : memref<42x256xi32, #tpu.memory_space<vmem>> -> memref<1x256xi32, #tpu.memory_space<vmem>>
    %dma_wait3A_60 = tpu.memref_squeeze %dma_wait3A_59 : memref<1x256xi32, #tpu.memory_space<vmem>> -> memref<256xi32, #tpu.memory_space<vmem>>
    %dma_wait3A_61 = arith.constant 0 : i32
    %dma_wait3A_62 = arith.constant 0 : i32
    %dma_wait3A_63 = tpu.memref_slice %arg2[%dma_wait3A_61, %dma_wait3A_62] : memref<10000x64xf32, #tpu.memory_space<hbm>> -> memref<10000x64xf32, #tpu.memory_space<hbm>>
    tpu.wait_indirect_dma semaphore(%arg11 : memref<!tpu.dma_semaphore, #tpu.memory_space<semaphore_mem>>) src(%dma_wait3A_63 : memref<10000x64xf32, #tpu.memory_space<hbm>>) dst(%dma_wait3A_57 : memref<256x64xf32, #tpu.memory_space<vmem>>)
    %dma_start3A_64 = arith.constant 0 : i32
    %dma_start3A_65 = arith.constant 39 : i32
    %dma_start3A_66 = arith.constant 0 : i32
    %dma_start3A_67 = arith.constant 0 : i32
    %dma_start3A_68 = tpu.memref_slice %arg8[%dma_start3A_64, %dma_start3A_66, %dma_start3A_67] : memref<3x256x64xf32, #tpu.memory_space<vmem>> -> memref<1x256x64xf32, #tpu.memory_space<vmem>>
    %dma_start3A_69 = tpu.memref_squeeze %dma_start3A_68 : memref<1x256x64xf32, #tpu.memory_space<vmem>> -> memref<256x64xf32, #tpu.memory_space<vmem>>
    %dma_start3A_70 = arith.constant 0 : i32
    %dma_start3A_71 = tpu.memref_slice %arg7[%dma_start3A_65, %dma_start3A_70] : memref<41x256xi32, #tpu.memory_space<vmem>> -> memref<1x256xi32, #tpu.memory_space<vmem>>
    %dma_start3A_72 = tpu.memref_squeeze %dma_start3A_71 : memref<1x256xi32, #tpu.memory_space<vmem>> -> memref<256xi32, #tpu.memory_space<vmem>>
    %dma_start3A_73 = arith.constant 0 : i32
    %dma_start3A_74 = arith.constant 0 : i32
    %dma_start3A_75 = tpu.memref_slice %arg10[%dma_start3A_73, %dma_start3A_74] : memref<10512x64xf32, #tpu.memory_space<vmem_shared>> -> memref<10512x64xf32, #tpu.memory_space<vmem_shared>>
    tpu.enqueue_indirect_dma source(%dma_start3A_69 : memref<256x64xf32, #tpu.memory_space<vmem>>) target(%dma_start3A_75 : memref<10512x64xf32, #tpu.memory_space<vmem_shared>>) offsets(%dma_start3A_72 : memref<256xi32, #tpu.memory_space<vmem>>) semaphore(%arg14 : memref<!tpu.dma_semaphore, #tpu.memory_space<semaphore_mem>>) {add = true}
    %dma_wait3A_76 = arith.constant 2 : i32
    %dma_wait3A_77 = arith.constant 0 : i32
    %dma_wait3A_78 = arith.constant 0 : i32
    %dma_wait3A_79 = arith.constant 0 : i32
    %dma_wait3A_80 = tpu.memref_slice %arg8[%dma_wait3A_76, %dma_wait3A_78, %dma_wait3A_79] : memref<3x256x64xf32, #tpu.memory_space<vmem>> -> memref<1x256x64xf32, #tpu.memory_space<vmem>>
    %dma_wait3A_81 = tpu.memref_squeeze %dma_wait3A_80 : memref<1x256x64xf32, #tpu.memory_space<vmem>> -> memref<256x64xf32, #tpu.memory_space<vmem>>
    %dma_wait3A_82 = arith.constant 0 : i32
    %dma_wait3A_83 = tpu.memref_slice %arg7[%dma_wait3A_77, %dma_wait3A_82] : memref<41x256xi32, #tpu.memory_space<vmem>> -> memref<1x256xi32, #tpu.memory_space<vmem>>
    %dma_wait3A_84 = tpu.memref_squeeze %dma_wait3A_83 : memref<1x256xi32, #tpu.memory_space<vmem>> -> memref<256xi32, #tpu.memory_space<vmem>>
    %dma_wait3A_85 = arith.constant 0 : i32
    %dma_wait3A_86 = arith.constant 0 : i32
    %dma_wait3A_87 = tpu.memref_slice %arg10[%dma_wait3A_85, %dma_wait3A_86] : memref<10512x64xf32, #tpu.memory_space<vmem_shared>> -> memref<10512x64xf32, #tpu.memory_space<vmem_shared>>
    tpu.wait_indirect_dma semaphore(%arg16 : memref<!tpu.dma_semaphore, #tpu.memory_space<semaphore_mem>>) src(%dma_wait3A_81 : memref<256x64xf32, #tpu.memory_space<vmem>>) dst(%dma_wait3A_87 : memref<10512x64xf32, #tpu.memory_space<vmem_shared>>)
    %dma_start3A_88 = arith.constant 41 : i32
    %dma_start3A_89 = arith.constant 2 : i32
    %dma_start3A_90 = arith.constant 0 : i32
    %dma_start3A_91 = arith.constant 0 : i32
    %dma_start3A_92 = tpu.memref_slice %arg8[%dma_start3A_89, %dma_start3A_90, %dma_start3A_91] : memref<3x256x64xf32, #tpu.memory_space<vmem>> -> memref<1x256x64xf32, #tpu.memory_space<vmem>>
    %dma_start3A_93 = tpu.memref_squeeze %dma_start3A_92 : memref<1x256x64xf32, #tpu.memory_space<vmem>> -> memref<256x64xf32, #tpu.memory_space<vmem>>
    %dma_start3A_94 = arith.constant 0 : i32
    %dma_start3A_95 = tpu.memref_slice %arg6[%dma_start3A_88, %dma_start3A_94] : memref<42x256xi32, #tpu.memory_space<vmem>> -> memref<1x256xi32, #tpu.memory_space<vmem>>
    %dma_start3A_96 = tpu.memref_squeeze %dma_start3A_95 : memref<1x256xi32, #tpu.memory_space<vmem>> -> memref<256xi32, #tpu.memory_space<vmem>>
    %dma_start3A_97 = arith.constant 0 : i32
    %dma_start3A_98 = arith.constant 0 : i32
    %dma_start3A_99 = tpu.memref_slice %arg2[%dma_start3A_97, %dma_start3A_98] : memref<10000x64xf32, #tpu.memory_space<hbm>> -> memref<10000x64xf32, #tpu.memory_space<hbm>>
    tpu.enqueue_indirect_dma source(%dma_start3A_99 : memref<10000x64xf32, #tpu.memory_space<hbm>>) target(%dma_start3A_93 : memref<256x64xf32, #tpu.memory_space<vmem>>) offsets(%dma_start3A_96 : memref<256xi32, #tpu.memory_space<vmem>>) semaphore(%arg13 : memref<!tpu.dma_semaphore, #tpu.memory_space<semaphore_mem>>)
    %dma_wait3A_100 = arith.constant 0 : i32
    %dma_wait3A_101 = arith.constant 0 : i32
    %dma_wait3A_102 = arith.constant 0 : i32
    %dma_wait3A_103 = arith.constant 0 : i32
    %dma_wait3A_104 = tpu.memref_slice %arg8[%dma_wait3A_100, %dma_wait3A_102, %dma_wait3A_103] : memref<3x256x64xf32, #tpu.memory_space<vmem>> -> memref<1x256x64xf32, #tpu.memory_space<vmem>>
    %dma_wait3A_105 = tpu.memref_squeeze %dma_wait3A_104 : memref<1x256x64xf32, #tpu.memory_space<vmem>> -> memref<256x64xf32, #tpu.memory_space<vmem>>
    %dma_wait3A_106 = arith.constant 0 : i32
    %dma_wait3A_107 = tpu.memref_slice %arg7[%dma_wait3A_101, %dma_wait3A_106] : memref<41x256xi32, #tpu.memory_space<vmem>> -> memref<1x256xi32, #tpu.memory_space<vmem>>
    %dma_wait3A_108 = tpu.memref_squeeze %dma_wait3A_107 : memref<1x256xi32, #tpu.memory_space<vmem>> -> memref<256xi32, #tpu.memory_space<vmem>>
    %dma_wait3A_109 = arith.constant 0 : i32
    %dma_wait3A_110 = arith.constant 0 : i32
    %dma_wait3A_111 = tpu.memref_slice %arg10[%dma_wait3A_109, %dma_wait3A_110] : memref<10512x64xf32, #tpu.memory_space<vmem_shared>> -> memref<10512x64xf32, #tpu.memory_space<vmem_shared>>
    tpu.wait_indirect_dma semaphore(%arg14 : memref<!tpu.dma_semaphore, #tpu.memory_space<semaphore_mem>>) src(%dma_wait3A_105 : memref<256x64xf32, #tpu.memory_space<vmem>>) dst(%dma_wait3A_111 : memref<10512x64xf32, #tpu.memory_space<vmem_shared>>)
    %dma_wait3A_112 = arith.constant 0 : i32
    %dma_wait3A_113 = arith.constant 1 : i32
    %dma_wait3A_114 = arith.constant 0 : i32
    %dma_wait3A_115 = arith.constant 0 : i32
    %dma_wait3A_116 = tpu.memref_slice %arg8[%dma_wait3A_113, %dma_wait3A_114, %dma_wait3A_115] : memref<3x256x64xf32, #tpu.memory_space<vmem>> -> memref<1x256x64xf32, #tpu.memory_space<vmem>>
    %dma_wait3A_117 = tpu.memref_squeeze %dma_wait3A_116 : memref<1x256x64xf32, #tpu.memory_space<vmem>> -> memref<256x64xf32, #tpu.memory_space<vmem>>
    %dma_wait3A_118 = arith.constant 0 : i32
    %dma_wait3A_119 = tpu.memref_slice %arg6[%dma_wait3A_112, %dma_wait3A_118] : memref<42x256xi32, #tpu.memory_space<vmem>> -> memref<1x256xi32, #tpu.memory_space<vmem>>
    %dma_wait3A_120 = tpu.memref_squeeze %dma_wait3A_119 : memref<1x256xi32, #tpu.memory_space<vmem>> -> memref<256xi32, #tpu.memory_space<vmem>>
    %dma_wait3A_121 = arith.constant 0 : i32
    %dma_wait3A_122 = arith.constant 0 : i32
    %dma_wait3A_123 = tpu.memref_slice %arg2[%dma_wait3A_121, %dma_wait3A_122] : memref<10000x64xf32, #tpu.memory_space<hbm>> -> memref<10000x64xf32, #tpu.memory_space<hbm>>
    tpu.wait_indirect_dma semaphore(%arg12 : memref<!tpu.dma_semaphore, #tpu.memory_space<semaphore_mem>>) src(%dma_wait3A_123 : memref<10000x64xf32, #tpu.memory_space<hbm>>) dst(%dma_wait3A_117 : memref<256x64xf32, #tpu.memory_space<vmem>>)
    %dma_wait3A_124 = arith.constant 0 : i32
    %dma_wait3A_125 = arith.constant 2 : i32
    %dma_wait3A_126 = arith.constant 0 : i32
    %dma_wait3A_127 = arith.constant 0 : i32
    %dma_wait3A_128 = tpu.memref_slice %arg8[%dma_wait3A_125, %dma_wait3A_126, %dma_wait3A_127] : memref<3x256x64xf32, #tpu.memory_space<vmem>> -> memref<1x256x64xf32, #tpu.memory_space<vmem>>
    %dma_wait3A_129 = tpu.memref_squeeze %dma_wait3A_128 : memref<1x256x64xf32, #tpu.memory_space<vmem>> -> memref<256x64xf32, #tpu.memory_space<vmem>>
    %dma_wait3A_130 = arith.constant 0 : i32
    %dma_wait3A_131 = tpu.memref_slice %arg6[%dma_wait3A_124, %dma_wait3A_130] : memref<42x256xi32, #tpu.memory_space<vmem>> -> memref<1x256xi32, #tpu.memory_space<vmem>>
    %dma_wait3A_132 = tpu.memref_squeeze %dma_wait3A_131 : memref<1x256xi32, #tpu.memory_space<vmem>> -> memref<256xi32, #tpu.memory_space<vmem>>
    %dma_wait3A_133 = arith.constant 0 : i32
    %dma_wait3A_134 = arith.constant 0 : i32
    %dma_wait3A_135 = tpu.memref_slice %arg2[%dma_wait3A_133, %dma_wait3A_134] : memref<10000x64xf32, #tpu.memory_space<hbm>> -> memref<10000x64xf32, #tpu.memory_space<hbm>>
    tpu.wait_indirect_dma semaphore(%arg13 : memref<!tpu.dma_semaphore, #tpu.memory_space<semaphore_mem>>) src(%dma_wait3A_135 : memref<10000x64xf32, #tpu.memory_space<hbm>>) dst(%dma_wait3A_129 : memref<256x64xf32, #tpu.memory_space<vmem>>)
    %barrier3A_136 = arith.constant 0 : index
    tpu.barrier barrier_id(%barrier3A_136)
    %mul3A_137 = arith.constant 657 : i32
    %mul3A_138 = arith.muli %arg1, %mul3A_137 : i32
    %mul3A_139 = arith.constant 657 : i32
    %mul3A_140 = arith.muli %arg1, %mul3A_139 : i32
    "tpu.region"() ({
      %run_scoped3A = tpu.sem_alloc : memref<!tpu.dma_semaphore, #tpu.memory_space<semaphore_mem>>
      %dma_start3A_141 = arith.constant 0 : i32
      %dma_start3A_142 = tpu.memref_slice %arg5[%arg0, %mul3A_140, %dma_start3A_141] : memref<2x10512x64xf32, #tpu.memory_space<hbm>> -> memref<1x657x64xf32, #tpu.memory_space<hbm>>
      %dma_start3A_143 = tpu.memref_squeeze %dma_start3A_142 : memref<1x657x64xf32, #tpu.memory_space<hbm>> -> memref<657x64xf32, #tpu.memory_space<hbm>>
      %dma_start3A_144 = arith.constant 0 : i32
      %dma_start3A_145 = tpu.memref_slice %arg10[%mul3A_138, %dma_start3A_144] : memref<10512x64xf32, #tpu.memory_space<vmem_shared>> -> memref<657x64xf32, #tpu.memory_space<vmem_shared>>
      tpu.enqueue_dma source(%dma_start3A_145 : memref<657x64xf32, #tpu.memory_space<vmem_shared>>) target(%dma_start3A_143 : memref<657x64xf32, #tpu.memory_space<hbm>>) target_semaphore(%run_scoped3A : memref<!tpu.dma_semaphore, #tpu.memory_space<semaphore_mem>>)
      %dma_wait3A_146 = arith.constant 0 : i32
      %dma_wait3A_147 = tpu.memref_slice %arg5[%arg0, %mul3A_140, %dma_wait3A_146] : memref<2x10512x64xf32, #tpu.memory_space<hbm>> -> memref<1x657x64xf32, #tpu.memory_space<hbm>>
      %dma_wait3A_148 = tpu.memref_squeeze %dma_wait3A_147 : memref<1x657x64xf32, #tpu.memory_space<hbm>> -> memref<657x64xf32, #tpu.memory_space<hbm>>
      %dma_wait3A_149 = arith.constant 0 : i32
      %dma_wait3A_150 = tpu.memref_slice %arg10[%mul3A_138, %dma_wait3A_149] : memref<10512x64xf32, #tpu.memory_space<vmem_shared>> -> memref<657x64xf32, #tpu.memory_space<vmem_shared>>
      tpu.wait_dma2 semaphore(%run_scoped3A : memref<!tpu.dma_semaphore, #tpu.memory_space<semaphore_mem>>) src(%dma_wait3A_150 : memref<657x64xf32, #tpu.memory_space<vmem_shared>>) dst(%dma_wait3A_148 : memref<657x64xf32, #tpu.memory_space<hbm>>)
      tpu.yield
    }) : () -> ()
    return
  }
}

#map = affine_map<(d0, d1) -> (0, 0)>
#map1 = affine_map<(d0, d1) -> (0, 0, 0)>
module attributes {stable_mosaic.version = 14 : i64} {
  func.func @k(%arg0: i32, %arg1: i32, %arg2: memref<10000x32xf32, #tpu.memory_space<hbm>>, %arg3: memref<32x22x512xi32, #tpu.memory_space<hbm>>, %arg4: memref<32x21x512xi32, #tpu.memory_space<hbm>>, %arg5: memref<2x10512x32xf32, #tpu.memory_space<hbm>>, %arg6: memref<22x512xi32, #tpu.memory_space<vmem>>, %arg7: memref<21x512xi32, #tpu.memory_space<vmem>>, %arg8: memref<3x512x32xf32, #tpu.memory_space<vmem>>, %arg9: memref<73x32xf32, #tpu.memory_space<vmem>>, %arg10: memref<10512x32xf32, #tpu.memory_space<vmem_shared>>, %arg11: memref<!tpu.dma_semaphore, #tpu.memory_space<semaphore_mem>>, %arg12: memref<!tpu.dma_semaphore, #tpu.memory_space<semaphore_mem>>, %arg13: memref<!tpu.dma_semaphore, #tpu.memory_space<semaphore_mem>>, %arg14: memref<!tpu.dma_semaphore, #tpu.memory_space<semaphore_mem>>, %arg15: memref<!tpu.dma_semaphore, #tpu.memory_space<semaphore_mem>>, %arg16: memref<!tpu.dma_semaphore, #tpu.memory_space<semaphore_mem>>) attributes {dimension_semantics = [#tpu.dimension_semantics<core_parallel>, #tpu.dimension_semantics<subcore_parallel>], iteration_bounds = array<i64: 2, 16>, scalar_prefetch = 0 : i64, scratch_operands = 11 : i64, tpu.core_type = #tpu.core_type<sc_vector_subcore>, window_params = [{transform_indices = #map}, {transform_indices = #map1}, {transform_indices = #map1}, {transform_indices = #map1}]} {
    %mul3A = arith.constant 2 : i32
    %mul3A_0 = arith.muli %arg1, %mul3A : i32
    %add3A = arith.addi %mul3A_0, %arg0 : i32
    %scan3A = arith.constant 0 : i32
    %scan3A_1 = arith.constant 0 : i32
    %scan3A_2 = arith.constant 73 : i32
    %scan3A_3 = arith.addi %scan3A_1, %scan3A_2 : i32
    %scan3A_4 = arith.constant 1 : i32
    scf.for %scan3A_189 = %scan3A_1 to %scan3A_3 step %scan3A_4  : i32 {
      %broadcast_in_dim3A = arith.constant 0.000000e+00 : f32
      %broadcast_in_dim3A_190 = vector.broadcast %broadcast_in_dim3A : f32 to vector<16xf32>
      %swap3A = arith.index_cast %scan3A_189 : i32 to index
      %swap3A_191 = arith.constant 0 : index
      %swap3A_192 = tpu.vector_load %arg9[%swap3A, %swap3A_191] {strides = array<i32>} : memref<73x32xf32, #tpu.memory_space<vmem>>, vector<1x16xf32>,
      %swap3A_193 = vector.shape_cast %swap3A_192 : vector<1x16xf32> to vector<16xf32>
      %swap3A_194 = vector.shape_cast %broadcast_in_dim3A_190 : vector<16xf32> to vector<1x16xf32>
      tpu.vector_store %arg9[%swap3A, %swap3A_191], %swap3A_194 {strides = array<i32>} : memref<73x32xf32, #tpu.memory_space<vmem>>, vector<1x16xf32>,
      %broadcast_in_dim3A_195 = arith.constant 0.000000e+00 : f32
      %broadcast_in_dim3A_196 = vector.broadcast %broadcast_in_dim3A_195 : f32 to vector<16xf32>
      %swap3A_197 = arith.index_cast %scan3A_189 : i32 to index
      %swap3A_198 = arith.constant 16 : index
      %swap3A_199 = tpu.vector_load %arg9[%swap3A_197, %swap3A_198] {strides = array<i32>} : memref<73x32xf32, #tpu.memory_space<vmem>>, vector<1x16xf32>,
      %swap3A_200 = vector.shape_cast %swap3A_199 : vector<1x16xf32> to vector<16xf32>
      %swap3A_201 = vector.shape_cast %broadcast_in_dim3A_196 : vector<16xf32> to vector<1x16xf32>
      tpu.vector_store %arg9[%swap3A_197, %swap3A_198], %swap3A_201 {strides = array<i32>} : memref<73x32xf32, #tpu.memory_space<vmem>>, vector<1x16xf32>,
    }
    %scan3A_5 = arith.constant 73 : i32
    %scan3A_6 = arith.constant 0 : i32
    %scan3A_7 = arith.constant 0 : i32
    %scan3A_8 = arith.constant 9 : i32
    %scan3A_9 = arith.addi %scan3A_7, %scan3A_8 : i32
    %scan3A_10 = arith.constant 1 : i32
    scf.for %scan3A_189 = %scan3A_7 to %scan3A_9 step %scan3A_10  : i32 {
      %mul3A_190 = arith.constant 657 : i32
      %mul3A_191 = arith.muli %arg1, %mul3A_190 : i32
      %mul3A_192 = arith.constant 73 : i32
      %mul3A_193 = arith.muli %scan3A_189, %mul3A_192 : i32
      %add3A_194 = arith.addi %mul3A_191, %mul3A_193 : i32
      "tpu.region"() ({
        %run_scoped3A = tpu.sem_alloc : memref<!tpu.dma_semaphore, #tpu.memory_space<semaphore_mem>>
        %dma_start3A_195 = arith.constant 0 : i32
        %dma_start3A_196 = tpu.memref_slice %arg10[%add3A_194, %dma_start3A_195] : memref<10512x32xf32, #tpu.memory_space<vmem_shared>> -> memref<73x32xf32, #tpu.memory_space<vmem_shared>>
        %dma_start3A_197 = arith.constant 0 : i32
        %dma_start3A_198 = tpu.memref_slice %arg10[%add3A_194, %dma_start3A_197] : memref<10512x32xf32, #tpu.memory_space<vmem_shared>> -> memref<73x32xf32, #tpu.memory_space<vmem_shared>>
        tpu.enqueue_dma source(%arg9 : memref<73x32xf32, #tpu.memory_space<vmem>>) target(%dma_start3A_198 : memref<73x32xf32, #tpu.memory_space<vmem_shared>>) target_semaphore(%run_scoped3A : memref<!tpu.dma_semaphore, #tpu.memory_space<semaphore_mem>>)
        %dma_wait3A_199 = arith.constant 0 : i32
        %dma_wait3A_200 = tpu.memref_slice %arg10[%add3A_194, %dma_wait3A_199] : memref<10512x32xf32, #tpu.memory_space<vmem_shared>> -> memref<73x32xf32, #tpu.memory_space<vmem_shared>>
        %dma_wait3A_201 = arith.constant 0 : i32
        %dma_wait3A_202 = tpu.memref_slice %arg10[%add3A_194, %dma_wait3A_201] : memref<10512x32xf32, #tpu.memory_space<vmem_shared>> -> memref<73x32xf32, #tpu.memory_space<vmem_shared>>
        tpu.wait_dma2 semaphore(%run_scoped3A : memref<!tpu.dma_semaphore, #tpu.memory_space<semaphore_mem>>) src(%arg9 : memref<73x32xf32, #tpu.memory_space<vmem>>) dst(%dma_wait3A_202 : memref<73x32xf32, #tpu.memory_space<vmem_shared>>)
        tpu.yield
      }) : () -> ()
    }
    %scan3A_11 = arith.constant 9 : i32
    "tpu.region"() ({
      %run_scoped3A = tpu.sem_alloc : memref<!tpu.dma_semaphore, #tpu.memory_space<semaphore_mem>>
      %dma_start3A_189 = arith.constant 0 : i32
      %dma_start3A_190 = arith.constant 0 : i32
      %dma_start3A_191 = tpu.memref_slice %arg3[%add3A, %dma_start3A_189, %dma_start3A_190] : memref<32x22x512xi32, #tpu.memory_space<hbm>> -> memref<1x22x512xi32, #tpu.memory_space<hbm>>
      %dma_start3A_192 = tpu.memref_squeeze %dma_start3A_191 : memref<1x22x512xi32, #tpu.memory_space<hbm>> -> memref<22x512xi32, #tpu.memory_space<hbm>>
      %dma_start3A_193 = arith.constant 0 : i32
      %dma_start3A_194 = arith.constant 0 : i32
      %dma_start3A_195 = tpu.memref_slice %arg3[%add3A, %dma_start3A_193, %dma_start3A_194] : memref<32x22x512xi32, #tpu.memory_space<hbm>> -> memref<1x22x512xi32, #tpu.memory_space<hbm>>
      %dma_start3A_196 = tpu.memref_squeeze %dma_start3A_195 : memref<1x22x512xi32, #tpu.memory_space<hbm>> -> memref<22x512xi32, #tpu.memory_space<hbm>>
      tpu.enqueue_dma source(%dma_start3A_196 : memref<22x512xi32, #tpu.memory_space<hbm>>) target(%arg6 : memref<22x512xi32, #tpu.memory_space<vmem>>) target_semaphore(%run_scoped3A : memref<!tpu.dma_semaphore, #tpu.memory_space<semaphore_mem>>)
      %dma_wait3A_197 = arith.constant 0 : i32
      %dma_wait3A_198 = arith.constant 0 : i32
      %dma_wait3A_199 = tpu.memref_slice %arg3[%add3A, %dma_wait3A_197, %dma_wait3A_198] : memref<32x22x512xi32, #tpu.memory_space<hbm>> -> memref<1x22x512xi32, #tpu.memory_space<hbm>>
      %dma_wait3A_200 = tpu.memref_squeeze %dma_wait3A_199 : memref<1x22x512xi32, #tpu.memory_space<hbm>> -> memref<22x512xi32, #tpu.memory_space<hbm>>
      %dma_wait3A_201 = arith.constant 0 : i32
      %dma_wait3A_202 = arith.constant 0 : i32
      %dma_wait3A_203 = tpu.memref_slice %arg3[%add3A, %dma_wait3A_201, %dma_wait3A_202] : memref<32x22x512xi32, #tpu.memory_space<hbm>> -> memref<1x22x512xi32, #tpu.memory_space<hbm>>
      %dma_wait3A_204 = tpu.memref_squeeze %dma_wait3A_203 : memref<1x22x512xi32, #tpu.memory_space<hbm>> -> memref<22x512xi32, #tpu.memory_space<hbm>>
      tpu.wait_dma2 semaphore(%run_scoped3A : memref<!tpu.dma_semaphore, #tpu.memory_space<semaphore_mem>>) src(%dma_wait3A_204 : memref<22x512xi32, #tpu.memory_space<hbm>>) dst(%arg6 : memref<22x512xi32, #tpu.memory_space<vmem>>)
      tpu.yield
    }) : () -> ()
    "tpu.region"() ({
      %run_scoped3A = tpu.sem_alloc : memref<!tpu.dma_semaphore, #tpu.memory_space<semaphore_mem>>
      %dma_start3A_189 = arith.constant 0 : i32
      %dma_start3A_190 = arith.constant 0 : i32
      %dma_start3A_191 = tpu.memref_slice %arg4[%add3A, %dma_start3A_189, %dma_start3A_190] : memref<32x21x512xi32, #tpu.memory_space<hbm>> -> memref<1x21x512xi32, #tpu.memory_space<hbm>>
      %dma_start3A_192 = tpu.memref_squeeze %dma_start3A_191 : memref<1x21x512xi32, #tpu.memory_space<hbm>> -> memref<21x512xi32, #tpu.memory_space<hbm>>
      %dma_start3A_193 = arith.constant 0 : i32
      %dma_start3A_194 = arith.constant 0 : i32
      %dma_start3A_195 = tpu.memref_slice %arg4[%add3A, %dma_start3A_193, %dma_start3A_194] : memref<32x21x512xi32, #tpu.memory_space<hbm>> -> memref<1x21x512xi32, #tpu.memory_space<hbm>>
      %dma_start3A_196 = tpu.memref_squeeze %dma_start3A_195 : memref<1x21x512xi32, #tpu.memory_space<hbm>> -> memref<21x512xi32, #tpu.memory_space<hbm>>
      tpu.enqueue_dma source(%dma_start3A_196 : memref<21x512xi32, #tpu.memory_space<hbm>>) target(%arg7 : memref<21x512xi32, #tpu.memory_space<vmem>>) target_semaphore(%run_scoped3A : memref<!tpu.dma_semaphore, #tpu.memory_space<semaphore_mem>>)
      %dma_wait3A_197 = arith.constant 0 : i32
      %dma_wait3A_198 = arith.constant 0 : i32
      %dma_wait3A_199 = tpu.memref_slice %arg4[%add3A, %dma_wait3A_197, %dma_wait3A_198] : memref<32x21x512xi32, #tpu.memory_space<hbm>> -> memref<1x21x512xi32, #tpu.memory_space<hbm>>
      %dma_wait3A_200 = tpu.memref_squeeze %dma_wait3A_199 : memref<1x21x512xi32, #tpu.memory_space<hbm>> -> memref<21x512xi32, #tpu.memory_space<hbm>>
      %dma_wait3A_201 = arith.constant 0 : i32
      %dma_wait3A_202 = arith.constant 0 : i32
      %dma_wait3A_203 = tpu.memref_slice %arg4[%add3A, %dma_wait3A_201, %dma_wait3A_202] : memref<32x21x512xi32, #tpu.memory_space<hbm>> -> memref<1x21x512xi32, #tpu.memory_space<hbm>>
      %dma_wait3A_204 = tpu.memref_squeeze %dma_wait3A_203 : memref<1x21x512xi32, #tpu.memory_space<hbm>> -> memref<21x512xi32, #tpu.memory_space<hbm>>
      tpu.wait_dma2 semaphore(%run_scoped3A : memref<!tpu.dma_semaphore, #tpu.memory_space<semaphore_mem>>) src(%dma_wait3A_204 : memref<21x512xi32, #tpu.memory_space<hbm>>) dst(%arg7 : memref<21x512xi32, #tpu.memory_space<vmem>>)
      tpu.yield
    }) : () -> ()
    %barrier3A = arith.constant 0 : index
    tpu.barrier barrier_id(%barrier3A)
    %dma_start3A = arith.constant 0 : i32
    %dma_start3A_12 = arith.constant 0 : i32
    %dma_start3A_13 = arith.constant 0 : i32
    %dma_start3A_14 = arith.constant 0 : i32
    %dma_start3A_15 = tpu.memref_slice %arg8[%dma_start3A_12, %dma_start3A_13, %dma_start3A_14] : memref<3x512x32xf32, #tpu.memory_space<vmem>> -> memref<1x512x32xf32, #tpu.memory_space<vmem>>
    %dma_start3A_16 = tpu.memref_squeeze %dma_start3A_15 : memref<1x512x32xf32, #tpu.memory_space<vmem>> -> memref<512x32xf32, #tpu.memory_space<vmem>>
    %dma_start3A_17 = arith.constant 0 : i32
    %dma_start3A_18 = tpu.memref_slice %arg6[%dma_start3A, %dma_start3A_17] : memref<22x512xi32, #tpu.memory_space<vmem>> -> memref<1x512xi32, #tpu.memory_space<vmem>>
    %dma_start3A_19 = tpu.memref_squeeze %dma_start3A_18 : memref<1x512xi32, #tpu.memory_space<vmem>> -> memref<512xi32, #tpu.memory_space<vmem>>
    %dma_start3A_20 = arith.constant 0 : i32
    %dma_start3A_21 = arith.constant 0 : i32
    %dma_start3A_22 = tpu.memref_slice %arg2[%dma_start3A_20, %dma_start3A_21] : memref<10000x32xf32, #tpu.memory_space<hbm>> -> memref<10000x32xf32, #tpu.memory_space<hbm>>
    tpu.enqueue_indirect_dma source(%dma_start3A_22 : memref<10000x32xf32, #tpu.memory_space<hbm>>) target(%dma_start3A_16 : memref<512x32xf32, #tpu.memory_space<vmem>>) offsets(%dma_start3A_19 : memref<512xi32, #tpu.memory_space<vmem>>) semaphore(%arg11 : memref<!tpu.dma_semaphore, #tpu.memory_space<semaphore_mem>>)
    %dma_start3A_23 = arith.constant 1 : i32
    %dma_start3A_24 = arith.constant 1 : i32
    %dma_start3A_25 = arith.constant 0 : i32
    %dma_start3A_26 = arith.constant 0 : i32
    %dma_start3A_27 = tpu.memref_slice %arg8[%dma_start3A_24, %dma_start3A_25, %dma_start3A_26] : memref<3x512x32xf32, #tpu.memory_space<vmem>> -> memref<1x512x32xf32, #tpu.memory_space<vmem>>
    %dma_start3A_28 = tpu.memref_squeeze %dma_start3A_27 : memref<1x512x32xf32, #tpu.memory_space<vmem>> -> memref<512x32xf32, #tpu.memory_space<vmem>>
    %dma_start3A_29 = arith.constant 0 : i32
    %dma_start3A_30 = tpu.memref_slice %arg6[%dma_start3A_23, %dma_start3A_29] : memref<22x512xi32, #tpu.memory_space<vmem>> -> memref<1x512xi32, #tpu.memory_space<vmem>>
    %dma_start3A_31 = tpu.memref_squeeze %dma_start3A_30 : memref<1x512xi32, #tpu.memory_space<vmem>> -> memref<512xi32, #tpu.memory_space<vmem>>
    %dma_start3A_32 = arith.constant 0 : i32
    %dma_start3A_33 = arith.constant 0 : i32
    %dma_start3A_34 = tpu.memref_slice %arg2[%dma_start3A_32, %dma_start3A_33] : memref<10000x32xf32, #tpu.memory_space<hbm>> -> memref<10000x32xf32, #tpu.memory_space<hbm>>
    tpu.enqueue_indirect_dma source(%dma_start3A_34 : memref<10000x32xf32, #tpu.memory_space<hbm>>) target(%dma_start3A_28 : memref<512x32xf32, #tpu.memory_space<vmem>>) offsets(%dma_start3A_31 : memref<512xi32, #tpu.memory_space<vmem>>) semaphore(%arg12 : memref<!tpu.dma_semaphore, #tpu.memory_space<semaphore_mem>>)
    %dma_start3A_35 = arith.constant 2 : i32
    %dma_start3A_36 = arith.constant 20 : i32
    %dma_start3A_37 = arith.constant 0 : i32
    %dma_start3A_38 = arith.constant 0 : i32
    %dma_start3A_39 = tpu.memref_slice %arg8[%dma_start3A_35, %dma_start3A_37, %dma_start3A_38] : memref<3x512x32xf32, #tpu.memory_space<vmem>> -> memref<1x512x32xf32, #tpu.memory_space<vmem>>
    %dma_start3A_40 = tpu.memref_squeeze %dma_start3A_39 : memref<1x512x32xf32, #tpu.memory_space<vmem>> -> memref<512x32xf32, #tpu.memory_space<vmem>>
    %dma_start3A_41 = arith.constant 0 : i32
    %dma_start3A_42 = tpu.memref_slice %arg7[%dma_start3A_36, %dma_start3A_41] : memref<21x512xi32, #tpu.memory_space<vmem>> -> memref<1x512xi32, #tpu.memory_space<vmem>>
    %dma_start3A_43 = tpu.memref_squeeze %dma_start3A_42 : memref<1x512xi32, #tpu.memory_space<vmem>> -> memref<512xi32, #tpu.memory_space<vmem>>
    %dma_start3A_44 = arith.constant 0 : i32
    %dma_start3A_45 = arith.constant 0 : i32
    %dma_start3A_46 = tpu.memref_slice %arg10[%dma_start3A_44, %dma_start3A_45] : memref<10512x32xf32, #tpu.memory_space<vmem_shared>> -> memref<10512x32xf32, #tpu.memory_space<vmem_shared>>
    tpu.enqueue_indirect_dma source(%dma_start3A_40 : memref<512x32xf32, #tpu.memory_space<vmem>>) target(%dma_start3A_46 : memref<10512x32xf32, #tpu.memory_space<vmem_shared>>) offsets(%dma_start3A_43 : memref<512xi32, #tpu.memory_space<vmem>>) semaphore(%arg16 : memref<!tpu.dma_semaphore, #tpu.memory_space<semaphore_mem>>) {add = true}
    %scan3A_47 = arith.constant 0 : i32
    %scan3A_48 = arith.constant 0 : i32
    %scan3A_49 = arith.constant 6 : i32
    %scan3A_50 = arith.addi %scan3A_48, %scan3A_49 : i32
    %scan3A_51 = arith.constant 1 : i32
    scf.for %scan3A_189 = %scan3A_48 to %scan3A_50 step %scan3A_51  : i32 {
      %mul3A_190 = arith.constant 3 : i32
      %mul3A_191 = arith.muli %mul3A_190, %scan3A_189 : i32
      %add3A_192 = arith.constant 0 : i32
      %add3A_193 = arith.addi %mul3A_191, %add3A_192 : i32
      %dma_wait3A_194 = arith.constant 0 : i32
      %dma_wait3A_195 = arith.constant 0 : i32
      %dma_wait3A_196 = arith.constant 0 : i32
      %dma_wait3A_197 = arith.constant 0 : i32
      %dma_wait3A_198 = tpu.memref_slice %arg8[%dma_wait3A_195, %dma_wait3A_196, %dma_wait3A_197] : memref<3x512x32xf32, #tpu.memory_space<vmem>> -> memref<1x512x32xf32, #tpu.memory_space<vmem>>
      %dma_wait3A_199 = tpu.memref_squeeze %dma_wait3A_198 : memref<1x512x32xf32, #tpu.memory_space<vmem>> -> memref<512x32xf32, #tpu.memory_space<vmem>>
      %dma_wait3A_200 = arith.constant 0 : i32
      %dma_wait3A_201 = tpu.memref_slice %arg6[%dma_wait3A_194, %dma_wait3A_200] : memref<22x512xi32, #tpu.memory_space<vmem>> -> memref<1x512xi32, #tpu.memory_space<vmem>>
      %dma_wait3A_202 = tpu.memref_squeeze %dma_wait3A_201 : memref<1x512xi32, #tpu.memory_space<vmem>> -> memref<512xi32, #tpu.memory_space<vmem>>
      %dma_wait3A_203 = arith.constant 0 : i32
      %dma_wait3A_204 = arith.constant 0 : i32
      %dma_wait3A_205 = tpu.memref_slice %arg2[%dma_wait3A_203, %dma_wait3A_204] : memref<10000x32xf32, #tpu.memory_space<hbm>> -> memref<10000x32xf32, #tpu.memory_space<hbm>>
      tpu.wait_indirect_dma semaphore(%arg11 : memref<!tpu.dma_semaphore, #tpu.memory_space<semaphore_mem>>) src(%dma_wait3A_205 : memref<10000x32xf32, #tpu.memory_space<hbm>>) dst(%dma_wait3A_199 : memref<512x32xf32, #tpu.memory_space<vmem>>)
      %dma_start3A_206 = arith.constant 0 : i32
      %dma_start3A_207 = arith.constant 0 : i32
      %dma_start3A_208 = arith.constant 0 : i32
      %dma_start3A_209 = tpu.memref_slice %arg8[%dma_start3A_206, %dma_start3A_207, %dma_start3A_208] : memref<3x512x32xf32, #tpu.memory_space<vmem>> -> memref<1x512x32xf32, #tpu.memory_space<vmem>>
      %dma_start3A_210 = tpu.memref_squeeze %dma_start3A_209 : memref<1x512x32xf32, #tpu.memory_space<vmem>> -> memref<512x32xf32, #tpu.memory_space<vmem>>
      %dma_start3A_211 = arith.constant 0 : i32
      %dma_start3A_212 = tpu.memref_slice %arg7[%add3A_193, %dma_start3A_211] : memref<21x512xi32, #tpu.memory_space<vmem>> -> memref<1x512xi32, #tpu.memory_space<vmem>>
      %dma_start3A_213 = tpu.memref_squeeze %dma_start3A_212 : memref<1x512xi32, #tpu.memory_space<vmem>> -> memref<512xi32, #tpu.memory_space<vmem>>
      %dma_start3A_214 = arith.constant 0 : i32
      %dma_start3A_215 = arith.constant 0 : i32
      %dma_start3A_216 = tpu.memref_slice %arg10[%dma_start3A_214, %dma_start3A_215] : memref<10512x32xf32, #tpu.memory_space<vmem_shared>> -> memref<10512x32xf32, #tpu.memory_space<vmem_shared>>
      tpu.enqueue_indirect_dma source(%dma_start3A_210 : memref<512x32xf32, #tpu.memory_space<vmem>>) target(%dma_start3A_216 : memref<10512x32xf32, #tpu.memory_space<vmem_shared>>) offsets(%dma_start3A_213 : memref<512xi32, #tpu.memory_space<vmem>>) semaphore(%arg14 : memref<!tpu.dma_semaphore, #tpu.memory_space<semaphore_mem>>) {add = true}
      %dma_wait3A_217 = arith.constant 2 : i32
      %dma_wait3A_218 = arith.constant 0 : i32
      %dma_wait3A_219 = arith.constant 0 : i32
      %dma_wait3A_220 = arith.constant 0 : i32
      %dma_wait3A_221 = tpu.memref_slice %arg8[%dma_wait3A_217, %dma_wait3A_219, %dma_wait3A_220] : memref<3x512x32xf32, #tpu.memory_space<vmem>> -> memref<1x512x32xf32, #tpu.memory_space<vmem>>
      %dma_wait3A_222 = tpu.memref_squeeze %dma_wait3A_221 : memref<1x512x32xf32, #tpu.memory_space<vmem>> -> memref<512x32xf32, #tpu.memory_space<vmem>>
      %dma_wait3A_223 = arith.constant 0 : i32
      %dma_wait3A_224 = tpu.memref_slice %arg7[%dma_wait3A_218, %dma_wait3A_223] : memref<21x512xi32, #tpu.memory_space<vmem>> -> memref<1x512xi32, #tpu.memory_space<vmem>>
      %dma_wait3A_225 = tpu.memref_squeeze %dma_wait3A_224 : memref<1x512xi32, #tpu.memory_space<vmem>> -> memref<512xi32, #tpu.memory_space<vmem>>
      %dma_wait3A_226 = arith.constant 0 : i32
      %dma_wait3A_227 = arith.constant 0 : i32
      %dma_wait3A_228 = tpu.memref_slice %arg10[%dma_wait3A_226, %dma_wait3A_227] : memref<10512x32xf32, #tpu.memory_space<vmem_shared>> -> memref<10512x32xf32, #tpu.memory_space<vmem_shared>>
      tpu.wait_indirect_dma semaphore(%arg16 : memref<!tpu.dma_semaphore, #tpu.memory_space<semaphore_mem>>) src(%dma_wait3A_222 : memref<512x32xf32, #tpu.memory_space<vmem>>) dst(%dma_wait3A_228 : memref<10512x32xf32, #tpu.memory_space<vmem_shared>>)
      %add3A_229 = arith.constant 2 : i32
      %add3A_230 = arith.addi %add3A_193, %add3A_229 : i32
      %dma_start3A_231 = arith.constant 2 : i32
      %dma_start3A_232 = arith.constant 0 : i32
      %dma_start3A_233 = arith.constant 0 : i32
      %dma_start3A_234 = tpu.memref_slice %arg8[%dma_start3A_231, %dma_start3A_232, %dma_start3A_233] : memref<3x512x32xf32, #tpu.memory_space<vmem>> -> memref<1x512x32xf32, #tpu.memory_space<vmem>>
      %dma_start3A_235 = tpu.memref_squeeze %dma_start3A_234 : memref<1x512x32xf32, #tpu.memory_space<vmem>> -> memref<512x32xf32, #tpu.memory_space<vmem>>
      %dma_start3A_236 = arith.constant 0 : i32
      %dma_start3A_237 = tpu.memref_slice %arg6[%add3A_230, %dma_start3A_236] : memref<22x512xi32, #tpu.memory_space<vmem>> -> memref<1x512xi32, #tpu.memory_space<vmem>>
      %dma_start3A_238 = tpu.memref_squeeze %dma_start3A_237 : memref<1x512xi32, #tpu.memory_space<vmem>> -> memref<512xi32, #tpu.memory_space<vmem>>
      %dma_start3A_239 = arith.constant 0 : i32
      %dma_start3A_240 = arith.constant 0 : i32
      %dma_start3A_241 = tpu.memref_slice %arg2[%dma_start3A_239, %dma_start3A_240] : memref<10000x32xf32, #tpu.memory_space<hbm>> -> memref<10000x32xf32, #tpu.memory_space<hbm>>
      tpu.enqueue_indirect_dma source(%dma_start3A_241 : memref<10000x32xf32, #tpu.memory_space<hbm>>) target(%dma_start3A_235 : memref<512x32xf32, #tpu.memory_space<vmem>>) offsets(%dma_start3A_238 : memref<512xi32, #tpu.memory_space<vmem>>) semaphore(%arg13 : memref<!tpu.dma_semaphore, #tpu.memory_space<semaphore_mem>>)
      %add3A_242 = arith.constant 1 : i32
      %add3A_243 = arith.addi %mul3A_191, %add3A_242 : i32
      %dma_wait3A_244 = arith.constant 0 : i32
      %dma_wait3A_245 = arith.constant 1 : i32
      %dma_wait3A_246 = arith.constant 0 : i32
      %dma_wait3A_247 = arith.constant 0 : i32
      %dma_wait3A_248 = tpu.memref_slice %arg8[%dma_wait3A_245, %dma_wait3A_246, %dma_wait3A_247] : memref<3x512x32xf32, #tpu.memory_space<vmem>> -> memref<1x512x32xf32, #tpu.memory_space<vmem>>
      %dma_wait3A_249 = tpu.memref_squeeze %dma_wait3A_248 : memref<1x512x32xf32, #tpu.memory_space<vmem>> -> memref<512x32xf32, #tpu.memory_space<vmem>>
      %dma_wait3A_250 = arith.constant 0 : i32
      %dma_wait3A_251 = tpu.memref_slice %arg6[%dma_wait3A_244, %dma_wait3A_250] : memref<22x512xi32, #tpu.memory_space<vmem>> -> memref<1x512xi32, #tpu.memory_space<vmem>>
      %dma_wait3A_252 = tpu.memref_squeeze %dma_wait3A_251 : memref<1x512xi32, #tpu.memory_space<vmem>> -> memref<512xi32, #tpu.memory_space<vmem>>
      %dma_wait3A_253 = arith.constant 0 : i32
      %dma_wait3A_254 = arith.constant 0 : i32
      %dma_wait3A_255 = tpu.memref_slice %arg2[%dma_wait3A_253, %dma_wait3A_254] : memref<10000x32xf32, #tpu.memory_space<hbm>> -> memref<10000x32xf32, #tpu.memory_space<hbm>>
      tpu.wait_indirect_dma semaphore(%arg12 : memref<!tpu.dma_semaphore, #tpu.memory_space<semaphore_mem>>) src(%dma_wait3A_255 : memref<10000x32xf32, #tpu.memory_space<hbm>>) dst(%dma_wait3A_249 : memref<512x32xf32, #tpu.memory_space<vmem>>)
      %dma_start3A_256 = arith.constant 1 : i32
      %dma_start3A_257 = arith.constant 0 : i32
      %dma_start3A_258 = arith.constant 0 : i32
      %dma_start3A_259 = tpu.memref_slice %arg8[%dma_start3A_256, %dma_start3A_257, %dma_start3A_258] : memref<3x512x32xf32, #tpu.memory_space<vmem>> -> memref<1x512x32xf32, #tpu.memory_space<vmem>>
      %dma_start3A_260 = tpu.memref_squeeze %dma_start3A_259 : memref<1x512x32xf32, #tpu.memory_space<vmem>> -> memref<512x32xf32, #tpu.memory_space<vmem>>
      %dma_start3A_261 = arith.constant 0 : i32
      %dma_start3A_262 = tpu.memref_slice %arg7[%add3A_243, %dma_start3A_261] : memref<21x512xi32, #tpu.memory_space<vmem>> -> memref<1x512xi32, #tpu.memory_space<vmem>>
      %dma_start3A_263 = tpu.memref_squeeze %dma_start3A_262 : memref<1x512xi32, #tpu.memory_space<vmem>> -> memref<512xi32, #tpu.memory_space<vmem>>
      %dma_start3A_264 = arith.constant 0 : i32
      %dma_start3A_265 = arith.constant 0 : i32
      %dma_start3A_266 = tpu.memref_slice %arg10[%dma_start3A_264, %dma_start3A_265] : memref<10512x32xf32, #tpu.memory_space<vmem_shared>> -> memref<10512x32xf32, #tpu.memory_space<vmem_shared>>
      tpu.enqueue_indirect_dma source(%dma_start3A_260 : memref<512x32xf32, #tpu.memory_space<vmem>>) target(%dma_start3A_266 : memref<10512x32xf32, #tpu.memory_space<vmem_shared>>) offsets(%dma_start3A_263 : memref<512xi32, #tpu.memory_space<vmem>>) semaphore(%arg15 : memref<!tpu.dma_semaphore, #tpu.memory_space<semaphore_mem>>) {add = true}
      %dma_wait3A_267 = arith.constant 0 : i32
      %dma_wait3A_268 = arith.constant 0 : i32
      %dma_wait3A_269 = arith.constant 0 : i32
      %dma_wait3A_270 = arith.constant 0 : i32
      %dma_wait3A_271 = tpu.memref_slice %arg8[%dma_wait3A_267, %dma_wait3A_269, %dma_wait3A_270] : memref<3x512x32xf32, #tpu.memory_space<vmem>> -> memref<1x512x32xf32, #tpu.memory_space<vmem>>
      %dma_wait3A_272 = tpu.memref_squeeze %dma_wait3A_271 : memref<1x512x32xf32, #tpu.memory_space<vmem>> -> memref<512x32xf32, #tpu.memory_space<vmem>>
      %dma_wait3A_273 = arith.constant 0 : i32
      %dma_wait3A_274 = tpu.memref_slice %arg7[%dma_wait3A_268, %dma_wait3A_273] : memref<21x512xi32, #tpu.memory_space<vmem>> -> memref<1x512xi32, #tpu.memory_space<vmem>>
      %dma_wait3A_275 = tpu.memref_squeeze %dma_wait3A_274 : memref<1x512xi32, #tpu.memory_space<vmem>> -> memref<512xi32, #tpu.memory_space<vmem>>
      %dma_wait3A_276 = arith.constant 0 : i32
      %dma_wait3A_277 = arith.constant 0 : i32
      %dma_wait3A_278 = tpu.memref_slice %arg10[%dma_wait3A_276, %dma_wait3A_277] : memref<10512x32xf32, #tpu.memory_space<vmem_shared>> -> memref<10512x32xf32, #tpu.memory_space<vmem_shared>>
      tpu.wait_indirect_dma semaphore(%arg14 : memref<!tpu.dma_semaphore, #tpu.memory_space<semaphore_mem>>) src(%dma_wait3A_272 : memref<512x32xf32, #tpu.memory_space<vmem>>) dst(%dma_wait3A_278 : memref<10512x32xf32, #tpu.memory_space<vmem_shared>>)
      %add3A_279 = arith.constant 2 : i32
      %add3A_280 = arith.addi %add3A_243, %add3A_279 : i32
      %dma_start3A_281 = arith.constant 0 : i32
      %dma_start3A_282 = arith.constant 0 : i32
      %dma_start3A_283 = arith.constant 0 : i32
      %dma_start3A_284 = tpu.memref_slice %arg8[%dma_start3A_281, %dma_start3A_282, %dma_start3A_283] : memref<3x512x32xf32, #tpu.memory_space<vmem>> -> memref<1x512x32xf32, #tpu.memory_space<vmem>>
      %dma_start3A_285 = tpu.memref_squeeze %dma_start3A_284 : memref<1x512x32xf32, #tpu.memory_space<vmem>> -> memref<512x32xf32, #tpu.memory_space<vmem>>
      %dma_start3A_286 = arith.constant 0 : i32
      %dma_start3A_287 = tpu.memref_slice %arg6[%add3A_280, %dma_start3A_286] : memref<22x512xi32, #tpu.memory_space<vmem>> -> memref<1x512xi32, #tpu.memory_space<vmem>>
      %dma_start3A_288 = tpu.memref_squeeze %dma_start3A_287 : memref<1x512xi32, #tpu.memory_space<vmem>> -> memref<512xi32, #tpu.memory_space<vmem>>
      %dma_start3A_289 = arith.constant 0 : i32
      %dma_start3A_290 = arith.constant 0 : i32
      %dma_start3A_291 = tpu.memref_slice %arg2[%dma_start3A_289, %dma_start3A_290] : memref<10000x32xf32, #tpu.memory_space<hbm>> -> memref<10000x32xf32, #tpu.memory_space<hbm>>
      tpu.enqueue_indirect_dma source(%dma_start3A_291 : memref<10000x32xf32, #tpu.memory_space<hbm>>) target(%dma_start3A_285 : memref<512x32xf32, #tpu.memory_space<vmem>>) offsets(%dma_start3A_288 : memref<512xi32, #tpu.memory_space<vmem>>) semaphore(%arg11 : memref<!tpu.dma_semaphore, #tpu.memory_space<semaphore_mem>>)
      %add3A_292 = arith.constant 2 : i32
      %add3A_293 = arith.addi %mul3A_191, %add3A_292 : i32
      %dma_wait3A_294 = arith.constant 0 : i32
      %dma_wait3A_295 = arith.constant 2 : i32
      %dma_wait3A_296 = arith.constant 0 : i32
      %dma_wait3A_297 = arith.constant 0 : i32
      %dma_wait3A_298 = tpu.memref_slice %arg8[%dma_wait3A_295, %dma_wait3A_296, %dma_wait3A_297] : memref<3x512x32xf32, #tpu.memory_space<vmem>> -> memref<1x512x32xf32, #tpu.memory_space<vmem>>
      %dma_wait3A_299 = tpu.memref_squeeze %dma_wait3A_298 : memref<1x512x32xf32, #tpu.memory_space<vmem>> -> memref<512x32xf32, #tpu.memory_space<vmem>>
      %dma_wait3A_300 = arith.constant 0 : i32
      %dma_wait3A_301 = tpu.memref_slice %arg6[%dma_wait3A_294, %dma_wait3A_300] : memref<22x512xi32, #tpu.memory_space<vmem>> -> memref<1x512xi32, #tpu.memory_space<vmem>>
      %dma_wait3A_302 = tpu.memref_squeeze %dma_wait3A_301 : memref<1x512xi32, #tpu.memory_space<vmem>> -> memref<512xi32, #tpu.memory_space<vmem>>
      %dma_wait3A_303 = arith.constant 0 : i32
      %dma_wait3A_304 = arith.constant 0 : i32
      %dma_wait3A_305 = tpu.memref_slice %arg2[%dma_wait3A_303, %dma_wait3A_304] : memref<10000x32xf32, #tpu.memory_space<hbm>> -> memref<10000x32xf32, #tpu.memory_space<hbm>>
      tpu.wait_indirect_dma semaphore(%arg13 : memref<!tpu.dma_semaphore, #tpu.memory_space<semaphore_mem>>) src(%dma_wait3A_305 : memref<10000x32xf32, #tpu.memory_space<hbm>>) dst(%dma_wait3A_299 : memref<512x32xf32, #tpu.memory_space<vmem>>)
      %dma_start3A_306 = arith.constant 2 : i32
      %dma_start3A_307 = arith.constant 0 : i32
      %dma_start3A_308 = arith.constant 0 : i32
      %dma_start3A_309 = tpu.memref_slice %arg8[%dma_start3A_306, %dma_start3A_307, %dma_start3A_308] : memref<3x512x32xf32, #tpu.memory_space<vmem>> -> memref<1x512x32xf32, #tpu.memory_space<vmem>>
      %dma_start3A_310 = tpu.memref_squeeze %dma_start3A_309 : memref<1x512x32xf32, #tpu.memory_space<vmem>> -> memref<512x32xf32, #tpu.memory_space<vmem>>
      %dma_start3A_311 = arith.constant 0 : i32
      %dma_start3A_312 = tpu.memref_slice %arg7[%add3A_293, %dma_start3A_311] : memref<21x512xi32, #tpu.memory_space<vmem>> -> memref<1x512xi32, #tpu.memory_space<vmem>>
      %dma_start3A_313 = tpu.memref_squeeze %dma_start3A_312 : memref<1x512xi32, #tpu.memory_space<vmem>> -> memref<512xi32, #tpu.memory_space<vmem>>
      %dma_start3A_314 = arith.constant 0 : i32
      %dma_start3A_315 = arith.constant 0 : i32
      %dma_start3A_316 = tpu.memref_slice %arg10[%dma_start3A_314, %dma_start3A_315] : memref<10512x32xf32, #tpu.memory_space<vmem_shared>> -> memref<10512x32xf32, #tpu.memory_space<vmem_shared>>
      tpu.enqueue_indirect_dma source(%dma_start3A_310 : memref<512x32xf32, #tpu.memory_space<vmem>>) target(%dma_start3A_316 : memref<10512x32xf32, #tpu.memory_space<vmem_shared>>) offsets(%dma_start3A_313 : memref<512xi32, #tpu.memory_space<vmem>>) semaphore(%arg16 : memref<!tpu.dma_semaphore, #tpu.memory_space<semaphore_mem>>) {add = true}
      %dma_wait3A_317 = arith.constant 1 : i32
      %dma_wait3A_318 = arith.constant 0 : i32
      %dma_wait3A_319 = arith.constant 0 : i32
      %dma_wait3A_320 = arith.constant 0 : i32
      %dma_wait3A_321 = tpu.memref_slice %arg8[%dma_wait3A_317, %dma_wait3A_319, %dma_wait3A_320] : memref<3x512x32xf32, #tpu.memory_space<vmem>> -> memref<1x512x32xf32, #tpu.memory_space<vmem>>
      %dma_wait3A_322 = tpu.memref_squeeze %dma_wait3A_321 : memref<1x512x32xf32, #tpu.memory_space<vmem>> -> memref<512x32xf32, #tpu.memory_space<vmem>>
      %dma_wait3A_323 = arith.constant 0 : i32
      %dma_wait3A_324 = tpu.memref_slice %arg7[%dma_wait3A_318, %dma_wait3A_323] : memref<21x512xi32, #tpu.memory_space<vmem>> -> memref<1x512xi32, #tpu.memory_space<vmem>>
      %dma_wait3A_325 = tpu.memref_squeeze %dma_wait3A_324 : memref<1x512xi32, #tpu.memory_space<vmem>> -> memref<512xi32, #tpu.memory_space<vmem>>
      %dma_wait3A_326 = arith.constant 0 : i32
      %dma_wait3A_327 = arith.constant 0 : i32
      %dma_wait3A_328 = tpu.memref_slice %arg10[%dma_wait3A_326, %dma_wait3A_327] : memref<10512x32xf32, #tpu.memory_space<vmem_shared>> -> memref<10512x32xf32, #tpu.memory_space<vmem_shared>>
      tpu.wait_indirect_dma semaphore(%arg15 : memref<!tpu.dma_semaphore, #tpu.memory_space<semaphore_mem>>) src(%dma_wait3A_322 : memref<512x32xf32, #tpu.memory_space<vmem>>) dst(%dma_wait3A_328 : memref<10512x32xf32, #tpu.memory_space<vmem_shared>>)
      %add3A_329 = arith.constant 2 : i32
      %add3A_330 = arith.addi %add3A_293, %add3A_329 : i32
      %dma_start3A_331 = arith.constant 1 : i32
      %dma_start3A_332 = arith.constant 0 : i32
      %dma_start3A_333 = arith.constant 0 : i32
      %dma_start3A_334 = tpu.memref_slice %arg8[%dma_start3A_331, %dma_start3A_332, %dma_start3A_333] : memref<3x512x32xf32, #tpu.memory_space<vmem>> -> memref<1x512x32xf32, #tpu.memory_space<vmem>>
      %dma_start3A_335 = tpu.memref_squeeze %dma_start3A_334 : memref<1x512x32xf32, #tpu.memory_space<vmem>> -> memref<512x32xf32, #tpu.memory_space<vmem>>
      %dma_start3A_336 = arith.constant 0 : i32
      %dma_start3A_337 = tpu.memref_slice %arg6[%add3A_330, %dma_start3A_336] : memref<22x512xi32, #tpu.memory_space<vmem>> -> memref<1x512xi32, #tpu.memory_space<vmem>>
      %dma_start3A_338 = tpu.memref_squeeze %dma_start3A_337 : memref<1x512xi32, #tpu.memory_space<vmem>> -> memref<512xi32, #tpu.memory_space<vmem>>
      %dma_start3A_339 = arith.constant 0 : i32
      %dma_start3A_340 = arith.constant 0 : i32
      %dma_start3A_341 = tpu.memref_slice %arg2[%dma_start3A_339, %dma_start3A_340] : memref<10000x32xf32, #tpu.memory_space<hbm>> -> memref<10000x32xf32, #tpu.memory_space<hbm>>
      tpu.enqueue_indirect_dma source(%dma_start3A_341 : memref<10000x32xf32, #tpu.memory_space<hbm>>) target(%dma_start3A_335 : memref<512x32xf32, #tpu.memory_space<vmem>>) offsets(%dma_start3A_338 : memref<512xi32, #tpu.memory_space<vmem>>) semaphore(%arg12 : memref<!tpu.dma_semaphore, #tpu.memory_space<semaphore_mem>>)
    }
    %scan3A_52 = arith.constant 6 : i32
    %dma_wait3A = arith.constant 0 : i32
    %dma_wait3A_53 = arith.constant 0 : i32
    %dma_wait3A_54 = arith.constant 0 : i32
    %dma_wait3A_55 = arith.constant 0 : i32
    %dma_wait3A_56 = tpu.memref_slice %arg8[%dma_wait3A_53, %dma_wait3A_54, %dma_wait3A_55] : memref<3x512x32xf32, #tpu.memory_space<vmem>> -> memref<1x512x32xf32, #tpu.memory_space<vmem>>
    %dma_wait3A_57 = tpu.memref_squeeze %dma_wait3A_56 : memref<1x512x32xf32, #tpu.memory_space<vmem>> -> memref<512x32xf32, #tpu.memory_space<vmem>>
    %dma_wait3A_58 = arith.constant 0 : i32
    %dma_wait3A_59 = tpu.memref_slice %arg6[%dma_wait3A, %dma_wait3A_58] : memref<22x512xi32, #tpu.memory_space<vmem>> -> memref<1x512xi32, #tpu.memory_space<vmem>>
    %dma_wait3A_60 = tpu.memref_squeeze %dma_wait3A_59 : memref<1x512xi32, #tpu.memory_space<vmem>> -> memref<512xi32, #tpu.memory_space<vmem>>
    %dma_wait3A_61 = arith.constant 0 : i32
    %dma_wait3A_62 = arith.constant 0 : i32
    %dma_wait3A_63 = tpu.memref_slice %arg2[%dma_wait3A_61, %dma_wait3A_62] : memref<10000x32xf32, #tpu.memory_space<hbm>> -> memref<10000x32xf32, #tpu.memory_space<hbm>>
    tpu.wait_indirect_dma semaphore(%arg11 : memref<!tpu.dma_semaphore, #tpu.memory_space<semaphore_mem>>) src(%dma_wait3A_63 : memref<10000x32xf32, #tpu.memory_space<hbm>>) dst(%dma_wait3A_57 : memref<512x32xf32, #tpu.memory_space<vmem>>)
    %dma_start3A_64 = arith.constant 0 : i32
    %dma_start3A_65 = arith.constant 18 : i32
    %dma_start3A_66 = arith.constant 0 : i32
    %dma_start3A_67 = arith.constant 0 : i32
    %dma_start3A_68 = tpu.memref_slice %arg8[%dma_start3A_64, %dma_start3A_66, %dma_start3A_67] : memref<3x512x32xf32, #tpu.memory_space<vmem>> -> memref<1x512x32xf32, #tpu.memory_space<vmem>>
    %dma_start3A_69 = tpu.memref_squeeze %dma_start3A_68 : memref<1x512x32xf32, #tpu.memory_space<vmem>> -> memref<512x32xf32, #tpu.memory_space<vmem>>
    %dma_start3A_70 = arith.constant 0 : i32
    %dma_start3A_71 = tpu.memref_slice %arg7[%dma_start3A_65, %dma_start3A_70] : memref<21x512xi32, #tpu.memory_space<vmem>> -> memref<1x512xi32, #tpu.memory_space<vmem>>
    %dma_start3A_72 = tpu.memref_squeeze %dma_start3A_71 : memref<1x512xi32, #tpu.memory_space<vmem>> -> memref<512xi32, #tpu.memory_space<vmem>>
    %dma_start3A_73 = arith.constant 0 : i32
    %dma_start3A_74 = arith.constant 0 : i32
    %dma_start3A_75 = tpu.memref_slice %arg10[%dma_start3A_73, %dma_start3A_74] : memref<10512x32xf32, #tpu.memory_space<vmem_shared>> -> memref<10512x32xf32, #tpu.memory_space<vmem_shared>>
    tpu.enqueue_indirect_dma source(%dma_start3A_69 : memref<512x32xf32, #tpu.memory_space<vmem>>) target(%dma_start3A_75 : memref<10512x32xf32, #tpu.memory_space<vmem_shared>>) offsets(%dma_start3A_72 : memref<512xi32, #tpu.memory_space<vmem>>) semaphore(%arg14 : memref<!tpu.dma_semaphore, #tpu.memory_space<semaphore_mem>>) {add = true}
    %dma_wait3A_76 = arith.constant 2 : i32
    %dma_wait3A_77 = arith.constant 0 : i32
    %dma_wait3A_78 = arith.constant 0 : i32
    %dma_wait3A_79 = arith.constant 0 : i32
    %dma_wait3A_80 = tpu.memref_slice %arg8[%dma_wait3A_76, %dma_wait3A_78, %dma_wait3A_79] : memref<3x512x32xf32, #tpu.memory_space<vmem>> -> memref<1x512x32xf32, #tpu.memory_space<vmem>>
    %dma_wait3A_81 = tpu.memref_squeeze %dma_wait3A_80 : memref<1x512x32xf32, #tpu.memory_space<vmem>> -> memref<512x32xf32, #tpu.memory_space<vmem>>
    %dma_wait3A_82 = arith.constant 0 : i32
    %dma_wait3A_83 = tpu.memref_slice %arg7[%dma_wait3A_77, %dma_wait3A_82] : memref<21x512xi32, #tpu.memory_space<vmem>> -> memref<1x512xi32, #tpu.memory_space<vmem>>
    %dma_wait3A_84 = tpu.memref_squeeze %dma_wait3A_83 : memref<1x512xi32, #tpu.memory_space<vmem>> -> memref<512xi32, #tpu.memory_space<vmem>>
    %dma_wait3A_85 = arith.constant 0 : i32
    %dma_wait3A_86 = arith.constant 0 : i32
    %dma_wait3A_87 = tpu.memref_slice %arg10[%dma_wait3A_85, %dma_wait3A_86] : memref<10512x32xf32, #tpu.memory_space<vmem_shared>> -> memref<10512x32xf32, #tpu.memory_space<vmem_shared>>
    tpu.wait_indirect_dma semaphore(%arg16 : memref<!tpu.dma_semaphore, #tpu.memory_space<semaphore_mem>>) src(%dma_wait3A_81 : memref<512x32xf32, #tpu.memory_space<vmem>>) dst(%dma_wait3A_87 : memref<10512x32xf32, #tpu.memory_space<vmem_shared>>)
    %dma_start3A_88 = arith.constant 20 : i32
    %dma_start3A_89 = arith.constant 2 : i32
    %dma_start3A_90 = arith.constant 0 : i32
    %dma_start3A_91 = arith.constant 0 : i32
    %dma_start3A_92 = tpu.memref_slice %arg8[%dma_start3A_89, %dma_start3A_90, %dma_start3A_91] : memref<3x512x32xf32, #tpu.memory_space<vmem>> -> memref<1x512x32xf32, #tpu.memory_space<vmem>>
    %dma_start3A_93 = tpu.memref_squeeze %dma_start3A_92 : memref<1x512x32xf32, #tpu.memory_space<vmem>> -> memref<512x32xf32, #tpu.memory_space<vmem>>
    %dma_start3A_94 = arith.constant 0 : i32
    %dma_start3A_95 = tpu.memref_slice %arg6[%dma_start3A_88, %dma_start3A_94] : memref<22x512xi32, #tpu.memory_space<vmem>> -> memref<1x512xi32, #tpu.memory_space<vmem>>
    %dma_start3A_96 = tpu.memref_squeeze %dma_start3A_95 : memref<1x512xi32, #tpu.memory_space<vmem>> -> memref<512xi32, #tpu.memory_space<vmem>>
    %dma_start3A_97 = arith.constant 0 : i32
    %dma_start3A_98 = arith.constant 0 : i32
    %dma_start3A_99 = tpu.memref_slice %arg2[%dma_start3A_97, %dma_start3A_98] : memref<10000x32xf32, #tpu.memory_space<hbm>> -> memref<10000x32xf32, #tpu.memory_space<hbm>>
    tpu.enqueue_indirect_dma source(%dma_start3A_99 : memref<10000x32xf32, #tpu.memory_space<hbm>>) target(%dma_start3A_93 : memref<512x32xf32, #tpu.memory_space<vmem>>) offsets(%dma_start3A_96 : memref<512xi32, #tpu.memory_space<vmem>>) semaphore(%arg13 : memref<!tpu.dma_semaphore, #tpu.memory_space<semaphore_mem>>)
    %dma_wait3A_100 = arith.constant 0 : i32
    %dma_wait3A_101 = arith.constant 1 : i32
    %dma_wait3A_102 = arith.constant 0 : i32
    %dma_wait3A_103 = arith.constant 0 : i32
    %dma_wait3A_104 = tpu.memref_slice %arg8[%dma_wait3A_101, %dma_wait3A_102, %dma_wait3A_103] : memref<3x512x32xf32, #tpu.memory_space<vmem>> -> memref<1x512x32xf32, #tpu.memory_space<vmem>>
    %dma_wait3A_105 = tpu.memref_squeeze %dma_wait3A_104 : memref<1x512x32xf32, #tpu.memory_space<vmem>> -> memref<512x32xf32, #tpu.memory_space<vmem>>
    %dma_wait3A_106 = arith.constant 0 : i32
    %dma_wait3A_107 = tpu.memref_slice %arg6[%dma_wait3A_100, %dma_wait3A_106] : memref<22x512xi32, #tpu.memory_space<vmem>> -> memref<1x512xi32, #tpu.memory_space<vmem>>
    %dma_wait3A_108 = tpu.memref_squeeze %dma_wait3A_107 : memref<1x512xi32, #tpu.memory_space<vmem>> -> memref<512xi32, #tpu.memory_space<vmem>>
    %dma_wait3A_109 = arith.constant 0 : i32
    %dma_wait3A_110 = arith.constant 0 : i32
    %dma_wait3A_111 = tpu.memref_slice %arg2[%dma_wait3A_109, %dma_wait3A_110] : memref<10000x32xf32, #tpu.memory_space<hbm>> -> memref<10000x32xf32, #tpu.memory_space<hbm>>
    tpu.wait_indirect_dma semaphore(%arg12 : memref<!tpu.dma_semaphore, #tpu.memory_space<semaphore_mem>>) src(%dma_wait3A_111 : memref<10000x32xf32, #tpu.memory_space<hbm>>) dst(%dma_wait3A_105 : memref<512x32xf32, #tpu.memory_space<vmem>>)
    %dma_start3A_112 = arith.constant 1 : i32
    %dma_start3A_113 = arith.constant 19 : i32
    %dma_start3A_114 = arith.constant 0 : i32
    %dma_start3A_115 = arith.constant 0 : i32
    %dma_start3A_116 = tpu.memref_slice %arg8[%dma_start3A_112, %dma_start3A_114, %dma_start3A_115] : memref<3x512x32xf32, #tpu.memory_space<vmem>> -> memref<1x512x32xf32, #tpu.memory_space<vmem>>
    %dma_start3A_117 = tpu.memref_squeeze %dma_start3A_116 : memref<1x512x32xf32, #tpu.memory_space<vmem>> -> memref<512x32xf32, #tpu.memory_space<vmem>>
    %dma_start3A_118 = arith.constant 0 : i32
    %dma_start3A_119 = tpu.memref_slice %arg7[%dma_start3A_113, %dma_start3A_118] : memref<21x512xi32, #tpu.memory_space<vmem>> -> memref<1x512xi32, #tpu.memory_space<vmem>>
    %dma_start3A_120 = tpu.memref_squeeze %dma_start3A_119 : memref<1x512xi32, #tpu.memory_space<vmem>> -> memref<512xi32, #tpu.memory_space<vmem>>
    %dma_start3A_121 = arith.constant 0 : i32
    %dma_start3A_122 = arith.constant 0 : i32
    %dma_start3A_123 = tpu.memref_slice %arg10[%dma_start3A_121, %dma_start3A_122] : memref<10512x32xf32, #tpu.memory_space<vmem_shared>> -> memref<10512x32xf32, #tpu.memory_space<vmem_shared>>
    tpu.enqueue_indirect_dma source(%dma_start3A_117 : memref<512x32xf32, #tpu.memory_space<vmem>>) target(%dma_start3A_123 : memref<10512x32xf32, #tpu.memory_space<vmem_shared>>) offsets(%dma_start3A_120 : memref<512xi32, #tpu.memory_space<vmem>>) semaphore(%arg15 : memref<!tpu.dma_semaphore, #tpu.memory_space<semaphore_mem>>) {add = true}
    %dma_wait3A_124 = arith.constant 0 : i32
    %dma_wait3A_125 = arith.constant 0 : i32
    %dma_wait3A_126 = arith.constant 0 : i32
    %dma_wait3A_127 = arith.constant 0 : i32
    %dma_wait3A_128 = tpu.memref_slice %arg8[%dma_wait3A_124, %dma_wait3A_126, %dma_wait3A_127] : memref<3x512x32xf32, #tpu.memory_space<vmem>> -> memref<1x512x32xf32, #tpu.memory_space<vmem>>
    %dma_wait3A_129 = tpu.memref_squeeze %dma_wait3A_128 : memref<1x512x32xf32, #tpu.memory_space<vmem>> -> memref<512x32xf32, #tpu.memory_space<vmem>>
    %dma_wait3A_130 = arith.constant 0 : i32
    %dma_wait3A_131 = tpu.memref_slice %arg7[%dma_wait3A_125, %dma_wait3A_130] : memref<21x512xi32, #tpu.memory_space<vmem>> -> memref<1x512xi32, #tpu.memory_space<vmem>>
    %dma_wait3A_132 = tpu.memref_squeeze %dma_wait3A_131 : memref<1x512xi32, #tpu.memory_space<vmem>> -> memref<512xi32, #tpu.memory_space<vmem>>
    %dma_wait3A_133 = arith.constant 0 : i32
    %dma_wait3A_134 = arith.constant 0 : i32
    %dma_wait3A_135 = tpu.memref_slice %arg10[%dma_wait3A_133, %dma_wait3A_134] : memref<10512x32xf32, #tpu.memory_space<vmem_shared>> -> memref<10512x32xf32, #tpu.memory_space<vmem_shared>>
    tpu.wait_indirect_dma semaphore(%arg14 : memref<!tpu.dma_semaphore, #tpu.memory_space<semaphore_mem>>) src(%dma_wait3A_129 : memref<512x32xf32, #tpu.memory_space<vmem>>) dst(%dma_wait3A_135 : memref<10512x32xf32, #tpu.memory_space<vmem_shared>>)
    %dma_start3A_136 = arith.constant 21 : i32
    %dma_start3A_137 = arith.constant 0 : i32
    %dma_start3A_138 = arith.constant 0 : i32
    %dma_start3A_139 = arith.constant 0 : i32
    %dma_start3A_140 = tpu.memref_slice %arg8[%dma_start3A_137, %dma_start3A_138, %dma_start3A_139] : memref<3x512x32xf32, #tpu.memory_space<vmem>> -> memref<1x512x32xf32, #tpu.memory_space<vmem>>
    %dma_start3A_141 = tpu.memref_squeeze %dma_start3A_140 : memref<1x512x32xf32, #tpu.memory_space<vmem>> -> memref<512x32xf32, #tpu.memory_space<vmem>>
    %dma_start3A_142 = arith.constant 0 : i32
    %dma_start3A_143 = tpu.memref_slice %arg6[%dma_start3A_136, %dma_start3A_142] : memref<22x512xi32, #tpu.memory_space<vmem>> -> memref<1x512xi32, #tpu.memory_space<vmem>>
    %dma_start3A_144 = tpu.memref_squeeze %dma_start3A_143 : memref<1x512xi32, #tpu.memory_space<vmem>> -> memref<512xi32, #tpu.memory_space<vmem>>
    %dma_start3A_145 = arith.constant 0 : i32
    %dma_start3A_146 = arith.constant 0 : i32
    %dma_start3A_147 = tpu.memref_slice %arg2[%dma_start3A_145, %dma_start3A_146] : memref<10000x32xf32, #tpu.memory_space<hbm>> -> memref<10000x32xf32, #tpu.memory_space<hbm>>
    tpu.enqueue_indirect_dma source(%dma_start3A_147 : memref<10000x32xf32, #tpu.memory_space<hbm>>) target(%dma_start3A_141 : memref<512x32xf32, #tpu.memory_space<vmem>>) offsets(%dma_start3A_144 : memref<512xi32, #tpu.memory_space<vmem>>) semaphore(%arg11 : memref<!tpu.dma_semaphore, #tpu.memory_space<semaphore_mem>>)
    %dma_wait3A_148 = arith.constant 1 : i32
    %dma_wait3A_149 = arith.constant 0 : i32
    %dma_wait3A_150 = arith.constant 0 : i32
    %dma_wait3A_151 = arith.constant 0 : i32
    %dma_wait3A_152 = tpu.memref_slice %arg8[%dma_wait3A_148, %dma_wait3A_150, %dma_wait3A_151] : memref<3x512x32xf32, #tpu.memory_space<vmem>> -> memref<1x512x32xf32, #tpu.memory_space<vmem>>
    %dma_wait3A_153 = tpu.memref_squeeze %dma_wait3A_152 : memref<1x512x32xf32, #tpu.memory_space<vmem>> -> memref<512x32xf32, #tpu.memory_space<vmem>>
    %dma_wait3A_154 = arith.constant 0 : i32
    %dma_wait3A_155 = tpu.memref_slice %arg7[%dma_wait3A_149, %dma_wait3A_154] : memref<21x512xi32, #tpu.memory_space<vmem>> -> memref<1x512xi32, #tpu.memory_space<vmem>>
    %dma_wait3A_156 = tpu.memref_squeeze %dma_wait3A_155 : memref<1x512xi32, #tpu.memory_space<vmem>> -> memref<512xi32, #tpu.memory_space<vmem>>
    %dma_wait3A_157 = arith.constant 0 : i32
    %dma_wait3A_158 = arith.constant 0 : i32
    %dma_wait3A_159 = tpu.memref_slice %arg10[%dma_wait3A_157, %dma_wait3A_158] : memref<10512x32xf32, #tpu.memory_space<vmem_shared>> -> memref<10512x32xf32, #tpu.memory_space<vmem_shared>>
    tpu.wait_indirect_dma semaphore(%arg15 : memref<!tpu.dma_semaphore, #tpu.memory_space<semaphore_mem>>) src(%dma_wait3A_153 : memref<512x32xf32, #tpu.memory_space<vmem>>) dst(%dma_wait3A_159 : memref<10512x32xf32, #tpu.memory_space<vmem_shared>>)
    %dma_wait3A_160 = arith.constant 0 : i32
    %dma_wait3A_161 = arith.constant 2 : i32
    %dma_wait3A_162 = arith.constant 0 : i32
    %dma_wait3A_163 = arith.constant 0 : i32
    %dma_wait3A_164 = tpu.memref_slice %arg8[%dma_wait3A_161, %dma_wait3A_162, %dma_wait3A_163] : memref<3x512x32xf32, #tpu.memory_space<vmem>> -> memref<1x512x32xf32, #tpu.memory_space<vmem>>
    %dma_wait3A_165 = tpu.memref_squeeze %dma_wait3A_164 : memref<1x512x32xf32, #tpu.memory_space<vmem>> -> memref<512x32xf32, #tpu.memory_space<vmem>>
    %dma_wait3A_166 = arith.constant 0 : i32
    %dma_wait3A_167 = tpu.memref_slice %arg6[%dma_wait3A_160, %dma_wait3A_166] : memref<22x512xi32, #tpu.memory_space<vmem>> -> memref<1x512xi32, #tpu.memory_space<vmem>>
    %dma_wait3A_168 = tpu.memref_squeeze %dma_wait3A_167 : memref<1x512xi32, #tpu.memory_space<vmem>> -> memref<512xi32, #tpu.memory_space<vmem>>
    %dma_wait3A_169 = arith.constant 0 : i32
    %dma_wait3A_170 = arith.constant 0 : i32
    %dma_wait3A_171 = tpu.memref_slice %arg2[%dma_wait3A_169, %dma_wait3A_170] : memref<10000x32xf32, #tpu.memory_space<hbm>> -> memref<10000x32xf32, #tpu.memory_space<hbm>>
    tpu.wait_indirect_dma semaphore(%arg13 : memref<!tpu.dma_semaphore, #tpu.memory_space<semaphore_mem>>) src(%dma_wait3A_171 : memref<10000x32xf32, #tpu.memory_space<hbm>>) dst(%dma_wait3A_165 : memref<512x32xf32, #tpu.memory_space<vmem>>)
    %dma_wait3A_172 = arith.constant 0 : i32
    %dma_wait3A_173 = arith.constant 0 : i32
    %dma_wait3A_174 = arith.constant 0 : i32
    %dma_wait3A_175 = arith.constant 0 : i32
    %dma_wait3A_176 = tpu.memref_slice %arg8[%dma_wait3A_173, %dma_wait3A_174, %dma_wait3A_175] : memref<3x512x32xf32, #tpu.memory_space<vmem>> -> memref<1x512x32xf32, #tpu.memory_space<vmem>>
    %dma_wait3A_177 = tpu.memref_squeeze %dma_wait3A_176 : memref<1x512x32xf32, #tpu.memory_space<vmem>> -> memref<512x32xf32, #tpu.memory_space<vmem>>
    %dma_wait3A_178 = arith.constant 0 : i32
    %dma_wait3A_179 = tpu.memref_slice %arg6[%dma_wait3A_172, %dma_wait3A_178] : memref<22x512xi32, #tpu.memory_space<vmem>> -> memref<1x512xi32, #tpu.memory_space<vmem>>
    %dma_wait3A_180 = tpu.memref_squeeze %dma_wait3A_179 : memref<1x512xi32, #tpu.memory_space<vmem>> -> memref<512xi32, #tpu.memory_space<vmem>>
    %dma_wait3A_181 = arith.constant 0 : i32
    %dma_wait3A_182 = arith.constant 0 : i32
    %dma_wait3A_183 = tpu.memref_slice %arg2[%dma_wait3A_181, %dma_wait3A_182] : memref<10000x32xf32, #tpu.memory_space<hbm>> -> memref<10000x32xf32, #tpu.memory_space<hbm>>
    tpu.wait_indirect_dma semaphore(%arg11 : memref<!tpu.dma_semaphore, #tpu.memory_space<semaphore_mem>>) src(%dma_wait3A_183 : memref<10000x32xf32, #tpu.memory_space<hbm>>) dst(%dma_wait3A_177 : memref<512x32xf32, #tpu.memory_space<vmem>>)
    %barrier3A_184 = arith.constant 0 : index
    tpu.barrier barrier_id(%barrier3A_184)
    %mul3A_185 = arith.constant 657 : i32
    %mul3A_186 = arith.muli %arg1, %mul3A_185 : i32
    %mul3A_187 = arith.constant 657 : i32
    %mul3A_188 = arith.muli %arg1, %mul3A_187 : i32
    "tpu.region"() ({
      %run_scoped3A = tpu.sem_alloc : memref<!tpu.dma_semaphore, #tpu.memory_space<semaphore_mem>>
      %dma_start3A_189 = arith.constant 0 : i32
      %dma_start3A_190 = tpu.memref_slice %arg5[%arg0, %mul3A_188, %dma_start3A_189] : memref<2x10512x32xf32, #tpu.memory_space<hbm>> -> memref<1x657x32xf32, #tpu.memory_space<hbm>>
      %dma_start3A_191 = tpu.memref_squeeze %dma_start3A_190 : memref<1x657x32xf32, #tpu.memory_space<hbm>> -> memref<657x32xf32, #tpu.memory_space<hbm>>
      %dma_start3A_192 = arith.constant 0 : i32
      %dma_start3A_193 = tpu.memref_slice %arg10[%mul3A_186, %dma_start3A_192] : memref<10512x32xf32, #tpu.memory_space<vmem_shared>> -> memref<657x32xf32, #tpu.memory_space<vmem_shared>>
      tpu.enqueue_dma source(%dma_start3A_193 : memref<657x32xf32, #tpu.memory_space<vmem_shared>>) target(%dma_start3A_191 : memref<657x32xf32, #tpu.memory_space<hbm>>) target_semaphore(%run_scoped3A : memref<!tpu.dma_semaphore, #tpu.memory_space<semaphore_mem>>)
      %dma_wait3A_194 = arith.constant 0 : i32
      %dma_wait3A_195 = tpu.memref_slice %arg5[%arg0, %mul3A_188, %dma_wait3A_194] : memref<2x10512x32xf32, #tpu.memory_space<hbm>> -> memref<1x657x32xf32, #tpu.memory_space<hbm>>
      %dma_wait3A_196 = tpu.memref_squeeze %dma_wait3A_195 : memref<1x657x32xf32, #tpu.memory_space<hbm>> -> memref<657x32xf32, #tpu.memory_space<hbm>>
      %dma_wait3A_197 = arith.constant 0 : i32
      %dma_wait3A_198 = tpu.memref_slice %arg10[%mul3A_186, %dma_wait3A_197] : memref<10512x32xf32, #tpu.memory_space<vmem_shared>> -> memref<657x32xf32, #tpu.memory_space<vmem_shared>>
      tpu.wait_dma2 semaphore(%run_scoped3A : memref<!tpu.dma_semaphore, #tpu.memory_space<semaphore_mem>>) src(%dma_wait3A_198 : memref<657x32xf32, #tpu.memory_space<vmem_shared>>) dst(%dma_wait3A_196 : memref<657x32xf32, #tpu.memory_space<hbm>>)
      tpu.yield
    }) : () -> ()
    return
  }
}

#map = affine_map<(d0, d1) -> (0, 0, 0)>
module attributes {stable_mosaic.version = 14 : i64} {
  func.func @k(%arg0: i32, %arg1: i32, %arg2: memref<32x41x256xi32, #tpu.memory_space<hbm>>, %arg3: memref<2x10512x16xf32, #tpu.memory_space<hbm>>, %arg4: memref<41x256xi32, #tpu.memory_space<vmem>>, %arg5: memref<256x16xf32, #tpu.memory_space<vmem>>, %arg6: memref<73x16xf32, #tpu.memory_space<vmem>>, %arg7: memref<10512x16xf32, #tpu.memory_space<vmem_shared>>, %arg8: memref<!tpu.dma_semaphore, #tpu.memory_space<semaphore_mem>>) attributes {dimension_semantics = [#tpu.dimension_semantics<core_parallel>, #tpu.dimension_semantics<subcore_parallel>], iteration_bounds = array<i64: 2, 16>, scalar_prefetch = 0 : i64, scratch_operands = 5 : i64, tpu.core_type = #tpu.core_type<sc_vector_subcore>, window_params = [{transform_indices = #map}, {transform_indices = #map}]} {
    %mul3A = arith.constant 2 : i32
    %mul3A_0 = arith.muli %arg1, %mul3A : i32
    %add3A = arith.addi %mul3A_0, %arg0 : i32
    %scan3A = arith.constant 0 : i32
    %scan3A_1 = arith.constant 0 : i32
    %scan3A_2 = arith.constant 73 : i32
    %scan3A_3 = arith.addi %scan3A_1, %scan3A_2 : i32
    %scan3A_4 = arith.constant 1 : i32
    scf.for %scan3A_29 = %scan3A_1 to %scan3A_3 step %scan3A_4  : i32 {
      %broadcast_in_dim3A = arith.constant 0.000000e+00 : f32
      %broadcast_in_dim3A_30 = vector.broadcast %broadcast_in_dim3A : f32 to vector<16xf32>
      %swap3A = arith.index_cast %scan3A_29 : i32 to index
      %swap3A_31 = arith.constant 0 : index
      %swap3A_32 = tpu.vector_load %arg6[%swap3A, %swap3A_31] {strides = array<i32>} : memref<73x16xf32, #tpu.memory_space<vmem>>, vector<1x16xf32>,
      %swap3A_33 = vector.shape_cast %swap3A_32 : vector<1x16xf32> to vector<16xf32>
      %swap3A_34 = vector.shape_cast %broadcast_in_dim3A_30 : vector<16xf32> to vector<1x16xf32>
      tpu.vector_store %arg6[%swap3A, %swap3A_31], %swap3A_34 {strides = array<i32>} : memref<73x16xf32, #tpu.memory_space<vmem>>, vector<1x16xf32>,
    }
    %scan3A_5 = arith.constant 73 : i32
    %scan3A_6 = arith.constant 0 : i32
    %scan3A_7 = arith.constant 0 : i32
    %scan3A_8 = arith.constant 256 : i32
    %scan3A_9 = arith.addi %scan3A_7, %scan3A_8 : i32
    %scan3A_10 = arith.constant 1 : i32
    scf.for %scan3A_29 = %scan3A_7 to %scan3A_9 step %scan3A_10  : i32 {
      %broadcast_in_dim3A = arith.constant 1.000000e+00 : f32
      %broadcast_in_dim3A_30 = vector.broadcast %broadcast_in_dim3A : f32 to vector<16xf32>
      %swap3A = arith.index_cast %scan3A_29 : i32 to index
      %swap3A_31 = arith.constant 0 : index
      %swap3A_32 = tpu.vector_load %arg5[%swap3A, %swap3A_31] {strides = array<i32>} : memref<256x16xf32, #tpu.memory_space<vmem>>, vector<1x16xf32>,
      %swap3A_33 = vector.shape_cast %swap3A_32 : vector<1x16xf32> to vector<16xf32>
      %swap3A_34 = vector.shape_cast %broadcast_in_dim3A_30 : vector<16xf32> to vector<1x16xf32>
      tpu.vector_store %arg5[%swap3A, %swap3A_31], %swap3A_34 {strides = array<i32>} : memref<256x16xf32, #tpu.memory_space<vmem>>, vector<1x16xf32>,
    }
    %scan3A_11 = arith.constant 256 : i32
    %scan3A_12 = arith.constant 0 : i32
    %scan3A_13 = arith.constant 0 : i32
    %scan3A_14 = arith.constant 9 : i32
    %scan3A_15 = arith.addi %scan3A_13, %scan3A_14 : i32
    %scan3A_16 = arith.constant 1 : i32
    scf.for %scan3A_29 = %scan3A_13 to %scan3A_15 step %scan3A_16  : i32 {
      %mul3A_30 = arith.constant 657 : i32
      %mul3A_31 = arith.muli %arg1, %mul3A_30 : i32
      %mul3A_32 = arith.constant 73 : i32
      %mul3A_33 = arith.muli %scan3A_29, %mul3A_32 : i32
      %add3A_34 = arith.addi %mul3A_31, %mul3A_33 : i32
      "tpu.region"() ({
        %run_scoped3A = tpu.sem_alloc : memref<!tpu.dma_semaphore, #tpu.memory_space<semaphore_mem>>
        %dma_start3A = arith.constant 0 : i32
        %dma_start3A_35 = tpu.memref_slice %arg7[%add3A_34, %dma_start3A] : memref<10512x16xf32, #tpu.memory_space<vmem_shared>> -> memref<73x16xf32, #tpu.memory_space<vmem_shared>>
        %dma_start3A_36 = arith.constant 0 : i32
        %dma_start3A_37 = tpu.memref_slice %arg7[%add3A_34, %dma_start3A_36] : memref<10512x16xf32, #tpu.memory_space<vmem_shared>> -> memref<73x16xf32, #tpu.memory_space<vmem_shared>>
        tpu.enqueue_dma source(%arg6 : memref<73x16xf32, #tpu.memory_space<vmem>>) target(%dma_start3A_37 : memref<73x16xf32, #tpu.memory_space<vmem_shared>>) target_semaphore(%run_scoped3A : memref<!tpu.dma_semaphore, #tpu.memory_space<semaphore_mem>>)
        %dma_wait3A = arith.constant 0 : i32
        %dma_wait3A_38 = tpu.memref_slice %arg7[%add3A_34, %dma_wait3A] : memref<10512x16xf32, #tpu.memory_space<vmem_shared>> -> memref<73x16xf32, #tpu.memory_space<vmem_shared>>
        %dma_wait3A_39 = arith.constant 0 : i32
        %dma_wait3A_40 = tpu.memref_slice %arg7[%add3A_34, %dma_wait3A_39] : memref<10512x16xf32, #tpu.memory_space<vmem_shared>> -> memref<73x16xf32, #tpu.memory_space<vmem_shared>>
        tpu.wait_dma2 semaphore(%run_scoped3A : memref<!tpu.dma_semaphore, #tpu.memory_space<semaphore_mem>>) src(%arg6 : memref<73x16xf32, #tpu.memory_space<vmem>>) dst(%dma_wait3A_40 : memref<73x16xf32, #tpu.memory_space<vmem_shared>>)
        tpu.yield
      }) : () -> ()
    }
    %scan3A_17 = arith.constant 9 : i32
    "tpu.region"() ({
      %run_scoped3A = tpu.sem_alloc : memref<!tpu.dma_semaphore, #tpu.memory_space<semaphore_mem>>
      %dma_start3A = arith.constant 0 : i32
      %dma_start3A_29 = arith.constant 0 : i32
      %dma_start3A_30 = tpu.memref_slice %arg2[%add3A, %dma_start3A, %dma_start3A_29] : memref<32x41x256xi32, #tpu.memory_space<hbm>> -> memref<1x41x256xi32, #tpu.memory_space<hbm>>
      %dma_start3A_31 = tpu.memref_squeeze %dma_start3A_30 : memref<1x41x256xi32, #tpu.memory_space<hbm>> -> memref<41x256xi32, #tpu.memory_space<hbm>>
      %dma_start3A_32 = arith.constant 0 : i32
      %dma_start3A_33 = arith.constant 0 : i32
      %dma_start3A_34 = tpu.memref_slice %arg2[%add3A, %dma_start3A_32, %dma_start3A_33] : memref<32x41x256xi32, #tpu.memory_space<hbm>> -> memref<1x41x256xi32, #tpu.memory_space<hbm>>
      %dma_start3A_35 = tpu.memref_squeeze %dma_start3A_34 : memref<1x41x256xi32, #tpu.memory_space<hbm>> -> memref<41x256xi32, #tpu.memory_space<hbm>>
      tpu.enqueue_dma source(%dma_start3A_35 : memref<41x256xi32, #tpu.memory_space<hbm>>) target(%arg4 : memref<41x256xi32, #tpu.memory_space<vmem>>) target_semaphore(%run_scoped3A : memref<!tpu.dma_semaphore, #tpu.memory_space<semaphore_mem>>)
      %dma_wait3A = arith.constant 0 : i32
      %dma_wait3A_36 = arith.constant 0 : i32
      %dma_wait3A_37 = tpu.memref_slice %arg2[%add3A, %dma_wait3A, %dma_wait3A_36] : memref<32x41x256xi32, #tpu.memory_space<hbm>> -> memref<1x41x256xi32, #tpu.memory_space<hbm>>
      %dma_wait3A_38 = tpu.memref_squeeze %dma_wait3A_37 : memref<1x41x256xi32, #tpu.memory_space<hbm>> -> memref<41x256xi32, #tpu.memory_space<hbm>>
      %dma_wait3A_39 = arith.constant 0 : i32
      %dma_wait3A_40 = arith.constant 0 : i32
      %dma_wait3A_41 = tpu.memref_slice %arg2[%add3A, %dma_wait3A_39, %dma_wait3A_40] : memref<32x41x256xi32, #tpu.memory_space<hbm>> -> memref<1x41x256xi32, #tpu.memory_space<hbm>>
      %dma_wait3A_42 = tpu.memref_squeeze %dma_wait3A_41 : memref<1x41x256xi32, #tpu.memory_space<hbm>> -> memref<41x256xi32, #tpu.memory_space<hbm>>
      tpu.wait_dma2 semaphore(%run_scoped3A : memref<!tpu.dma_semaphore, #tpu.memory_space<semaphore_mem>>) src(%dma_wait3A_42 : memref<41x256xi32, #tpu.memory_space<hbm>>) dst(%arg4 : memref<41x256xi32, #tpu.memory_space<vmem>>)
      tpu.yield
    }) : () -> ()
    %barrier3A = arith.constant 0 : index
    tpu.barrier barrier_id(%barrier3A)
    %scan3A_18 = arith.constant 0 : i32
    %scan3A_19 = arith.constant 0 : i32
    %scan3A_20 = arith.constant 5 : i32
    %scan3A_21 = arith.addi %scan3A_19, %scan3A_20 : i32
    %scan3A_22 = arith.constant 1 : i32
    scf.for %scan3A_29 = %scan3A_19 to %scan3A_21 step %scan3A_22  : i32 {
      %mul3A_30 = arith.constant 8 : i32
      %mul3A_31 = arith.muli %scan3A_29, %mul3A_30 : i32
      %add3A_32 = arith.constant 0 : i32
      %add3A_33 = arith.addi %mul3A_31, %add3A_32 : i32
      %dma_start3A = arith.constant 0 : i32
      %dma_start3A_34 = tpu.memref_slice %arg4[%add3A_33, %dma_start3A] : memref<41x256xi32, #tpu.memory_space<vmem>> -> memref<1x256xi32, #tpu.memory_space<vmem>>
      %dma_start3A_35 = tpu.memref_squeeze %dma_start3A_34 : memref<1x256xi32, #tpu.memory_space<vmem>> -> memref<256xi32, #tpu.memory_space<vmem>>
      %dma_start3A_36 = arith.constant 0 : i32
      %dma_start3A_37 = arith.constant 0 : i32
      %dma_start3A_38 = tpu.memref_slice %arg7[%dma_start3A_36, %dma_start3A_37] : memref<10512x16xf32, #tpu.memory_space<vmem_shared>> -> memref<10512x16xf32, #tpu.memory_space<vmem_shared>>
      tpu.enqueue_indirect_dma source(%arg5 : memref<256x16xf32, #tpu.memory_space<vmem>>) target(%dma_start3A_38 : memref<10512x16xf32, #tpu.memory_space<vmem_shared>>) offsets(%dma_start3A_35 : memref<256xi32, #tpu.memory_space<vmem>>) semaphore(%arg8 : memref<!tpu.dma_semaphore, #tpu.memory_space<semaphore_mem>>) {add = true}
      %mul3A_39 = arith.constant 8 : i32
      %mul3A_40 = arith.muli %scan3A_29, %mul3A_39 : i32
      %add3A_41 = arith.constant 1 : i32
      %add3A_42 = arith.addi %mul3A_40, %add3A_41 : i32
      %dma_start3A_43 = arith.constant 0 : i32
      %dma_start3A_44 = tpu.memref_slice %arg4[%add3A_42, %dma_start3A_43] : memref<41x256xi32, #tpu.memory_space<vmem>> -> memref<1x256xi32, #tpu.memory_space<vmem>>
      %dma_start3A_45 = tpu.memref_squeeze %dma_start3A_44 : memref<1x256xi32, #tpu.memory_space<vmem>> -> memref<256xi32, #tpu.memory_space<vmem>>
      %dma_start3A_46 = arith.constant 0 : i32
      %dma_start3A_47 = arith.constant 0 : i32
      %dma_start3A_48 = tpu.memref_slice %arg7[%dma_start3A_46, %dma_start3A_47] : memref<10512x16xf32, #tpu.memory_space<vmem_shared>> -> memref<10512x16xf32, #tpu.memory_space<vmem_shared>>
      tpu.enqueue_indirect_dma source(%arg5 : memref<256x16xf32, #tpu.memory_space<vmem>>) target(%dma_start3A_48 : memref<10512x16xf32, #tpu.memory_space<vmem_shared>>) offsets(%dma_start3A_45 : memref<256xi32, #tpu.memory_space<vmem>>) semaphore(%arg8 : memref<!tpu.dma_semaphore, #tpu.memory_space<semaphore_mem>>) {add = true}
      %mul3A_49 = arith.constant 8 : i32
      %mul3A_50 = arith.muli %scan3A_29, %mul3A_49 : i32
      %add3A_51 = arith.constant 2 : i32
      %add3A_52 = arith.addi %mul3A_50, %add3A_51 : i32
      %dma_start3A_53 = arith.constant 0 : i32
      %dma_start3A_54 = tpu.memref_slice %arg4[%add3A_52, %dma_start3A_53] : memref<41x256xi32, #tpu.memory_space<vmem>> -> memref<1x256xi32, #tpu.memory_space<vmem>>
      %dma_start3A_55 = tpu.memref_squeeze %dma_start3A_54 : memref<1x256xi32, #tpu.memory_space<vmem>> -> memref<256xi32, #tpu.memory_space<vmem>>
      %dma_start3A_56 = arith.constant 0 : i32
      %dma_start3A_57 = arith.constant 0 : i32
      %dma_start3A_58 = tpu.memref_slice %arg7[%dma_start3A_56, %dma_start3A_57] : memref<10512x16xf32, #tpu.memory_space<vmem_shared>> -> memref<10512x16xf32, #tpu.memory_space<vmem_shared>>
      tpu.enqueue_indirect_dma source(%arg5 : memref<256x16xf32, #tpu.memory_space<vmem>>) target(%dma_start3A_58 : memref<10512x16xf32, #tpu.memory_space<vmem_shared>>) offsets(%dma_start3A_55 : memref<256xi32, #tpu.memory_space<vmem>>) semaphore(%arg8 : memref<!tpu.dma_semaphore, #tpu.memory_space<semaphore_mem>>) {add = true}
      %mul3A_59 = arith.constant 8 : i32
      %mul3A_60 = arith.muli %scan3A_29, %mul3A_59 : i32
      %add3A_61 = arith.constant 3 : i32
      %add3A_62 = arith.addi %mul3A_60, %add3A_61 : i32
      %dma_start3A_63 = arith.constant 0 : i32
      %dma_start3A_64 = tpu.memref_slice %arg4[%add3A_62, %dma_start3A_63] : memref<41x256xi32, #tpu.memory_space<vmem>> -> memref<1x256xi32, #tpu.memory_space<vmem>>
      %dma_start3A_65 = tpu.memref_squeeze %dma_start3A_64 : memref<1x256xi32, #tpu.memory_space<vmem>> -> memref<256xi32, #tpu.memory_space<vmem>>
      %dma_start3A_66 = arith.constant 0 : i32
      %dma_start3A_67 = arith.constant 0 : i32
      %dma_start3A_68 = tpu.memref_slice %arg7[%dma_start3A_66, %dma_start3A_67] : memref<10512x16xf32, #tpu.memory_space<vmem_shared>> -> memref<10512x16xf32, #tpu.memory_space<vmem_shared>>
      tpu.enqueue_indirect_dma source(%arg5 : memref<256x16xf32, #tpu.memory_space<vmem>>) target(%dma_start3A_68 : memref<10512x16xf32, #tpu.memory_space<vmem_shared>>) offsets(%dma_start3A_65 : memref<256xi32, #tpu.memory_space<vmem>>) semaphore(%arg8 : memref<!tpu.dma_semaphore, #tpu.memory_space<semaphore_mem>>) {add = true}
      %mul3A_69 = arith.constant 8 : i32
      %mul3A_70 = arith.muli %scan3A_29, %mul3A_69 : i32
      %add3A_71 = arith.constant 4 : i32
      %add3A_72 = arith.addi %mul3A_70, %add3A_71 : i32
      %dma_start3A_73 = arith.constant 0 : i32
      %dma_start3A_74 = tpu.memref_slice %arg4[%add3A_72, %dma_start3A_73] : memref<41x256xi32, #tpu.memory_space<vmem>> -> memref<1x256xi32, #tpu.memory_space<vmem>>
      %dma_start3A_75 = tpu.memref_squeeze %dma_start3A_74 : memref<1x256xi32, #tpu.memory_space<vmem>> -> memref<256xi32, #tpu.memory_space<vmem>>
      %dma_start3A_76 = arith.constant 0 : i32
      %dma_start3A_77 = arith.constant 0 : i32
      %dma_start3A_78 = tpu.memref_slice %arg7[%dma_start3A_76, %dma_start3A_77] : memref<10512x16xf32, #tpu.memory_space<vmem_shared>> -> memref<10512x16xf32, #tpu.memory_space<vmem_shared>>
      tpu.enqueue_indirect_dma source(%arg5 : memref<256x16xf32, #tpu.memory_space<vmem>>) target(%dma_start3A_78 : memref<10512x16xf32, #tpu.memory_space<vmem_shared>>) offsets(%dma_start3A_75 : memref<256xi32, #tpu.memory_space<vmem>>) semaphore(%arg8 : memref<!tpu.dma_semaphore, #tpu.memory_space<semaphore_mem>>) {add = true}
      %mul3A_79 = arith.constant 8 : i32
      %mul3A_80 = arith.muli %scan3A_29, %mul3A_79 : i32
      %add3A_81 = arith.constant 5 : i32
      %add3A_82 = arith.addi %mul3A_80, %add3A_81 : i32
      %dma_start3A_83 = arith.constant 0 : i32
      %dma_start3A_84 = tpu.memref_slice %arg4[%add3A_82, %dma_start3A_83] : memref<41x256xi32, #tpu.memory_space<vmem>> -> memref<1x256xi32, #tpu.memory_space<vmem>>
      %dma_start3A_85 = tpu.memref_squeeze %dma_start3A_84 : memref<1x256xi32, #tpu.memory_space<vmem>> -> memref<256xi32, #tpu.memory_space<vmem>>
      %dma_start3A_86 = arith.constant 0 : i32
      %dma_start3A_87 = arith.constant 0 : i32
      %dma_start3A_88 = tpu.memref_slice %arg7[%dma_start3A_86, %dma_start3A_87] : memref<10512x16xf32, #tpu.memory_space<vmem_shared>> -> memref<10512x16xf32, #tpu.memory_space<vmem_shared>>
      tpu.enqueue_indirect_dma source(%arg5 : memref<256x16xf32, #tpu.memory_space<vmem>>) target(%dma_start3A_88 : memref<10512x16xf32, #tpu.memory_space<vmem_shared>>) offsets(%dma_start3A_85 : memref<256xi32, #tpu.memory_space<vmem>>) semaphore(%arg8 : memref<!tpu.dma_semaphore, #tpu.memory_space<semaphore_mem>>) {add = true}
      %mul3A_89 = arith.constant 8 : i32
      %mul3A_90 = arith.muli %scan3A_29, %mul3A_89 : i32
      %add3A_91 = arith.constant 6 : i32
      %add3A_92 = arith.addi %mul3A_90, %add3A_91 : i32
      %dma_start3A_93 = arith.constant 0 : i32
      %dma_start3A_94 = tpu.memref_slice %arg4[%add3A_92, %dma_start3A_93] : memref<41x256xi32, #tpu.memory_space<vmem>> -> memref<1x256xi32, #tpu.memory_space<vmem>>
      %dma_start3A_95 = tpu.memref_squeeze %dma_start3A_94 : memref<1x256xi32, #tpu.memory_space<vmem>> -> memref<256xi32, #tpu.memory_space<vmem>>
      %dma_start3A_96 = arith.constant 0 : i32
      %dma_start3A_97 = arith.constant 0 : i32
      %dma_start3A_98 = tpu.memref_slice %arg7[%dma_start3A_96, %dma_start3A_97] : memref<10512x16xf32, #tpu.memory_space<vmem_shared>> -> memref<10512x16xf32, #tpu.memory_space<vmem_shared>>
      tpu.enqueue_indirect_dma source(%arg5 : memref<256x16xf32, #tpu.memory_space<vmem>>) target(%dma_start3A_98 : memref<10512x16xf32, #tpu.memory_space<vmem_shared>>) offsets(%dma_start3A_95 : memref<256xi32, #tpu.memory_space<vmem>>) semaphore(%arg8 : memref<!tpu.dma_semaphore, #tpu.memory_space<semaphore_mem>>) {add = true}
      %mul3A_99 = arith.constant 8 : i32
      %mul3A_100 = arith.muli %scan3A_29, %mul3A_99 : i32
      %add3A_101 = arith.constant 7 : i32
      %add3A_102 = arith.addi %mul3A_100, %add3A_101 : i32
      %dma_start3A_103 = arith.constant 0 : i32
      %dma_start3A_104 = tpu.memref_slice %arg4[%add3A_102, %dma_start3A_103] : memref<41x256xi32, #tpu.memory_space<vmem>> -> memref<1x256xi32, #tpu.memory_space<vmem>>
      %dma_start3A_105 = tpu.memref_squeeze %dma_start3A_104 : memref<1x256xi32, #tpu.memory_space<vmem>> -> memref<256xi32, #tpu.memory_space<vmem>>
      %dma_start3A_106 = arith.constant 0 : i32
      %dma_start3A_107 = arith.constant 0 : i32
      %dma_start3A_108 = tpu.memref_slice %arg7[%dma_start3A_106, %dma_start3A_107] : memref<10512x16xf32, #tpu.memory_space<vmem_shared>> -> memref<10512x16xf32, #tpu.memory_space<vmem_shared>>
      tpu.enqueue_indirect_dma source(%arg5 : memref<256x16xf32, #tpu.memory_space<vmem>>) target(%dma_start3A_108 : memref<10512x16xf32, #tpu.memory_space<vmem_shared>>) offsets(%dma_start3A_105 : memref<256xi32, #tpu.memory_space<vmem>>) semaphore(%arg8 : memref<!tpu.dma_semaphore, #tpu.memory_space<semaphore_mem>>) {add = true}
      %dma_wait3A = arith.constant 0 : i32
      %dma_wait3A_109 = arith.constant 0 : i32
      %dma_wait3A_110 = tpu.memref_slice %arg4[%dma_wait3A, %dma_wait3A_109] : memref<41x256xi32, #tpu.memory_space<vmem>> -> memref<1x256xi32, #tpu.memory_space<vmem>>
      %dma_wait3A_111 = tpu.memref_squeeze %dma_wait3A_110 : memref<1x256xi32, #tpu.memory_space<vmem>> -> memref<256xi32, #tpu.memory_space<vmem>>
      %dma_wait3A_112 = arith.constant 0 : i32
      %dma_wait3A_113 = arith.constant 0 : i32
      %dma_wait3A_114 = tpu.memref_slice %arg7[%dma_wait3A_112, %dma_wait3A_113] : memref<10512x16xf32, #tpu.memory_space<vmem_shared>> -> memref<10512x16xf32, #tpu.memory_space<vmem_shared>>
      tpu.wait_indirect_dma semaphore(%arg8 : memref<!tpu.dma_semaphore, #tpu.memory_space<semaphore_mem>>) src(%arg5 : memref<256x16xf32, #tpu.memory_space<vmem>>) dst(%dma_wait3A_114 : memref<10512x16xf32, #tpu.memory_space<vmem_shared>>)
      %dma_wait3A_115 = arith.constant 0 : i32
      %dma_wait3A_116 = arith.constant 0 : i32
      %dma_wait3A_117 = tpu.memref_slice %arg4[%dma_wait3A_115, %dma_wait3A_116] : memref<41x256xi32, #tpu.memory_space<vmem>> -> memref<1x256xi32, #tpu.memory_space<vmem>>
      %dma_wait3A_118 = tpu.memref_squeeze %dma_wait3A_117 : memref<1x256xi32, #tpu.memory_space<vmem>> -> memref<256xi32, #tpu.memory_space<vmem>>
      %dma_wait3A_119 = arith.constant 0 : i32
      %dma_wait3A_120 = arith.constant 0 : i32
      %dma_wait3A_121 = tpu.memref_slice %arg7[%dma_wait3A_119, %dma_wait3A_120] : memref<10512x16xf32, #tpu.memory_space<vmem_shared>> -> memref<10512x16xf32, #tpu.memory_space<vmem_shared>>
      tpu.wait_indirect_dma semaphore(%arg8 : memref<!tpu.dma_semaphore, #tpu.memory_space<semaphore_mem>>) src(%arg5 : memref<256x16xf32, #tpu.memory_space<vmem>>) dst(%dma_wait3A_121 : memref<10512x16xf32, #tpu.memory_space<vmem_shared>>)
      %dma_wait3A_122 = arith.constant 0 : i32
      %dma_wait3A_123 = arith.constant 0 : i32
      %dma_wait3A_124 = tpu.memref_slice %arg4[%dma_wait3A_122, %dma_wait3A_123] : memref<41x256xi32, #tpu.memory_space<vmem>> -> memref<1x256xi32, #tpu.memory_space<vmem>>
      %dma_wait3A_125 = tpu.memref_squeeze %dma_wait3A_124 : memref<1x256xi32, #tpu.memory_space<vmem>> -> memref<256xi32, #tpu.memory_space<vmem>>
      %dma_wait3A_126 = arith.constant 0 : i32
      %dma_wait3A_127 = arith.constant 0 : i32
      %dma_wait3A_128 = tpu.memref_slice %arg7[%dma_wait3A_126, %dma_wait3A_127] : memref<10512x16xf32, #tpu.memory_space<vmem_shared>> -> memref<10512x16xf32, #tpu.memory_space<vmem_shared>>
      tpu.wait_indirect_dma semaphore(%arg8 : memref<!tpu.dma_semaphore, #tpu.memory_space<semaphore_mem>>) src(%arg5 : memref<256x16xf32, #tpu.memory_space<vmem>>) dst(%dma_wait3A_128 : memref<10512x16xf32, #tpu.memory_space<vmem_shared>>)
      %dma_wait3A_129 = arith.constant 0 : i32
      %dma_wait3A_130 = arith.constant 0 : i32
      %dma_wait3A_131 = tpu.memref_slice %arg4[%dma_wait3A_129, %dma_wait3A_130] : memref<41x256xi32, #tpu.memory_space<vmem>> -> memref<1x256xi32, #tpu.memory_space<vmem>>
      %dma_wait3A_132 = tpu.memref_squeeze %dma_wait3A_131 : memref<1x256xi32, #tpu.memory_space<vmem>> -> memref<256xi32, #tpu.memory_space<vmem>>
      %dma_wait3A_133 = arith.constant 0 : i32
      %dma_wait3A_134 = arith.constant 0 : i32
      %dma_wait3A_135 = tpu.memref_slice %arg7[%dma_wait3A_133, %dma_wait3A_134] : memref<10512x16xf32, #tpu.memory_space<vmem_shared>> -> memref<10512x16xf32, #tpu.memory_space<vmem_shared>>
      tpu.wait_indirect_dma semaphore(%arg8 : memref<!tpu.dma_semaphore, #tpu.memory_space<semaphore_mem>>) src(%arg5 : memref<256x16xf32, #tpu.memory_space<vmem>>) dst(%dma_wait3A_135 : memref<10512x16xf32, #tpu.memory_space<vmem_shared>>)
      %dma_wait3A_136 = arith.constant 0 : i32
      %dma_wait3A_137 = arith.constant 0 : i32
      %dma_wait3A_138 = tpu.memref_slice %arg4[%dma_wait3A_136, %dma_wait3A_137] : memref<41x256xi32, #tpu.memory_space<vmem>> -> memref<1x256xi32, #tpu.memory_space<vmem>>
      %dma_wait3A_139 = tpu.memref_squeeze %dma_wait3A_138 : memref<1x256xi32, #tpu.memory_space<vmem>> -> memref<256xi32, #tpu.memory_space<vmem>>
      %dma_wait3A_140 = arith.constant 0 : i32
      %dma_wait3A_141 = arith.constant 0 : i32
      %dma_wait3A_142 = tpu.memref_slice %arg7[%dma_wait3A_140, %dma_wait3A_141] : memref<10512x16xf32, #tpu.memory_space<vmem_shared>> -> memref<10512x16xf32, #tpu.memory_space<vmem_shared>>
      tpu.wait_indirect_dma semaphore(%arg8 : memref<!tpu.dma_semaphore, #tpu.memory_space<semaphore_mem>>) src(%arg5 : memref<256x16xf32, #tpu.memory_space<vmem>>) dst(%dma_wait3A_142 : memref<10512x16xf32, #tpu.memory_space<vmem_shared>>)
      %dma_wait3A_143 = arith.constant 0 : i32
      %dma_wait3A_144 = arith.constant 0 : i32
      %dma_wait3A_145 = tpu.memref_slice %arg4[%dma_wait3A_143, %dma_wait3A_144] : memref<41x256xi32, #tpu.memory_space<vmem>> -> memref<1x256xi32, #tpu.memory_space<vmem>>
      %dma_wait3A_146 = tpu.memref_squeeze %dma_wait3A_145 : memref<1x256xi32, #tpu.memory_space<vmem>> -> memref<256xi32, #tpu.memory_space<vmem>>
      %dma_wait3A_147 = arith.constant 0 : i32
      %dma_wait3A_148 = arith.constant 0 : i32
      %dma_wait3A_149 = tpu.memref_slice %arg7[%dma_wait3A_147, %dma_wait3A_148] : memref<10512x16xf32, #tpu.memory_space<vmem_shared>> -> memref<10512x16xf32, #tpu.memory_space<vmem_shared>>
      tpu.wait_indirect_dma semaphore(%arg8 : memref<!tpu.dma_semaphore, #tpu.memory_space<semaphore_mem>>) src(%arg5 : memref<256x16xf32, #tpu.memory_space<vmem>>) dst(%dma_wait3A_149 : memref<10512x16xf32, #tpu.memory_space<vmem_shared>>)
      %dma_wait3A_150 = arith.constant 0 : i32
      %dma_wait3A_151 = arith.constant 0 : i32
      %dma_wait3A_152 = tpu.memref_slice %arg4[%dma_wait3A_150, %dma_wait3A_151] : memref<41x256xi32, #tpu.memory_space<vmem>> -> memref<1x256xi32, #tpu.memory_space<vmem>>
      %dma_wait3A_153 = tpu.memref_squeeze %dma_wait3A_152 : memref<1x256xi32, #tpu.memory_space<vmem>> -> memref<256xi32, #tpu.memory_space<vmem>>
      %dma_wait3A_154 = arith.constant 0 : i32
      %dma_wait3A_155 = arith.constant 0 : i32
      %dma_wait3A_156 = tpu.memref_slice %arg7[%dma_wait3A_154, %dma_wait3A_155] : memref<10512x16xf32, #tpu.memory_space<vmem_shared>> -> memref<10512x16xf32, #tpu.memory_space<vmem_shared>>
      tpu.wait_indirect_dma semaphore(%arg8 : memref<!tpu.dma_semaphore, #tpu.memory_space<semaphore_mem>>) src(%arg5 : memref<256x16xf32, #tpu.memory_space<vmem>>) dst(%dma_wait3A_156 : memref<10512x16xf32, #tpu.memory_space<vmem_shared>>)
      %dma_wait3A_157 = arith.constant 0 : i32
      %dma_wait3A_158 = arith.constant 0 : i32
      %dma_wait3A_159 = tpu.memref_slice %arg4[%dma_wait3A_157, %dma_wait3A_158] : memref<41x256xi32, #tpu.memory_space<vmem>> -> memref<1x256xi32, #tpu.memory_space<vmem>>
      %dma_wait3A_160 = tpu.memref_squeeze %dma_wait3A_159 : memref<1x256xi32, #tpu.memory_space<vmem>> -> memref<256xi32, #tpu.memory_space<vmem>>
      %dma_wait3A_161 = arith.constant 0 : i32
      %dma_wait3A_162 = arith.constant 0 : i32
      %dma_wait3A_163 = tpu.memref_slice %arg7[%dma_wait3A_161, %dma_wait3A_162] : memref<10512x16xf32, #tpu.memory_space<vmem_shared>> -> memref<10512x16xf32, #tpu.memory_space<vmem_shared>>
      tpu.wait_indirect_dma semaphore(%arg8 : memref<!tpu.dma_semaphore, #tpu.memory_space<semaphore_mem>>) src(%arg5 : memref<256x16xf32, #tpu.memory_space<vmem>>) dst(%dma_wait3A_163 : memref<10512x16xf32, #tpu.memory_space<vmem_shared>>)
    }
    %scan3A_23 = arith.constant 5 : i32
    %barrier3A_24 = arith.constant 0 : index
    tpu.barrier barrier_id(%barrier3A_24)
    %mul3A_25 = arith.constant 657 : i32
    %mul3A_26 = arith.muli %arg1, %mul3A_25 : i32
    %mul3A_27 = arith.constant 657 : i32
    %mul3A_28 = arith.muli %arg1, %mul3A_27 : i32
    "tpu.region"() ({
      %run_scoped3A = tpu.sem_alloc : memref<!tpu.dma_semaphore, #tpu.memory_space<semaphore_mem>>
      %dma_start3A = arith.constant 0 : i32
      %dma_start3A_29 = tpu.memref_slice %arg3[%arg0, %mul3A_28, %dma_start3A] : memref<2x10512x16xf32, #tpu.memory_space<hbm>> -> memref<1x657x16xf32, #tpu.memory_space<hbm>>
      %dma_start3A_30 = tpu.memref_squeeze %dma_start3A_29 : memref<1x657x16xf32, #tpu.memory_space<hbm>> -> memref<657x16xf32, #tpu.memory_space<hbm>>
      %dma_start3A_31 = arith.constant 0 : i32
      %dma_start3A_32 = tpu.memref_slice %arg7[%mul3A_26, %dma_start3A_31] : memref<10512x16xf32, #tpu.memory_space<vmem_shared>> -> memref<657x16xf32, #tpu.memory_space<vmem_shared>>
      tpu.enqueue_dma source(%dma_start3A_32 : memref<657x16xf32, #tpu.memory_space<vmem_shared>>) target(%dma_start3A_30 : memref<657x16xf32, #tpu.memory_space<hbm>>) target_semaphore(%run_scoped3A : memref<!tpu.dma_semaphore, #tpu.memory_space<semaphore_mem>>)
      %dma_wait3A = arith.constant 0 : i32
      %dma_wait3A_33 = tpu.memref_slice %arg3[%arg0, %mul3A_28, %dma_wait3A] : memref<2x10512x16xf32, #tpu.memory_space<hbm>> -> memref<1x657x16xf32, #tpu.memory_space<hbm>>
      %dma_wait3A_34 = tpu.memref_squeeze %dma_wait3A_33 : memref<1x657x16xf32, #tpu.memory_space<hbm>> -> memref<657x16xf32, #tpu.memory_space<hbm>>
      %dma_wait3A_35 = arith.constant 0 : i32
      %dma_wait3A_36 = tpu.memref_slice %arg7[%mul3A_26, %dma_wait3A_35] : memref<10512x16xf32, #tpu.memory_space<vmem_shared>> -> memref<657x16xf32, #tpu.memory_space<vmem_shared>>
      tpu.wait_dma2 semaphore(%run_scoped3A : memref<!tpu.dma_semaphore, #tpu.memory_space<semaphore_mem>>) src(%dma_wait3A_36 : memref<657x16xf32, #tpu.memory_space<vmem_shared>>) dst(%dma_wait3A_34 : memref<657x16xf32, #tpu.memory_space<hbm>>)
      tpu.yield
    }) : () -> ()
    return
  }
}

#map = affine_map<(d0, d1) -> (0, 0)>
#map1 = affine_map<(d0, d1) -> (0, 0, 0)>
module attributes {stable_mosaic.version = 14 : i64} {
  func.func @k(%arg0: i32, %arg1: i32, %arg2: memref<10000x16xf32, #tpu.memory_space<hbm>>, %arg3: memref<32x22x512xi32, #tpu.memory_space<hbm>>, %arg4: memref<32x21x512xi32, #tpu.memory_space<hbm>>, %arg5: memref<2x10512x16xf32, #tpu.memory_space<hbm>>, %arg6: memref<22x512xi32, #tpu.memory_space<vmem>>, %arg7: memref<21x512xi32, #tpu.memory_space<vmem>>, %arg8: memref<3x512x16xf32, #tpu.memory_space<vmem>>, %arg9: memref<73x16xf32, #tpu.memory_space<vmem>>, %arg10: memref<10512x16xf32, #tpu.memory_space<vmem_shared>>, %arg11: memref<!tpu.dma_semaphore, #tpu.memory_space<semaphore_mem>>, %arg12: memref<!tpu.dma_semaphore, #tpu.memory_space<semaphore_mem>>, %arg13: memref<!tpu.dma_semaphore, #tpu.memory_space<semaphore_mem>>, %arg14: memref<!tpu.dma_semaphore, #tpu.memory_space<semaphore_mem>>, %arg15: memref<!tpu.dma_semaphore, #tpu.memory_space<semaphore_mem>>, %arg16: memref<!tpu.dma_semaphore, #tpu.memory_space<semaphore_mem>>) attributes {dimension_semantics = [#tpu.dimension_semantics<core_parallel>, #tpu.dimension_semantics<subcore_parallel>], iteration_bounds = array<i64: 2, 16>, scalar_prefetch = 0 : i64, scratch_operands = 11 : i64, tpu.core_type = #tpu.core_type<sc_vector_subcore>, window_params = [{transform_indices = #map}, {transform_indices = #map1}, {transform_indices = #map1}, {transform_indices = #map1}]} {
    %mul3A = arith.constant 2 : i32
    %mul3A_0 = arith.muli %arg1, %mul3A : i32
    %add3A = arith.addi %mul3A_0, %arg0 : i32
    %scan3A = arith.constant 0 : i32
    %scan3A_1 = arith.constant 0 : i32
    %scan3A_2 = arith.constant 73 : i32
    %scan3A_3 = arith.addi %scan3A_1, %scan3A_2 : i32
    %scan3A_4 = arith.constant 1 : i32
    scf.for %scan3A_189 = %scan3A_1 to %scan3A_3 step %scan3A_4  : i32 {
      %broadcast_in_dim3A = arith.constant 0.000000e+00 : f32
      %broadcast_in_dim3A_190 = vector.broadcast %broadcast_in_dim3A : f32 to vector<16xf32>
      %swap3A = arith.index_cast %scan3A_189 : i32 to index
      %swap3A_191 = arith.constant 0 : index
      %swap3A_192 = tpu.vector_load %arg9[%swap3A, %swap3A_191] {strides = array<i32>} : memref<73x16xf32, #tpu.memory_space<vmem>>, vector<1x16xf32>,
      %swap3A_193 = vector.shape_cast %swap3A_192 : vector<1x16xf32> to vector<16xf32>
      %swap3A_194 = vector.shape_cast %broadcast_in_dim3A_190 : vector<16xf32> to vector<1x16xf32>
      tpu.vector_store %arg9[%swap3A, %swap3A_191], %swap3A_194 {strides = array<i32>} : memref<73x16xf32, #tpu.memory_space<vmem>>, vector<1x16xf32>,
    }
    %scan3A_5 = arith.constant 73 : i32
    %scan3A_6 = arith.constant 0 : i32
    %scan3A_7 = arith.constant 0 : i32
    %scan3A_8 = arith.constant 9 : i32
    %scan3A_9 = arith.addi %scan3A_7, %scan3A_8 : i32
    %scan3A_10 = arith.constant 1 : i32
    scf.for %scan3A_189 = %scan3A_7 to %scan3A_9 step %scan3A_10  : i32 {
      %mul3A_190 = arith.constant 657 : i32
      %mul3A_191 = arith.muli %arg1, %mul3A_190 : i32
      %mul3A_192 = arith.constant 73 : i32
      %mul3A_193 = arith.muli %scan3A_189, %mul3A_192 : i32
      %add3A_194 = arith.addi %mul3A_191, %mul3A_193 : i32
      "tpu.region"() ({
        %run_scoped3A = tpu.sem_alloc : memref<!tpu.dma_semaphore, #tpu.memory_space<semaphore_mem>>
        %dma_start3A_195 = arith.constant 0 : i32
        %dma_start3A_196 = tpu.memref_slice %arg10[%add3A_194, %dma_start3A_195] : memref<10512x16xf32, #tpu.memory_space<vmem_shared>> -> memref<73x16xf32, #tpu.memory_space<vmem_shared>>
        %dma_start3A_197 = arith.constant 0 : i32
        %dma_start3A_198 = tpu.memref_slice %arg10[%add3A_194, %dma_start3A_197] : memref<10512x16xf32, #tpu.memory_space<vmem_shared>> -> memref<73x16xf32, #tpu.memory_space<vmem_shared>>
        tpu.enqueue_dma source(%arg9 : memref<73x16xf32, #tpu.memory_space<vmem>>) target(%dma_start3A_198 : memref<73x16xf32, #tpu.memory_space<vmem_shared>>) target_semaphore(%run_scoped3A : memref<!tpu.dma_semaphore, #tpu.memory_space<semaphore_mem>>)
        %dma_wait3A_199 = arith.constant 0 : i32
        %dma_wait3A_200 = tpu.memref_slice %arg10[%add3A_194, %dma_wait3A_199] : memref<10512x16xf32, #tpu.memory_space<vmem_shared>> -> memref<73x16xf32, #tpu.memory_space<vmem_shared>>
        %dma_wait3A_201 = arith.constant 0 : i32
        %dma_wait3A_202 = tpu.memref_slice %arg10[%add3A_194, %dma_wait3A_201] : memref<10512x16xf32, #tpu.memory_space<vmem_shared>> -> memref<73x16xf32, #tpu.memory_space<vmem_shared>>
        tpu.wait_dma2 semaphore(%run_scoped3A : memref<!tpu.dma_semaphore, #tpu.memory_space<semaphore_mem>>) src(%arg9 : memref<73x16xf32, #tpu.memory_space<vmem>>) dst(%dma_wait3A_202 : memref<73x16xf32, #tpu.memory_space<vmem_shared>>)
        tpu.yield
      }) : () -> ()
    }
    %scan3A_11 = arith.constant 9 : i32
    "tpu.region"() ({
      %run_scoped3A = tpu.sem_alloc : memref<!tpu.dma_semaphore, #tpu.memory_space<semaphore_mem>>
      %dma_start3A_189 = arith.constant 0 : i32
      %dma_start3A_190 = arith.constant 0 : i32
      %dma_start3A_191 = tpu.memref_slice %arg3[%add3A, %dma_start3A_189, %dma_start3A_190] : memref<32x22x512xi32, #tpu.memory_space<hbm>> -> memref<1x22x512xi32, #tpu.memory_space<hbm>>
      %dma_start3A_192 = tpu.memref_squeeze %dma_start3A_191 : memref<1x22x512xi32, #tpu.memory_space<hbm>> -> memref<22x512xi32, #tpu.memory_space<hbm>>
      %dma_start3A_193 = arith.constant 0 : i32
      %dma_start3A_194 = arith.constant 0 : i32
      %dma_start3A_195 = tpu.memref_slice %arg3[%add3A, %dma_start3A_193, %dma_start3A_194] : memref<32x22x512xi32, #tpu.memory_space<hbm>> -> memref<1x22x512xi32, #tpu.memory_space<hbm>>
      %dma_start3A_196 = tpu.memref_squeeze %dma_start3A_195 : memref<1x22x512xi32, #tpu.memory_space<hbm>> -> memref<22x512xi32, #tpu.memory_space<hbm>>
      tpu.enqueue_dma source(%dma_start3A_196 : memref<22x512xi32, #tpu.memory_space<hbm>>) target(%arg6 : memref<22x512xi32, #tpu.memory_space<vmem>>) target_semaphore(%run_scoped3A : memref<!tpu.dma_semaphore, #tpu.memory_space<semaphore_mem>>)
      %dma_wait3A_197 = arith.constant 0 : i32
      %dma_wait3A_198 = arith.constant 0 : i32
      %dma_wait3A_199 = tpu.memref_slice %arg3[%add3A, %dma_wait3A_197, %dma_wait3A_198] : memref<32x22x512xi32, #tpu.memory_space<hbm>> -> memref<1x22x512xi32, #tpu.memory_space<hbm>>
      %dma_wait3A_200 = tpu.memref_squeeze %dma_wait3A_199 : memref<1x22x512xi32, #tpu.memory_space<hbm>> -> memref<22x512xi32, #tpu.memory_space<hbm>>
      %dma_wait3A_201 = arith.constant 0 : i32
      %dma_wait3A_202 = arith.constant 0 : i32
      %dma_wait3A_203 = tpu.memref_slice %arg3[%add3A, %dma_wait3A_201, %dma_wait3A_202] : memref<32x22x512xi32, #tpu.memory_space<hbm>> -> memref<1x22x512xi32, #tpu.memory_space<hbm>>
      %dma_wait3A_204 = tpu.memref_squeeze %dma_wait3A_203 : memref<1x22x512xi32, #tpu.memory_space<hbm>> -> memref<22x512xi32, #tpu.memory_space<hbm>>
      tpu.wait_dma2 semaphore(%run_scoped3A : memref<!tpu.dma_semaphore, #tpu.memory_space<semaphore_mem>>) src(%dma_wait3A_204 : memref<22x512xi32, #tpu.memory_space<hbm>>) dst(%arg6 : memref<22x512xi32, #tpu.memory_space<vmem>>)
      tpu.yield
    }) : () -> ()
    "tpu.region"() ({
      %run_scoped3A = tpu.sem_alloc : memref<!tpu.dma_semaphore, #tpu.memory_space<semaphore_mem>>
      %dma_start3A_189 = arith.constant 0 : i32
      %dma_start3A_190 = arith.constant 0 : i32
      %dma_start3A_191 = tpu.memref_slice %arg4[%add3A, %dma_start3A_189, %dma_start3A_190] : memref<32x21x512xi32, #tpu.memory_space<hbm>> -> memref<1x21x512xi32, #tpu.memory_space<hbm>>
      %dma_start3A_192 = tpu.memref_squeeze %dma_start3A_191 : memref<1x21x512xi32, #tpu.memory_space<hbm>> -> memref<21x512xi32, #tpu.memory_space<hbm>>
      %dma_start3A_193 = arith.constant 0 : i32
      %dma_start3A_194 = arith.constant 0 : i32
      %dma_start3A_195 = tpu.memref_slice %arg4[%add3A, %dma_start3A_193, %dma_start3A_194] : memref<32x21x512xi32, #tpu.memory_space<hbm>> -> memref<1x21x512xi32, #tpu.memory_space<hbm>>
      %dma_start3A_196 = tpu.memref_squeeze %dma_start3A_195 : memref<1x21x512xi32, #tpu.memory_space<hbm>> -> memref<21x512xi32, #tpu.memory_space<hbm>>
      tpu.enqueue_dma source(%dma_start3A_196 : memref<21x512xi32, #tpu.memory_space<hbm>>) target(%arg7 : memref<21x512xi32, #tpu.memory_space<vmem>>) target_semaphore(%run_scoped3A : memref<!tpu.dma_semaphore, #tpu.memory_space<semaphore_mem>>)
      %dma_wait3A_197 = arith.constant 0 : i32
      %dma_wait3A_198 = arith.constant 0 : i32
      %dma_wait3A_199 = tpu.memref_slice %arg4[%add3A, %dma_wait3A_197, %dma_wait3A_198] : memref<32x21x512xi32, #tpu.memory_space<hbm>> -> memref<1x21x512xi32, #tpu.memory_space<hbm>>
      %dma_wait3A_200 = tpu.memref_squeeze %dma_wait3A_199 : memref<1x21x512xi32, #tpu.memory_space<hbm>> -> memref<21x512xi32, #tpu.memory_space<hbm>>
      %dma_wait3A_201 = arith.constant 0 : i32
      %dma_wait3A_202 = arith.constant 0 : i32
      %dma_wait3A_203 = tpu.memref_slice %arg4[%add3A, %dma_wait3A_201, %dma_wait3A_202] : memref<32x21x512xi32, #tpu.memory_space<hbm>> -> memref<1x21x512xi32, #tpu.memory_space<hbm>>
      %dma_wait3A_204 = tpu.memref_squeeze %dma_wait3A_203 : memref<1x21x512xi32, #tpu.memory_space<hbm>> -> memref<21x512xi32, #tpu.memory_space<hbm>>
      tpu.wait_dma2 semaphore(%run_scoped3A : memref<!tpu.dma_semaphore, #tpu.memory_space<semaphore_mem>>) src(%dma_wait3A_204 : memref<21x512xi32, #tpu.memory_space<hbm>>) dst(%arg7 : memref<21x512xi32, #tpu.memory_space<vmem>>)
      tpu.yield
    }) : () -> ()
    %barrier3A = arith.constant 0 : index
    tpu.barrier barrier_id(%barrier3A)
    %dma_start3A = arith.constant 0 : i32
    %dma_start3A_12 = arith.constant 0 : i32
    %dma_start3A_13 = arith.constant 0 : i32
    %dma_start3A_14 = arith.constant 0 : i32
    %dma_start3A_15 = tpu.memref_slice %arg8[%dma_start3A_12, %dma_start3A_13, %dma_start3A_14] : memref<3x512x16xf32, #tpu.memory_space<vmem>> -> memref<1x512x16xf32, #tpu.memory_space<vmem>>
    %dma_start3A_16 = tpu.memref_squeeze %dma_start3A_15 : memref<1x512x16xf32, #tpu.memory_space<vmem>> -> memref<512x16xf32, #tpu.memory_space<vmem>>
    %dma_start3A_17 = arith.constant 0 : i32
    %dma_start3A_18 = tpu.memref_slice %arg6[%dma_start3A, %dma_start3A_17] : memref<22x512xi32, #tpu.memory_space<vmem>> -> memref<1x512xi32, #tpu.memory_space<vmem>>
    %dma_start3A_19 = tpu.memref_squeeze %dma_start3A_18 : memref<1x512xi32, #tpu.memory_space<vmem>> -> memref<512xi32, #tpu.memory_space<vmem>>
    %dma_start3A_20 = arith.constant 0 : i32
    %dma_start3A_21 = arith.constant 0 : i32
    %dma_start3A_22 = tpu.memref_slice %arg2[%dma_start3A_20, %dma_start3A_21] : memref<10000x16xf32, #tpu.memory_space<hbm>> -> memref<10000x16xf32, #tpu.memory_space<hbm>>
    tpu.enqueue_indirect_dma source(%dma_start3A_22 : memref<10000x16xf32, #tpu.memory_space<hbm>>) target(%dma_start3A_16 : memref<512x16xf32, #tpu.memory_space<vmem>>) offsets(%dma_start3A_19 : memref<512xi32, #tpu.memory_space<vmem>>) semaphore(%arg11 : memref<!tpu.dma_semaphore, #tpu.memory_space<semaphore_mem>>)
    %dma_start3A_23 = arith.constant 1 : i32
    %dma_start3A_24 = arith.constant 1 : i32
    %dma_start3A_25 = arith.constant 0 : i32
    %dma_start3A_26 = arith.constant 0 : i32
    %dma_start3A_27 = tpu.memref_slice %arg8[%dma_start3A_24, %dma_start3A_25, %dma_start3A_26] : memref<3x512x16xf32, #tpu.memory_space<vmem>> -> memref<1x512x16xf32, #tpu.memory_space<vmem>>
    %dma_start3A_28 = tpu.memref_squeeze %dma_start3A_27 : memref<1x512x16xf32, #tpu.memory_space<vmem>> -> memref<512x16xf32, #tpu.memory_space<vmem>>
    %dma_start3A_29 = arith.constant 0 : i32
    %dma_start3A_30 = tpu.memref_slice %arg6[%dma_start3A_23, %dma_start3A_29] : memref<22x512xi32, #tpu.memory_space<vmem>> -> memref<1x512xi32, #tpu.memory_space<vmem>>
    %dma_start3A_31 = tpu.memref_squeeze %dma_start3A_30 : memref<1x512xi32, #tpu.memory_space<vmem>> -> memref<512xi32, #tpu.memory_space<vmem>>
    %dma_start3A_32 = arith.constant 0 : i32
    %dma_start3A_33 = arith.constant 0 : i32
    %dma_start3A_34 = tpu.memref_slice %arg2[%dma_start3A_32, %dma_start3A_33] : memref<10000x16xf32, #tpu.memory_space<hbm>> -> memref<10000x16xf32, #tpu.memory_space<hbm>>
    tpu.enqueue_indirect_dma source(%dma_start3A_34 : memref<10000x16xf32, #tpu.memory_space<hbm>>) target(%dma_start3A_28 : memref<512x16xf32, #tpu.memory_space<vmem>>) offsets(%dma_start3A_31 : memref<512xi32, #tpu.memory_space<vmem>>) semaphore(%arg12 : memref<!tpu.dma_semaphore, #tpu.memory_space<semaphore_mem>>)
    %dma_start3A_35 = arith.constant 2 : i32
    %dma_start3A_36 = arith.constant 20 : i32
    %dma_start3A_37 = arith.constant 0 : i32
    %dma_start3A_38 = arith.constant 0 : i32
    %dma_start3A_39 = tpu.memref_slice %arg8[%dma_start3A_35, %dma_start3A_37, %dma_start3A_38] : memref<3x512x16xf32, #tpu.memory_space<vmem>> -> memref<1x512x16xf32, #tpu.memory_space<vmem>>
    %dma_start3A_40 = tpu.memref_squeeze %dma_start3A_39 : memref<1x512x16xf32, #tpu.memory_space<vmem>> -> memref<512x16xf32, #tpu.memory_space<vmem>>
    %dma_start3A_41 = arith.constant 0 : i32
    %dma_start3A_42 = tpu.memref_slice %arg7[%dma_start3A_36, %dma_start3A_41] : memref<21x512xi32, #tpu.memory_space<vmem>> -> memref<1x512xi32, #tpu.memory_space<vmem>>
    %dma_start3A_43 = tpu.memref_squeeze %dma_start3A_42 : memref<1x512xi32, #tpu.memory_space<vmem>> -> memref<512xi32, #tpu.memory_space<vmem>>
    %dma_start3A_44 = arith.constant 0 : i32
    %dma_start3A_45 = arith.constant 0 : i32
    %dma_start3A_46 = tpu.memref_slice %arg10[%dma_start3A_44, %dma_start3A_45] : memref<10512x16xf32, #tpu.memory_space<vmem_shared>> -> memref<10512x16xf32, #tpu.memory_space<vmem_shared>>
    tpu.enqueue_indirect_dma source(%dma_start3A_40 : memref<512x16xf32, #tpu.memory_space<vmem>>) target(%dma_start3A_46 : memref<10512x16xf32, #tpu.memory_space<vmem_shared>>) offsets(%dma_start3A_43 : memref<512xi32, #tpu.memory_space<vmem>>) semaphore(%arg16 : memref<!tpu.dma_semaphore, #tpu.memory_space<semaphore_mem>>) {add = true}
    %scan3A_47 = arith.constant 0 : i32
    %scan3A_48 = arith.constant 0 : i32
    %scan3A_49 = arith.constant 6 : i32
    %scan3A_50 = arith.addi %scan3A_48, %scan3A_49 : i32
    %scan3A_51 = arith.constant 1 : i32
    scf.for %scan3A_189 = %scan3A_48 to %scan3A_50 step %scan3A_51  : i32 {
      %mul3A_190 = arith.constant 3 : i32
      %mul3A_191 = arith.muli %mul3A_190, %scan3A_189 : i32
      %add3A_192 = arith.constant 0 : i32
      %add3A_193 = arith.addi %mul3A_191, %add3A_192 : i32
      %dma_wait3A_194 = arith.constant 0 : i32
      %dma_wait3A_195 = arith.constant 0 : i32
      %dma_wait3A_196 = arith.constant 0 : i32
      %dma_wait3A_197 = arith.constant 0 : i32
      %dma_wait3A_198 = tpu.memref_slice %arg8[%dma_wait3A_195, %dma_wait3A_196, %dma_wait3A_197] : memref<3x512x16xf32, #tpu.memory_space<vmem>> -> memref<1x512x16xf32, #tpu.memory_space<vmem>>
      %dma_wait3A_199 = tpu.memref_squeeze %dma_wait3A_198 : memref<1x512x16xf32, #tpu.memory_space<vmem>> -> memref<512x16xf32, #tpu.memory_space<vmem>>
      %dma_wait3A_200 = arith.constant 0 : i32
      %dma_wait3A_201 = tpu.memref_slice %arg6[%dma_wait3A_194, %dma_wait3A_200] : memref<22x512xi32, #tpu.memory_space<vmem>> -> memref<1x512xi32, #tpu.memory_space<vmem>>
      %dma_wait3A_202 = tpu.memref_squeeze %dma_wait3A_201 : memref<1x512xi32, #tpu.memory_space<vmem>> -> memref<512xi32, #tpu.memory_space<vmem>>
      %dma_wait3A_203 = arith.constant 0 : i32
      %dma_wait3A_204 = arith.constant 0 : i32
      %dma_wait3A_205 = tpu.memref_slice %arg2[%dma_wait3A_203, %dma_wait3A_204] : memref<10000x16xf32, #tpu.memory_space<hbm>> -> memref<10000x16xf32, #tpu.memory_space<hbm>>
      tpu.wait_indirect_dma semaphore(%arg11 : memref<!tpu.dma_semaphore, #tpu.memory_space<semaphore_mem>>) src(%dma_wait3A_205 : memref<10000x16xf32, #tpu.memory_space<hbm>>) dst(%dma_wait3A_199 : memref<512x16xf32, #tpu.memory_space<vmem>>)
      %dma_start3A_206 = arith.constant 0 : i32
      %dma_start3A_207 = arith.constant 0 : i32
      %dma_start3A_208 = arith.constant 0 : i32
      %dma_start3A_209 = tpu.memref_slice %arg8[%dma_start3A_206, %dma_start3A_207, %dma_start3A_208] : memref<3x512x16xf32, #tpu.memory_space<vmem>> -> memref<1x512x16xf32, #tpu.memory_space<vmem>>
      %dma_start3A_210 = tpu.memref_squeeze %dma_start3A_209 : memref<1x512x16xf32, #tpu.memory_space<vmem>> -> memref<512x16xf32, #tpu.memory_space<vmem>>
      %dma_start3A_211 = arith.constant 0 : i32
      %dma_start3A_212 = tpu.memref_slice %arg7[%add3A_193, %dma_start3A_211] : memref<21x512xi32, #tpu.memory_space<vmem>> -> memref<1x512xi32, #tpu.memory_space<vmem>>
      %dma_start3A_213 = tpu.memref_squeeze %dma_start3A_212 : memref<1x512xi32, #tpu.memory_space<vmem>> -> memref<512xi32, #tpu.memory_space<vmem>>
      %dma_start3A_214 = arith.constant 0 : i32
      %dma_start3A_215 = arith.constant 0 : i32
      %dma_start3A_216 = tpu.memref_slice %arg10[%dma_start3A_214, %dma_start3A_215] : memref<10512x16xf32, #tpu.memory_space<vmem_shared>> -> memref<10512x16xf32, #tpu.memory_space<vmem_shared>>
      tpu.enqueue_indirect_dma source(%dma_start3A_210 : memref<512x16xf32, #tpu.memory_space<vmem>>) target(%dma_start3A_216 : memref<10512x16xf32, #tpu.memory_space<vmem_shared>>) offsets(%dma_start3A_213 : memref<512xi32, #tpu.memory_space<vmem>>) semaphore(%arg14 : memref<!tpu.dma_semaphore, #tpu.memory_space<semaphore_mem>>) {add = true}
      %dma_wait3A_217 = arith.constant 2 : i32
      %dma_wait3A_218 = arith.constant 0 : i32
      %dma_wait3A_219 = arith.constant 0 : i32
      %dma_wait3A_220 = arith.constant 0 : i32
      %dma_wait3A_221 = tpu.memref_slice %arg8[%dma_wait3A_217, %dma_wait3A_219, %dma_wait3A_220] : memref<3x512x16xf32, #tpu.memory_space<vmem>> -> memref<1x512x16xf32, #tpu.memory_space<vmem>>
      %dma_wait3A_222 = tpu.memref_squeeze %dma_wait3A_221 : memref<1x512x16xf32, #tpu.memory_space<vmem>> -> memref<512x16xf32, #tpu.memory_space<vmem>>
      %dma_wait3A_223 = arith.constant 0 : i32
      %dma_wait3A_224 = tpu.memref_slice %arg7[%dma_wait3A_218, %dma_wait3A_223] : memref<21x512xi32, #tpu.memory_space<vmem>> -> memref<1x512xi32, #tpu.memory_space<vmem>>
      %dma_wait3A_225 = tpu.memref_squeeze %dma_wait3A_224 : memref<1x512xi32, #tpu.memory_space<vmem>> -> memref<512xi32, #tpu.memory_space<vmem>>
      %dma_wait3A_226 = arith.constant 0 : i32
      %dma_wait3A_227 = arith.constant 0 : i32
      %dma_wait3A_228 = tpu.memref_slice %arg10[%dma_wait3A_226, %dma_wait3A_227] : memref<10512x16xf32, #tpu.memory_space<vmem_shared>> -> memref<10512x16xf32, #tpu.memory_space<vmem_shared>>
      tpu.wait_indirect_dma semaphore(%arg16 : memref<!tpu.dma_semaphore, #tpu.memory_space<semaphore_mem>>) src(%dma_wait3A_222 : memref<512x16xf32, #tpu.memory_space<vmem>>) dst(%dma_wait3A_228 : memref<10512x16xf32, #tpu.memory_space<vmem_shared>>)
      %add3A_229 = arith.constant 2 : i32
      %add3A_230 = arith.addi %add3A_193, %add3A_229 : i32
      %dma_start3A_231 = arith.constant 2 : i32
      %dma_start3A_232 = arith.constant 0 : i32
      %dma_start3A_233 = arith.constant 0 : i32
      %dma_start3A_234 = tpu.memref_slice %arg8[%dma_start3A_231, %dma_start3A_232, %dma_start3A_233] : memref<3x512x16xf32, #tpu.memory_space<vmem>> -> memref<1x512x16xf32, #tpu.memory_space<vmem>>
      %dma_start3A_235 = tpu.memref_squeeze %dma_start3A_234 : memref<1x512x16xf32, #tpu.memory_space<vmem>> -> memref<512x16xf32, #tpu.memory_space<vmem>>
      %dma_start3A_236 = arith.constant 0 : i32
      %dma_start3A_237 = tpu.memref_slice %arg6[%add3A_230, %dma_start3A_236] : memref<22x512xi32, #tpu.memory_space<vmem>> -> memref<1x512xi32, #tpu.memory_space<vmem>>
      %dma_start3A_238 = tpu.memref_squeeze %dma_start3A_237 : memref<1x512xi32, #tpu.memory_space<vmem>> -> memref<512xi32, #tpu.memory_space<vmem>>
      %dma_start3A_239 = arith.constant 0 : i32
      %dma_start3A_240 = arith.constant 0 : i32
      %dma_start3A_241 = tpu.memref_slice %arg2[%dma_start3A_239, %dma_start3A_240] : memref<10000x16xf32, #tpu.memory_space<hbm>> -> memref<10000x16xf32, #tpu.memory_space<hbm>>
      tpu.enqueue_indirect_dma source(%dma_start3A_241 : memref<10000x16xf32, #tpu.memory_space<hbm>>) target(%dma_start3A_235 : memref<512x16xf32, #tpu.memory_space<vmem>>) offsets(%dma_start3A_238 : memref<512xi32, #tpu.memory_space<vmem>>) semaphore(%arg13 : memref<!tpu.dma_semaphore, #tpu.memory_space<semaphore_mem>>)
      %add3A_242 = arith.constant 1 : i32
      %add3A_243 = arith.addi %mul3A_191, %add3A_242 : i32
      %dma_wait3A_244 = arith.constant 0 : i32
      %dma_wait3A_245 = arith.constant 1 : i32
      %dma_wait3A_246 = arith.constant 0 : i32
      %dma_wait3A_247 = arith.constant 0 : i32
      %dma_wait3A_248 = tpu.memref_slice %arg8[%dma_wait3A_245, %dma_wait3A_246, %dma_wait3A_247] : memref<3x512x16xf32, #tpu.memory_space<vmem>> -> memref<1x512x16xf32, #tpu.memory_space<vmem>>
      %dma_wait3A_249 = tpu.memref_squeeze %dma_wait3A_248 : memref<1x512x16xf32, #tpu.memory_space<vmem>> -> memref<512x16xf32, #tpu.memory_space<vmem>>
      %dma_wait3A_250 = arith.constant 0 : i32
      %dma_wait3A_251 = tpu.memref_slice %arg6[%dma_wait3A_244, %dma_wait3A_250] : memref<22x512xi32, #tpu.memory_space<vmem>> -> memref<1x512xi32, #tpu.memory_space<vmem>>
      %dma_wait3A_252 = tpu.memref_squeeze %dma_wait3A_251 : memref<1x512xi32, #tpu.memory_space<vmem>> -> memref<512xi32, #tpu.memory_space<vmem>>
      %dma_wait3A_253 = arith.constant 0 : i32
      %dma_wait3A_254 = arith.constant 0 : i32
      %dma_wait3A_255 = tpu.memref_slice %arg2[%dma_wait3A_253, %dma_wait3A_254] : memref<10000x16xf32, #tpu.memory_space<hbm>> -> memref<10000x16xf32, #tpu.memory_space<hbm>>
      tpu.wait_indirect_dma semaphore(%arg12 : memref<!tpu.dma_semaphore, #tpu.memory_space<semaphore_mem>>) src(%dma_wait3A_255 : memref<10000x16xf32, #tpu.memory_space<hbm>>) dst(%dma_wait3A_249 : memref<512x16xf32, #tpu.memory_space<vmem>>)
      %dma_start3A_256 = arith.constant 1 : i32
      %dma_start3A_257 = arith.constant 0 : i32
      %dma_start3A_258 = arith.constant 0 : i32
      %dma_start3A_259 = tpu.memref_slice %arg8[%dma_start3A_256, %dma_start3A_257, %dma_start3A_258] : memref<3x512x16xf32, #tpu.memory_space<vmem>> -> memref<1x512x16xf32, #tpu.memory_space<vmem>>
      %dma_start3A_260 = tpu.memref_squeeze %dma_start3A_259 : memref<1x512x16xf32, #tpu.memory_space<vmem>> -> memref<512x16xf32, #tpu.memory_space<vmem>>
      %dma_start3A_261 = arith.constant 0 : i32
      %dma_start3A_262 = tpu.memref_slice %arg7[%add3A_243, %dma_start3A_261] : memref<21x512xi32, #tpu.memory_space<vmem>> -> memref<1x512xi32, #tpu.memory_space<vmem>>
      %dma_start3A_263 = tpu.memref_squeeze %dma_start3A_262 : memref<1x512xi32, #tpu.memory_space<vmem>> -> memref<512xi32, #tpu.memory_space<vmem>>
      %dma_start3A_264 = arith.constant 0 : i32
      %dma_start3A_265 = arith.constant 0 : i32
      %dma_start3A_266 = tpu.memref_slice %arg10[%dma_start3A_264, %dma_start3A_265] : memref<10512x16xf32, #tpu.memory_space<vmem_shared>> -> memref<10512x16xf32, #tpu.memory_space<vmem_shared>>
      tpu.enqueue_indirect_dma source(%dma_start3A_260 : memref<512x16xf32, #tpu.memory_space<vmem>>) target(%dma_start3A_266 : memref<10512x16xf32, #tpu.memory_space<vmem_shared>>) offsets(%dma_start3A_263 : memref<512xi32, #tpu.memory_space<vmem>>) semaphore(%arg15 : memref<!tpu.dma_semaphore, #tpu.memory_space<semaphore_mem>>) {add = true}
      %dma_wait3A_267 = arith.constant 0 : i32
      %dma_wait3A_268 = arith.constant 0 : i32
      %dma_wait3A_269 = arith.constant 0 : i32
      %dma_wait3A_270 = arith.constant 0 : i32
      %dma_wait3A_271 = tpu.memref_slice %arg8[%dma_wait3A_267, %dma_wait3A_269, %dma_wait3A_270] : memref<3x512x16xf32, #tpu.memory_space<vmem>> -> memref<1x512x16xf32, #tpu.memory_space<vmem>>
      %dma_wait3A_272 = tpu.memref_squeeze %dma_wait3A_271 : memref<1x512x16xf32, #tpu.memory_space<vmem>> -> memref<512x16xf32, #tpu.memory_space<vmem>>
      %dma_wait3A_273 = arith.constant 0 : i32
      %dma_wait3A_274 = tpu.memref_slice %arg7[%dma_wait3A_268, %dma_wait3A_273] : memref<21x512xi32, #tpu.memory_space<vmem>> -> memref<1x512xi32, #tpu.memory_space<vmem>>
      %dma_wait3A_275 = tpu.memref_squeeze %dma_wait3A_274 : memref<1x512xi32, #tpu.memory_space<vmem>> -> memref<512xi32, #tpu.memory_space<vmem>>
      %dma_wait3A_276 = arith.constant 0 : i32
      %dma_wait3A_277 = arith.constant 0 : i32
      %dma_wait3A_278 = tpu.memref_slice %arg10[%dma_wait3A_276, %dma_wait3A_277] : memref<10512x16xf32, #tpu.memory_space<vmem_shared>> -> memref<10512x16xf32, #tpu.memory_space<vmem_shared>>
      tpu.wait_indirect_dma semaphore(%arg14 : memref<!tpu.dma_semaphore, #tpu.memory_space<semaphore_mem>>) src(%dma_wait3A_272 : memref<512x16xf32, #tpu.memory_space<vmem>>) dst(%dma_wait3A_278 : memref<10512x16xf32, #tpu.memory_space<vmem_shared>>)
      %add3A_279 = arith.constant 2 : i32
      %add3A_280 = arith.addi %add3A_243, %add3A_279 : i32
      %dma_start3A_281 = arith.constant 0 : i32
      %dma_start3A_282 = arith.constant 0 : i32
      %dma_start3A_283 = arith.constant 0 : i32
      %dma_start3A_284 = tpu.memref_slice %arg8[%dma_start3A_281, %dma_start3A_282, %dma_start3A_283] : memref<3x512x16xf32, #tpu.memory_space<vmem>> -> memref<1x512x16xf32, #tpu.memory_space<vmem>>
      %dma_start3A_285 = tpu.memref_squeeze %dma_start3A_284 : memref<1x512x16xf32, #tpu.memory_space<vmem>> -> memref<512x16xf32, #tpu.memory_space<vmem>>
      %dma_start3A_286 = arith.constant 0 : i32
      %dma_start3A_287 = tpu.memref_slice %arg6[%add3A_280, %dma_start3A_286] : memref<22x512xi32, #tpu.memory_space<vmem>> -> memref<1x512xi32, #tpu.memory_space<vmem>>
      %dma_start3A_288 = tpu.memref_squeeze %dma_start3A_287 : memref<1x512xi32, #tpu.memory_space<vmem>> -> memref<512xi32, #tpu.memory_space<vmem>>
      %dma_start3A_289 = arith.constant 0 : i32
      %dma_start3A_290 = arith.constant 0 : i32
      %dma_start3A_291 = tpu.memref_slice %arg2[%dma_start3A_289, %dma_start3A_290] : memref<10000x16xf32, #tpu.memory_space<hbm>> -> memref<10000x16xf32, #tpu.memory_space<hbm>>
      tpu.enqueue_indirect_dma source(%dma_start3A_291 : memref<10000x16xf32, #tpu.memory_space<hbm>>) target(%dma_start3A_285 : memref<512x16xf32, #tpu.memory_space<vmem>>) offsets(%dma_start3A_288 : memref<512xi32, #tpu.memory_space<vmem>>) semaphore(%arg11 : memref<!tpu.dma_semaphore, #tpu.memory_space<semaphore_mem>>)
      %add3A_292 = arith.constant 2 : i32
      %add3A_293 = arith.addi %mul3A_191, %add3A_292 : i32
      %dma_wait3A_294 = arith.constant 0 : i32
      %dma_wait3A_295 = arith.constant 2 : i32
      %dma_wait3A_296 = arith.constant 0 : i32
      %dma_wait3A_297 = arith.constant 0 : i32
      %dma_wait3A_298 = tpu.memref_slice %arg8[%dma_wait3A_295, %dma_wait3A_296, %dma_wait3A_297] : memref<3x512x16xf32, #tpu.memory_space<vmem>> -> memref<1x512x16xf32, #tpu.memory_space<vmem>>
      %dma_wait3A_299 = tpu.memref_squeeze %dma_wait3A_298 : memref<1x512x16xf32, #tpu.memory_space<vmem>> -> memref<512x16xf32, #tpu.memory_space<vmem>>
      %dma_wait3A_300 = arith.constant 0 : i32
      %dma_wait3A_301 = tpu.memref_slice %arg6[%dma_wait3A_294, %dma_wait3A_300] : memref<22x512xi32, #tpu.memory_space<vmem>> -> memref<1x512xi32, #tpu.memory_space<vmem>>
      %dma_wait3A_302 = tpu.memref_squeeze %dma_wait3A_301 : memref<1x512xi32, #tpu.memory_space<vmem>> -> memref<512xi32, #tpu.memory_space<vmem>>
      %dma_wait3A_303 = arith.constant 0 : i32
      %dma_wait3A_304 = arith.constant 0 : i32
      %dma_wait3A_305 = tpu.memref_slice %arg2[%dma_wait3A_303, %dma_wait3A_304] : memref<10000x16xf32, #tpu.memory_space<hbm>> -> memref<10000x16xf32, #tpu.memory_space<hbm>>
      tpu.wait_indirect_dma semaphore(%arg13 : memref<!tpu.dma_semaphore, #tpu.memory_space<semaphore_mem>>) src(%dma_wait3A_305 : memref<10000x16xf32, #tpu.memory_space<hbm>>) dst(%dma_wait3A_299 : memref<512x16xf32, #tpu.memory_space<vmem>>)
      %dma_start3A_306 = arith.constant 2 : i32
      %dma_start3A_307 = arith.constant 0 : i32
      %dma_start3A_308 = arith.constant 0 : i32
      %dma_start3A_309 = tpu.memref_slice %arg8[%dma_start3A_306, %dma_start3A_307, %dma_start3A_308] : memref<3x512x16xf32, #tpu.memory_space<vmem>> -> memref<1x512x16xf32, #tpu.memory_space<vmem>>
      %dma_start3A_310 = tpu.memref_squeeze %dma_start3A_309 : memref<1x512x16xf32, #tpu.memory_space<vmem>> -> memref<512x16xf32, #tpu.memory_space<vmem>>
      %dma_start3A_311 = arith.constant 0 : i32
      %dma_start3A_312 = tpu.memref_slice %arg7[%add3A_293, %dma_start3A_311] : memref<21x512xi32, #tpu.memory_space<vmem>> -> memref<1x512xi32, #tpu.memory_space<vmem>>
      %dma_start3A_313 = tpu.memref_squeeze %dma_start3A_312 : memref<1x512xi32, #tpu.memory_space<vmem>> -> memref<512xi32, #tpu.memory_space<vmem>>
      %dma_start3A_314 = arith.constant 0 : i32
      %dma_start3A_315 = arith.constant 0 : i32
      %dma_start3A_316 = tpu.memref_slice %arg10[%dma_start3A_314, %dma_start3A_315] : memref<10512x16xf32, #tpu.memory_space<vmem_shared>> -> memref<10512x16xf32, #tpu.memory_space<vmem_shared>>
      tpu.enqueue_indirect_dma source(%dma_start3A_310 : memref<512x16xf32, #tpu.memory_space<vmem>>) target(%dma_start3A_316 : memref<10512x16xf32, #tpu.memory_space<vmem_shared>>) offsets(%dma_start3A_313 : memref<512xi32, #tpu.memory_space<vmem>>) semaphore(%arg16 : memref<!tpu.dma_semaphore, #tpu.memory_space<semaphore_mem>>) {add = true}
      %dma_wait3A_317 = arith.constant 1 : i32
      %dma_wait3A_318 = arith.constant 0 : i32
      %dma_wait3A_319 = arith.constant 0 : i32
      %dma_wait3A_320 = arith.constant 0 : i32
      %dma_wait3A_321 = tpu.memref_slice %arg8[%dma_wait3A_317, %dma_wait3A_319, %dma_wait3A_320] : memref<3x512x16xf32, #tpu.memory_space<vmem>> -> memref<1x512x16xf32, #tpu.memory_space<vmem>>
      %dma_wait3A_322 = tpu.memref_squeeze %dma_wait3A_321 : memref<1x512x16xf32, #tpu.memory_space<vmem>> -> memref<512x16xf32, #tpu.memory_space<vmem>>
      %dma_wait3A_323 = arith.constant 0 : i32
      %dma_wait3A_324 = tpu.memref_slice %arg7[%dma_wait3A_318, %dma_wait3A_323] : memref<21x512xi32, #tpu.memory_space<vmem>> -> memref<1x512xi32, #tpu.memory_space<vmem>>
      %dma_wait3A_325 = tpu.memref_squeeze %dma_wait3A_324 : memref<1x512xi32, #tpu.memory_space<vmem>> -> memref<512xi32, #tpu.memory_space<vmem>>
      %dma_wait3A_326 = arith.constant 0 : i32
      %dma_wait3A_327 = arith.constant 0 : i32
      %dma_wait3A_328 = tpu.memref_slice %arg10[%dma_wait3A_326, %dma_wait3A_327] : memref<10512x16xf32, #tpu.memory_space<vmem_shared>> -> memref<10512x16xf32, #tpu.memory_space<vmem_shared>>
      tpu.wait_indirect_dma semaphore(%arg15 : memref<!tpu.dma_semaphore, #tpu.memory_space<semaphore_mem>>) src(%dma_wait3A_322 : memref<512x16xf32, #tpu.memory_space<vmem>>) dst(%dma_wait3A_328 : memref<10512x16xf32, #tpu.memory_space<vmem_shared>>)
      %add3A_329 = arith.constant 2 : i32
      %add3A_330 = arith.addi %add3A_293, %add3A_329 : i32
      %dma_start3A_331 = arith.constant 1 : i32
      %dma_start3A_332 = arith.constant 0 : i32
      %dma_start3A_333 = arith.constant 0 : i32
      %dma_start3A_334 = tpu.memref_slice %arg8[%dma_start3A_331, %dma_start3A_332, %dma_start3A_333] : memref<3x512x16xf32, #tpu.memory_space<vmem>> -> memref<1x512x16xf32, #tpu.memory_space<vmem>>
      %dma_start3A_335 = tpu.memref_squeeze %dma_start3A_334 : memref<1x512x16xf32, #tpu.memory_space<vmem>> -> memref<512x16xf32, #tpu.memory_space<vmem>>
      %dma_start3A_336 = arith.constant 0 : i32
      %dma_start3A_337 = tpu.memref_slice %arg6[%add3A_330, %dma_start3A_336] : memref<22x512xi32, #tpu.memory_space<vmem>> -> memref<1x512xi32, #tpu.memory_space<vmem>>
      %dma_start3A_338 = tpu.memref_squeeze %dma_start3A_337 : memref<1x512xi32, #tpu.memory_space<vmem>> -> memref<512xi32, #tpu.memory_space<vmem>>
      %dma_start3A_339 = arith.constant 0 : i32
      %dma_start3A_340 = arith.constant 0 : i32
      %dma_start3A_341 = tpu.memref_slice %arg2[%dma_start3A_339, %dma_start3A_340] : memref<10000x16xf32, #tpu.memory_space<hbm>> -> memref<10000x16xf32, #tpu.memory_space<hbm>>
      tpu.enqueue_indirect_dma source(%dma_start3A_341 : memref<10000x16xf32, #tpu.memory_space<hbm>>) target(%dma_start3A_335 : memref<512x16xf32, #tpu.memory_space<vmem>>) offsets(%dma_start3A_338 : memref<512xi32, #tpu.memory_space<vmem>>) semaphore(%arg12 : memref<!tpu.dma_semaphore, #tpu.memory_space<semaphore_mem>>)
    }
    %scan3A_52 = arith.constant 6 : i32
    %dma_wait3A = arith.constant 0 : i32
    %dma_wait3A_53 = arith.constant 0 : i32
    %dma_wait3A_54 = arith.constant 0 : i32
    %dma_wait3A_55 = arith.constant 0 : i32
    %dma_wait3A_56 = tpu.memref_slice %arg8[%dma_wait3A_53, %dma_wait3A_54, %dma_wait3A_55] : memref<3x512x16xf32, #tpu.memory_space<vmem>> -> memref<1x512x16xf32, #tpu.memory_space<vmem>>
    %dma_wait3A_57 = tpu.memref_squeeze %dma_wait3A_56 : memref<1x512x16xf32, #tpu.memory_space<vmem>> -> memref<512x16xf32, #tpu.memory_space<vmem>>
    %dma_wait3A_58 = arith.constant 0 : i32
    %dma_wait3A_59 = tpu.memref_slice %arg6[%dma_wait3A, %dma_wait3A_58] : memref<22x512xi32, #tpu.memory_space<vmem>> -> memref<1x512xi32, #tpu.memory_space<vmem>>
    %dma_wait3A_60 = tpu.memref_squeeze %dma_wait3A_59 : memref<1x512xi32, #tpu.memory_space<vmem>> -> memref<512xi32, #tpu.memory_space<vmem>>
    %dma_wait3A_61 = arith.constant 0 : i32
    %dma_wait3A_62 = arith.constant 0 : i32
    %dma_wait3A_63 = tpu.memref_slice %arg2[%dma_wait3A_61, %dma_wait3A_62] : memref<10000x16xf32, #tpu.memory_space<hbm>> -> memref<10000x16xf32, #tpu.memory_space<hbm>>
    tpu.wait_indirect_dma semaphore(%arg11 : memref<!tpu.dma_semaphore, #tpu.memory_space<semaphore_mem>>) src(%dma_wait3A_63 : memref<10000x16xf32, #tpu.memory_space<hbm>>) dst(%dma_wait3A_57 : memref<512x16xf32, #tpu.memory_space<vmem>>)
    %dma_start3A_64 = arith.constant 0 : i32
    %dma_start3A_65 = arith.constant 18 : i32
    %dma_start3A_66 = arith.constant 0 : i32
    %dma_start3A_67 = arith.constant 0 : i32
    %dma_start3A_68 = tpu.memref_slice %arg8[%dma_start3A_64, %dma_start3A_66, %dma_start3A_67] : memref<3x512x16xf32, #tpu.memory_space<vmem>> -> memref<1x512x16xf32, #tpu.memory_space<vmem>>
    %dma_start3A_69 = tpu.memref_squeeze %dma_start3A_68 : memref<1x512x16xf32, #tpu.memory_space<vmem>> -> memref<512x16xf32, #tpu.memory_space<vmem>>
    %dma_start3A_70 = arith.constant 0 : i32
    %dma_start3A_71 = tpu.memref_slice %arg7[%dma_start3A_65, %dma_start3A_70] : memref<21x512xi32, #tpu.memory_space<vmem>> -> memref<1x512xi32, #tpu.memory_space<vmem>>
    %dma_start3A_72 = tpu.memref_squeeze %dma_start3A_71 : memref<1x512xi32, #tpu.memory_space<vmem>> -> memref<512xi32, #tpu.memory_space<vmem>>
    %dma_start3A_73 = arith.constant 0 : i32
    %dma_start3A_74 = arith.constant 0 : i32
    %dma_start3A_75 = tpu.memref_slice %arg10[%dma_start3A_73, %dma_start3A_74] : memref<10512x16xf32, #tpu.memory_space<vmem_shared>> -> memref<10512x16xf32, #tpu.memory_space<vmem_shared>>
    tpu.enqueue_indirect_dma source(%dma_start3A_69 : memref<512x16xf32, #tpu.memory_space<vmem>>) target(%dma_start3A_75 : memref<10512x16xf32, #tpu.memory_space<vmem_shared>>) offsets(%dma_start3A_72 : memref<512xi32, #tpu.memory_space<vmem>>) semaphore(%arg14 : memref<!tpu.dma_semaphore, #tpu.memory_space<semaphore_mem>>) {add = true}
    %dma_wait3A_76 = arith.constant 2 : i32
    %dma_wait3A_77 = arith.constant 0 : i32
    %dma_wait3A_78 = arith.constant 0 : i32
    %dma_wait3A_79 = arith.constant 0 : i32
    %dma_wait3A_80 = tpu.memref_slice %arg8[%dma_wait3A_76, %dma_wait3A_78, %dma_wait3A_79] : memref<3x512x16xf32, #tpu.memory_space<vmem>> -> memref<1x512x16xf32, #tpu.memory_space<vmem>>
    %dma_wait3A_81 = tpu.memref_squeeze %dma_wait3A_80 : memref<1x512x16xf32, #tpu.memory_space<vmem>> -> memref<512x16xf32, #tpu.memory_space<vmem>>
    %dma_wait3A_82 = arith.constant 0 : i32
    %dma_wait3A_83 = tpu.memref_slice %arg7[%dma_wait3A_77, %dma_wait3A_82] : memref<21x512xi32, #tpu.memory_space<vmem>> -> memref<1x512xi32, #tpu.memory_space<vmem>>
    %dma_wait3A_84 = tpu.memref_squeeze %dma_wait3A_83 : memref<1x512xi32, #tpu.memory_space<vmem>> -> memref<512xi32, #tpu.memory_space<vmem>>
    %dma_wait3A_85 = arith.constant 0 : i32
    %dma_wait3A_86 = arith.constant 0 : i32
    %dma_wait3A_87 = tpu.memref_slice %arg10[%dma_wait3A_85, %dma_wait3A_86] : memref<10512x16xf32, #tpu.memory_space<vmem_shared>> -> memref<10512x16xf32, #tpu.memory_space<vmem_shared>>
    tpu.wait_indirect_dma semaphore(%arg16 : memref<!tpu.dma_semaphore, #tpu.memory_space<semaphore_mem>>) src(%dma_wait3A_81 : memref<512x16xf32, #tpu.memory_space<vmem>>) dst(%dma_wait3A_87 : memref<10512x16xf32, #tpu.memory_space<vmem_shared>>)
    %dma_start3A_88 = arith.constant 20 : i32
    %dma_start3A_89 = arith.constant 2 : i32
    %dma_start3A_90 = arith.constant 0 : i32
    %dma_start3A_91 = arith.constant 0 : i32
    %dma_start3A_92 = tpu.memref_slice %arg8[%dma_start3A_89, %dma_start3A_90, %dma_start3A_91] : memref<3x512x16xf32, #tpu.memory_space<vmem>> -> memref<1x512x16xf32, #tpu.memory_space<vmem>>
    %dma_start3A_93 = tpu.memref_squeeze %dma_start3A_92 : memref<1x512x16xf32, #tpu.memory_space<vmem>> -> memref<512x16xf32, #tpu.memory_space<vmem>>
    %dma_start3A_94 = arith.constant 0 : i32
    %dma_start3A_95 = tpu.memref_slice %arg6[%dma_start3A_88, %dma_start3A_94] : memref<22x512xi32, #tpu.memory_space<vmem>> -> memref<1x512xi32, #tpu.memory_space<vmem>>
    %dma_start3A_96 = tpu.memref_squeeze %dma_start3A_95 : memref<1x512xi32, #tpu.memory_space<vmem>> -> memref<512xi32, #tpu.memory_space<vmem>>
    %dma_start3A_97 = arith.constant 0 : i32
    %dma_start3A_98 = arith.constant 0 : i32
    %dma_start3A_99 = tpu.memref_slice %arg2[%dma_start3A_97, %dma_start3A_98] : memref<10000x16xf32, #tpu.memory_space<hbm>> -> memref<10000x16xf32, #tpu.memory_space<hbm>>
    tpu.enqueue_indirect_dma source(%dma_start3A_99 : memref<10000x16xf32, #tpu.memory_space<hbm>>) target(%dma_start3A_93 : memref<512x16xf32, #tpu.memory_space<vmem>>) offsets(%dma_start3A_96 : memref<512xi32, #tpu.memory_space<vmem>>) semaphore(%arg13 : memref<!tpu.dma_semaphore, #tpu.memory_space<semaphore_mem>>)
    %dma_wait3A_100 = arith.constant 0 : i32
    %dma_wait3A_101 = arith.constant 1 : i32
    %dma_wait3A_102 = arith.constant 0 : i32
    %dma_wait3A_103 = arith.constant 0 : i32
    %dma_wait3A_104 = tpu.memref_slice %arg8[%dma_wait3A_101, %dma_wait3A_102, %dma_wait3A_103] : memref<3x512x16xf32, #tpu.memory_space<vmem>> -> memref<1x512x16xf32, #tpu.memory_space<vmem>>
    %dma_wait3A_105 = tpu.memref_squeeze %dma_wait3A_104 : memref<1x512x16xf32, #tpu.memory_space<vmem>> -> memref<512x16xf32, #tpu.memory_space<vmem>>
    %dma_wait3A_106 = arith.constant 0 : i32
    %dma_wait3A_107 = tpu.memref_slice %arg6[%dma_wait3A_100, %dma_wait3A_106] : memref<22x512xi32, #tpu.memory_space<vmem>> -> memref<1x512xi32, #tpu.memory_space<vmem>>
    %dma_wait3A_108 = tpu.memref_squeeze %dma_wait3A_107 : memref<1x512xi32, #tpu.memory_space<vmem>> -> memref<512xi32, #tpu.memory_space<vmem>>
    %dma_wait3A_109 = arith.constant 0 : i32
    %dma_wait3A_110 = arith.constant 0 : i32
    %dma_wait3A_111 = tpu.memref_slice %arg2[%dma_wait3A_109, %dma_wait3A_110] : memref<10000x16xf32, #tpu.memory_space<hbm>> -> memref<10000x16xf32, #tpu.memory_space<hbm>>
    tpu.wait_indirect_dma semaphore(%arg12 : memref<!tpu.dma_semaphore, #tpu.memory_space<semaphore_mem>>) src(%dma_wait3A_111 : memref<10000x16xf32, #tpu.memory_space<hbm>>) dst(%dma_wait3A_105 : memref<512x16xf32, #tpu.memory_space<vmem>>)
    %dma_start3A_112 = arith.constant 1 : i32
    %dma_start3A_113 = arith.constant 19 : i32
    %dma_start3A_114 = arith.constant 0 : i32
    %dma_start3A_115 = arith.constant 0 : i32
    %dma_start3A_116 = tpu.memref_slice %arg8[%dma_start3A_112, %dma_start3A_114, %dma_start3A_115] : memref<3x512x16xf32, #tpu.memory_space<vmem>> -> memref<1x512x16xf32, #tpu.memory_space<vmem>>
    %dma_start3A_117 = tpu.memref_squeeze %dma_start3A_116 : memref<1x512x16xf32, #tpu.memory_space<vmem>> -> memref<512x16xf32, #tpu.memory_space<vmem>>
    %dma_start3A_118 = arith.constant 0 : i32
    %dma_start3A_119 = tpu.memref_slice %arg7[%dma_start3A_113, %dma_start3A_118] : memref<21x512xi32, #tpu.memory_space<vmem>> -> memref<1x512xi32, #tpu.memory_space<vmem>>
    %dma_start3A_120 = tpu.memref_squeeze %dma_start3A_119 : memref<1x512xi32, #tpu.memory_space<vmem>> -> memref<512xi32, #tpu.memory_space<vmem>>
    %dma_start3A_121 = arith.constant 0 : i32
    %dma_start3A_122 = arith.constant 0 : i32
    %dma_start3A_123 = tpu.memref_slice %arg10[%dma_start3A_121, %dma_start3A_122] : memref<10512x16xf32, #tpu.memory_space<vmem_shared>> -> memref<10512x16xf32, #tpu.memory_space<vmem_shared>>
    tpu.enqueue_indirect_dma source(%dma_start3A_117 : memref<512x16xf32, #tpu.memory_space<vmem>>) target(%dma_start3A_123 : memref<10512x16xf32, #tpu.memory_space<vmem_shared>>) offsets(%dma_start3A_120 : memref<512xi32, #tpu.memory_space<vmem>>) semaphore(%arg15 : memref<!tpu.dma_semaphore, #tpu.memory_space<semaphore_mem>>) {add = true}
    %dma_wait3A_124 = arith.constant 0 : i32
    %dma_wait3A_125 = arith.constant 0 : i32
    %dma_wait3A_126 = arith.constant 0 : i32
    %dma_wait3A_127 = arith.constant 0 : i32
    %dma_wait3A_128 = tpu.memref_slice %arg8[%dma_wait3A_124, %dma_wait3A_126, %dma_wait3A_127] : memref<3x512x16xf32, #tpu.memory_space<vmem>> -> memref<1x512x16xf32, #tpu.memory_space<vmem>>
    %dma_wait3A_129 = tpu.memref_squeeze %dma_wait3A_128 : memref<1x512x16xf32, #tpu.memory_space<vmem>> -> memref<512x16xf32, #tpu.memory_space<vmem>>
    %dma_wait3A_130 = arith.constant 0 : i32
    %dma_wait3A_131 = tpu.memref_slice %arg7[%dma_wait3A_125, %dma_wait3A_130] : memref<21x512xi32, #tpu.memory_space<vmem>> -> memref<1x512xi32, #tpu.memory_space<vmem>>
    %dma_wait3A_132 = tpu.memref_squeeze %dma_wait3A_131 : memref<1x512xi32, #tpu.memory_space<vmem>> -> memref<512xi32, #tpu.memory_space<vmem>>
    %dma_wait3A_133 = arith.constant 0 : i32
    %dma_wait3A_134 = arith.constant 0 : i32
    %dma_wait3A_135 = tpu.memref_slice %arg10[%dma_wait3A_133, %dma_wait3A_134] : memref<10512x16xf32, #tpu.memory_space<vmem_shared>> -> memref<10512x16xf32, #tpu.memory_space<vmem_shared>>
    tpu.wait_indirect_dma semaphore(%arg14 : memref<!tpu.dma_semaphore, #tpu.memory_space<semaphore_mem>>) src(%dma_wait3A_129 : memref<512x16xf32, #tpu.memory_space<vmem>>) dst(%dma_wait3A_135 : memref<10512x16xf32, #tpu.memory_space<vmem_shared>>)
    %dma_start3A_136 = arith.constant 21 : i32
    %dma_start3A_137 = arith.constant 0 : i32
    %dma_start3A_138 = arith.constant 0 : i32
    %dma_start3A_139 = arith.constant 0 : i32
    %dma_start3A_140 = tpu.memref_slice %arg8[%dma_start3A_137, %dma_start3A_138, %dma_start3A_139] : memref<3x512x16xf32, #tpu.memory_space<vmem>> -> memref<1x512x16xf32, #tpu.memory_space<vmem>>
    %dma_start3A_141 = tpu.memref_squeeze %dma_start3A_140 : memref<1x512x16xf32, #tpu.memory_space<vmem>> -> memref<512x16xf32, #tpu.memory_space<vmem>>
    %dma_start3A_142 = arith.constant 0 : i32
    %dma_start3A_143 = tpu.memref_slice %arg6[%dma_start3A_136, %dma_start3A_142] : memref<22x512xi32, #tpu.memory_space<vmem>> -> memref<1x512xi32, #tpu.memory_space<vmem>>
    %dma_start3A_144 = tpu.memref_squeeze %dma_start3A_143 : memref<1x512xi32, #tpu.memory_space<vmem>> -> memref<512xi32, #tpu.memory_space<vmem>>
    %dma_start3A_145 = arith.constant 0 : i32
    %dma_start3A_146 = arith.constant 0 : i32
    %dma_start3A_147 = tpu.memref_slice %arg2[%dma_start3A_145, %dma_start3A_146] : memref<10000x16xf32, #tpu.memory_space<hbm>> -> memref<10000x16xf32, #tpu.memory_space<hbm>>
    tpu.enqueue_indirect_dma source(%dma_start3A_147 : memref<10000x16xf32, #tpu.memory_space<hbm>>) target(%dma_start3A_141 : memref<512x16xf32, #tpu.memory_space<vmem>>) offsets(%dma_start3A_144 : memref<512xi32, #tpu.memory_space<vmem>>) semaphore(%arg11 : memref<!tpu.dma_semaphore, #tpu.memory_space<semaphore_mem>>)
    %dma_wait3A_148 = arith.constant 1 : i32
    %dma_wait3A_149 = arith.constant 0 : i32
    %dma_wait3A_150 = arith.constant 0 : i32
    %dma_wait3A_151 = arith.constant 0 : i32
    %dma_wait3A_152 = tpu.memref_slice %arg8[%dma_wait3A_148, %dma_wait3A_150, %dma_wait3A_151] : memref<3x512x16xf32, #tpu.memory_space<vmem>> -> memref<1x512x16xf32, #tpu.memory_space<vmem>>
    %dma_wait3A_153 = tpu.memref_squeeze %dma_wait3A_152 : memref<1x512x16xf32, #tpu.memory_space<vmem>> -> memref<512x16xf32, #tpu.memory_space<vmem>>
    %dma_wait3A_154 = arith.constant 0 : i32
    %dma_wait3A_155 = tpu.memref_slice %arg7[%dma_wait3A_149, %dma_wait3A_154] : memref<21x512xi32, #tpu.memory_space<vmem>> -> memref<1x512xi32, #tpu.memory_space<vmem>>
    %dma_wait3A_156 = tpu.memref_squeeze %dma_wait3A_155 : memref<1x512xi32, #tpu.memory_space<vmem>> -> memref<512xi32, #tpu.memory_space<vmem>>
    %dma_wait3A_157 = arith.constant 0 : i32
    %dma_wait3A_158 = arith.constant 0 : i32
    %dma_wait3A_159 = tpu.memref_slice %arg10[%dma_wait3A_157, %dma_wait3A_158] : memref<10512x16xf32, #tpu.memory_space<vmem_shared>> -> memref<10512x16xf32, #tpu.memory_space<vmem_shared>>
    tpu.wait_indirect_dma semaphore(%arg15 : memref<!tpu.dma_semaphore, #tpu.memory_space<semaphore_mem>>) src(%dma_wait3A_153 : memref<512x16xf32, #tpu.memory_space<vmem>>) dst(%dma_wait3A_159 : memref<10512x16xf32, #tpu.memory_space<vmem_shared>>)
    %dma_wait3A_160 = arith.constant 0 : i32
    %dma_wait3A_161 = arith.constant 2 : i32
    %dma_wait3A_162 = arith.constant 0 : i32
    %dma_wait3A_163 = arith.constant 0 : i32
    %dma_wait3A_164 = tpu.memref_slice %arg8[%dma_wait3A_161, %dma_wait3A_162, %dma_wait3A_163] : memref<3x512x16xf32, #tpu.memory_space<vmem>> -> memref<1x512x16xf32, #tpu.memory_space<vmem>>
    %dma_wait3A_165 = tpu.memref_squeeze %dma_wait3A_164 : memref<1x512x16xf32, #tpu.memory_space<vmem>> -> memref<512x16xf32, #tpu.memory_space<vmem>>
    %dma_wait3A_166 = arith.constant 0 : i32
    %dma_wait3A_167 = tpu.memref_slice %arg6[%dma_wait3A_160, %dma_wait3A_166] : memref<22x512xi32, #tpu.memory_space<vmem>> -> memref<1x512xi32, #tpu.memory_space<vmem>>
    %dma_wait3A_168 = tpu.memref_squeeze %dma_wait3A_167 : memref<1x512xi32, #tpu.memory_space<vmem>> -> memref<512xi32, #tpu.memory_space<vmem>>
    %dma_wait3A_169 = arith.constant 0 : i32
    %dma_wait3A_170 = arith.constant 0 : i32
    %dma_wait3A_171 = tpu.memref_slice %arg2[%dma_wait3A_169, %dma_wait3A_170] : memref<10000x16xf32, #tpu.memory_space<hbm>> -> memref<10000x16xf32, #tpu.memory_space<hbm>>
    tpu.wait_indirect_dma semaphore(%arg13 : memref<!tpu.dma_semaphore, #tpu.memory_space<semaphore_mem>>) src(%dma_wait3A_171 : memref<10000x16xf32, #tpu.memory_space<hbm>>) dst(%dma_wait3A_165 : memref<512x16xf32, #tpu.memory_space<vmem>>)
    %dma_wait3A_172 = arith.constant 0 : i32
    %dma_wait3A_173 = arith.constant 0 : i32
    %dma_wait3A_174 = arith.constant 0 : i32
    %dma_wait3A_175 = arith.constant 0 : i32
    %dma_wait3A_176 = tpu.memref_slice %arg8[%dma_wait3A_173, %dma_wait3A_174, %dma_wait3A_175] : memref<3x512x16xf32, #tpu.memory_space<vmem>> -> memref<1x512x16xf32, #tpu.memory_space<vmem>>
    %dma_wait3A_177 = tpu.memref_squeeze %dma_wait3A_176 : memref<1x512x16xf32, #tpu.memory_space<vmem>> -> memref<512x16xf32, #tpu.memory_space<vmem>>
    %dma_wait3A_178 = arith.constant 0 : i32
    %dma_wait3A_179 = tpu.memref_slice %arg6[%dma_wait3A_172, %dma_wait3A_178] : memref<22x512xi32, #tpu.memory_space<vmem>> -> memref<1x512xi32, #tpu.memory_space<vmem>>
    %dma_wait3A_180 = tpu.memref_squeeze %dma_wait3A_179 : memref<1x512xi32, #tpu.memory_space<vmem>> -> memref<512xi32, #tpu.memory_space<vmem>>
    %dma_wait3A_181 = arith.constant 0 : i32
    %dma_wait3A_182 = arith.constant 0 : i32
    %dma_wait3A_183 = tpu.memref_slice %arg2[%dma_wait3A_181, %dma_wait3A_182] : memref<10000x16xf32, #tpu.memory_space<hbm>> -> memref<10000x16xf32, #tpu.memory_space<hbm>>
    tpu.wait_indirect_dma semaphore(%arg11 : memref<!tpu.dma_semaphore, #tpu.memory_space<semaphore_mem>>) src(%dma_wait3A_183 : memref<10000x16xf32, #tpu.memory_space<hbm>>) dst(%dma_wait3A_177 : memref<512x16xf32, #tpu.memory_space<vmem>>)
    %barrier3A_184 = arith.constant 0 : index
    tpu.barrier barrier_id(%barrier3A_184)
    %mul3A_185 = arith.constant 657 : i32
    %mul3A_186 = arith.muli %arg1, %mul3A_185 : i32
    %mul3A_187 = arith.constant 657 : i32
    %mul3A_188 = arith.muli %arg1, %mul3A_187 : i32
    "tpu.region"() ({
      %run_scoped3A = tpu.sem_alloc : memref<!tpu.dma_semaphore, #tpu.memory_space<semaphore_mem>>
      %dma_start3A_189 = arith.constant 0 : i32
      %dma_start3A_190 = tpu.memref_slice %arg5[%arg0, %mul3A_188, %dma_start3A_189] : memref<2x10512x16xf32, #tpu.memory_space<hbm>> -> memref<1x657x16xf32, #tpu.memory_space<hbm>>
      %dma_start3A_191 = tpu.memref_squeeze %dma_start3A_190 : memref<1x657x16xf32, #tpu.memory_space<hbm>> -> memref<657x16xf32, #tpu.memory_space<hbm>>
      %dma_start3A_192 = arith.constant 0 : i32
      %dma_start3A_193 = tpu.memref_slice %arg10[%mul3A_186, %dma_start3A_192] : memref<10512x16xf32, #tpu.memory_space<vmem_shared>> -> memref<657x16xf32, #tpu.memory_space<vmem_shared>>
      tpu.enqueue_dma source(%dma_start3A_193 : memref<657x16xf32, #tpu.memory_space<vmem_shared>>) target(%dma_start3A_191 : memref<657x16xf32, #tpu.memory_space<hbm>>) target_semaphore(%run_scoped3A : memref<!tpu.dma_semaphore, #tpu.memory_space<semaphore_mem>>)
      %dma_wait3A_194 = arith.constant 0 : i32
      %dma_wait3A_195 = tpu.memref_slice %arg5[%arg0, %mul3A_188, %dma_wait3A_194] : memref<2x10512x16xf32, #tpu.memory_space<hbm>> -> memref<1x657x16xf32, #tpu.memory_space<hbm>>
      %dma_wait3A_196 = tpu.memref_squeeze %dma_wait3A_195 : memref<1x657x16xf32, #tpu.memory_space<hbm>> -> memref<657x16xf32, #tpu.memory_space<hbm>>
      %dma_wait3A_197 = arith.constant 0 : i32
      %dma_wait3A_198 = tpu.memref_slice %arg10[%mul3A_186, %dma_wait3A_197] : memref<10512x16xf32, #tpu.memory_space<vmem_shared>> -> memref<657x16xf32, #tpu.memory_space<vmem_shared>>
      tpu.wait_dma2 semaphore(%run_scoped3A : memref<!tpu.dma_semaphore, #tpu.memory_space<semaphore_mem>>) src(%dma_wait3A_198 : memref<657x16xf32, #tpu.memory_space<vmem_shared>>) dst(%dma_wait3A_196 : memref<657x16xf32, #tpu.memory_space<hbm>>)
      tpu.yield
    }) : () -> ()
    return
  }
}

module attributes {stable_mosaic.version = 14 : i64} {
  func.func @_tc_mm_body(%arg0: i32, %arg1: memref<10000x128xf32, #tpu.memory_space<vmem>>, %arg2: memref<128x64xf32, #tpu.memory_space<vmem>>, %arg3: memref<10000x64xf32, #tpu.memory_space<vmem>>) attributes {dimension_semantics = [#tpu.dimension_semantics<arbitrary>], iteration_bounds = array<i64: 1>, scalar_prefetch = 0 : i64, scratch_operands = 0 : i64, tpu.core_type = #tpu.core_type<tc>, window_params = [{transform_indices = @transform_0, window_bounds = array<i64: 10000, 128>}, {pipeline_mode = #tpu.pipeline_mode<synchronous>, transform_indices = @transform_1, window_bounds = array<i64: 128, 64>}, {transform_indices = @transform_2, window_bounds = array<i64: 10000, 64>}]} {
    %get3A = arith.constant 0 : index
    %get3A_0 = arith.constant 0 : index
    %get3A_1 = vector.load %arg1[%get3A, %get3A_0] : memref<10000x128xf32, #tpu.memory_space<vmem>>, vector<10000x128xf32>
    %get3A_2 = arith.constant 0 : index
    %get3A_3 = arith.constant 0 : index
    %get3A_4 = vector.load %arg2[%get3A_2, %get3A_3] : memref<128x64xf32, #tpu.memory_space<vmem>>, vector<128x64xf32>
    %dot_general3A = arith.constant dense<0.000000e+00> : vector<10000x64xf32>
    %dot_general3A_5 = tpu.matmul %get3A_1, %get3A_4, %dot_general3A {dimension_numbers = #tpu.dot_dimension_numbers<[1], [0], [0], [1], [0, 0, 1, 1], [], []>, transpose_lhs_hint = false} : vector<10000x128xf32>, vector<128x64xf32>, vector<10000x64xf32> -> vector<10000x64xf32>
    %swap3A = arith.constant 0 : index
    %swap3A_6 = arith.constant 0 : index
    %swap3A_7 = vector.load %arg3[%swap3A, %swap3A_6] : memref<10000x64xf32, #tpu.memory_space<vmem>>, vector<10000x64xf32>
    tpu.vector_store %arg3[%swap3A, %swap3A_6], %dot_general3A_5 {strides = array<i32>} : memref<10000x64xf32, #tpu.memory_space<vmem>>, vector<10000x64xf32>,
    return
  }
  func.func @transform_0(%arg0: i32) -> (i32, i32) {
    %c0_i32 = arith.constant 0 : i32
    %c0_i32_0 = arith.constant 0 : i32
    return %arg0, %c0_i32 : i32, i32
  }
  func.func @transform_1(%arg0: i32) -> (i32, i32) {
    %c0_i32 = arith.constant 0 : i32
    %c0_i32_0 = arith.constant 0 : i32
    %c0_i32_1 = arith.constant 0 : i32
    return %c0_i32, %c0_i32_0 : i32, i32
  }
  func.func @transform_2(%arg0: i32) -> (i32, i32) {
    %c0_i32 = arith.constant 0 : i32
    %c0_i32_0 = arith.constant 0 : i32
    return %arg0, %c0_i32 : i32, i32
  }
}

module attributes {stable_mosaic.version = 14 : i64} {
  func.func @_tc_scale_body(%arg0: i32, %arg1: memref<10000x64xf32, #tpu.memory_space<vmem>>, %arg2: memref<1x10000x16xf32, #tpu.memory_space<vmem>>, %arg3: memref<1x10000x16xf32, #tpu.memory_space<vmem>>, %arg4: memref<10000x64xf32, #tpu.memory_space<vmem>>, %arg5: memref<10000x16xf32, #tpu.memory_space<vmem>>) attributes {dimension_semantics = [#tpu.dimension_semantics<arbitrary>], iteration_bounds = array<i64: 1>, scalar_prefetch = 0 : i64, scratch_operands = 0 : i64, tpu.core_type = #tpu.core_type<tc>, window_params = [{transform_indices = @transform_0, window_bounds = array<i64: 10000, 64>}, {transform_indices = @transform_1, window_bounds = array<i64: 1, 10000, 16>}, {transform_indices = @transform_2, window_bounds = array<i64: 1, 10000, 16>}, {transform_indices = @transform_3, window_bounds = array<i64: 10000, 64>}, {transform_indices = @transform_4, window_bounds = array<i64: 10000, 16>}]} {
    %get3A = arith.constant 0 : index
    %get3A_0 = arith.constant 0 : index
    %get3A_1 = arith.constant 0 : index
    %get3A_2 = vector.load %arg2[%get3A, %get3A_0, %get3A_1] : memref<1x10000x16xf32, #tpu.memory_space<vmem>>, vector<1x10000x16xf32>
    %get3A_3 = vector.shape_cast %get3A_2 : vector<1x10000x16xf32> to vector<10000x16xf32>
    %slice3A = vector.extract_strided_slice %get3A_3 {offsets = [0, 0], sizes = [10000, 1], strides = [1, 1]} : vector<10000x16xf32> to vector<10000x1xf32>
    %get3A_4 = arith.constant 0 : index
    %get3A_5 = arith.constant 0 : index
    %get3A_6 = arith.constant 0 : index
    %get3A_7 = vector.load %arg3[%get3A_4, %get3A_5, %get3A_6] : memref<1x10000x16xf32, #tpu.memory_space<vmem>>, vector<1x10000x16xf32>
    %get3A_8 = vector.shape_cast %get3A_7 : vector<1x10000x16xf32> to vector<10000x16xf32>
    %slice3A_9 = vector.extract_strided_slice %get3A_8 {offsets = [0, 0], sizes = [10000, 1], strides = [1, 1]} : vector<10000x16xf32> to vector<10000x1xf32>
    %add3A = arith.addf %slice3A, %slice3A_9 : vector<10000x1xf32>
    %add3A_10 = arith.constant 1.000000e+00 : f32
    %add3A_11 = vector.broadcast %add3A_10 : f32 to vector<10000x1xf32>
    %add3A_12 = arith.addf %add3A, %add3A_11 : vector<10000x1xf32>
    %sqrt3A = math.sqrt %add3A_12 : vector<10000x1xf32>
    %div3A = arith.constant 1.000000e+00 : f32
    %div3A_13 = vector.broadcast %div3A : f32 to vector<10000x1xf32>
    %div3A_14 = arith.divf %div3A_13, %sqrt3A : vector<10000x1xf32>
    %get3A_15 = arith.constant 0 : index
    %get3A_16 = arith.constant 0 : index
    %get3A_17 = vector.load %arg1[%get3A_15, %get3A_16] : memref<10000x64xf32, #tpu.memory_space<vmem>>, vector<10000x64xf32>
    %mul3A = vector.broadcast %div3A_14 : vector<10000x1xf32> to vector<10000x64xf32>
    %mul3A_18 = arith.mulf %mul3A, %get3A_17 : vector<10000x64xf32>
    %swap3A = arith.constant 0 : index
    %swap3A_19 = arith.constant 0 : index
    %swap3A_20 = vector.load %arg4[%swap3A, %swap3A_19] : memref<10000x64xf32, #tpu.memory_space<vmem>>, vector<10000x64xf32>
    tpu.vector_store %arg4[%swap3A, %swap3A_19], %mul3A_18 {strides = array<i32>} : memref<10000x64xf32, #tpu.memory_space<vmem>>, vector<10000x64xf32>,
    %broadcast_in_dim3A = vector.shape_cast %div3A_14 : vector<10000x1xf32> to vector<10000x1xf32>
    %broadcast_in_dim3A_21 = vector.broadcast %broadcast_in_dim3A : vector<10000x1xf32> to vector<10000x16xf32>
    %swap3A_22 = arith.constant 0 : index
    %swap3A_23 = arith.constant 0 : index
    %swap3A_24 = vector.load %arg5[%swap3A_22, %swap3A_23] : memref<10000x16xf32, #tpu.memory_space<vmem>>, vector<10000x16xf32>
    tpu.vector_store %arg5[%swap3A_22, %swap3A_23], %broadcast_in_dim3A_21 {strides = array<i32>} : memref<10000x16xf32, #tpu.memory_space<vmem>>, vector<10000x16xf32>,
    return
  }
  func.func @transform_0(%arg0: i32) -> (i32, i32) {
    %c0_i32 = arith.constant 0 : i32
    %c0_i32_0 = arith.constant 0 : i32
    return %arg0, %c0_i32 : i32, i32
  }
  func.func @transform_1(%arg0: i32) -> (i32, i32, i32) {
    %c0_i32 = arith.constant 0 : i32
    %c0_i32_0 = arith.constant 0 : i32
    %c0_i32_1 = arith.constant 0 : i32
    return %c0_i32, %arg0, %c0_i32_0 : i32, i32, i32
  }
  func.func @transform_2(%arg0: i32) -> (i32, i32, i32) {
    %c1_i32 = arith.constant 1 : i32
    %c0_i32 = arith.constant 0 : i32
    %c0_i32_0 = arith.constant 0 : i32
    return %c1_i32, %arg0, %c0_i32 : i32, i32, i32
  }
  func.func @transform_3(%arg0: i32) -> (i32, i32) {
    %c0_i32 = arith.constant 0 : i32
    %c0_i32_0 = arith.constant 0 : i32
    return %arg0, %c0_i32 : i32, i32
  }
  func.func @transform_4(%arg0: i32) -> (i32, i32) {
    %c0_i32 = arith.constant 0 : i32
    %c0_i32_0 = arith.constant 0 : i32
    return %arg0, %c0_i32 : i32, i32
  }
}

module attributes {stable_mosaic.version = 14 : i64} {
  func.func @_tc_mid_body(%arg0: i32, %arg1: memref<1x10000x64xf32, #tpu.memory_space<vmem>>, %arg2: memref<1x10000x64xf32, #tpu.memory_space<vmem>>, %arg3: memref<10000x64xf32, #tpu.memory_space<vmem>>, %arg4: memref<10000x16xf32, #tpu.memory_space<vmem>>, %arg5: memref<64x32xf32, #tpu.memory_space<vmem>>, %arg6: memref<8x64xf32, #tpu.memory_space<vmem>>, %arg7: memref<10000x32xf32, #tpu.memory_space<vmem>>) attributes {dimension_semantics = [#tpu.dimension_semantics<arbitrary>], iteration_bounds = array<i64: 1>, scalar_prefetch = 0 : i64, scratch_operands = 0 : i64, tpu.core_type = #tpu.core_type<tc>, window_params = [{transform_indices = @transform_0, window_bounds = array<i64: 1, 10000, 64>}, {transform_indices = @transform_1, window_bounds = array<i64: 1, 10000, 64>}, {transform_indices = @transform_2, window_bounds = array<i64: 10000, 64>}, {transform_indices = @transform_3, window_bounds = array<i64: 10000, 16>}, {pipeline_mode = #tpu.pipeline_mode<synchronous>, transform_indices = @transform_4, window_bounds = array<i64: 64, 32>}, {pipeline_mode = #tpu.pipeline_mode<synchronous>, transform_indices = @transform_5, window_bounds = array<i64: 8, 64>}, {transform_indices = @transform_6, window_bounds = array<i64: 10000, 32>}]} {
    %get3A = arith.constant 0 : index
    %get3A_0 = arith.constant 0 : index
    %get3A_1 = vector.load %arg4[%get3A, %get3A_0] : memref<10000x16xf32, #tpu.memory_space<vmem>>, vector<10000x1xf32>
    %get3A_2 = arith.constant 0 : index
    %get3A_3 = arith.constant 0 : index
    %get3A_4 = arith.constant 0 : index
    %get3A_5 = vector.load %arg1[%get3A_2, %get3A_3, %get3A_4] : memref<1x10000x64xf32, #tpu.memory_space<vmem>>, vector<1x10000x64xf32>
    %get3A_6 = vector.shape_cast %get3A_5 : vector<1x10000x64xf32> to vector<10000x64xf32>
    %get3A_7 = arith.constant 0 : index
    %get3A_8 = arith.constant 0 : index
    %get3A_9 = arith.constant 0 : index
    %get3A_10 = vector.load %arg2[%get3A_7, %get3A_8, %get3A_9] : memref<1x10000x64xf32, #tpu.memory_space<vmem>>, vector<1x10000x64xf32>
    %get3A_11 = vector.shape_cast %get3A_10 : vector<1x10000x64xf32> to vector<10000x64xf32>
    %add3A = arith.addf %get3A_6, %get3A_11 : vector<10000x64xf32>
    %get3A_12 = arith.constant 0 : index
    %get3A_13 = arith.constant 0 : index
    %get3A_14 = vector.load %arg3[%get3A_12, %get3A_13] : memref<10000x64xf32, #tpu.memory_space<vmem>>, vector<10000x64xf32>
    %add3A_15 = arith.addf %add3A, %get3A_14 : vector<10000x64xf32>
    %mul3A = vector.broadcast %get3A_1 : vector<10000x1xf32> to vector<10000x64xf32>
    %mul3A_16 = arith.mulf %mul3A, %add3A_15 : vector<10000x64xf32>
    %get3A_17 = arith.constant 0 : index
    %get3A_18 = arith.constant 0 : index
    %get3A_19 = vector.load %arg6[%get3A_17, %get3A_18] : memref<8x64xf32, #tpu.memory_space<vmem>>, vector<1x64xf32>
    %add3A_20 = vector.broadcast %get3A_19 : vector<1x64xf32> to vector<10000x64xf32>
    %add3A_21 = arith.addf %mul3A_16, %add3A_20 : vector<10000x64xf32>
    %max3A = arith.constant 0.000000e+00 : f32
    %max3A_22 = vector.broadcast %max3A : f32 to vector<10000x64xf32>
    %max3A_23 = arith.maximumf %add3A_21, %max3A_22 : vector<10000x64xf32>
    %get3A_24 = arith.constant 0 : index
    %get3A_25 = arith.constant 0 : index
    %get3A_26 = vector.load %arg5[%get3A_24, %get3A_25] : memref<64x32xf32, #tpu.memory_space<vmem>>, vector<64x32xf32>
    %dot_general3A = arith.constant dense<0.000000e+00> : vector<10000x32xf32>
    %dot_general3A_27 = tpu.matmul %max3A_23, %get3A_26, %dot_general3A {dimension_numbers = #tpu.dot_dimension_numbers<[1], [0], [0], [1], [0, 0, 1, 1], [], []>, transpose_lhs_hint = false} : vector<10000x64xf32>, vector<64x32xf32>, vector<10000x32xf32> -> vector<10000x32xf32>
    %mul3A_28 = vector.broadcast %get3A_1 : vector<10000x1xf32> to vector<10000x32xf32>
    %mul3A_29 = arith.mulf %mul3A_28, %dot_general3A_27 : vector<10000x32xf32>
    %swap3A = arith.constant 0 : index
    %swap3A_30 = arith.constant 0 : index
    %swap3A_31 = vector.load %arg7[%swap3A, %swap3A_30] : memref<10000x32xf32, #tpu.memory_space<vmem>>, vector<10000x32xf32>
    tpu.vector_store %arg7[%swap3A, %swap3A_30], %mul3A_29 {strides = array<i32>} : memref<10000x32xf32, #tpu.memory_space<vmem>>, vector<10000x32xf32>,
    return
  }
  func.func @transform_0(%arg0: i32) -> (i32, i32, i32) {
    %c0_i32 = arith.constant 0 : i32
    %c0_i32_0 = arith.constant 0 : i32
    %c0_i32_1 = arith.constant 0 : i32
    return %c0_i32, %arg0, %c0_i32_0 : i32, i32, i32
  }
  func.func @transform_1(%arg0: i32) -> (i32, i32, i32) {
    %c1_i32 = arith.constant 1 : i32
    %c0_i32 = arith.constant 0 : i32
    %c0_i32_0 = arith.constant 0 : i32
    return %c1_i32, %arg0, %c0_i32 : i32, i32, i32
  }
  func.func @transform_2(%arg0: i32) -> (i32, i32) {
    %c0_i32 = arith.constant 0 : i32
    %c0_i32_0 = arith.constant 0 : i32
    return %arg0, %c0_i32 : i32, i32
  }
  func.func @transform_3(%arg0: i32) -> (i32, i32) {
    %c0_i32 = arith.constant 0 : i32
    %c0_i32_0 = arith.constant 0 : i32
    return %arg0, %c0_i32 : i32, i32
  }
  func.func @transform_4(%arg0: i32) -> (i32, i32) {
    %c0_i32 = arith.constant 0 : i32
    %c0_i32_0 = arith.constant 0 : i32
    %c0_i32_1 = arith.constant 0 : i32
    return %c0_i32, %c0_i32_0 : i32, i32
  }
  func.func @transform_5(%arg0: i32) -> (i32, i32) {
    %c0_i32 = arith.constant 0 : i32
    %c0_i32_0 = arith.constant 0 : i32
    %c0_i32_1 = arith.constant 0 : i32
    return %c0_i32, %c0_i32_0 : i32, i32
  }
  func.func @transform_6(%arg0: i32) -> (i32, i32) {
    %c0_i32 = arith.constant 0 : i32
    %c0_i32_0 = arith.constant 0 : i32
    return %arg0, %c0_i32 : i32, i32
  }
}

module attributes {stable_mosaic.version = 14 : i64} {
  func.func @_tc_mid_body(%arg0: i32, %arg1: memref<1x10000x32xf32, #tpu.memory_space<vmem>>, %arg2: memref<1x10000x32xf32, #tpu.memory_space<vmem>>, %arg3: memref<10000x32xf32, #tpu.memory_space<vmem>>, %arg4: memref<10000x16xf32, #tpu.memory_space<vmem>>, %arg5: memref<32x16xf32, #tpu.memory_space<vmem>>, %arg6: memref<8x32xf32, #tpu.memory_space<vmem>>, %arg7: memref<10000x16xf32, #tpu.memory_space<vmem>>) attributes {dimension_semantics = [#tpu.dimension_semantics<arbitrary>], iteration_bounds = array<i64: 1>, scalar_prefetch = 0 : i64, scratch_operands = 0 : i64, tpu.core_type = #tpu.core_type<tc>, window_params = [{transform_indices = @transform_0, window_bounds = array<i64: 1, 10000, 32>}, {transform_indices = @transform_1, window_bounds = array<i64: 1, 10000, 32>}, {transform_indices = @transform_2, window_bounds = array<i64: 10000, 32>}, {transform_indices = @transform_3, window_bounds = array<i64: 10000, 16>}, {pipeline_mode = #tpu.pipeline_mode<synchronous>, transform_indices = @transform_4, window_bounds = array<i64: 32, 16>}, {pipeline_mode = #tpu.pipeline_mode<synchronous>, transform_indices = @transform_5, window_bounds = array<i64: 8, 32>}, {transform_indices = @transform_6, window_bounds = array<i64: 10000, 16>}]} {
    %get3A = arith.constant 0 : index
    %get3A_0 = arith.constant 0 : index
    %get3A_1 = vector.load %arg4[%get3A, %get3A_0] : memref<10000x16xf32, #tpu.memory_space<vmem>>, vector<10000x1xf32>
    %get3A_2 = arith.constant 0 : index
    %get3A_3 = arith.constant 0 : index
    %get3A_4 = arith.constant 0 : index
    %get3A_5 = vector.load %arg1[%get3A_2, %get3A_3, %get3A_4] : memref<1x10000x32xf32, #tpu.memory_space<vmem>>, vector<1x10000x32xf32>
    %get3A_6 = vector.shape_cast %get3A_5 : vector<1x10000x32xf32> to vector<10000x32xf32>
    %get3A_7 = arith.constant 0 : index
    %get3A_8 = arith.constant 0 : index
    %get3A_9 = arith.constant 0 : index
    %get3A_10 = vector.load %arg2[%get3A_7, %get3A_8, %get3A_9] : memref<1x10000x32xf32, #tpu.memory_space<vmem>>, vector<1x10000x32xf32>
    %get3A_11 = vector.shape_cast %get3A_10 : vector<1x10000x32xf32> to vector<10000x32xf32>
    %add3A = arith.addf %get3A_6, %get3A_11 : vector<10000x32xf32>
    %get3A_12 = arith.constant 0 : index
    %get3A_13 = arith.constant 0 : index
    %get3A_14 = vector.load %arg3[%get3A_12, %get3A_13] : memref<10000x32xf32, #tpu.memory_space<vmem>>, vector<10000x32xf32>
    %add3A_15 = arith.addf %add3A, %get3A_14 : vector<10000x32xf32>
    %mul3A = vector.broadcast %get3A_1 : vector<10000x1xf32> to vector<10000x32xf32>
    %mul3A_16 = arith.mulf %mul3A, %add3A_15 : vector<10000x32xf32>
    %get3A_17 = arith.constant 0 : index
    %get3A_18 = arith.constant 0 : index
    %get3A_19 = vector.load %arg6[%get3A_17, %get3A_18] : memref<8x32xf32, #tpu.memory_space<vmem>>, vector<1x32xf32>
    %add3A_20 = vector.broadcast %get3A_19 : vector<1x32xf32> to vector<10000x32xf32>
    %add3A_21 = arith.addf %mul3A_16, %add3A_20 : vector<10000x32xf32>
    %max3A = arith.constant 0.000000e+00 : f32
    %max3A_22 = vector.broadcast %max3A : f32 to vector<10000x32xf32>
    %max3A_23 = arith.maximumf %add3A_21, %max3A_22 : vector<10000x32xf32>
    %get3A_24 = arith.constant 0 : index
    %get3A_25 = arith.constant 0 : index
    %get3A_26 = vector.load %arg5[%get3A_24, %get3A_25] : memref<32x16xf32, #tpu.memory_space<vmem>>, vector<32x16xf32>
    %dot_general3A = arith.constant dense<0.000000e+00> : vector<10000x16xf32>
    %dot_general3A_27 = tpu.matmul %max3A_23, %get3A_26, %dot_general3A {dimension_numbers = #tpu.dot_dimension_numbers<[1], [0], [0], [1], [0, 0, 1, 1], [], []>, transpose_lhs_hint = false} : vector<10000x32xf32>, vector<32x16xf32>, vector<10000x16xf32> -> vector<10000x16xf32>
    %mul3A_28 = vector.broadcast %get3A_1 : vector<10000x1xf32> to vector<10000x16xf32>
    %mul3A_29 = arith.mulf %mul3A_28, %dot_general3A_27 : vector<10000x16xf32>
    %swap3A = arith.constant 0 : index
    %swap3A_30 = arith.constant 0 : index
    %swap3A_31 = vector.load %arg7[%swap3A, %swap3A_30] : memref<10000x16xf32, #tpu.memory_space<vmem>>, vector<10000x16xf32>
    tpu.vector_store %arg7[%swap3A, %swap3A_30], %mul3A_29 {strides = array<i32>} : memref<10000x16xf32, #tpu.memory_space<vmem>>, vector<10000x16xf32>,
    return
  }
  func.func @transform_0(%arg0: i32) -> (i32, i32, i32) {
    %c0_i32 = arith.constant 0 : i32
    %c0_i32_0 = arith.constant 0 : i32
    %c0_i32_1 = arith.constant 0 : i32
    return %c0_i32, %arg0, %c0_i32_0 : i32, i32, i32
  }
  func.func @transform_1(%arg0: i32) -> (i32, i32, i32) {
    %c1_i32 = arith.constant 1 : i32
    %c0_i32 = arith.constant 0 : i32
    %c0_i32_0 = arith.constant 0 : i32
    return %c1_i32, %arg0, %c0_i32 : i32, i32, i32
  }
  func.func @transform_2(%arg0: i32) -> (i32, i32) {
    %c0_i32 = arith.constant 0 : i32
    %c0_i32_0 = arith.constant 0 : i32
    return %arg0, %c0_i32 : i32, i32
  }
  func.func @transform_3(%arg0: i32) -> (i32, i32) {
    %c0_i32 = arith.constant 0 : i32
    %c0_i32_0 = arith.constant 0 : i32
    return %arg0, %c0_i32 : i32, i32
  }
  func.func @transform_4(%arg0: i32) -> (i32, i32) {
    %c0_i32 = arith.constant 0 : i32
    %c0_i32_0 = arith.constant 0 : i32
    %c0_i32_1 = arith.constant 0 : i32
    return %c0_i32, %c0_i32_0 : i32, i32
  }
  func.func @transform_5(%arg0: i32) -> (i32, i32) {
    %c0_i32 = arith.constant 0 : i32
    %c0_i32_0 = arith.constant 0 : i32
    %c0_i32_1 = arith.constant 0 : i32
    return %c0_i32, %c0_i32_0 : i32, i32
  }
  func.func @transform_6(%arg0: i32) -> (i32, i32) {
    %c0_i32 = arith.constant 0 : i32
    %c0_i32_0 = arith.constant 0 : i32
    return %arg0, %c0_i32 : i32, i32
  }
}

module attributes {stable_mosaic.version = 14 : i64} {
  func.func @_tc_out_body(%arg0: i32, %arg1: memref<1x10000x16xf32, #tpu.memory_space<vmem>>, %arg2: memref<1x10000x16xf32, #tpu.memory_space<vmem>>, %arg3: memref<10000x16xf32, #tpu.memory_space<vmem>>, %arg4: memref<10000x16xf32, #tpu.memory_space<vmem>>, %arg5: memref<8x16xf32, #tpu.memory_space<vmem>>, %arg6: memref<16x7xf32, #tpu.memory_space<vmem>>, %arg7: memref<8x7xf32, #tpu.memory_space<vmem>>, %arg8: memref<10000x7xf32, #tpu.memory_space<vmem>>) attributes {dimension_semantics = [#tpu.dimension_semantics<arbitrary>], iteration_bounds = array<i64: 1>, scalar_prefetch = 0 : i64, scratch_operands = 0 : i64, tpu.core_type = #tpu.core_type<tc>, window_params = [{transform_indices = @transform_0, window_bounds = array<i64: 1, 10000, 16>}, {transform_indices = @transform_1, window_bounds = array<i64: 1, 10000, 16>}, {transform_indices = @transform_2, window_bounds = array<i64: 10000, 16>}, {transform_indices = @transform_3, window_bounds = array<i64: 10000, 16>}, {pipeline_mode = #tpu.pipeline_mode<synchronous>, transform_indices = @transform_4, window_bounds = array<i64: 8, 16>}, {pipeline_mode = #tpu.pipeline_mode<synchronous>, transform_indices = @transform_5, window_bounds = array<i64: 16, 7>}, {pipeline_mode = #tpu.pipeline_mode<synchronous>, transform_indices = @transform_6, window_bounds = array<i64: 8, 7>}, {transform_indices = @transform_7, window_bounds = array<i64: 10000, 7>}]} {
    %get3A = arith.constant 0 : index
    %get3A_0 = arith.constant 0 : index
    %get3A_1 = vector.load %arg4[%get3A, %get3A_0] : memref<10000x16xf32, #tpu.memory_space<vmem>>, vector<10000x1xf32>
    %get3A_2 = arith.constant 0 : index
    %get3A_3 = arith.constant 0 : index
    %get3A_4 = arith.constant 0 : index
    %get3A_5 = vector.load %arg1[%get3A_2, %get3A_3, %get3A_4] : memref<1x10000x16xf32, #tpu.memory_space<vmem>>, vector<1x10000x16xf32>
    %get3A_6 = vector.shape_cast %get3A_5 : vector<1x10000x16xf32> to vector<10000x16xf32>
    %get3A_7 = arith.constant 0 : index
    %get3A_8 = arith.constant 0 : index
    %get3A_9 = arith.constant 0 : index
    %get3A_10 = vector.load %arg2[%get3A_7, %get3A_8, %get3A_9] : memref<1x10000x16xf32, #tpu.memory_space<vmem>>, vector<1x10000x16xf32>
    %get3A_11 = vector.shape_cast %get3A_10 : vector<1x10000x16xf32> to vector<10000x16xf32>
    %add3A = arith.addf %get3A_6, %get3A_11 : vector<10000x16xf32>
    %get3A_12 = arith.constant 0 : index
    %get3A_13 = arith.constant 0 : index
    %get3A_14 = vector.load %arg3[%get3A_12, %get3A_13] : memref<10000x16xf32, #tpu.memory_space<vmem>>, vector<10000x16xf32>
    %add3A_15 = arith.addf %add3A, %get3A_14 : vector<10000x16xf32>
    %mul3A = vector.broadcast %get3A_1 : vector<10000x1xf32> to vector<10000x16xf32>
    %mul3A_16 = arith.mulf %mul3A, %add3A_15 : vector<10000x16xf32>
    %get3A_17 = arith.constant 0 : index
    %get3A_18 = arith.constant 0 : index
    %get3A_19 = vector.load %arg5[%get3A_17, %get3A_18] : memref<8x16xf32, #tpu.memory_space<vmem>>, vector<1x16xf32>
    %add3A_20 = vector.broadcast %get3A_19 : vector<1x16xf32> to vector<10000x16xf32>
    %add3A_21 = arith.addf %mul3A_16, %add3A_20 : vector<10000x16xf32>
    %get3A_22 = arith.constant 0 : index
    %get3A_23 = arith.constant 0 : index
    %get3A_24 = vector.load %arg6[%get3A_22, %get3A_23] : memref<16x7xf32, #tpu.memory_space<vmem>>, vector<16x7xf32>
    %dot_general3A = arith.constant dense<0.000000e+00> : vector<10000x7xf32>
    %dot_general3A_25 = tpu.matmul %add3A_21, %get3A_24, %dot_general3A {dimension_numbers = #tpu.dot_dimension_numbers<[1], [0], [0], [1], [0, 0, 1, 1], [], []>, transpose_lhs_hint = false} : vector<10000x16xf32>, vector<16x7xf32>, vector<10000x7xf32> -> vector<10000x7xf32>
    %get3A_26 = arith.constant 0 : index
    %get3A_27 = arith.constant 0 : index
    %get3A_28 = vector.load %arg7[%get3A_26, %get3A_27] : memref<8x7xf32, #tpu.memory_space<vmem>>, vector<1x7xf32>
    %add3A_29 = vector.broadcast %get3A_28 : vector<1x7xf32> to vector<10000x7xf32>
    %add3A_30 = arith.addf %dot_general3A_25, %add3A_29 : vector<10000x7xf32>
    %swap3A = arith.constant 0 : index
    %swap3A_31 = arith.constant 0 : index
    %swap3A_32 = vector.load %arg8[%swap3A, %swap3A_31] : memref<10000x7xf32, #tpu.memory_space<vmem>>, vector<10000x7xf32>
    tpu.vector_store %arg8[%swap3A, %swap3A_31], %add3A_30 {strides = array<i32>} : memref<10000x7xf32, #tpu.memory_space<vmem>>, vector<10000x7xf32>,
    return
  }
  func.func @transform_0(%arg0: i32) -> (i32, i32, i32) {
    %c0_i32 = arith.constant 0 : i32
    %c0_i32_0 = arith.constant 0 : i32
    %c0_i32_1 = arith.constant 0 : i32
    return %c0_i32, %arg0, %c0_i32_0 : i32, i32, i32
  }
  func.func @transform_1(%arg0: i32) -> (i32, i32, i32) {
    %c1_i32 = arith.constant 1 : i32
    %c0_i32 = arith.constant 0 : i32
    %c0_i32_0 = arith.constant 0 : i32
    return %c1_i32, %arg0, %c0_i32 : i32, i32, i32
  }
  func.func @transform_2(%arg0: i32) -> (i32, i32) {
    %c0_i32 = arith.constant 0 : i32
    %c0_i32_0 = arith.constant 0 : i32
    return %arg0, %c0_i32 : i32, i32
  }
  func.func @transform_3(%arg0: i32) -> (i32, i32) {
    %c0_i32 = arith.constant 0 : i32
    %c0_i32_0 = arith.constant 0 : i32
    return %arg0, %c0_i32 : i32, i32
  }
  func.func @transform_4(%arg0: i32) -> (i32, i32) {
    %c0_i32 = arith.constant 0 : i32
    %c0_i32_0 = arith.constant 0 : i32
    %c0_i32_1 = arith.constant 0 : i32
    return %c0_i32, %c0_i32_0 : i32, i32
  }
  func.func @transform_5(%arg0: i32) -> (i32, i32) {
    %c0_i32 = arith.constant 0 : i32
    %c0_i32_0 = arith.constant 0 : i32
    %c0_i32_1 = arith.constant 0 : i32
    return %c0_i32, %c0_i32_0 : i32, i32
  }
  func.func @transform_6(%arg0: i32) -> (i32, i32) {
    %c0_i32 = arith.constant 0 : i32
    %c0_i32_0 = arith.constant 0 : i32
    %c0_i32_1 = arith.constant 0 : i32
    return %c0_i32, %c0_i32_0 : i32, i32
  }
  func.func @transform_7(%arg0: i32) -> (i32, i32) {
    %c0_i32 = arith.constant 0 : i32
    %c0_i32_0 = arith.constant 0 : i32
    return %arg0, %c0_i32 : i32, i32
  }
}

</mosaic_0001>

<sc_bundles>
// kernel: kernel.11.cloned.1.call-start
scs
__scs_entry_jumppad:
0x0: {  	(pc) =	sbr.rel $0x88, $3  }
0x1: {  	(tag) =	ssettag $0x0;
	lr =	simm.s32 $0x1  }
0x2: {  	[smem:$0x3F97] =	sst lr;
	_ =	strace $0xD0000000  }
0x3: {  	_ = 	snop  }
0x4: {  	_ = 	snop  }
0x5: {  	_ = 	snop  }
0x6: {  	_ = 	snop  }
0x7: {  	_ = 	snop  }
__scs_overlays_trampoline_lowered:
0x8: {  	[smem:$0x3FA6] =	sst s0  }
0x9: {  	[smem:$0x3FA7] =	sst s1  }
0xa: {  	[smem:$0x3FA8] =	sst s2  }
0xb: {  	[smem:$0x3FA9] =	sst s3  }
0xc: {  	[smem:$0x3FAA] =	sst s4  }
0xd: {  	[smem:$0x3FAB] =	sst s5  }
0xe: {  	[smem:$0x3FAC] =	sst s6  }
0xf: {  	[smem:$0x3FAD] =	sst s7  }
0x10: {  	[smem:$0x3FAE] =	sst s8  }
0x11: {  	[smem:$0x3FAF] =	sst s9;
	s0 =	simm.s32 @!p0 $0x0  }
0x12: {  	s1 =	sld [smem:$0x3F95];
	s0 =	simm.s32 @p0 $0x1  }
0x13: {  	[smem:$0x3FB0] =	sst s0;
	s0 =	simm.s32 @!p1 $0x0  }
0x14: {  	s2 =	sld [smem:$0x3F94];
	s0 =	simm.s32 @p1 $0x1  }
0x15: {  	[smem:$0x3FB1] =	sst s0;
	s0 =	simm.s32 @!p2 $0x0  }
0x16: {  	s3 =	sld [smem:$0x3FDB];
	s0 =	simm.s32 @p2 $0x1  }
0x17: {  	s4 =	simm.s32 $0x1BF5;
	[smem:$0x3FB3] =	sst s0  }
0x18: {  	s0 =	sld [smem:$0x3F96];
	_ =	swait.ge [sflag:s4], $0x0  }
0x19: {  	s7 =	sld [smem:$0x3F97]  }
0x1a: {  	s8 =	sadd.s32 $0xFFFFE003, lr  }
0x1b: {  	s9 =	sadd.s32 $0xFFFFFEF7, lr;
	s5 =	simm.s32 $0xFFFFFFFF;
	p2 =	slt.u32 s8, $0xFFFFF086  }
0x1c: {  	p1 =	slt.u32 s9, $0xF7A;
	s5 =	simm.s32 @!p2 $0x0  }
0x1d: {  	s5 =	simm.s32 @p1 $0x1;
	p0 =	seq.s32 s7, s2  }
0x1e: {  	s7 =	smul.u32 @!p0 $0xF7A, s2;
	p2 =	seq.s32 @!p0 s5, $0x0  }
0x1f: {  	s9 =	smul.u32 $0xF7A, s1;
	s8 =	simm.s32 @!p0 $0x1BF5;
	p2 =	por !p2, p0  }
0x20: {  	[sflag:s8] =	ssyncset.s32 @!p0 $0xFFFFF086;
	s6 =	sadd.s32 @!p0 s3, s7;
	s7 =	simm.s32 @!p0 $0x108  }
0x21: {  	s3 =	sadd.s32 s3, s9;
	s6 =	sadd.s32 @!p0 $0x88, s6;
	s7 =	simm.s32 @p2 $0x1082  }
0x22: {  	[simem:s7], [sflag:s8] =	dma.local @!p0 [hbm:s6], $0xF7A  }
0x23: {  	s9 =	sor.u32 $0xD0000000, s2;
	s6 =	simm.s32 $0x108;
	_ =	swait.ge @!p0 [sflag:s8], $0x0  }
0x24: {  	s3 =	sadd.s32 $0x88, s3;
	s6 =	simm.s32 @!p1 $0x1082;
	[sflag:s4] =	ssyncset.s32 $0xFFFFF086  }
0x25: {  	[simem:s6], [sflag:s4] =	dma.local [hbm:s3], $0xF7A  }
0x26: {  	[smem:$0x3F97] =	sst s1;
	(tag) =	ssettag s2;
	_ =	strace s9  }
0x27: {  	s1 =	sld [smem:$0x3FA7]  }
0x28: {  	s2 =	sld [smem:$0x3FA8]  }
0x29: {  	s4 =	sld [smem:$0x3FAA]  }
0x2a: {  	p0 =	seq.s32 s5, $0x0;
	s5 =	sld [smem:$0x3FAB]  }
0x2b: {  	s6 =	sld [smem:$0x3FAC]  }
0x2c: {  	s7 =	sld [smem:$0x3FAD]  }
0x2d: {  	s3 =	simm.s32 $0x108;
	s8 =	sld [smem:$0x3FAE]  }
0x2e: {  	s3 =	simm.s32 @!p0 $0x1082;
	s9 =	sld [smem:$0x3FAF]  }
0x2f: {  	lr =	sadd.s32 s0, s3;
	s0 =	sld [smem:$0x3FA6]  }
0x30: {  	s3 =	sld [smem:$0x3FA9]  }
0x31: {  	[smem:$0x3FB2] =	sst s10  }
0x32: {  	s10 =	sld [smem:$0x3FB0];
	_ =	sdelay $0x3  }
0x33: {  	p0 =	seq.s32 s10, $0x1;
	s10 =	sld [smem:$0x3FB2];
	_ =	sdelay $0x3  }
0x34: {  	[smem:$0x3FB2] =	sst s10  }
0x35: {  	s10 =	sld [smem:$0x3FB1];
	_ =	sdelay $0x3  }
0x36: {  	p1 =	seq.s32 s10, $0x1;
	s10 =	sld [smem:$0x3FB2];
	_ =	sdelay $0x3  }
0x37: {  	[smem:$0x3FB2] =	sst s10  }
0x38: {  	s10 =	sld [smem:$0x3FB3]  }
0x39: {  	_ = 	snop;
	(pc) =	sbr.ind lr, $3  }
0x3a: {  	_ = 	snop  }
0x3b: {  	_ = 	snop  }
0x3c: {  	p2 =	seq.s32 s10, $0x1;
	s10 =	sld [smem:$0x3FB2]  }
0x3d: {  	_ =	shalt  }
0x3e: {  	_ =	shalt  }
0x3f: {  	_ =	shalt  }
0x40: {  	_ =	shalt  }
0x41: {  	_ =	shalt  }
0x42: {  	_ =	shalt  }
0x43: {  	_ =	shalt  }
0x44: {  	_ =	shalt  }
0x45: {  	_ =	shalt  }
0x46: {  	_ =	shalt  }
0x47: {  	_ =	shalt  }
0x48: {  	_ =	shalt  }
0x49: {  	_ =	shalt  }
0x4a: {  	_ =	shalt  }
0x4b: {  	_ =	shalt  }
0x4c: {  	_ =	shalt  }
0x4d: {  	_ =	shalt  }
0x4e: {  	_ =	shalt  }
0x4f: {  	_ =	shalt  }
0x50: {  	_ =	shalt  }
0x51: {  	_ =	shalt  }
0x52: {  	_ =	shalt  }
0x53: {  	_ =	shalt  }
0x54: {  	_ =	shalt  }
0x55: {  	_ =	shalt  }
0x56: {  	_ =	shalt  }
0x57: {  	_ =	shalt  }
0x58: {  	_ =	shalt  }
0x59: {  	_ =	shalt  }
0x5a: {  	_ =	shalt  }
0x5b: {  	_ =	shalt  }
0x5c: {  	_ =	shalt  }
0x5d: {  	_ =	shalt  }
0x5e: {  	_ =	shalt  }
0x5f: {  	_ =	shalt  }
0x60: {  	_ =	shalt  }
0x61: {  	_ =	shalt  }
0x62: {  	_ =	shalt  }
0x63: {  	_ =	shalt  }
0x64: {  	_ =	shalt  }
0x65: {  	_ =	shalt  }
0x66: {  	_ =	shalt  }
0x67: {  	_ =	shalt  }
0x68: {  	_ =	shalt  }
0x69: {  	_ =	shalt  }
0x6a: {  	_ =	shalt  }
0x6b: {  	_ =	shalt  }
0x6c: {  	_ =	shalt  }
0x6d: {  	_ =	shalt  }
0x6e: {  	_ =	shalt  }
0x6f: {  	_ =	shalt  }
0x70: {  	_ =	shalt  }
0x71: {  	_ =	shalt  }
0x72: {  	_ =	shalt  }
0x73: {  	_ =	shalt  }
0x74: {  	_ =	shalt  }
0x75: {  	_ =	shalt  }
0x76: {  	_ =	shalt  }
0x77: {  	_ =	shalt  }
0x78: {  	_ =	shalt  }
0x79: {  	_ =	shalt  }
0x7a: {  	_ =	shalt  }
0x7b: {  	_ =	shalt  }
0x7c: {  	_ =	shalt  }
0x7d: {  	_ =	shalt  }
0x7e: {  	_ =	shalt  }
0x7f: {  	_ =	shalt  }
0x80: {  	_ =	shalt  }
0x81: {  	_ =	shalt  }
0x82: {  	_ =	shalt  }
0x83: {  	_ =	shalt  }
0x84: {  	_ =	shalt  }
0x85: {  	_ =	shalt  }
0x86: {  	_ =	shalt  }
0x87: {  	_ =	shalt  }
.Lfunc_end0:
.L_simem_size_0:
called_computation_lowered:
.L_overlay_start_0:
0x88: {  	s2 =	sld [smem:$0x3FD9]  }
0x89: {  	s3 =	sld [smem:$0x3FFE];
	_ =	sdelay $0x1  }
0x8a: {  	s1 =	srdreg.scid  }
0x8b: {  	s0 =	sand.u32 $0x1, s1  }
0x8c: {  	s16 =	sshll.u32 s0, $0xA;
	s2 =	sadd.s32 s3, s2  }
0x8d: {  	s2 =	sadd.s32 s2, s16  }
0x8e: {  	[smem:$0x3FBE] =	sst s2  }
0x8f: {  	_ = 	snop  }
0x90: {  	(tm) =	ssettm $0x1  }
0x91: {  	s17 =	sld [smem:$0x3FFB];
	_ =	sdelay $0x3  }
0x92: {  	_ =	strace s17  }
0x93: {  	s2 =	sld [smem:$0x3FFC];
	_ =	sdelay $0x3  }
0x94: {  	_ =	strace s2  }
0x95: {  	s2 =	sld [smem:$0x3FFD];
	_ =	sdelay $0x3  }
0x96: {  	_ =	strace s2  }
0x97: {  	_ =	strace $0x8FFFFFFF  }
0x98: {  	s18 =	sld [smem:$0x3FDB];
	_ =	sdelay $0x1  }
0x99: {  	s19 =	simm.s32 $_scs_section_size  }
0x9a: {  	s4 =	simm.s32 $_size__tile_overlayer_lowered;
	s5 =	simm.s32 $_tile_overlayer_lowered  }
0x9b: {  	s22 =	simm.s32 $0x1BFF;
	s21 =	sshll.u32 s5, $0x1;
	s2 =	sadd.s32 s19, s18  }
0x9c: {  	s6 =	simm.s32 $0x0;
	s20 =	sshll.u32 s4, $0x1;
	s4 =	sadd.s32 s21, s2  }
0x9d: {  	[timem:s6], [sflag:s22] =	dma.local [hbm:s4], s20  }
0x9e: {  	_ =	swait.ge [sflag:s22], s20  }
0x9f: {  	s3 =	ssub.s32 $0x0, s20;
	[sflag:s22] =	ssyncset.done $0x0  }
0xa0: {  	[sflag:s22] =	ssyncadd.s32 s3;
	_ =	sdelay $0x1  }
0xa1: {  	s23 =	simm.s32 $0x1B8B  }
0xa2: {  	_ =	swait.ge [sflag:s23], $0x1  }
0xa3: {  	[sflag:s23] =	ssyncset.done $0x0  }
0xa4: {  	s25 =	simm.s32 $0x1B8E;
	s24 =	sld [smem:$0x3FFE];
	[sflag:s23] =	ssyncadd.s32 $0xFFFFFFFF  }
0xa5: {  	s26 =	simm.s32 $execute0_lowered;
	[smem:$0x3FD2] =	sst s25  }
0xa6: {  	s4 =	sshll.u32 s26, $0x1;
	_ =	strace $0x80000046;
	[dreg:$0x1] =	wrdreg $0xFFFFFFFF  }
0xa7: {  	s28 =	simm.s32 $_size_execute0_lowered;
	s2 =	sadd.s32 s2, s4;
	[dreg:$0x0] =	wrdreg $0x0  }
0xa8: {  	s4 =	sshll.u32 s28, $0x1;
	[dreg:$0x2] =	wrdreg s2  }
0xa9: {  	[dreg:$0x3] =	wrdreg s4  }
0xaa: {  	[dreg:$0x4] =	wrdreg $0xC0  }
0xab: {  	_ =	task [dreg:s6], $0x5FFFF  }
0xac: {  	[dreg:$0x1] =	wrdreg $0xFFFFFFFF  }
0xad: {  	[dreg:$0x0] =	wrdreg $0x60  }
0xae: {  	[dreg:$0x2] =	wrdreg s24  }
0xaf: {  	[dreg:$0x3] =	wrdreg $0x3D900  }
0xb0: {  	[dreg:$0x4] =	wrdreg $0x9  }
0xb1: {  	_ =	task.clear_ibuf [dreg:s6], $0x5FFFF;
	_ =	strace $0x90000046  }
0xb2: {  	s29 =	simm.s32 $0x9;
	_ =	strace $0x80000048  }
0xb3: {  	_ =	swait.ge [sflag:s29], $0x1  }
0xb4: {  	[sflag:s29] =	ssyncadd.s32 $0xFFFFFFFF  }
0xb5: {  	_ =	strace $0x90000048  }
0xb6: {  	_ =	sfence  }
0xb7: {  	s30 =	sld [smem:$0x0];
	_ =	sdelay $0x2  }
0xb8: {  	s31 =	sshll.u32 s1, $0xD;
	s1 =	sshrl.u32 s1, $0x2  }
0xb9: {  	s3 =	sand.u32 $0x4000, s31;
	s1 =	sadd.s32 s1, s30  }
0xba: {  	s0 =	sor.u32 s3, s0;
	s1 =	sshll.u32 s1, $0x11  }
0xbb: {  	s0 =	sor.u32 s1, s0  }
0xbc: {  	s0 =	sadd.s32 $0x8F2B, s0  }
0xbd: {  	[sflag:s0] =	ssyncadd.remote.s32 $0x1  }
0xbe: {  	_ =	sfence.sel $0xFFFF  }
0xbf: {  	[dreg:$0x0] =	wrdreg $0xFFFFFFFF;
	(pc) =	sbr.abs _section_cstart, $3  }
0xc0: {  	[dreg:$0x1] =	wrdreg $0xFFFFFFFF  }
0xc1: {  	_ =	task.clear_ibuf [dreg:s6], $0x2FFFF;
	_ =	strace $0x9FFFFFFF  }
0xc2: {  	(tm) =	ssettm $0x7FFFFFFF  }
0xc3: {  	_ =	shalt  }
tec
execute0_lowered:
.L_overlay_start_1:
0x0: {  	(tag) =	ssettag $0x1  }
0x1: {  	s0 =	rddreg [dreg:$0x0]  }
0x2: {  	s2 =	rddreg [dreg:$0x1]  }
0x3: {  	s1 =	srdreg.scid;
	s7 =	stileid.u32;
	s3 =	simm.s32 $0x0  }
0x4: {  	s16 =	simm.s32 $0x3900;
	s17 =	simm.s32 $0x2;
	s18 =	simm.s32 $0x100  }
0x5: {  	s19 =	simm.s32 $0x2900;
	s28 =	simm.s32 $0x1;
	s31 =	simm.s32 $0x2000  }
0x6: {  	s20 =	simm.s32 $0x2300;
	s21 =	simm.s32 $0x2400;
	s22 =	simm.s32 $0x2500  }
0x7: {  	s23 =	simm.s32 $0x2600;
	s24 =	simm.s32 $0x2700;
	s6 =	smul.u32 $0x2910, s7  }
0x8: {  	s1 =	sand.u32 $0x1, s1;
	s5 =	sshll.u32 s7, $0x1;
	s7 =	smul.u32 $0xA440, s7  }
0x9: {  	s26 =	simm.s32 $0x0;
	[smem:$0x7FF] =	sst s3;
	s4 =	smul.u32 $0x29100, s1  }
0xa: {  	s5 =	sor.u32 s1, s5;
	_ =	strace $0x80000047;
	s1 =	ssub.s32 $0x2, s1  }
0xb: {  	s5 =	smul.u32 $0x520, s5;
	s29 =	sshrl.u32 s1, $0x1;
	s7 =	sshrl.u32 s7, $0x2  }
0xc: {  	s30 =	sadd.s32 s6, s2;
	s4 =	sadd.s32 s6, s4;
	s1 =	ssub.s32 s1, s29  }
0xd: {  	s6 =	sadd.s32 s7, s2;
	s25 =	sshrl.u32 s30, $0x3;
	s4 =	sshrl.u32 s4, $0x3  }
0xe: {  	s5 =	sadd.s32 s5, s0;
	s7 =	smax.u32 s1, $0x1;
	s8 =	sadd.s32 $0x490, s6  }
0xf: {  	s9 =	sadd.s32 $0x920, s6;
	s10 =	sadd.s32 $0xDB0, s6;
	s11 =	sadd.s32 $0x1240, s6  }
0x10: {  	s12 =	sadd.s32 $0x16D0, s6;
	s13 =	sadd.s32 $0x1B60, s6;
	s14 =	sadd.s32 $0x1FF0, s6  }
0x11: {  	s15 =	sadd.s32 $0x2480, s6;
	s1 =	simm.s32 $0x2200;
	s0 =	sadd.s32 s4, s0  }
0x12: {  	v0 =	vimm.f32 $0.0e+00;
	v1 =	vimm.f32 $1.000000000e+00;
	s4 =	sadd.s32 $0x2400, s5;
	s5 =	sadd.s32 $0xC800, s0;
	s0 =	simm.s32 $0x2100  }
.LBB2_1:
0x13: {  	s29 =	simm.s32 $0x0  }
.LBB2_2:
0x14: {  	p0 =	sne.s32 s29, $0x1200  }
.Ltmp0:
0x15: {  	_ = 	snop;
	(pc) =	sbr.rel @p0 .LBB2_2-.Ltmp0, $3  }
0x16: {  	_ =	sdelay $0x1  }
0x17: {  	s30 =	sshra.s32 s29, $0x2  }
0x18: {  	s29 =	sadd.s32 $0x40, s29;
	[tilespmem:s30+$0x3900] =	vst v0  }
0x19: {  	s29 =	simm.s32 $0x40;
	s30 =	simm.s32 $0x0  }
.LBB2_4:
0x1a: {  	p0 =	sne.s32 s29, $0x3FC0;
	[tilespmem:s30+$0x2900] =	vst v1;
	s30 =	smov.u32 s29;
	s29 =	sadd.s32 $0x40, s29  }
.Ltmp1:
0x1b: {  	(pc) =	sbr.rel @p0 .LBB2_4-.Ltmp1, $2  }
0x1c: {  	_ =	sdelay $0x2  }
0x1d: {  	s30 =	sshra.s32 s30, $0x2  }
0x1e: {  	[tilespmem:s30+$0x2900] =	vst v1  }
0x1f: {  	[spmem:s6] =	stream.linear.scatter [tilespmem:s16], [sflag:$0x2], $0x490, $0x38;
	[tilespmem:$0x66A0] =	vst v63  }
0x20: {  	_ =	swait.ge [sflag:s17], $0x490  }
0x21: {  	[sflag:s17] =	ssyncset.done $0x0  }
0x22: {  	[sflag:s17] =	ssyncadd.s32 $0xFFFFFB70  }
0x23: {  	[spmem:s8] =	stream.linear.scatter [tilespmem:s16], [sflag:$0x2], $0x490, $0x38;
	[tilespmem:$0x66A0] =	vst v63  }
0x24: {  	_ =	swait.ge [sflag:s17], $0x490  }
0x25: {  	[sflag:s17] =	ssyncset.done $0x0  }
0x26: {  	[sflag:s17] =	ssyncadd.s32 $0xFFFFFB70  }
0x27: {  	[spmem:s9] =	stream.linear.scatter [tilespmem:s16], [sflag:$0x2], $0x490, $0x38;
	[tilespmem:$0x66A0] =	vst v63  }
0x28: {  	_ =	swait.ge [sflag:s17], $0x490  }
0x29: {  	[sflag:s17] =	ssyncset.done $0x0  }
0x2a: {  	[sflag:s17] =	ssyncadd.s32 $0xFFFFFB70  }
0x2b: {  	[spmem:s10] =	stream.linear.scatter [tilespmem:s16], [sflag:$0x2], $0x490, $0x38;
	[tilespmem:$0x66A0] =	vst v63  }
0x2c: {  	_ =	swait.ge [sflag:s17], $0x490  }
0x2d: {  	[sflag:s17] =	ssyncset.done $0x0  }
0x2e: {  	[sflag:s17] =	ssyncadd.s32 $0xFFFFFB70  }
0x2f: {  	[spmem:s11] =	stream.linear.scatter [tilespmem:s16], [sflag:$0x2], $0x490, $0x38;
	[tilespmem:$0x66A0] =	vst v63  }
0x30: {  	_ =	swait.ge [sflag:s17], $0x490  }
0x31: {  	[sflag:s17] =	ssyncset.done $0x0  }
0x32: {  	[sflag:s17] =	ssyncadd.s32 $0xFFFFFB70  }
0x33: {  	[spmem:s12] =	stream.linear.scatter [tilespmem:s16], [sflag:$0x2], $0x490, $0x38;
	[tilespmem:$0x66A0] =	vst v63  }
0x34: {  	_ =	swait.ge [sflag:s17], $0x490  }
0x35: {  	[sflag:s17] =	ssyncset.done $0x0  }
0x36: {  	[sflag:s17] =	ssyncadd.s32 $0xFFFFFB70  }
0x37: {  	[spmem:s13] =	stream.linear.scatter [tilespmem:s16], [sflag:$0x2], $0x490, $0x38;
	[tilespmem:$0x66A0] =	vst v63  }
0x38: {  	_ =	swait.ge [sflag:s17], $0x490  }
0x39: {  	[sflag:s17] =	ssyncset.done $0x0  }
0x3a: {  	[sflag:s17] =	ssyncadd.s32 $0xFFFFFB70  }
0x3b: {  	[spmem:s14] =	stream.linear.scatter [tilespmem:s16], [sflag:$0x2], $0x490, $0x38;
	[tilespmem:$0x66A0] =	vst v63  }
0x3c: {  	_ =	swait.ge [sflag:s17], $0x490  }
0x3d: {  	[sflag:s17] =	ssyncset.done $0x0  }
0x3e: {  	[sflag:s17] =	ssyncadd.s32 $0xFFFFFB70  }
0x3f: {  	[spmem:s15] =	stream.linear.scatter [tilespmem:s16], [sflag:$0x2], $0x490, $0x38;
	[tilespmem:$0x66A0] =	vst v63  }
0x40: {  	_ =	swait.ge [sflag:s17], $0x490  }
0x41: {  	[sflag:s17] =	ssyncset.done $0x0  }
0x42: {  	[sflag:s17] =	ssyncadd.s32 $0xFFFFFB70  }
0x43: {  	[tilespmem:s3], [sflag:$0x2] =	stream.linear.gather [hbm4b:s4+s3], $0x2900, $0x38;
	[tilespmem:$0x66A0] =	vst v63  }
0x44: {  	_ =	swait.ge [sflag:s17], $0x2900  }
0x45: {  	[sflag:s17] =	ssyncset.done $0x0  }
0x46: {  	[sflag:s17] =	ssyncadd.s32 $0xFFFFD700  }
0x47: {  	[bflag:$0x0] =	sbarrier.arrive $0xFFFF  }
0x48: {  	[spmem:s2] =	stream.indirect.scatter.add.f32 [tilespmem:s19], [sflag:$0x1], $0x10, s3, s18, $0xb8;
	[tilespmem:$0x66A0] =	vst v63  }
0x49: {  	_ = 	snop  }
0x4a: {  	[spmem:s2] =	stream.indirect.scatter.add.f32 [tilespmem:s19], [sflag:$0x1], $0x10, s18, s18, $0xb8;
	[tilespmem:$0x66A0] =	vst v63  }
0x4b: {  	s29 =	simm.s32 $0x200  }
0x4c: {  	[spmem:s2] =	stream.indirect.scatter.add.f32 [tilespmem:s19], [sflag:$0x1], $0x10, s29, s18, $0xb8;
	[tilespmem:$0x66A0] =	vst v63  }
0x4d: {  	s30 =	simm.s32 $0x300  }
0x4e: {  	[spmem:s2] =	stream.indirect.scatter.add.f32 [tilespmem:s19], [sflag:$0x1], $0x10, s30, s18, $0xb8;
	[tilespmem:$0x66A0] =	vst v63  }
0x4f: {  	s30 =	simm.s32 $0x400  }
0x50: {  	[spmem:s2] =	stream.indirect.scatter.add.f32 [tilespmem:s19], [sflag:$0x1], $0x10, s30, s18, $0xb8;
	[tilespmem:$0x66A0] =	vst v63  }
0x51: {  	s30 =	simm.s32 $0x500  }
0x52: {  	[spmem:s2] =	stream.indirect.scatter.add.f32 [tilespmem:s19], [sflag:$0x1], $0x10, s30, s18, $0xb8;
	[tilespmem:$0x66A0] =	vst v63  }
0x53: {  	s30 =	simm.s32 $0x600  }
0x54: {  	[spmem:s2] =	stream.indirect.scatter.add.f32 [tilespmem:s19], [sflag:$0x1], $0x10, s30, s18, $0xb8;
	[tilespmem:$0x66A0] =	vst v63  }
0x55: {  	s30 =	simm.s32 $0x700  }
0x56: {  	[spmem:s2] =	stream.indirect.scatter.add.f32 [tilespmem:s19], [sflag:$0x1], $0x10, s30, s18, $0xb8;
	[tilespmem:$0x66A0] =	vst v63  }
0x57: {  	_ =	swait.ge [sflag:s28], $0x1000  }
0x58: {  	[sflag:s28] =	ssyncset.done $0x0  }
0x59: {  	[sflag:s28] =	ssyncadd.s32 $0xFFFFF000  }
0x5a: {  	_ =	swait.ge [sflag:s28], $0x1000  }
0x5b: {  	[sflag:s28] =	ssyncset.done $0x0  }
0x5c: {  	[sflag:s28] =	ssyncadd.s32 $0xFFFFF000  }
0x5d: {  	_ =	swait.ge [sflag:s28], $0x1000  }
0x5e: {  	[sflag:s28] =	ssyncset.done $0x0  }
0x5f: {  	[sflag:s28] =	ssyncadd.s32 $0xFFFFF000  }
0x60: {  	_ =	swait.ge [sflag:s28], $0x1000  }
0x61: {  	[sflag:s28] =	ssyncset.done $0x0  }
0x62: {  	[sflag:s28] =	ssyncadd.s32 $0xFFFFF000  }
0x63: {  	_ =	swait.ge [sflag:s28], $0x1000  }
0x64: {  	[sflag:s28] =	ssyncset.done $0x0  }
0x65: {  	[sflag:s28] =	ssyncadd.s32 $0xFFFFF000  }
0x66: {  	_ =	swait.ge [sflag:s28], $0x1000  }
0x67: {  	[sflag:s28] =	ssyncset.done $0x0  }
0x68: {  	[sflag:s28] =	ssyncadd.s32 $0xFFFFF000  }
0x69: {  	_ =	swait.ge [sflag:s28], $0x1000  }
0x6a: {  	[sflag:s28] =	ssyncset.done $0x0  }
0x6b: {  	[sflag:s28] =	ssyncadd.s32 $0xFFFFF000  }
0x6c: {  	_ =	swait.ge [sflag:s28], $0x1000  }
0x6d: {  	[sflag:s28] =	ssyncset.done $0x0  }
0x6e: {  	s30 =	simm.s32 $0x800;
	[sflag:s28] =	ssyncadd.s32 $0xFFFFF000  }
0x6f: {  	[spmem:s2] =	stream.indirect.scatter.add.f32 [tilespmem:s19], [sflag:$0x1], $0x10, s30, s18, $0xb8;
	[tilespmem:$0x66A0] =	vst v63  }
0x70: {  	s30 =	simm.s32 $0x900  }
0x71: {  	[spmem:s2] =	stream.indirect.scatter.add.f32 [tilespmem:s19], [sflag:$0x1], $0x10, s30, s18, $0xb8;
	[tilespmem:$0x66A0] =	vst v63  }
0x72: {  	s30 =	simm.s32 $0xA00  }
0x73: {  	[spmem:s2] =	stream.indirect.scatter.add.f32 [tilespmem:s19], [sflag:$0x1], $0x10, s30, s18, $0xb8;
	[tilespmem:$0x66A0] =	vst v63  }
0x74: {  	s30 =	simm.s32 $0xB00  }
0x75: {  	[spmem:s2] =	stream.indirect.scatter.add.f32 [tilespmem:s19], [sflag:$0x1], $0x10, s30, s18, $0xb8;
	[tilespmem:$0x66A0] =	vst v63  }
0x76: {  	s30 =	simm.s32 $0xC00  }
0x77: {  	[spmem:s2] =	stream.indirect.scatter.add.f32 [tilespmem:s19], [sflag:$0x1], $0x10, s30, s18, $0xb8;
	[tilespmem:$0x66A0] =	vst v63  }
0x78: {  	s30 =	simm.s32 $0xD00  }
0x79: {  	[spmem:s2] =	stream.indirect.scatter.add.f32 [tilespmem:s19], [sflag:$0x1], $0x10, s30, s18, $0xb8;
	[tilespmem:$0x66A0] =	vst v63  }
0x7a: {  	s30 =	simm.s32 $0xE00  }
0x7b: {  	[spmem:s2] =	stream.indirect.scatter.add.f32 [tilespmem:s19], [sflag:$0x1], $0x10, s30, s18, $0xb8;
	[tilespmem:$0x66A0] =	vst v63  }
0x7c: {  	s30 =	simm.s32 $0xF00  }
0x7d: {  	[spmem:s2] =	stream.indirect.scatter.add.f32 [tilespmem:s19], [sflag:$0x1], $0x10, s30, s18, $0xb8;
	[tilespmem:$0x66A0] =	vst v63  }
0x7e: {  	_ =	swait.ge [sflag:s28], $0x1000  }
0x7f: {  	[sflag:s28] =	ssyncset.done $0x0  }
0x80: {  	[sflag:s28] =	ssyncadd.s32 $0xFFFFF000  }
0x81: {  	_ =	swait.ge [sflag:s28], $0x1000  }
0x82: {  	[sflag:s28] =	ssyncset.done $0x0  }
0x83: {  	[sflag:s28] =	ssyncadd.s32 $0xFFFFF000  }
0x84: {  	_ =	swait.ge [sflag:s28], $0x1000  }
0x85: {  	[sflag:s28] =	ssyncset.done $0x0  }
0x86: {  	[sflag:s28] =	ssyncadd.s32 $0xFFFFF000  }
0x87: {  	_ =	swait.ge [sflag:s28], $0x1000  }
0x88: {  	[sflag:s28] =	ssyncset.done $0x0  }
0x89: {  	[sflag:s28] =	ssyncadd.s32 $0xFFFFF000  }
0x8a: {  	_ =	swait.ge [sflag:s28], $0x1000  }
0x8b: {  	[sflag:s28] =	ssyncset.done $0x0  }
0x8c: {  	[sflag:s28] =	ssyncadd.s32 $0xFFFFF000  }
0x8d: {  	_ =	swait.ge [sflag:s28], $0x1000  }
0x8e: {  	[sflag:s28] =	ssyncset.done $0x0  }
0x8f: {  	[sflag:s28] =	ssyncadd.s32 $0xFFFFF000  }
0x90: {  	_ =	swait.ge [sflag:s28], $0x1000  }
0x91: {  	[sflag:s28] =	ssyncset.done $0x0  }
0x92: {  	[sflag:s28] =	ssyncadd.s32 $0xFFFFF000  }
0x93: {  	_ =	swait.ge [sflag:s28], $0x1000  }
0x94: {  	[sflag:s28] =	ssyncset.done $0x0  }
0x95: {  	s30 =	simm.s32 $0x1000;
	[sflag:s28] =	ssyncadd.s32 $0xFFFFF000  }
0x96: {  	[spmem:s2] =	stream.indirect.scatter.add.f32 [tilespmem:s19], [sflag:$0x1], $0x10, s30, s18, $0xb8;
	[tilespmem:$0x66A0] =	vst v63  }
0x97: {  	s30 =	simm.s32 $0x1100  }
0x98: {  	[spmem:s2] =	stream.indirect.scatter.add.f32 [tilespmem:s19], [sflag:$0x1], $0x10, s30, s18, $0xb8;
	[tilespmem:$0x66A0] =	vst v63  }
0x99: {  	s30 =	simm.s32 $0x1200  }
0x9a: {  	[spmem:s2] =	stream.indirect.scatter.add.f32 [tilespmem:s19], [sflag:$0x1], $0x10, s30, s18, $0xb8;
	[tilespmem:$0x66A0] =	vst v63  }
0x9b: {  	s30 =	simm.s32 $0x1300  }
0x9c: {  	[spmem:s2] =	stream.indirect.scatter.add.f32 [tilespmem:s19], [sflag:$0x1], $0x10, s30, s18, $0xb8;
	[tilespmem:$0x66A0] =	vst v63  }
0x9d: {  	s30 =	simm.s32 $0x1400  }
0x9e: {  	[spmem:s2] =	stream.indirect.scatter.add.f32 [tilespmem:s19], [sflag:$0x1], $0x10, s30, s18, $0xb8;
	[tilespmem:$0x66A0] =	vst v63  }
0x9f: {  	s30 =	simm.s32 $0x1500  }
0xa0: {  	[spmem:s2] =	stream.indirect.scatter.add.f32 [tilespmem:s19], [sflag:$0x1], $0x10, s30, s18, $0xb8;
	[tilespmem:$0x66A0] =	vst v63  }
0xa1: {  	s30 =	simm.s32 $0x1600  }
0xa2: {  	[spmem:s2] =	stream.indirect.scatter.add.f32 [tilespmem:s19], [sflag:$0x1], $0x10, s30, s18, $0xb8;
	[tilespmem:$0x66A0] =	vst v63  }
0xa3: {  	s30 =	simm.s32 $0x1700  }
0xa4: {  	[spmem:s2] =	stream.indirect.scatter.add.f32 [tilespmem:s19], [sflag:$0x1], $0x10, s30, s18, $0xb8;
	[tilespmem:$0x66A0] =	vst v63  }
0xa5: {  	_ =	swait.ge [sflag:s28], $0x1000  }
0xa6: {  	[sflag:s28] =	ssyncset.done $0x0  }
0xa7: {  	[sflag:s28] =	ssyncadd.s32 $0xFFFFF000  }
0xa8: {  	_ =	swait.ge [sflag:s28], $0x1000  }
0xa9: {  	[sflag:s28] =	ssyncset.done $0x0  }
0xaa: {  	[sflag:s28] =	ssyncadd.s32 $0xFFFFF000  }
0xab: {  	_ =	swait.ge [sflag:s28], $0x1000  }
0xac: {  	[sflag:s28] =	ssyncset.done $0x0  }
0xad: {  	[sflag:s28] =	ssyncadd.s32 $0xFFFFF000  }
0xae: {  	_ =	swait.ge [sflag:s28], $0x1000  }
0xaf: {  	[sflag:s28] =	ssyncset.done $0x0  }
0xb0: {  	[sflag:s28] =	ssyncadd.s32 $0xFFFFF000  }
0xb1: {  	_ =	swait.ge [sflag:s28], $0x1000  }
0xb2: {  	[sflag:s28] =	ssyncset.done $0x0  }
0xb3: {  	[sflag:s28] =	ssyncadd.s32 $0xFFFFF000  }
0xb4: {  	_ =	swait.ge [sflag:s28], $0x1000  }
0xb5: {  	[sflag:s28] =	ssyncset.done $0x0  }
0xb6: {  	[sflag:s28] =	ssyncadd.s32 $0xFFFFF000  }
0xb7: {  	_ =	swait.ge [sflag:s28], $0x1000  }
0xb8: {  	[sflag:s28] =	ssyncset.done $0x0  }
0xb9: {  	[sflag:s28] =	ssyncadd.s32 $0xFFFFF000  }
0xba: {  	_ =	swait.ge [sflag:s28], $0x1000  }
0xbb: {  	[sflag:s28] =	ssyncset.done $0x0  }
0xbc: {  	s30 =	simm.s32 $0x1800;
	[sflag:s28] =	ssyncadd.s32 $0xFFFFF000  }
0xbd: {  	[spmem:s2] =	stream.indirect.scatter.add.f32 [tilespmem:s19], [sflag:$0x1], $0x10, s30, s18, $0xb8;
	[tilespmem:$0x66A0] =	vst v63  }
0xbe: {  	s30 =	simm.s32 $0x1900  }
0xbf: {  	[spmem:s2] =	stream.indirect.scatter.add.f32 [tilespmem:s19], [sflag:$0x1], $0x10, s30, s18, $0xb8;
	[tilespmem:$0x66A0] =	vst v63  }
0xc0: {  	s30 =	simm.s32 $0x1A00  }
0xc1: {  	[spmem:s2] =	stream.indirect.scatter.add.f32 [tilespmem:s19], [sflag:$0x1], $0x10, s30, s18, $0xb8;
	[tilespmem:$0x66A0] =	vst v63  }
0xc2: {  	s30 =	simm.s32 $0x1B00  }
0xc3: {  	[spmem:s2] =	stream.indirect.scatter.add.f32 [tilespmem:s19], [sflag:$0x1], $0x10, s30, s18, $0xb8;
	[tilespmem:$0x66A0] =	vst v63  }
0xc4: {  	s30 =	simm.s32 $0x1C00  }
0xc5: {  	[spmem:s2] =	stream.indirect.scatter.add.f32 [tilespmem:s19], [sflag:$0x1], $0x10, s30, s18, $0xb8;
	[tilespmem:$0x66A0] =	vst v63  }
0xc6: {  	s30 =	simm.s32 $0x1D00  }
0xc7: {  	[spmem:s2] =	stream.indirect.scatter.add.f32 [tilespmem:s19], [sflag:$0x1], $0x10, s30, s18, $0xb8;
	[tilespmem:$0x66A0] =	vst v63  }
0xc8: {  	s30 =	simm.s32 $0x1E00  }
0xc9: {  	[spmem:s2] =	stream.indirect.scatter.add.f32 [tilespmem:s19], [sflag:$0x1], $0x10, s30, s18, $0xb8;
	[tilespmem:$0x66A0] =	vst v63  }
0xca: {  	s30 =	simm.s32 $0x1F00  }
0xcb: {  	[spmem:s2] =	stream.indirect.scatter.add.f32 [tilespmem:s19], [sflag:$0x1], $0x10, s30, s18, $0xb8;
	[tilespmem:$0x66A0] =	vst v63  }
0xcc: {  	_ =	swait.ge [sflag:s28], $0x1000  }
0xcd: {  	[sflag:s28] =	ssyncset.done $0x0  }
0xce: {  	[sflag:s28] =	ssyncadd.s32 $0xFFFFF000  }
0xcf: {  	_ =	swait.ge [sflag:s28], $0x1000  }
0xd0: {  	[sflag:s28] =	ssyncset.done $0x0  }
0xd1: {  	[sflag:s28] =	ssyncadd.s32 $0xFFFFF000  }
0xd2: {  	_ =	swait.ge [sflag:s28], $0x1000  }
0xd3: {  	[sflag:s28] =	ssyncset.done $0x0  }
0xd4: {  	[sflag:s28] =	ssyncadd.s32 $0xFFFFF000  }
0xd5: {  	_ =	swait.ge [sflag:s28], $0x1000  }
0xd6: {  	[sflag:s28] =	ssyncset.done $0x0  }
0xd7: {  	[sflag:s28] =	ssyncadd.s32 $0xFFFFF000  }
0xd8: {  	_ =	swait.ge [sflag:s28], $0x1000  }
0xd9: {  	[sflag:s28] =	ssyncset.done $0x0  }
0xda: {  	[sflag:s28] =	ssyncadd.s32 $0xFFFFF000  }
0xdb: {  	_ =	swait.ge [sflag:s28], $0x1000  }
0xdc: {  	[sflag:s28] =	ssyncset.done $0x0  }
0xdd: {  	[sflag:s28] =	ssyncadd.s32 $0xFFFFF000  }
0xde: {  	_ =	swait.ge [sflag:s28], $0x1000  }
0xdf: {  	[sflag:s28] =	ssyncset.done $0x0  }
0xe0: {  	[sflag:s28] =	ssyncadd.s32 $0xFFFFF000  }
0xe1: {  	_ =	swait.ge [sflag:s28], $0x1000  }
0xe2: {  	[sflag:s28] =	ssyncset.done $0x0  }
0xe3: {  	[sflag:s28] =	ssyncadd.s32 $0xFFFFF000  }
0xe4: {  	[spmem:s2] =	stream.indirect.scatter.add.f32 [tilespmem:s19], [sflag:$0x1], $0x10, s31, s18, $0xb8;
	[tilespmem:$0x66A0] =	vst v63  }
0xe5: {  	_ = 	snop  }
0xe6: {  	[spmem:s2] =	stream.indirect.scatter.add.f32 [tilespmem:s19], [sflag:$0x1], $0x10, s0, s18, $0xb8;
	[tilespmem:$0x66A0] =	vst v63  }
0xe7: {  	_ = 	snop  }
0xe8: {  	[spmem:s2] =	stream.indirect.scatter.add.f32 [tilespmem:s19], [sflag:$0x1], $0x10, s1, s18, $0xb8;
	[tilespmem:$0x66A0] =	vst v63  }
0xe9: {  	_ = 	snop  }
0xea: {  	[spmem:s2] =	stream.indirect.scatter.add.f32 [tilespmem:s19], [sflag:$0x1], $0x10, s20, s18, $0xb8;
	[tilespmem:$0x66A0] =	vst v63  }
0xeb: {  	_ = 	snop  }
0xec: {  	[spmem:s2] =	stream.indirect.scatter.add.f32 [tilespmem:s19], [sflag:$0x1], $0x10, s21, s18, $0xb8;
	[tilespmem:$0x66A0] =	vst v63  }
0xed: {  	_ = 	snop  }
0xee: {  	[spmem:s2] =	stream.indirect.scatter.add.f32 [tilespmem:s19], [sflag:$0x1], $0x10, s22, s18, $0xb8;
	[tilespmem:$0x66A0] =	vst v63  }
0xef: {  	_ = 	snop  }
0xf0: {  	[spmem:s2] =	stream.indirect.scatter.add.f32 [tilespmem:s19], [sflag:$0x1], $0x10, s23, s18, $0xb8;
	[tilespmem:$0x66A0] =	vst v63  }
0xf1: {  	_ = 	snop  }
0xf2: {  	[spmem:s2] =	stream.indirect.scatter.add.f32 [tilespmem:s19], [sflag:$0x1], $0x10, s24, s18, $0xb8;
	[tilespmem:$0x66A0] =	vst v63  }
0xf3: {  	_ =	swait.ge [sflag:s28], $0x1000  }
0xf4: {  	[sflag:s28] =	ssyncset.done $0x0  }
0xf5: {  	[sflag:s28] =	ssyncadd.s32 $0xFFFFF000  }
0xf6: {  	_ =	swait.ge [sflag:s28], $0x1000  }
0xf7: {  	[sflag:s28] =	ssyncset.done $0x0  }
0xf8: {  	[sflag:s28] =	ssyncadd.s32 $0xFFFFF000  }
0xf9: {  	_ =	swait.ge [sflag:s28], $0x1000  }
0xfa: {  	[sflag:s28] =	ssyncset.done $0x0  }
0xfb: {  	[sflag:s28] =	ssyncadd.s32 $0xFFFFF000  }
0xfc: {  	_ =	swait.ge [sflag:s28], $0x1000  }
0xfd: {  	[sflag:s28] =	ssyncset.done $0x0  }
0xfe: {  	[sflag:s28] =	ssyncadd.s32 $0xFFFFF000  }
0xff: {  	_ =	swait.ge [sflag:s28], $0x1000  }
0x100: {  	[sflag:s28] =	ssyncset.done $0x0  }
0x101: {  	[sflag:s28] =	ssyncadd.s32 $0xFFFFF000  }
0x102: {  	_ =	swait.ge [sflag:s28], $0x1000  }
0x103: {  	[sflag:s28] =	ssyncset.done $0x0  }
0x104: {  	[sflag:s28] =	ssyncadd.s32 $0xFFFFF000  }
0x105: {  	_ =	swait.ge [sflag:s28], $0x1000  }
0x106: {  	[sflag:s28] =	ssyncset.done $0x0  }
0x107: {  	[sflag:s28] =	ssyncadd.s32 $0xFFFFF000  }
0x108: {  	_ =	swait.ge [sflag:s28], $0x1000  }
0x109: {  	s26 =	sadd.s32 $0x1, s26;
	s30 =	stileid.u32;
	[sflag:s28] =	ssyncset.done $0x0  }
0x10a: {  	p0 =	sne.s32 s26, s7;
	s29 =	sshll.u32 s30, $0x6;
	[sflag:s28] =	ssyncadd.s32 $0xFFFFF000  }
.Ltmp2:
0x10b: {  	s29 =	sor.u32 $0x1C02, s29;
	[bflag:$0x0] =	sbarrier.arrive $0xFFFF;
	(pc) =	sbr.rel @p0 .LBB2_1-.Ltmp2, $4  }
0x10c: {  	[hbm:s5], [sflag:s29] =	dma.local [spmem:s25], $0x522  }
0x10d: {  	_ =	swait.ge [sflag:s17], $0x522  }
0x10e: {  	[sflag:s17] =	ssyncset.done $0x0  }
0x10f: {  	[sflag:s17] =	ssyncadd.s32 $0xFFFFFADE  }
0x110: {  	_ =	sfence.sel $0x180000  }
0x111: {  	[bflag:$0x0] =	sbarrier.arrive $0xFFFF  }
0x112: {  	_ =	strace $0x90000047  }
0x113: {  	s0 =	stileid.u32;
	[bflag:$0x2] =	sbarrier.arrive $0xFFFF  }
0x114: {  	p0 =	sne.s32 s0, $0x0;
	s0 =	rddreg [dreg:$0x2]  }
0x115: {  	s0 =	sadd.s32 @!p0 $0x100000, s0  }
0x116: {  	[sflag:s0] =	ssyncadd.tile.s32 @!p0 $0x1;
	_ =	shalt  }
.Lfunc_end2:
_tile_overlayer_lowered:
.L_overlay_start_2:
0x117: {  	(tag) =	ssettag $0x2  }
0x118: {  	s0 =	rddreg [dreg:$0x0];
	s2 =	stileid.u32  }
0x119: {  	s1 =	rddreg [dreg:$0x1];
	p0 =	sne.s32 s2, $0x0  }
0x11a: {  	s3 =	rddreg [dreg:$0x2];
	[bflag:$0x3] =	sbarrier.arrive $0xFFFF;
	s2 =	simm.s32 @!p0 $0x1C02  }
0x11b: {  	[timem:s3], [sflag:s2] =	dma.local @!p0 [hbm:s0], s1  }
0x11c: {  	s0 =	simm.s32 @!p0 $0x2  }
0x11d: {  	_ =	swait.ge @!p0 [sflag:s0], s1  }
0x11e: {  	s1 =	ssub.s32 @!p0 $0x0, s1;
	[sflag:s0] =	ssyncset.done @!p0 $0x0  }
0x11f: {  	[sflag:s0] =	ssyncadd.s32 @!p0 s1  }
0x120: {  	[bflag:$0x3] =	sbarrier.arrive $0xFFFF  }
0x121: {  	_ =	shalt  }

// kernel: kernel.14.cloned.1.call-start
scs
__scs_entry_jumppad:
0x0: {  	(pc) =	sbr.rel $0x88, $3  }
0x1: {  	(tag) =	ssettag $0x0;
	lr =	simm.s32 $0x1  }
0x2: {  	[smem:$0x3F97] =	sst lr;
	_ =	strace $0xD0000000  }
0x3: {  	_ = 	snop  }
0x4: {  	_ = 	snop  }
0x5: {  	_ = 	snop  }
0x6: {  	_ = 	snop  }
0x7: {  	_ = 	snop  }
__scs_overlays_trampoline_lowered:
0x8: {  	[smem:$0x3FA6] =	sst s0  }
0x9: {  	[smem:$0x3FA7] =	sst s1  }
0xa: {  	[smem:$0x3FA8] =	sst s2  }
0xb: {  	[smem:$0x3FA9] =	sst s3  }
0xc: {  	[smem:$0x3FAA] =	sst s4  }
0xd: {  	[smem:$0x3FAB] =	sst s5  }
0xe: {  	[smem:$0x3FAC] =	sst s6  }
0xf: {  	[smem:$0x3FAD] =	sst s7  }
0x10: {  	[smem:$0x3FAE] =	sst s8  }
0x11: {  	[smem:$0x3FAF] =	sst s9;
	s0 =	simm.s32 @!p0 $0x0  }
0x12: {  	s1 =	sld [smem:$0x3F95];
	s0 =	simm.s32 @p0 $0x1  }
0x13: {  	[smem:$0x3FB0] =	sst s0;
	s0 =	simm.s32 @!p1 $0x0  }
0x14: {  	s2 =	sld [smem:$0x3F94];
	s0 =	simm.s32 @p1 $0x1  }
0x15: {  	[smem:$0x3FB1] =	sst s0;
	s0 =	simm.s32 @!p2 $0x0  }
0x16: {  	s3 =	sld [smem:$0x3FDB];
	s0 =	simm.s32 @p2 $0x1  }
0x17: {  	s4 =	simm.s32 $0x1BF5;
	[smem:$0x3FB3] =	sst s0  }
0x18: {  	s0 =	sld [smem:$0x3F96];
	_ =	swait.ge [sflag:s4], $0x0  }
0x19: {  	s7 =	sld [smem:$0x3F97]  }
0x1a: {  	s8 =	sadd.s32 $0xFFFFE003, lr  }
0x1b: {  	s9 =	sadd.s32 $0xFFFFFEF7, lr;
	s5 =	simm.s32 $0xFFFFFFFF;
	p2 =	slt.u32 s8, $0xFFFFF086  }
0x1c: {  	p1 =	slt.u32 s9, $0xF7A;
	s5 =	simm.s32 @!p2 $0x0  }
0x1d: {  	s5 =	simm.s32 @p1 $0x1;
	p0 =	seq.s32 s7, s2  }
0x1e: {  	s7 =	smul.u32 @!p0 $0xF7A, s2;
	p2 =	seq.s32 @!p0 s5, $0x0  }
0x1f: {  	s9 =	smul.u32 $0xF7A, s1;
	s8 =	simm.s32 @!p0 $0x1BF5;
	p2 =	por !p2, p0  }
0x20: {  	[sflag:s8] =	ssyncset.s32 @!p0 $0xFFFFF086;
	s6 =	sadd.s32 @!p0 s3, s7;
	s7 =	simm.s32 @!p0 $0x108  }
0x21: {  	s3 =	sadd.s32 s3, s9;
	s6 =	sadd.s32 @!p0 $0x88, s6;
	s7 =	simm.s32 @p2 $0x1082  }
0x22: {  	[simem:s7], [sflag:s8] =	dma.local @!p0 [hbm:s6], $0xF7A  }
0x23: {  	s9 =	sor.u32 $0xD0000000, s2;
	s6 =	simm.s32 $0x108;
	_ =	swait.ge @!p0 [sflag:s8], $0x0  }
0x24: {  	s3 =	sadd.s32 $0x88, s3;
	s6 =	simm.s32 @!p1 $0x1082;
	[sflag:s4] =	ssyncset.s32 $0xFFFFF086  }
0x25: {  	[simem:s6], [sflag:s4] =	dma.local [hbm:s3], $0xF7A  }
0x26: {  	[smem:$0x3F97] =	sst s1;
	(tag) =	ssettag s2;
	_ =	strace s9  }
0x27: {  	s1 =	sld [smem:$0x3FA7]  }
0x28: {  	s2 =	sld [smem:$0x3FA8]  }
0x29: {  	s4 =	sld [smem:$0x3FAA]  }
0x2a: {  	p0 =	seq.s32 s5, $0x0;
	s5 =	sld [smem:$0x3FAB]  }
0x2b: {  	s6 =	sld [smem:$0x3FAC]  }
0x2c: {  	s7 =	sld [smem:$0x3FAD]  }
0x2d: {  	s3 =	simm.s32 $0x108;
	s8 =	sld [smem:$0x3FAE]  }
0x2e: {  	s3 =	simm.s32 @!p0 $0x1082;
	s9 =	sld [smem:$0x3FAF]  }
0x2f: {  	lr =	sadd.s32 s0, s3;
	s0 =	sld [smem:$0x3FA6]  }
0x30: {  	s3 =	sld [smem:$0x3FA9]  }
0x31: {  	[smem:$0x3FB2] =	sst s10  }
0x32: {  	s10 =	sld [smem:$0x3FB0];
	_ =	sdelay $0x3  }
0x33: {  	p0 =	seq.s32 s10, $0x1;
	s10 =	sld [smem:$0x3FB2];
	_ =	sdelay $0x3  }
0x34: {  	[smem:$0x3FB2] =	sst s10  }
0x35: {  	s10 =	sld [smem:$0x3FB1];
	_ =	sdelay $0x3  }
0x36: {  	p1 =	seq.s32 s10, $0x1;
	s10 =	sld [smem:$0x3FB2];
	_ =	sdelay $0x3  }
0x37: {  	[smem:$0x3FB2] =	sst s10  }
0x38: {  	s10 =	sld [smem:$0x3FB3]  }
0x39: {  	_ = 	snop;
	(pc) =	sbr.ind lr, $3  }
0x3a: {  	_ = 	snop  }
0x3b: {  	_ = 	snop  }
0x3c: {  	p2 =	seq.s32 s10, $0x1;
	s10 =	sld [smem:$0x3FB2]  }
0x3d: {  	_ =	shalt  }
0x3e: {  	_ =	shalt  }
0x3f: {  	_ =	shalt  }
0x40: {  	_ =	shalt  }
0x41: {  	_ =	shalt  }
0x42: {  	_ =	shalt  }
0x43: {  	_ =	shalt  }
0x44: {  	_ =	shalt  }
0x45: {  	_ =	shalt  }
0x46: {  	_ =	shalt  }
0x47: {  	_ =	shalt  }
0x48: {  	_ =	shalt  }
0x49: {  	_ =	shalt  }
0x4a: {  	_ =	shalt  }
0x4b: {  	_ =	shalt  }
0x4c: {  	_ =	shalt  }
0x4d: {  	_ =	shalt  }
0x4e: {  	_ =	shalt  }
0x4f: {  	_ =	shalt  }
0x50: {  	_ =	shalt  }
0x51: {  	_ =	shalt  }
0x52: {  	_ =	shalt  }
0x53: {  	_ =	shalt  }
0x54: {  	_ =	shalt  }
0x55: {  	_ =	shalt  }
0x56: {  	_ =	shalt  }
0x57: {  	_ =	shalt  }
0x58: {  	_ =	shalt  }
0x59: {  	_ =	shalt  }
0x5a: {  	_ =	shalt  }
0x5b: {  	_ =	shalt  }
0x5c: {  	_ =	shalt  }
0x5d: {  	_ =	shalt  }
0x5e: {  	_ =	shalt  }
0x5f: {  	_ =	shalt  }
0x60: {  	_ =	shalt  }
0x61: {  	_ =	shalt  }
0x62: {  	_ =	shalt  }
0x63: {  	_ =	shalt  }
0x64: {  	_ =	shalt  }
0x65: {  	_ =	shalt  }
0x66: {  	_ =	shalt  }
0x67: {  	_ =	shalt  }
0x68: {  	_ =	shalt  }
0x69: {  	_ =	shalt  }
0x6a: {  	_ =	shalt  }
0x6b: {  	_ =	shalt  }
0x6c: {  	_ =	shalt  }
0x6d: {  	_ =	shalt  }
0x6e: {  	_ =	shalt  }
0x6f: {  	_ =	shalt  }
0x70: {  	_ =	shalt  }
0x71: {  	_ =	shalt  }
0x72: {  	_ =	shalt  }
0x73: {  	_ =	shalt  }
0x74: {  	_ =	shalt  }
0x75: {  	_ =	shalt  }
0x76: {  	_ =	shalt  }
0x77: {  	_ =	shalt  }
0x78: {  	_ =	shalt  }
0x79: {  	_ =	shalt  }
0x7a: {  	_ =	shalt  }
0x7b: {  	_ =	shalt  }
0x7c: {  	_ =	shalt  }
0x7d: {  	_ =	shalt  }
0x7e: {  	_ =	shalt  }
0x7f: {  	_ =	shalt  }
0x80: {  	_ =	shalt  }
0x81: {  	_ =	shalt  }
0x82: {  	_ =	shalt  }
0x83: {  	_ =	shalt  }
0x84: {  	_ =	shalt  }
0x85: {  	_ =	shalt  }
0x86: {  	_ =	shalt  }
0x87: {  	_ =	shalt  }
.Lfunc_end0:
.L_simem_size_0:
called_computation.1_lowered:
.L_overlay_start_0:
0x88: {  	s2 =	sld [smem:$0x3FD9]  }
0x89: {  	s3 =	sld [smem:$0x3FFE];
	_ =	sdelay $0x1  }
0x8a: {  	s1 =	srdreg.scid  }
0x8b: {  	s0 =	sand.u32 $0x1, s1  }
0x8c: {  	s16 =	sshll.u32 s0, $0xA;
	s2 =	sadd.s32 s3, s2  }
0x8d: {  	s2 =	sadd.s32 s2, s16  }
0x8e: {  	[smem:$0x3FBE] =	sst s2  }
0x8f: {  	_ = 	snop  }
0x90: {  	(tm) =	ssettm $0x1  }
0x91: {  	s17 =	sld [smem:$0x3FFB];
	_ =	sdelay $0x3  }
0x92: {  	_ =	strace s17  }
0x93: {  	s2 =	sld [smem:$0x3FFC];
	_ =	sdelay $0x3  }
0x94: {  	_ =	strace s2  }
0x95: {  	s2 =	sld [smem:$0x3FFD];
	_ =	sdelay $0x3  }
0x96: {  	_ =	strace s2  }
0x97: {  	_ =	strace $0x8FFFFFFF  }
0x98: {  	s18 =	sld [smem:$0x3FDB];
	_ =	sdelay $0x1  }
0x99: {  	s19 =	simm.s32 $_scs_section_size  }
0x9a: {  	s4 =	simm.s32 $_size__tile_overlayer_lowered;
	s5 =	simm.s32 $_tile_overlayer_lowered  }
0x9b: {  	s22 =	simm.s32 $0x1BFF;
	s21 =	sshll.u32 s5, $0x1;
	s2 =	sadd.s32 s19, s18  }
0x9c: {  	s6 =	simm.s32 $0x0;
	s20 =	sshll.u32 s4, $0x1;
	s4 =	sadd.s32 s21, s2  }
0x9d: {  	[timem:s6], [sflag:s22] =	dma.local [hbm:s4], s20  }
0x9e: {  	_ =	swait.ge [sflag:s22], s20  }
0x9f: {  	s3 =	ssub.s32 $0x0, s20;
	[sflag:s22] =	ssyncset.done $0x0  }
0xa0: {  	[sflag:s22] =	ssyncadd.s32 s3;
	_ =	sdelay $0x1  }
0xa1: {  	s23 =	simm.s32 $0x1B8B  }
0xa2: {  	_ =	swait.ge [sflag:s23], $0x1  }
0xa3: {  	[sflag:s23] =	ssyncset.done $0x0  }
0xa4: {  	s25 =	simm.s32 $0x1B8E;
	s24 =	sld [smem:$0x3FFE];
	[sflag:s23] =	ssyncadd.s32 $0xFFFFFFFF  }
0xa5: {  	s26 =	simm.s32 $execute0_lowered;
	[smem:$0x3FD2] =	sst s25  }
0xa6: {  	s4 =	sshll.u32 s26, $0x1;
	_ =	strace $0x80000049;
	[dreg:$0x1] =	wrdreg $0xFFFFFFFF  }
0xa7: {  	s28 =	simm.s32 $_size_execute0_lowered;
	s2 =	sadd.s32 s2, s4;
	[dreg:$0x0] =	wrdreg $0x0  }
0xa8: {  	s4 =	sshll.u32 s28, $0x1;
	[dreg:$0x2] =	wrdreg s2  }
0xa9: {  	[dreg:$0x3] =	wrdreg s4  }
0xaa: {  	[dreg:$0x4] =	wrdreg $0xC0  }
0xab: {  	_ =	task [dreg:s6], $0x5FFFF  }
0xac: {  	[dreg:$0x1] =	wrdreg $0xFFFFFFFF  }
0xad: {  	[dreg:$0x0] =	wrdreg $0x60  }
0xae: {  	[dreg:$0x2] =	wrdreg s24  }
0xaf: {  	[dreg:$0x3] =	wrdreg $0x125400  }
0xb0: {  	[dreg:$0x4] =	wrdreg $0x9  }
0xb1: {  	_ =	task.clear_ibuf [dreg:s6], $0x5FFFF;
	_ =	strace $0x90000049  }
0xb2: {  	s29 =	simm.s32 $0x9;
	_ =	strace $0x8000004B  }
0xb3: {  	_ =	swait.ge [sflag:s29], $0x1  }
0xb4: {  	[sflag:s29] =	ssyncadd.s32 $0xFFFFFFFF  }
0xb5: {  	_ =	strace $0x9000004B  }
0xb6: {  	_ =	sfence  }
0xb7: {  	s30 =	sld [smem:$0x0];
	_ =	sdelay $0x2  }
0xb8: {  	s31 =	sshll.u32 s1, $0xD;
	s1 =	sshrl.u32 s1, $0x2  }
0xb9: {  	s3 =	sand.u32 $0x4000, s31;
	s1 =	sadd.s32 s1, s30  }
0xba: {  	s0 =	sor.u32 s3, s0;
	s1 =	sshll.u32 s1, $0x11  }
0xbb: {  	s0 =	sor.u32 s1, s0  }
0xbc: {  	s0 =	sadd.s32 $0x8F2B, s0  }
0xbd: {  	[sflag:s0] =	ssyncadd.remote.s32 $0x1  }
0xbe: {  	_ =	sfence.sel $0xFFFF  }
0xbf: {  	[dreg:$0x0] =	wrdreg $0xFFFFFFFF;
	(pc) =	sbr.abs _section_cstart, $3  }
0xc0: {  	[dreg:$0x1] =	wrdreg $0xFFFFFFFF  }
0xc1: {  	_ =	task.clear_ibuf [dreg:s6], $0x2FFFF;
	_ =	strace $0x9FFFFFFF  }
0xc2: {  	(tm) =	ssettm $0x7FFFFFFF  }
0xc3: {  	_ =	shalt  }
tec
execute0_lowered:
.L_overlay_start_1:
0x0: {  	(tag) =	ssettag $0x1  }
0x1: {  	s0 =	srdreg.scid;
	s5 =	rddreg [dreg:$0x0]  }
0x2: {  	s8 =	stileid.u32;
	s2 =	rddreg [dreg:$0x1];
	s3 =	simm.s32 $0x0  }
0x3: {  	s18 =	simm.s32 $0x11300;
	s19 =	simm.s32 $0x7;
	s21 =	simm.s32 $0x100  }
0x4: {  	s22 =	simm.s32 $0x5300;
	s23 =	simm.s32 $0x9300;
	s28 =	simm.s32 $0x1  }
0x5: {  	s29 =	simm.s32 $0x6;
	s30 =	simm.s32 $0x2;
	s9 =	smul.u32 $0xA440, s8  }
0x6: {  	s0 =	sand.u32 $0x1, s0;
	s1 =	sshll.u32 s8, $0x1;
	s8 =	smul.u32 $0x29100, s8  }
0x7: {  	s31 =	simm.s32 $0x4;
	s1 =	sor.u32 s0, s1;
	s7 =	smul.u32 $0xA4400, s0  }
0x8: {  	[smem:$0x7FF] =	sst s3;
	s4 =	sadd.s32 $0x21600, s5;
	s6 =	smul.u32 $0x540, s1  }
0x9: {  	_ =	strace $0x8000004A;
	s0 =	ssub.s32 $0x2, s0;
	s1 =	smul.u32 $0x520, s1  }
0xa: {  	s24 =	sshrl.u32 s0, $0x1;
	s8 =	sshrl.u32 s8, $0x2;
	s26 =	sadd.s32 s9, s2  }
0xb: {  	s7 =	sadd.s32 s9, s7;
	s0 =	ssub.s32 s0, s24;
	s8 =	sadd.s32 s8, s2  }
0xc: {  	s6 =	sadd.s32 s6, s5;
	s7 =	sshrl.u32 s7, $0x3;
	s1 =	sadd.s32 s1, s5  }
0xd: {  	s9 =	smax.u32 s0, $0x1;
	s10 =	sadd.s32 $0x1240, s8;
	s11 =	sadd.s32 $0x2480, s8  }
0xe: {  	s12 =	sadd.s32 $0x36C0, s8;
	s13 =	sadd.s32 $0x4900, s8;
	s14 =	sadd.s32 $0x5B40, s8  }
0xf: {  	s15 =	sadd.s32 $0x6D80, s8;
	s16 =	sadd.s32 $0x7FC0, s8;
	s17 =	sadd.s32 $0x9200, s8  }
0x10: {  	s0 =	simm.s32 $0x5;
	s7 =	sadd.s32 s7, s5;
	s25 =	sadd.s32 $0x16E00, s6  }
0x11: {  	s6 =	sadd.s32 $0x2400, s1;
	s1 =	simm.s32 $0x3;
	[dreg:$0x3] =	wrdreg s25  }
0x12: {  	v0 =	vimm.f32 $0.0e+00;
	s7 =	sadd.s32 $0x35000, s7;
	s25 =	sshrl.u32 s26, $0x3;
	s26 =	simm.s32 $0xD300  }
.LBB2_1:
0x13: {  	s24 =	simm.s32 $0x100;
	s20 =	simm.s32 $0x0  }
.LBB2_2:
0x14: {  	p0 =	sne.s32 s24, $0x4800;
	[tilespmem:s20+$0x11330] =	vst v0;
	s5 =	smov.u32 s24;
	s24 =	sadd.s32 $0x100, s24  }
.Ltmp0:
0x15: {  	[tilespmem:s20+$0x11320] =	vst v0;
	(pc) =	sbr.rel @p0 .LBB2_2-.Ltmp0, $3  }
0x16: {  	[tilespmem:s20+$0x11300] =	vst v0  }
0x17: {  	[tilespmem:s20+$0x11310] =	vst v0;
	_ =	sdelay $0x1  }
0x18: {  	s20 =	sshra.s32 s5, $0x2  }
0x19: {  	[tilespmem:s20+$0x11330] =	vst v0  }
0x1a: {  	[tilespmem:s20+$0x11320] =	vst v0  }
0x1b: {  	[tilespmem:s20+$0x11300] =	vst v0  }
0x1c: {  	[tilespmem:s20+$0x11310] =	vst v0  }
0x1d: {  	[spmem:s8] =	stream.linear.scatter [tilespmem:s18], [sflag:$0x7], $0x1240, $0x38;
	[tilespmem:$0x1C980] =	vst v63  }
0x1e: {  	_ =	swait.ge [sflag:s19], $0x1240  }
0x1f: {  	[sflag:s19] =	ssyncset.done $0x0  }
0x20: {  	[sflag:s19] =	ssyncadd.s32 $0xFFFFEDC0  }
0x21: {  	[spmem:s10] =	stream.linear.scatter [tilespmem:s18], [sflag:$0x7], $0x1240, $0x38;
	[tilespmem:$0x1C980] =	vst v63  }
0x22: {  	_ =	swait.ge [sflag:s19], $0x1240  }
0x23: {  	[sflag:s19] =	ssyncset.done $0x0  }
0x24: {  	[sflag:s19] =	ssyncadd.s32 $0xFFFFEDC0  }
0x25: {  	[spmem:s11] =	stream.linear.scatter [tilespmem:s18], [sflag:$0x7], $0x1240, $0x38;
	[tilespmem:$0x1C980] =	vst v63  }
0x26: {  	_ =	swait.ge [sflag:s19], $0x1240  }
0x27: {  	[sflag:s19] =	ssyncset.done $0x0  }
0x28: {  	[sflag:s19] =	ssyncadd.s32 $0xFFFFEDC0  }
0x29: {  	[spmem:s12] =	stream.linear.scatter [tilespmem:s18], [sflag:$0x7], $0x1240, $0x38;
	[tilespmem:$0x1C980] =	vst v63  }
0x2a: {  	_ =	swait.ge [sflag:s19], $0x1240  }
0x2b: {  	[sflag:s19] =	ssyncset.done $0x0  }
0x2c: {  	[sflag:s19] =	ssyncadd.s32 $0xFFFFEDC0  }
0x2d: {  	[spmem:s13] =	stream.linear.scatter [tilespmem:s18], [sflag:$0x7], $0x1240, $0x38;
	[tilespmem:$0x1C980] =	vst v63  }
0x2e: {  	_ =	swait.ge [sflag:s19], $0x1240  }
0x2f: {  	[sflag:s19] =	ssyncset.done $0x0  }
0x30: {  	[sflag:s19] =	ssyncadd.s32 $0xFFFFEDC0  }
0x31: {  	[spmem:s14] =	stream.linear.scatter [tilespmem:s18], [sflag:$0x7], $0x1240, $0x38;
	[tilespmem:$0x1C980] =	vst v63  }
0x32: {  	_ =	swait.ge [sflag:s19], $0x1240  }
0x33: {  	[sflag:s19] =	ssyncset.done $0x0  }
0x34: {  	[sflag:s19] =	ssyncadd.s32 $0xFFFFEDC0  }
0x35: {  	[spmem:s15] =	stream.linear.scatter [tilespmem:s18], [sflag:$0x7], $0x1240, $0x38;
	[tilespmem:$0x1C980] =	vst v63  }
0x36: {  	_ =	swait.ge [sflag:s19], $0x1240  }
0x37: {  	[sflag:s19] =	ssyncset.done $0x0  }
0x38: {  	[sflag:s19] =	ssyncadd.s32 $0xFFFFEDC0  }
0x39: {  	[spmem:s16] =	stream.linear.scatter [tilespmem:s18], [sflag:$0x7], $0x1240, $0x38;
	[tilespmem:$0x1C980] =	vst v63  }
0x3a: {  	_ =	swait.ge [sflag:s19], $0x1240  }
0x3b: {  	[sflag:s19] =	ssyncset.done $0x0  }
0x3c: {  	[sflag:s19] =	ssyncadd.s32 $0xFFFFEDC0  }
0x3d: {  	[spmem:s17] =	stream.linear.scatter [tilespmem:s18], [sflag:$0x7], $0x1240, $0x38;
	[tilespmem:$0x1C980] =	vst v63  }
0x3e: {  	_ =	swait.ge [sflag:s19], $0x1240  }
0x3f: {  	[sflag:s19] =	ssyncset.done $0x0  }
0x40: {  	s5 =	simm.s32 $0x0;
	s24 =	rddreg [dreg:$0x3];
	[sflag:s19] =	ssyncadd.s32 $0xFFFFEDC0  }
0x41: {  	[tilespmem:s5], [sflag:$0x7] =	stream.linear.gather [hbm4b:s24+s5], $0x2A00, $0x38;
	[tilespmem:$0x1C980] =	vst v63  }
0x42: {  	_ =	swait.ge [sflag:s19], $0x2A00  }
0x43: {  	[sflag:s19] =	ssyncset.done $0x0  }
0x44: {  	s24 =	simm.s32 $0x2A00;
	[sflag:s19] =	ssyncadd.s32 $0xFFFFD600  }
0x45: {  	[tilespmem:s24], [sflag:$0x7] =	stream.linear.gather [hbm4b:s6+s5], $0x2900, $0x38;
	[tilespmem:$0x1C980] =	vst v63  }
0x46: {  	_ =	swait.ge [sflag:s19], $0x2900  }
0x47: {  	[sflag:s19] =	ssyncset.done $0x0  }
0x48: {  	[sflag:s19] =	ssyncadd.s32 $0xFFFFD700  }
0x49: {  	[bflag:$0x0] =	sbarrier.arrive $0xFFFF  }
0x4a: {  	[tilespmem:s22], [sflag:$0x1] =	stream.indirect.gather [hbm4b:s4+s21], $0x40, s5, s21, $0xb8;
	[tilespmem:$0x1C980] =	vst v63  }
0x4b: {  	_ = 	snop  }
0x4c: {  	[tilespmem:s23], [sflag:$0x2] =	stream.indirect.gather [hbm4b:s4+s21], $0x40, s21, s21, $0xb8;
	[tilespmem:$0x1C980] =	vst v63  }
0x4d: {  	s20 =	simm.s32 $0x5200  }
0x4e: {  	[spmem:s2] =	stream.indirect.scatter.add.f32 [tilespmem:s26], [sflag:$0x6], $0x40, s20, s21, $0xb8;
	[tilespmem:$0x1C980] =	vst v63  }
0x4f: {  	_ =	swait.ge [sflag:s28], $0x4000  }
0x50: {  	[sflag:s28] =	ssyncset.done $0x0  }
0x51: {  	s24 =	simm.s32 $0x2A00;
	[sflag:s28] =	ssyncadd.s32 $0xFFFFC000  }
0x52: {  	[spmem:s2] =	stream.indirect.scatter.add.f32 [tilespmem:s22], [sflag:$0x4], $0x40, s24, s21, $0xb8;
	[tilespmem:$0x1C980] =	vst v63  }
0x53: {  	_ =	swait.ge [sflag:s29], $0x4000  }
0x54: {  	[sflag:s29] =	ssyncset.done $0x0  }
0x55: {  	s20 =	simm.s32 $0x200;
	[sflag:s29] =	ssyncadd.s32 $0xFFFFC000  }
0x56: {  	[tilespmem:s26], [sflag:$0x3] =	stream.indirect.gather [hbm4b:s4+s21], $0x40, s20, s21, $0xb8;
	[tilespmem:$0x1C980] =	vst v63  }
0x57: {  	_ =	swait.ge [sflag:s30], $0x4000  }
0x58: {  	[sflag:s30] =	ssyncset.done $0x0  }
0x59: {  	s24 =	simm.s32 $0x2B00;
	[sflag:s30] =	ssyncadd.s32 $0xFFFFC000  }
0x5a: {  	[spmem:s2] =	stream.indirect.scatter.add.f32 [tilespmem:s23], [sflag:$0x5], $0x40, s24, s21, $0xb8;
	[tilespmem:$0x1C980] =	vst v63  }
0x5b: {  	_ =	swait.ge [sflag:s31], $0x4000  }
0x5c: {  	[sflag:s31] =	ssyncset.done $0x0  }
0x5d: {  	s20 =	simm.s32 $0x300;
	[sflag:s31] =	ssyncadd.s32 $0xFFFFC000  }
0x5e: {  	[tilespmem:s22], [sflag:$0x1] =	stream.indirect.gather [hbm4b:s4+s21], $0x40, s20, s21, $0xb8;
	[tilespmem:$0x1C980] =	vst v63  }
0x5f: {  	_ =	swait.ge [sflag:s1], $0x4000  }
0x60: {  	[sflag:s1] =	ssyncset.done $0x0  }
0x61: {  	s24 =	simm.s32 $0x2C00;
	[sflag:s1] =	ssyncadd.s32 $0xFFFFC000  }
0x62: {  	[spmem:s2] =	stream.indirect.scatter.add.f32 [tilespmem:s26], [sflag:$0x6], $0x40, s24, s21, $0xb8;
	[tilespmem:$0x1C980] =	vst v63  }
0x63: {  	_ =	swait.ge [sflag:s0], $0x4000  }
0x64: {  	[sflag:s0] =	ssyncset.done $0x0  }
0x65: {  	s20 =	simm.s32 $0xC00;
	s24 =	simm.s32 $0x400;
	[sflag:s0] =	ssyncadd.s32 $0xFFFFC000  }
.LBB2_4:
0x66: {  	[tilespmem:s23], [sflag:$0x2] =	stream.indirect.gather [hbm4b:s4+s21], $0x40, s24, s21, $0xb8;
	[tilespmem:$0x1C980] =	vst v63  }
0x67: {  	s5 =	smov.u32 s20  }
0x68: {  	p0 =	sne.s32 s20, $0x9000;
	s20 =	sadd.s32 $0xC00, s20;
	_ =	swait.ge [sflag:s28], $0x4000  }
0x69: {  	s5 =	sshra.s32 s5, $0x2;
	[sflag:s28] =	ssyncset.done $0x0  }
0x6a: {  	s24 =	sadd.s32 $0x2A00, s5;
	[sflag:s28] =	ssyncadd.s32 $0xFFFFC000  }
0x6b: {  	[spmem:s2] =	stream.indirect.scatter.add.f32 [tilespmem:s22], [sflag:$0x4], $0x40, s24, s21, $0xb8;
	[tilespmem:$0x1C980] =	vst v63  }
0x6c: {  	_ =	swait.ge [sflag:s29], $0x4000  }
0x6d: {  	[sflag:s29] =	ssyncset.done $0x0  }
0x6e: {  	s24 =	sadd.s32 $0x200, s5;
	[sflag:s29] =	ssyncadd.s32 $0xFFFFC000  }
0x6f: {  	[tilespmem:s26], [sflag:$0x3] =	stream.indirect.gather [hbm4b:s4+s21], $0x40, s24, s21, $0xb8;
	[tilespmem:$0x1C980] =	vst v63  }
0x70: {  	_ =	swait.ge [sflag:s30], $0x4000  }
0x71: {  	[sflag:s30] =	ssyncset.done $0x0  }
0x72: {  	s24 =	sadd.s32 $0x2B00, s5;
	[sflag:s30] =	ssyncadd.s32 $0xFFFFC000  }
0x73: {  	[spmem:s2] =	stream.indirect.scatter.add.f32 [tilespmem:s23], [sflag:$0x5], $0x40, s24, s21, $0xb8;
	[tilespmem:$0x1C980] =	vst v63  }
0x74: {  	_ =	swait.ge [sflag:s31], $0x4000  }
0x75: {  	[sflag:s31] =	ssyncset.done $0x0  }
0x76: {  	s24 =	sadd.s32 $0x300, s5;
	[sflag:s31] =	ssyncadd.s32 $0xFFFFC000  }
0x77: {  	[tilespmem:s22], [sflag:$0x1] =	stream.indirect.gather [hbm4b:s4+s21], $0x40, s24, s21, $0xb8;
	[tilespmem:$0x1C980] =	vst v63  }
0x78: {  	_ =	swait.ge [sflag:s1], $0x4000  }
0x79: {  	[sflag:s1] =	ssyncset.done $0x0  }
.Ltmp1:
0x7a: {  	s24 =	sadd.s32 $0x2C00, s5;
	[sflag:s1] =	ssyncadd.s32 $0xFFFFC000;
	(pc) =	sbr.rel @p0 .LBB2_4-.Ltmp1, $4  }
0x7b: {  	[spmem:s2] =	stream.indirect.scatter.add.f32 [tilespmem:s26], [sflag:$0x6], $0x40, s24, s21, $0xb8;
	[tilespmem:$0x1C980] =	vst v63  }
0x7c: {  	_ =	swait.ge [sflag:s0], $0x4000  }
0x7d: {  	[sflag:s0] =	ssyncset.done $0x0  }
0x7e: {  	s24 =	sadd.s32 $0x400, s5;
	[sflag:s0] =	ssyncadd.s32 $0xFFFFC000  }
0x7f: {  	[tilespmem:s23], [sflag:$0x2] =	stream.indirect.gather [hbm4b:s4+s21], $0x40, s24, s21, $0xb8;
	[tilespmem:$0x1C980] =	vst v63  }
0x80: {  	_ =	swait.ge [sflag:s28], $0x4000  }
0x81: {  	[sflag:s28] =	ssyncset.done $0x0  }
0x82: {  	s5 =	simm.s32 $0x5100;
	[sflag:s28] =	ssyncadd.s32 $0xFFFFC000  }
0x83: {  	[spmem:s2] =	stream.indirect.scatter.add.f32 [tilespmem:s22], [sflag:$0x4], $0x40, s5, s21, $0xb8;
	[tilespmem:$0x1C980] =	vst v63  }
0x84: {  	_ =	swait.ge [sflag:s29], $0x4000  }
0x85: {  	[sflag:s29] =	ssyncset.done $0x0  }
0x86: {  	s20 =	simm.s32 $0x2900;
	[sflag:s29] =	ssyncadd.s32 $0xFFFFC000  }
0x87: {  	[tilespmem:s26], [sflag:$0x3] =	stream.indirect.gather [hbm4b:s4+s21], $0x40, s20, s21, $0xb8;
	[tilespmem:$0x1C980] =	vst v63  }
0x88: {  	_ =	swait.ge [sflag:s31], $0x4000  }
0x89: {  	[sflag:s31] =	ssyncset.done $0x0  }
0x8a: {  	[sflag:s31] =	ssyncadd.s32 $0xFFFFC000  }
0x8b: {  	_ =	swait.ge [sflag:s30], $0x4000  }
0x8c: {  	[sflag:s30] =	ssyncset.done $0x0  }
0x8d: {  	[sflag:s30] =	ssyncadd.s32 $0xFFFFC000  }
0x8e: {  	_ =	swait.ge [sflag:s1], $0x4000  }
0x8f: {  	s24 =	stileid.u32;
	s3 =	sadd.s32 $0x1, s3;
	[sflag:s1] =	ssyncset.done $0x0  }
0x90: {  	p0 =	sne.s32 s3, s9;
	s5 =	sshll.u32 s24, $0x6;
	[sflag:s1] =	ssyncadd.s32 $0xFFFFC000  }
.Ltmp2:
0x91: {  	s5 =	sor.u32 $0x1C07, s5;
	[bflag:$0x0] =	sbarrier.arrive $0xFFFF;
	(pc) =	sbr.rel @p0 .LBB2_1-.Ltmp2, $4  }
0x92: {  	[hbm:s7], [sflag:s5] =	dma.local [spmem:s25], $0x1488  }
0x93: {  	_ =	swait.ge [sflag:s19], $0x1488  }
0x94: {  	[sflag:s19] =	ssyncset.done $0x0  }
0x95: {  	[sflag:s19] =	ssyncadd.s32 $0xFFFFEB78  }
0x96: {  	_ =	sfence.sel $0x180000  }
0x97: {  	[bflag:$0x0] =	sbarrier.arrive $0xFFFF  }
0x98: {  	_ =	strace $0x9000004A  }
0x99: {  	s0 =	stileid.u32;
	[bflag:$0x2] =	sbarrier.arrive $0xFFFF  }
0x9a: {  	p0 =	sne.s32 s0, $0x0;
	s0 =	rddreg [dreg:$0x2]  }
0x9b: {  	s0 =	sadd.s32 @!p0 $0x100000, s0  }
0x9c: {  	[sflag:s0] =	ssyncadd.tile.s32 @!p0 $0x1;
	_ =	shalt  }
.Lfunc_end2:
_tile_overlayer_lowered:
.L_overlay_start_2:
0x9d: {  	(tag) =	ssettag $0x2  }
0x9e: {  	s0 =	rddreg [dreg:$0x0];
	s2 =	stileid.u32  }
0x9f: {  	s1 =	rddreg [dreg:$0x1];
	p0 =	sne.s32 s2, $0x0  }
0xa0: {  	s3 =	rddreg [dreg:$0x2];
	[bflag:$0x3] =	sbarrier.arrive $0xFFFF;
	s2 =	simm.s32 @!p0 $0x1C07  }
0xa1: {  	[timem:s3], [sflag:s2] =	dma.local @!p0 [hbm:s0], s1  }
0xa2: {  	s0 =	simm.s32 @!p0 $0x7  }
0xa3: {  	_ =	swait.ge @!p0 [sflag:s0], s1  }
0xa4: {  	s1 =	ssub.s32 @!p0 $0x0, s1;
	[sflag:s0] =	ssyncset.done @!p0 $0x0  }
0xa5: {  	[sflag:s0] =	ssyncadd.s32 @!p0 s1  }
0xa6: {  	[bflag:$0x3] =	sbarrier.arrive $0xFFFF  }
0xa7: {  	_ =	shalt  }

// kernel: kernel.17.cloned.1.call-start
scs
__scs_entry_jumppad:
0x0: {  	(pc) =	sbr.rel $0x88, $3  }
0x1: {  	(tag) =	ssettag $0x0;
	lr =	simm.s32 $0x1  }
0x2: {  	[smem:$0x3F97] =	sst lr;
	_ =	strace $0xD0000000  }
0x3: {  	_ = 	snop  }
0x4: {  	_ = 	snop  }
0x5: {  	_ = 	snop  }
0x6: {  	_ = 	snop  }
0x7: {  	_ = 	snop  }
__scs_overlays_trampoline_lowered:
0x8: {  	[smem:$0x3FA6] =	sst s0  }
0x9: {  	[smem:$0x3FA7] =	sst s1  }
0xa: {  	[smem:$0x3FA8] =	sst s2  }
0xb: {  	[smem:$0x3FA9] =	sst s3  }
0xc: {  	[smem:$0x3FAA] =	sst s4  }
0xd: {  	[smem:$0x3FAB] =	sst s5  }
0xe: {  	[smem:$0x3FAC] =	sst s6  }
0xf: {  	[smem:$0x3FAD] =	sst s7  }
0x10: {  	[smem:$0x3FAE] =	sst s8  }
0x11: {  	[smem:$0x3FAF] =	sst s9;
	s0 =	simm.s32 @!p0 $0x0  }
0x12: {  	s1 =	sld [smem:$0x3F95];
	s0 =	simm.s32 @p0 $0x1  }
0x13: {  	[smem:$0x3FB0] =	sst s0;
	s0 =	simm.s32 @!p1 $0x0  }
0x14: {  	s2 =	sld [smem:$0x3F94];
	s0 =	simm.s32 @p1 $0x1  }
0x15: {  	[smem:$0x3FB1] =	sst s0;
	s0 =	simm.s32 @!p2 $0x0  }
0x16: {  	s3 =	sld [smem:$0x3FDB];
	s0 =	simm.s32 @p2 $0x1  }
0x17: {  	s4 =	simm.s32 $0x1BF5;
	[smem:$0x3FB3] =	sst s0  }
0x18: {  	s0 =	sld [smem:$0x3F96];
	_ =	swait.ge [sflag:s4], $0x0  }
0x19: {  	s7 =	sld [smem:$0x3F97]  }
0x1a: {  	s8 =	sadd.s32 $0xFFFFE003, lr  }
0x1b: {  	s9 =	sadd.s32 $0xFFFFFEF7, lr;
	s5 =	simm.s32 $0xFFFFFFFF;
	p2 =	slt.u32 s8, $0xFFFFF086  }
0x1c: {  	p1 =	slt.u32 s9, $0xF7A;
	s5 =	simm.s32 @!p2 $0x0  }
0x1d: {  	s5 =	simm.s32 @p1 $0x1;
	p0 =	seq.s32 s7, s2  }
0x1e: {  	s7 =	smul.u32 @!p0 $0xF7A, s2;
	p2 =	seq.s32 @!p0 s5, $0x0  }
0x1f: {  	s9 =	smul.u32 $0xF7A, s1;
	s8 =	simm.s32 @!p0 $0x1BF5;
	p2 =	por !p2, p0  }
0x20: {  	[sflag:s8] =	ssyncset.s32 @!p0 $0xFFFFF086;
	s6 =	sadd.s32 @!p0 s3, s7;
	s7 =	simm.s32 @!p0 $0x108  }
0x21: {  	s3 =	sadd.s32 s3, s9;
	s6 =	sadd.s32 @!p0 $0x88, s6;
	s7 =	simm.s32 @p2 $0x1082  }
0x22: {  	[simem:s7], [sflag:s8] =	dma.local @!p0 [hbm:s6], $0xF7A  }
0x23: {  	s9 =	sor.u32 $0xD0000000, s2;
	s6 =	simm.s32 $0x108;
	_ =	swait.ge @!p0 [sflag:s8], $0x0  }
0x24: {  	s3 =	sadd.s32 $0x88, s3;
	s6 =	simm.s32 @!p1 $0x1082;
	[sflag:s4] =	ssyncset.s32 $0xFFFFF086  }
0x25: {  	[simem:s6], [sflag:s4] =	dma.local [hbm:s3], $0xF7A  }
0x26: {  	[smem:$0x3F97] =	sst s1;
	(tag) =	ssettag s2;
	_ =	strace s9  }
0x27: {  	s1 =	sld [smem:$0x3FA7]  }
0x28: {  	s2 =	sld [smem:$0x3FA8]  }
0x29: {  	s4 =	sld [smem:$0x3FAA]  }
0x2a: {  	p0 =	seq.s32 s5, $0x0;
	s5 =	sld [smem:$0x3FAB]  }
0x2b: {  	s6 =	sld [smem:$0x3FAC]  }
0x2c: {  	s7 =	sld [smem:$0x3FAD]  }
0x2d: {  	s3 =	simm.s32 $0x108;
	s8 =	sld [smem:$0x3FAE]  }
0x2e: {  	s3 =	simm.s32 @!p0 $0x1082;
	s9 =	sld [smem:$0x3FAF]  }
0x2f: {  	lr =	sadd.s32 s0, s3;
	s0 =	sld [smem:$0x3FA6]  }
0x30: {  	s3 =	sld [smem:$0x3FA9]  }
0x31: {  	[smem:$0x3FB2] =	sst s10  }
0x32: {  	s10 =	sld [smem:$0x3FB0];
	_ =	sdelay $0x3  }
0x33: {  	p0 =	seq.s32 s10, $0x1;
	s10 =	sld [smem:$0x3FB2];
	_ =	sdelay $0x3  }
0x34: {  	[smem:$0x3FB2] =	sst s10  }
0x35: {  	s10 =	sld [smem:$0x3FB1];
	_ =	sdelay $0x3  }
0x36: {  	p1 =	seq.s32 s10, $0x1;
	s10 =	sld [smem:$0x3FB2];
	_ =	sdelay $0x3  }
0x37: {  	[smem:$0x3FB2] =	sst s10  }
0x38: {  	s10 =	sld [smem:$0x3FB3]  }
0x39: {  	_ = 	snop;
	(pc) =	sbr.ind lr, $3  }
0x3a: {  	_ = 	snop  }
0x3b: {  	_ = 	snop  }
0x3c: {  	p2 =	seq.s32 s10, $0x1;
	s10 =	sld [smem:$0x3FB2]  }
0x3d: {  	_ =	shalt  }
0x3e: {  	_ =	shalt  }
0x3f: {  	_ =	shalt  }
0x40: {  	_ =	shalt  }
0x41: {  	_ =	shalt  }
0x42: {  	_ =	shalt  }
0x43: {  	_ =	shalt  }
0x44: {  	_ =	shalt  }
0x45: {  	_ =	shalt  }
0x46: {  	_ =	shalt  }
0x47: {  	_ =	shalt  }
0x48: {  	_ =	shalt  }
0x49: {  	_ =	shalt  }
0x4a: {  	_ =	shalt  }
0x4b: {  	_ =	shalt  }
0x4c: {  	_ =	shalt  }
0x4d: {  	_ =	shalt  }
0x4e: {  	_ =	shalt  }
0x4f: {  	_ =	shalt  }
0x50: {  	_ =	shalt  }
0x51: {  	_ =	shalt  }
0x52: {  	_ =	shalt  }
0x53: {  	_ =	shalt  }
0x54: {  	_ =	shalt  }
0x55: {  	_ =	shalt  }
0x56: {  	_ =	shalt  }
0x57: {  	_ =	shalt  }
0x58: {  	_ =	shalt  }
0x59: {  	_ =	shalt  }
0x5a: {  	_ =	shalt  }
0x5b: {  	_ =	shalt  }
0x5c: {  	_ =	shalt  }
0x5d: {  	_ =	shalt  }
0x5e: {  	_ =	shalt  }
0x5f: {  	_ =	shalt  }
0x60: {  	_ =	shalt  }
0x61: {  	_ =	shalt  }
0x62: {  	_ =	shalt  }
0x63: {  	_ =	shalt  }
0x64: {  	_ =	shalt  }
0x65: {  	_ =	shalt  }
0x66: {  	_ =	shalt  }
0x67: {  	_ =	shalt  }
0x68: {  	_ =	shalt  }
0x69: {  	_ =	shalt  }
0x6a: {  	_ =	shalt  }
0x6b: {  	_ =	shalt  }
0x6c: {  	_ =	shalt  }
0x6d: {  	_ =	shalt  }
0x6e: {  	_ =	shalt  }
0x6f: {  	_ =	shalt  }
0x70: {  	_ =	shalt  }
0x71: {  	_ =	shalt  }
0x72: {  	_ =	shalt  }
0x73: {  	_ =	shalt  }
0x74: {  	_ =	shalt  }
0x75: {  	_ =	shalt  }
0x76: {  	_ =	shalt  }
0x77: {  	_ =	shalt  }
0x78: {  	_ =	shalt  }
0x79: {  	_ =	shalt  }
0x7a: {  	_ =	shalt  }
0x7b: {  	_ =	shalt  }
0x7c: {  	_ =	shalt  }
0x7d: {  	_ =	shalt  }
0x7e: {  	_ =	shalt  }
0x7f: {  	_ =	shalt  }
0x80: {  	_ =	shalt  }
0x81: {  	_ =	shalt  }
0x82: {  	_ =	shalt  }
0x83: {  	_ =	shalt  }
0x84: {  	_ =	shalt  }
0x85: {  	_ =	shalt  }
0x86: {  	_ =	shalt  }
0x87: {  	_ =	shalt  }
.Lfunc_end0:
.L_simem_size_0:
called_computation.2_lowered:
.L_overlay_start_0:
0x88: {  	s2 =	sld [smem:$0x3FD9]  }
0x89: {  	s3 =	sld [smem:$0x3FFE];
	_ =	sdelay $0x1  }
0x8a: {  	s1 =	srdreg.scid  }
0x8b: {  	s0 =	sand.u32 $0x1, s1  }
0x8c: {  	s16 =	sshll.u32 s0, $0xA;
	s2 =	sadd.s32 s3, s2  }
0x8d: {  	s2 =	sadd.s32 s2, s16  }
0x8e: {  	[smem:$0x3FBE] =	sst s2  }
0x8f: {  	_ = 	snop  }
0x90: {  	(tm) =	ssettm $0x1  }
0x91: {  	s17 =	sld [smem:$0x3FFB];
	_ =	sdelay $0x3  }
0x92: {  	_ =	strace s17  }
0x93: {  	s2 =	sld [smem:$0x3FFC];
	_ =	sdelay $0x3  }
0x94: {  	_ =	strace s2  }
0x95: {  	s2 =	sld [smem:$0x3FFD];
	_ =	sdelay $0x3  }
0x96: {  	_ =	strace s2  }
0x97: {  	_ =	strace $0x8FFFFFFF  }
0x98: {  	s18 =	sld [smem:$0x3FDB];
	_ =	sdelay $0x1  }
0x99: {  	s19 =	simm.s32 $_scs_section_size  }
0x9a: {  	s4 =	simm.s32 $_size__tile_overlayer_lowered;
	s5 =	simm.s32 $_tile_overlayer_lowered  }
0x9b: {  	s22 =	simm.s32 $0x1BFF;
	s21 =	sshll.u32 s5, $0x1;
	s2 =	sadd.s32 s19, s18  }
0x9c: {  	s6 =	simm.s32 $0x0;
	s20 =	sshll.u32 s4, $0x1;
	s4 =	sadd.s32 s21, s2  }
0x9d: {  	[timem:s6], [sflag:s22] =	dma.local [hbm:s4], s20  }
0x9e: {  	_ =	swait.ge [sflag:s22], s20  }
0x9f: {  	s3 =	ssub.s32 $0x0, s20;
	[sflag:s22] =	ssyncset.done $0x0  }
0xa0: {  	[sflag:s22] =	ssyncadd.s32 s3;
	_ =	sdelay $0x1  }
0xa1: {  	s23 =	simm.s32 $0x1B8B  }
0xa2: {  	_ =	swait.ge [sflag:s23], $0x1  }
0xa3: {  	[sflag:s23] =	ssyncset.done $0x0  }
0xa4: {  	s25 =	simm.s32 $0x1B8E;
	s24 =	sld [smem:$0x3FFE];
	[sflag:s23] =	ssyncadd.s32 $0xFFFFFFFF  }
0xa5: {  	s26 =	simm.s32 $execute0_lowered;
	[smem:$0x3FD2] =	sst s25  }
0xa6: {  	s4 =	sshll.u32 s26, $0x1;
	_ =	strace $0x8000004C;
	[dreg:$0x1] =	wrdreg $0xFFFFFFFF  }
0xa7: {  	s28 =	simm.s32 $_size_execute0_lowered;
	s2 =	sadd.s32 s2, s4;
	[dreg:$0x0] =	wrdreg $0x0  }
0xa8: {  	s4 =	sshll.u32 s28, $0x1;
	[dreg:$0x2] =	wrdreg s2  }
0xa9: {  	[dreg:$0x3] =	wrdreg s4  }
0xaa: {  	[dreg:$0x4] =	wrdreg $0xC0  }
0xab: {  	_ =	task [dreg:s6], $0x5FFFF  }
0xac: {  	[dreg:$0x1] =	wrdreg $0xFFFFFFFF  }
0xad: {  	[dreg:$0x0] =	wrdreg $0x60  }
0xae: {  	[dreg:$0x2] =	wrdreg s24  }
0xaf: {  	[dreg:$0x3] =	wrdreg $0x11F200  }
0xb0: {  	[dreg:$0x4] =	wrdreg $0x9  }
0xb1: {  	_ =	task.clear_ibuf [dreg:s6], $0x5FFFF;
	_ =	strace $0x9000004C  }
0xb2: {  	s29 =	simm.s32 $0x9;
	_ =	strace $0x8000004E  }
0xb3: {  	_ =	swait.ge [sflag:s29], $0x1  }
0xb4: {  	[sflag:s29] =	ssyncadd.s32 $0xFFFFFFFF  }
0xb5: {  	_ =	strace $0x9000004E  }
0xb6: {  	_ =	sfence  }
0xb7: {  	s30 =	sld [smem:$0x0];
	_ =	sdelay $0x2  }
0xb8: {  	s31 =	sshll.u32 s1, $0xD;
	s1 =	sshrl.u32 s1, $0x2  }
0xb9: {  	s3 =	sand.u32 $0x4000, s31;
	s1 =	sadd.s32 s1, s30  }
0xba: {  	s0 =	sor.u32 s3, s0;
	s1 =	sshll.u32 s1, $0x11  }
0xbb: {  	s0 =	sor.u32 s1, s0  }
0xbc: {  	s0 =	sadd.s32 $0x8F2B, s0  }
0xbd: {  	[sflag:s0] =	ssyncadd.remote.s32 $0x1  }
0xbe: {  	_ =	sfence.sel $0xFFFF  }
0xbf: {  	[dreg:$0x0] =	wrdreg $0xFFFFFFFF;
	(pc) =	sbr.abs _section_cstart, $3  }
0xc0: {  	[dreg:$0x1] =	wrdreg $0xFFFFFFFF  }
0xc1: {  	_ =	task.clear_ibuf [dreg:s6], $0x2FFFF;
	_ =	strace $0x9FFFFFFF  }
0xc2: {  	(tm) =	ssettm $0x7FFFFFFF  }
0xc3: {  	_ =	shalt  }
tec
execute0_lowered:
.L_overlay_start_1:
0x0: {  	(tag) =	ssettag $0x1  }
0x1: {  	s0 =	srdreg.scid  }
0x2: {  	s10 =	stileid.u32;
	s5 =	rddreg [dreg:$0x0]  }
0x3: {  	s2 =	rddreg [dreg:$0x1];
	s3 =	simm.s32 $0x0;
	s18 =	simm.s32 $0x11600  }
0x4: {  	s19 =	simm.s32 $0x7;
	s20 =	simm.s32 $0x2C00;
	s21 =	simm.s32 $0x200  }
0x5: {  	s22 =	simm.s32 $0x5600;
	s23 =	simm.s32 $0x9600;
	s28 =	simm.s32 $0x1  }
0x6: {  	s29 =	simm.s32 $0x6;
	s31 =	simm.s32 $0x2;
	s8 =	smul.u32 $0x5220, s10  }
0x7: {  	s0 =	sand.u32 $0x1, s0;
	s1 =	sshll.u32 s10, $0x1;
	s10 =	smul.u32 $0x14880, s10  }
0x8: {  	s30 =	simm.s32 $0x3;
	s1 =	sor.u32 s0, s1;
	s7 =	smul.u32 $0x52200, s0  }
0x9: {  	[smem:$0x7FF] =	sst s3;
	s4 =	sadd.s32 $0x2400, s5;
	s6 =	smul.u32 $0x580, s1  }
0xa: {  	_ =	strace $0x8000004D;
	s0 =	ssub.s32 $0x2, s0;
	s1 =	smul.u32 $0x540, s1  }
0xb: {  	s9 =	sshrl.u32 s0, $0x1;
	s25 =	sshrl.u32 s10, $0x2;
	s26 =	sadd.s32 s8, s2  }
0xc: {  	s7 =	sadd.s32 s8, s7;
	s0 =	ssub.s32 s0, s9;
	s9 =	sadd.s32 s25, s2  }
0xd: {  	s25 =	sshrl.u32 s26, $0x3;
	s26 =	simm.s32 $0xD600;
	s6 =	sadd.s32 s6, s5  }
0xe: {  	s1 =	sadd.s32 s1, s5;
	s7 =	sshrl.u32 s7, $0x3;
	s8 =	smax.u32 s0, $0x1  }
0xf: {  	s10 =	sadd.s32 $0x920, s9;
	s11 =	sadd.s32 $0x1240, s9;
	s12 =	sadd.s32 $0x1B60, s9  }
0x10: {  	s13 =	sadd.s32 $0x2480, s9;
	s14 =	sadd.s32 $0x2DA0, s9;
	s15 =	sadd.s32 $0x36C0, s9  }
0x11: {  	s16 =	sadd.s32 $0x3FE0, s9;
	s17 =	sadd.s32 $0x4900, s9;
	s6 =	sadd.s32 $0x5E200, s6  }
0x12: {  	s5 =	sadd.s32 s7, s5;
	s1 =	sadd.s32 $0x69200, s1;
	[dreg:$0x3] =	wrdreg s6  }
0x13: {  	s0 =	simm.s32 $0x4;
	[dreg:$0x4] =	wrdreg s1;
	s24 =	sadd.s32 $0xC200, s5  }
0x14: {  	v0 =	vimm.f32 $0.0e+00;
	s1 =	simm.s32 $0x0;
	[dreg:$0x5] =	wrdreg s24;
	s24 =	simm.s32 $0x5  }
.LBB2_1:
0x15: {  	s5 =	simm.s32 $0x80;
	s6 =	simm.s32 $0x0  }
.LBB2_2:
0x16: {  	p0 =	sne.s32 s5, $0x2400;
	[tilespmem:s6+$0x11600] =	vst v0;
	s7 =	smov.u32 s5;
	s5 =	sadd.s32 $0x80, s5  }
.Ltmp0:
0x17: {  	[tilespmem:s6+$0x11610] =	vst v0;
	(pc) =	sbr.rel @p0 .LBB2_2-.Ltmp0, $2  }
0x18: {  	_ =	sdelay $0x2  }
0x19: {  	s6 =	sshra.s32 s7, $0x2  }
0x1a: {  	[tilespmem:s6+$0x11600] =	vst v0  }
0x1b: {  	[tilespmem:s6+$0x11610] =	vst v0  }
0x1c: {  	[spmem:s9] =	stream.linear.scatter [tilespmem:s18], [sflag:$0x7], $0x920, $0x38;
	[tilespmem:$0x17140] =	vst v63  }
0x1d: {  	_ =	swait.ge [sflag:s19], $0x920  }
0x1e: {  	[sflag:s19] =	ssyncset.done $0x0  }
0x1f: {  	[sflag:s19] =	ssyncadd.s32 $0xFFFFF6E0  }
0x20: {  	[spmem:s10] =	stream.linear.scatter [tilespmem:s18], [sflag:$0x7], $0x920, $0x38;
	[tilespmem:$0x17140] =	vst v63  }
0x21: {  	_ =	swait.ge [sflag:s19], $0x920  }
0x22: {  	[sflag:s19] =	ssyncset.done $0x0  }
0x23: {  	[sflag:s19] =	ssyncadd.s32 $0xFFFFF6E0  }
0x24: {  	[spmem:s11] =	stream.linear.scatter [tilespmem:s18], [sflag:$0x7], $0x920, $0x38;
	[tilespmem:$0x17140] =	vst v63  }
0x25: {  	_ =	swait.ge [sflag:s19], $0x920  }
0x26: {  	[sflag:s19] =	ssyncset.done $0x0  }
0x27: {  	[sflag:s19] =	ssyncadd.s32 $0xFFFFF6E0  }
0x28: {  	[spmem:s12] =	stream.linear.scatter [tilespmem:s18], [sflag:$0x7], $0x920, $0x38;
	[tilespmem:$0x17140] =	vst v63  }
0x29: {  	_ =	swait.ge [sflag:s19], $0x920  }
0x2a: {  	[sflag:s19] =	ssyncset.done $0x0  }
0x2b: {  	[sflag:s19] =	ssyncadd.s32 $0xFFFFF6E0  }
0x2c: {  	[spmem:s13] =	stream.linear.scatter [tilespmem:s18], [sflag:$0x7], $0x920, $0x38;
	[tilespmem:$0x17140] =	vst v63  }
0x2d: {  	_ =	swait.ge [sflag:s19], $0x920  }
0x2e: {  	[sflag:s19] =	ssyncset.done $0x0  }
0x2f: {  	[sflag:s19] =	ssyncadd.s32 $0xFFFFF6E0  }
0x30: {  	[spmem:s14] =	stream.linear.scatter [tilespmem:s18], [sflag:$0x7], $0x920, $0x38;
	[tilespmem:$0x17140] =	vst v63  }
0x31: {  	_ =	swait.ge [sflag:s19], $0x920  }
0x32: {  	[sflag:s19] =	ssyncset.done $0x0  }
0x33: {  	[sflag:s19] =	ssyncadd.s32 $0xFFFFF6E0  }
0x34: {  	[spmem:s15] =	stream.linear.scatter [tilespmem:s18], [sflag:$0x7], $0x920, $0x38;
	[tilespmem:$0x17140] =	vst v63  }
0x35: {  	_ =	swait.ge [sflag:s19], $0x920  }
0x36: {  	[sflag:s19] =	ssyncset.done $0x0  }
0x37: {  	[sflag:s19] =	ssyncadd.s32 $0xFFFFF6E0  }
0x38: {  	[spmem:s16] =	stream.linear.scatter [tilespmem:s18], [sflag:$0x7], $0x920, $0x38;
	[tilespmem:$0x17140] =	vst v63  }
0x39: {  	_ =	swait.ge [sflag:s19], $0x920  }
0x3a: {  	[sflag:s19] =	ssyncset.done $0x0  }
0x3b: {  	[sflag:s19] =	ssyncadd.s32 $0xFFFFF6E0  }
0x3c: {  	[spmem:s17] =	stream.linear.scatter [tilespmem:s18], [sflag:$0x7], $0x920, $0x38;
	[tilespmem:$0x17140] =	vst v63  }
0x3d: {  	_ =	swait.ge [sflag:s19], $0x920  }
0x3e: {  	[sflag:s19] =	ssyncset.done $0x0  }
0x3f: {  	s5 =	rddreg [dreg:$0x3];
	[sflag:s19] =	ssyncadd.s32 $0xFFFFF6E0  }
0x40: {  	[tilespmem:s3], [sflag:$0x7] =	stream.linear.gather [hbm4b:s5+s3], $0x2C00, $0x38;
	[tilespmem:$0x17140] =	vst v63  }
0x41: {  	_ =	swait.ge [sflag:s19], $0x2C00  }
0x42: {  	[sflag:s19] =	ssyncset.done $0x0  }
0x43: {  	s7 =	rddreg [dreg:$0x4];
	[sflag:s19] =	ssyncadd.s32 $0xFFFFD400  }
0x44: {  	[tilespmem:s20], [sflag:$0x7] =	stream.linear.gather [hbm4b:s7+s3], $0x2A00, $0x38;
	[tilespmem:$0x17140] =	vst v63  }
0x45: {  	_ =	swait.ge [sflag:s19], $0x2A00  }
0x46: {  	[sflag:s19] =	ssyncset.done $0x0  }
0x47: {  	[sflag:s19] =	ssyncadd.s32 $0xFFFFD600  }
0x48: {  	[bflag:$0x0] =	sbarrier.arrive $0xFFFF  }
0x49: {  	[tilespmem:s22], [sflag:$0x1] =	stream.indirect.gather [hbm4b:s4+s21], $0x20, s3, s21, $0xb8;
	[tilespmem:$0x17140] =	vst v63  }
0x4a: {  	_ = 	snop  }
0x4b: {  	[tilespmem:s23], [sflag:$0x2] =	stream.indirect.gather [hbm4b:s4+s21], $0x20, s21, s21, $0xb8;
	[tilespmem:$0x17140] =	vst v63  }
0x4c: {  	s6 =	simm.s32 $0x5400  }
0x4d: {  	[spmem:s2] =	stream.indirect.scatter.add.f32 [tilespmem:s26], [sflag:$0x6], $0x20, s6, s21, $0xb8;
	[tilespmem:$0x17140] =	vst v63  }
0x4e: {  	_ =	swait.ge [sflag:s28], $0x4000  }
0x4f: {  	[sflag:s28] =	ssyncset.done $0x0  }
0x50: {  	[sflag:s28] =	ssyncadd.s32 $0xFFFFC000  }
0x51: {  	[spmem:s2] =	stream.indirect.scatter.add.f32 [tilespmem:s22], [sflag:$0x4], $0x20, s20, s21, $0xb8;
	[tilespmem:$0x17140] =	vst v63  }
0x52: {  	_ =	swait.ge [sflag:s29], $0x4000  }
0x53: {  	[sflag:s29] =	ssyncset.done $0x0  }
0x54: {  	s7 =	simm.s32 $0x400;
	[sflag:s29] =	ssyncadd.s32 $0xFFFFC000  }
0x55: {  	[tilespmem:s26], [sflag:$0x3] =	stream.indirect.gather [hbm4b:s4+s21], $0x20, s7, s21, $0xb8;
	[tilespmem:$0x17140] =	vst v63  }
0x56: {  	_ =	swait.ge [sflag:s31], $0x4000  }
0x57: {  	[sflag:s31] =	ssyncset.done $0x0  }
0x58: {  	s6 =	simm.s32 $0x2E00;
	[sflag:s31] =	ssyncadd.s32 $0xFFFFC000  }
0x59: {  	[spmem:s2] =	stream.indirect.scatter.add.f32 [tilespmem:s23], [sflag:$0x5], $0x20, s6, s21, $0xb8;
	[tilespmem:$0x17140] =	vst v63  }
0x5a: {  	_ =	swait.ge [sflag:s0], $0x4000  }
0x5b: {  	[sflag:s0] =	ssyncset.done $0x0  }
0x5c: {  	s7 =	simm.s32 $0x600;
	[sflag:s0] =	ssyncadd.s32 $0xFFFFC000  }
0x5d: {  	[tilespmem:s22], [sflag:$0x1] =	stream.indirect.gather [hbm4b:s4+s21], $0x20, s7, s21, $0xb8;
	[tilespmem:$0x17140] =	vst v63  }
0x5e: {  	_ =	swait.ge [sflag:s30], $0x4000  }
0x5f: {  	[sflag:s30] =	ssyncset.done $0x0  }
0x60: {  	s6 =	simm.s32 $0x3000;
	[sflag:s30] =	ssyncadd.s32 $0xFFFFC000  }
0x61: {  	[spmem:s2] =	stream.indirect.scatter.add.f32 [tilespmem:s26], [sflag:$0x6], $0x20, s6, s21, $0xb8;
	[tilespmem:$0x17140] =	vst v63  }
0x62: {  	_ =	swait.ge [sflag:s24], $0x4000  }
0x63: {  	[sflag:s24] =	ssyncset.done $0x0  }
0x64: {  	s7 =	simm.s32 $0x800;
	[sflag:s24] =	ssyncadd.s32 $0xFFFFC000  }
0x65: {  	[tilespmem:s23], [sflag:$0x2] =	stream.indirect.gather [hbm4b:s4+s21], $0x20, s7, s21, $0xb8;
	[tilespmem:$0x17140] =	vst v63  }
0x66: {  	_ =	swait.ge [sflag:s28], $0x4000  }
0x67: {  	[sflag:s28] =	ssyncset.done $0x0  }
0x68: {  	s6 =	simm.s32 $0x3200;
	[sflag:s28] =	ssyncadd.s32 $0xFFFFC000  }
0x69: {  	[spmem:s2] =	stream.indirect.scatter.add.f32 [tilespmem:s22], [sflag:$0x4], $0x20, s6, s21, $0xb8;
	[tilespmem:$0x17140] =	vst v63  }
0x6a: {  	_ =	swait.ge [sflag:s29], $0x4000  }
0x6b: {  	[sflag:s29] =	ssyncset.done $0x0  }
0x6c: {  	s7 =	simm.s32 $0xA00;
	[sflag:s29] =	ssyncadd.s32 $0xFFFFC000  }
0x6d: {  	[tilespmem:s26], [sflag:$0x3] =	stream.indirect.gather [hbm4b:s4+s21], $0x20, s7, s21, $0xb8;
	[tilespmem:$0x17140] =	vst v63  }
0x6e: {  	_ =	swait.ge [sflag:s31], $0x4000  }
0x6f: {  	[sflag:s31] =	ssyncset.done $0x0  }
0x70: {  	s6 =	simm.s32 $0x3400;
	[sflag:s31] =	ssyncadd.s32 $0xFFFFC000  }
0x71: {  	[spmem:s2] =	stream.indirect.scatter.add.f32 [tilespmem:s23], [sflag:$0x5], $0x20, s6, s21, $0xb8;
	[tilespmem:$0x17140] =	vst v63  }
0x72: {  	_ =	swait.ge [sflag:s0], $0x4000  }
0x73: {  	[sflag:s0] =	ssyncset.done $0x0  }
0x74: {  	s7 =	simm.s32 $0xC00;
	[sflag:s0] =	ssyncadd.s32 $0xFFFFC000  }
0x75: {  	[tilespmem:s22], [sflag:$0x1] =	stream.indirect.gather [hbm4b:s4+s21], $0x20, s7, s21, $0xb8;
	[tilespmem:$0x17140] =	vst v63  }
0x76: {  	_ =	swait.ge [sflag:s30], $0x4000  }
0x77: {  	[sflag:s30] =	ssyncset.done $0x0  }
0x78: {  	s6 =	simm.s32 $0x3600;
	[sflag:s30] =	ssyncadd.s32 $0xFFFFC000  }
0x79: {  	[spmem:s2] =	stream.indirect.scatter.add.f32 [tilespmem:s26], [sflag:$0x6], $0x20, s6, s21, $0xb8;
	[tilespmem:$0x17140] =	vst v63  }
0x7a: {  	_ =	swait.ge [sflag:s24], $0x4000  }
0x7b: {  	[sflag:s24] =	ssyncset.done $0x0  }
0x7c: {  	s7 =	simm.s32 $0xE00;
	[sflag:s24] =	ssyncadd.s32 $0xFFFFC000  }
0x7d: {  	[tilespmem:s23], [sflag:$0x2] =	stream.indirect.gather [hbm4b:s4+s21], $0x20, s7, s21, $0xb8;
	[tilespmem:$0x17140] =	vst v63  }
0x7e: {  	_ =	swait.ge [sflag:s28], $0x4000  }
0x7f: {  	[sflag:s28] =	ssyncset.done $0x0  }
0x80: {  	s6 =	simm.s32 $0x3800;
	[sflag:s28] =	ssyncadd.s32 $0xFFFFC000  }
0x81: {  	[spmem:s2] =	stream.indirect.scatter.add.f32 [tilespmem:s22], [sflag:$0x4], $0x20, s6, s21, $0xb8;
	[tilespmem:$0x17140] =	vst v63  }
0x82: {  	_ =	swait.ge [sflag:s29], $0x4000  }
0x83: {  	[sflag:s29] =	ssyncset.done $0x0  }
0x84: {  	s7 =	simm.s32 $0x1000;
	[sflag:s29] =	ssyncadd.s32 $0xFFFFC000  }
0x85: {  	[tilespmem:s26], [sflag:$0x3] =	stream.indirect.gather [hbm4b:s4+s21], $0x20, s7, s21, $0xb8;
	[tilespmem:$0x17140] =	vst v63  }
0x86: {  	_ =	swait.ge [sflag:s31], $0x4000  }
0x87: {  	[sflag:s31] =	ssyncset.done $0x0  }
0x88: {  	s6 =	simm.s32 $0x3A00;
	[sflag:s31] =	ssyncadd.s32 $0xFFFFC000  }
0x89: {  	[spmem:s2] =	stream.indirect.scatter.add.f32 [tilespmem:s23], [sflag:$0x5], $0x20, s6, s21, $0xb8;
	[tilespmem:$0x17140] =	vst v63  }
0x8a: {  	_ =	swait.ge [sflag:s0], $0x4000  }
0x8b: {  	[sflag:s0] =	ssyncset.done $0x0  }
0x8c: {  	s7 =	simm.s32 $0x1200;
	[sflag:s0] =	ssyncadd.s32 $0xFFFFC000  }
0x8d: {  	[tilespmem:s22], [sflag:$0x1] =	stream.indirect.gather [hbm4b:s4+s21], $0x20, s7, s21, $0xb8;
	[tilespmem:$0x17140] =	vst v63  }
0x8e: {  	_ =	swait.ge [sflag:s30], $0x4000  }
0x8f: {  	[sflag:s30] =	ssyncset.done $0x0  }
0x90: {  	s6 =	simm.s32 $0x3C00;
	[sflag:s30] =	ssyncadd.s32 $0xFFFFC000  }
0x91: {  	[spmem:s2] =	stream.indirect.scatter.add.f32 [tilespmem:s26], [sflag:$0x6], $0x20, s6, s21, $0xb8;
	[tilespmem:$0x17140] =	vst v63  }
0x92: {  	_ =	swait.ge [sflag:s24], $0x4000  }
0x93: {  	[sflag:s24] =	ssyncset.done $0x0  }
0x94: {  	s7 =	simm.s32 $0x1400;
	[sflag:s24] =	ssyncadd.s32 $0xFFFFC000  }
0x95: {  	[tilespmem:s23], [sflag:$0x2] =	stream.indirect.gather [hbm4b:s4+s21], $0x20, s7, s21, $0xb8;
	[tilespmem:$0x17140] =	vst v63  }
0x96: {  	_ =	swait.ge [sflag:s28], $0x4000  }
0x97: {  	[sflag:s28] =	ssyncset.done $0x0  }
0x98: {  	s6 =	simm.s32 $0x3E00;
	[sflag:s28] =	ssyncadd.s32 $0xFFFFC000  }
0x99: {  	[spmem:s2] =	stream.indirect.scatter.add.f32 [tilespmem:s22], [sflag:$0x4], $0x20, s6, s21, $0xb8;
	[tilespmem:$0x17140] =	vst v63  }
0x9a: {  	_ =	swait.ge [sflag:s29], $0x4000  }
0x9b: {  	[sflag:s29] =	ssyncset.done $0x0  }
0x9c: {  	s7 =	simm.s32 $0x1600;
	[sflag:s29] =	ssyncadd.s32 $0xFFFFC000  }
0x9d: {  	[tilespmem:s26], [sflag:$0x3] =	stream.indirect.gather [hbm4b:s4+s21], $0x20, s7, s21, $0xb8;
	[tilespmem:$0x17140] =	vst v63  }
0x9e: {  	_ =	swait.ge [sflag:s31], $0x4000  }
0x9f: {  	[sflag:s31] =	ssyncset.done $0x0  }
0xa0: {  	s6 =	simm.s32 $0x4000;
	[sflag:s31] =	ssyncadd.s32 $0xFFFFC000  }
0xa1: {  	[spmem:s2] =	stream.indirect.scatter.add.f32 [tilespmem:s23], [sflag:$0x5], $0x20, s6, s21, $0xb8;
	[tilespmem:$0x17140] =	vst v63  }
0xa2: {  	_ =	swait.ge [sflag:s0], $0x4000  }
0xa3: {  	[sflag:s0] =	ssyncset.done $0x0  }
0xa4: {  	s7 =	simm.s32 $0x1800;
	[sflag:s0] =	ssyncadd.s32 $0xFFFFC000  }
0xa5: {  	[tilespmem:s22], [sflag:$0x1] =	stream.indirect.gather [hbm4b:s4+s21], $0x20, s7, s21, $0xb8;
	[tilespmem:$0x17140] =	vst v63  }
0xa6: {  	_ =	swait.ge [sflag:s30], $0x4000  }
0xa7: {  	[sflag:s30] =	ssyncset.done $0x0  }
0xa8: {  	s6 =	simm.s32 $0x4200;
	[sflag:s30] =	ssyncadd.s32 $0xFFFFC000  }
0xa9: {  	[spmem:s2] =	stream.indirect.scatter.add.f32 [tilespmem:s26], [sflag:$0x6], $0x20, s6, s21, $0xb8;
	[tilespmem:$0x17140] =	vst v63  }
0xaa: {  	_ =	swait.ge [sflag:s24], $0x4000  }
0xab: {  	[sflag:s24] =	ssyncset.done $0x0  }
0xac: {  	s7 =	simm.s32 $0x1A00;
	[sflag:s24] =	ssyncadd.s32 $0xFFFFC000  }
0xad: {  	[tilespmem:s23], [sflag:$0x2] =	stream.indirect.gather [hbm4b:s4+s21], $0x20, s7, s21, $0xb8;
	[tilespmem:$0x17140] =	vst v63  }
0xae: {  	_ =	swait.ge [sflag:s28], $0x4000  }
0xaf: {  	[sflag:s28] =	ssyncset.done $0x0  }
0xb0: {  	s6 =	simm.s32 $0x4400;
	[sflag:s28] =	ssyncadd.s32 $0xFFFFC000  }
0xb1: {  	[spmem:s2] =	stream.indirect.scatter.add.f32 [tilespmem:s22], [sflag:$0x4], $0x20, s6, s21, $0xb8;
	[tilespmem:$0x17140] =	vst v63  }
0xb2: {  	_ =	swait.ge [sflag:s29], $0x4000  }
0xb3: {  	[sflag:s29] =	ssyncset.done $0x0  }
0xb4: {  	s7 =	simm.s32 $0x1C00;
	[sflag:s29] =	ssyncadd.s32 $0xFFFFC000  }
0xb5: {  	[tilespmem:s26], [sflag:$0x3] =	stream.indirect.gather [hbm4b:s4+s21], $0x20, s7, s21, $0xb8;
	[tilespmem:$0x17140] =	vst v63  }
0xb6: {  	_ =	swait.ge [sflag:s31], $0x4000  }
0xb7: {  	[sflag:s31] =	ssyncset.done $0x0  }
0xb8: {  	s6 =	simm.s32 $0x4600;
	[sflag:s31] =	ssyncadd.s32 $0xFFFFC000  }
0xb9: {  	[spmem:s2] =	stream.indirect.scatter.add.f32 [tilespmem:s23], [sflag:$0x5], $0x20, s6, s21, $0xb8;
	[tilespmem:$0x17140] =	vst v63  }
0xba: {  	_ =	swait.ge [sflag:s0], $0x4000  }
0xbb: {  	[sflag:s0] =	ssyncset.done $0x0  }
0xbc: {  	s7 =	simm.s32 $0x1E00;
	[sflag:s0] =	ssyncadd.s32 $0xFFFFC000  }
0xbd: {  	[tilespmem:s22], [sflag:$0x1] =	stream.indirect.gather [hbm4b:s4+s21], $0x20, s7, s21, $0xb8;
	[tilespmem:$0x17140] =	vst v63  }
0xbe: {  	_ =	swait.ge [sflag:s30], $0x4000  }
0xbf: {  	[sflag:s30] =	ssyncset.done $0x0  }
0xc0: {  	s6 =	simm.s32 $0x4800;
	[sflag:s30] =	ssyncadd.s32 $0xFFFFC000  }
0xc1: {  	[spmem:s2] =	stream.indirect.scatter.add.f32 [tilespmem:s26], [sflag:$0x6], $0x20, s6, s21, $0xb8;
	[tilespmem:$0x17140] =	vst v63  }
0xc2: {  	_ =	swait.ge [sflag:s24], $0x4000  }
0xc3: {  	[sflag:s24] =	ssyncset.done $0x0  }
0xc4: {  	s7 =	simm.s32 $0x2000;
	[sflag:s24] =	ssyncadd.s32 $0xFFFFC000  }
0xc5: {  	[tilespmem:s23], [sflag:$0x2] =	stream.indirect.gather [hbm4b:s4+s21], $0x20, s7, s21, $0xb8;
	[tilespmem:$0x17140] =	vst v63  }
0xc6: {  	_ =	swait.ge [sflag:s28], $0x4000  }
0xc7: {  	[sflag:s28] =	ssyncset.done $0x0  }
0xc8: {  	s6 =	simm.s32 $0x4A00;
	[sflag:s28] =	ssyncadd.s32 $0xFFFFC000  }
0xc9: {  	[spmem:s2] =	stream.indirect.scatter.add.f32 [tilespmem:s22], [sflag:$0x4], $0x20, s6, s21, $0xb8;
	[tilespmem:$0x17140] =	vst v63  }
0xca: {  	_ =	swait.ge [sflag:s29], $0x4000  }
0xcb: {  	[sflag:s29] =	ssyncset.done $0x0  }
0xcc: {  	s7 =	simm.s32 $0x2200;
	[sflag:s29] =	ssyncadd.s32 $0xFFFFC000  }
0xcd: {  	[tilespmem:s26], [sflag:$0x3] =	stream.indirect.gather [hbm4b:s4+s21], $0x20, s7, s21, $0xb8;
	[tilespmem:$0x17140] =	vst v63  }
0xce: {  	_ =	swait.ge [sflag:s31], $0x4000  }
0xcf: {  	[sflag:s31] =	ssyncset.done $0x0  }
0xd0: {  	s6 =	simm.s32 $0x4C00;
	[sflag:s31] =	ssyncadd.s32 $0xFFFFC000  }
0xd1: {  	[spmem:s2] =	stream.indirect.scatter.add.f32 [tilespmem:s23], [sflag:$0x5], $0x20, s6, s21, $0xb8;
	[tilespmem:$0x17140] =	vst v63  }
0xd2: {  	_ =	swait.ge [sflag:s0], $0x4000  }
0xd3: {  	[sflag:s0] =	ssyncset.done $0x0  }
0xd4: {  	s7 =	simm.s32 $0x2400;
	[sflag:s0] =	ssyncadd.s32 $0xFFFFC000  }
0xd5: {  	[tilespmem:s22], [sflag:$0x1] =	stream.indirect.gather [hbm4b:s4+s21], $0x20, s7, s21, $0xb8;
	[tilespmem:$0x17140] =	vst v63  }
0xd6: {  	_ =	swait.ge [sflag:s30], $0x4000  }
0xd7: {  	[sflag:s30] =	ssyncset.done $0x0  }
0xd8: {  	s6 =	simm.s32 $0x4E00;
	[sflag:s30] =	ssyncadd.s32 $0xFFFFC000  }
0xd9: {  	[spmem:s2] =	stream.indirect.scatter.add.f32 [tilespmem:s26], [sflag:$0x6], $0x20, s6, s21, $0xb8;
	[tilespmem:$0x17140] =	vst v63  }
0xda: {  	_ =	swait.ge [sflag:s24], $0x4000  }
0xdb: {  	[sflag:s24] =	ssyncset.done $0x0  }
0xdc: {  	s7 =	simm.s32 $0x2600;
	[sflag:s24] =	ssyncadd.s32 $0xFFFFC000  }
0xdd: {  	[tilespmem:s23], [sflag:$0x2] =	stream.indirect.gather [hbm4b:s4+s21], $0x20, s7, s21, $0xb8;
	[tilespmem:$0x17140] =	vst v63  }
0xde: {  	_ =	swait.ge [sflag:s28], $0x4000  }
0xdf: {  	[sflag:s28] =	ssyncset.done $0x0  }
0xe0: {  	s6 =	simm.s32 $0x5000;
	[sflag:s28] =	ssyncadd.s32 $0xFFFFC000  }
0xe1: {  	[spmem:s2] =	stream.indirect.scatter.add.f32 [tilespmem:s22], [sflag:$0x4], $0x20, s6, s21, $0xb8;
	[tilespmem:$0x17140] =	vst v63  }
0xe2: {  	_ =	swait.ge [sflag:s29], $0x4000  }
0xe3: {  	[sflag:s29] =	ssyncset.done $0x0  }
0xe4: {  	s7 =	simm.s32 $0x2800;
	[sflag:s29] =	ssyncadd.s32 $0xFFFFC000  }
0xe5: {  	[tilespmem:s26], [sflag:$0x3] =	stream.indirect.gather [hbm4b:s4+s21], $0x20, s7, s21, $0xb8;
	[tilespmem:$0x17140] =	vst v63  }
0xe6: {  	_ =	swait.ge [sflag:s31], $0x4000  }
0xe7: {  	[sflag:s31] =	ssyncset.done $0x0  }
0xe8: {  	s6 =	simm.s32 $0x5200;
	[sflag:s31] =	ssyncadd.s32 $0xFFFFC000  }
0xe9: {  	[spmem:s2] =	stream.indirect.scatter.add.f32 [tilespmem:s23], [sflag:$0x5], $0x20, s6, s21, $0xb8;
	[tilespmem:$0x17140] =	vst v63  }
0xea: {  	_ =	swait.ge [sflag:s0], $0x4000  }
0xeb: {  	[sflag:s0] =	ssyncset.done $0x0  }
0xec: {  	s7 =	simm.s32 $0x2A00;
	[sflag:s0] =	ssyncadd.s32 $0xFFFFC000  }
0xed: {  	[tilespmem:s22], [sflag:$0x1] =	stream.indirect.gather [hbm4b:s4+s21], $0x20, s7, s21, $0xb8;
	[tilespmem:$0x17140] =	vst v63  }
0xee: {  	_ =	swait.ge [sflag:s24], $0x4000  }
0xef: {  	[sflag:s24] =	ssyncset.done $0x0  }
0xf0: {  	[sflag:s24] =	ssyncadd.s32 $0xFFFFC000  }
0xf1: {  	_ =	swait.ge [sflag:s30], $0x4000  }
0xf2: {  	[sflag:s30] =	ssyncset.done $0x0  }
0xf3: {  	[sflag:s30] =	ssyncadd.s32 $0xFFFFC000  }
0xf4: {  	_ =	swait.ge [sflag:s28], $0x4000  }
0xf5: {  	[sflag:s28] =	ssyncset.done $0x0  }
0xf6: {  	s1 =	sadd.s32 $0x1, s1;
	s6 =	stileid.u32;
	[sflag:s28] =	ssyncadd.s32 $0xFFFFC000  }
0xf7: {  	p0 =	sne.s32 s1, s8;
	s5 =	sshll.u32 s6, $0x6;
	[bflag:$0x0] =	sbarrier.arrive $0xFFFF  }
.Ltmp1:
0xf8: {  	s5 =	sor.u32 $0x1C07, s5;
	s7 =	rddreg [dreg:$0x5];
	(pc) =	sbr.rel @p0 .LBB2_1-.Ltmp1, $4  }
0xf9: {  	[hbm:s7], [sflag:s5] =	dma.local [spmem:s25], $0xA44  }
0xfa: {  	_ =	swait.ge [sflag:s19], $0xA44  }
0xfb: {  	[sflag:s19] =	ssyncset.done $0x0  }
0xfc: {  	[sflag:s19] =	ssyncadd.s32 $0xFFFFF5BC  }
0xfd: {  	_ =	sfence.sel $0x180000  }
0xfe: {  	[bflag:$0x0] =	sbarrier.arrive $0xFFFF  }
0xff: {  	_ =	strace $0x9000004D  }
0x100: {  	s0 =	stileid.u32;
	[bflag:$0x2] =	sbarrier.arrive $0xFFFF  }
0x101: {  	p0 =	sne.s32 s0, $0x0;
	s0 =	rddreg [dreg:$0x2]  }
0x102: {  	s0 =	sadd.s32 @!p0 $0x100000, s0  }
0x103: {  	[sflag:s0] =	ssyncadd.tile.s32 @!p0 $0x1;
	_ =	shalt  }
.Lfunc_end2:
_tile_overlayer_lowered:
.L_overlay_start_2:
0x104: {  	(tag) =	ssettag $0x2  }
0x105: {  	s0 =	rddreg [dreg:$0x0];
	s2 =	stileid.u32  }
0x106: {  	s1 =	rddreg [dreg:$0x1];
	p0 =	sne.s32 s2, $0x0  }
0x107: {  	s3 =	rddreg [dreg:$0x2];
	[bflag:$0x3] =	sbarrier.arrive $0xFFFF;
	s2 =	simm.s32 @!p0 $0x1C07  }
0x108: {  	[timem:s3], [sflag:s2] =	dma.local @!p0 [hbm:s0], s1  }
0x109: {  	s0 =	simm.s32 @!p0 $0x7  }
0x10a: {  	_ =	swait.ge @!p0 [sflag:s0], s1  }
0x10b: {  	s1 =	ssub.s32 @!p0 $0x0, s1;
	[sflag:s0] =	ssyncset.done @!p0 $0x0  }
0x10c: {  	[sflag:s0] =	ssyncadd.s32 @!p0 s1  }
0x10d: {  	[bflag:$0x3] =	sbarrier.arrive $0xFFFF  }
0x10e: {  	_ =	shalt  }

// kernel: kernel.20.cloned.1.call-start
scs
__scs_entry_jumppad:
0x0: {  	(pc) =	sbr.rel $0x88, $3  }
0x1: {  	(tag) =	ssettag $0x0;
	lr =	simm.s32 $0x1  }
0x2: {  	[smem:$0x3F97] =	sst lr;
	_ =	strace $0xD0000000  }
0x3: {  	_ = 	snop  }
0x4: {  	_ = 	snop  }
0x5: {  	_ = 	snop  }
0x6: {  	_ = 	snop  }
0x7: {  	_ = 	snop  }
__scs_overlays_trampoline_lowered:
0x8: {  	[smem:$0x3FA6] =	sst s0  }
0x9: {  	[smem:$0x3FA7] =	sst s1  }
0xa: {  	[smem:$0x3FA8] =	sst s2  }
0xb: {  	[smem:$0x3FA9] =	sst s3  }
0xc: {  	[smem:$0x3FAA] =	sst s4  }
0xd: {  	[smem:$0x3FAB] =	sst s5  }
0xe: {  	[smem:$0x3FAC] =	sst s6  }
0xf: {  	[smem:$0x3FAD] =	sst s7  }
0x10: {  	[smem:$0x3FAE] =	sst s8  }
0x11: {  	[smem:$0x3FAF] =	sst s9;
	s0 =	simm.s32 @!p0 $0x0  }
0x12: {  	s1 =	sld [smem:$0x3F95];
	s0 =	simm.s32 @p0 $0x1  }
0x13: {  	[smem:$0x3FB0] =	sst s0;
	s0 =	simm.s32 @!p1 $0x0  }
0x14: {  	s2 =	sld [smem:$0x3F94];
	s0 =	simm.s32 @p1 $0x1  }
0x15: {  	[smem:$0x3FB1] =	sst s0;
	s0 =	simm.s32 @!p2 $0x0  }
0x16: {  	s3 =	sld [smem:$0x3FDB];
	s0 =	simm.s32 @p2 $0x1  }
0x17: {  	s4 =	simm.s32 $0x1BF5;
	[smem:$0x3FB3] =	sst s0  }
0x18: {  	s0 =	sld [smem:$0x3F96];
	_ =	swait.ge [sflag:s4], $0x0  }
0x19: {  	s7 =	sld [smem:$0x3F97]  }
0x1a: {  	s8 =	sadd.s32 $0xFFFFE003, lr  }
0x1b: {  	s9 =	sadd.s32 $0xFFFFFEF7, lr;
	s5 =	simm.s32 $0xFFFFFFFF;
	p2 =	slt.u32 s8, $0xFFFFF086  }
0x1c: {  	p1 =	slt.u32 s9, $0xF7A;
	s5 =	simm.s32 @!p2 $0x0  }
0x1d: {  	s5 =	simm.s32 @p1 $0x1;
	p0 =	seq.s32 s7, s2  }
0x1e: {  	s7 =	smul.u32 @!p0 $0xF7A, s2;
	p2 =	seq.s32 @!p0 s5, $0x0  }
0x1f: {  	s9 =	smul.u32 $0xF7A, s1;
	s8 =	simm.s32 @!p0 $0x1BF5;
	p2 =	por !p2, p0  }
0x20: {  	[sflag:s8] =	ssyncset.s32 @!p0 $0xFFFFF086;
	s6 =	sadd.s32 @!p0 s3, s7;
	s7 =	simm.s32 @!p0 $0x108  }
0x21: {  	s3 =	sadd.s32 s3, s9;
	s6 =	sadd.s32 @!p0 $0x88, s6;
	s7 =	simm.s32 @p2 $0x1082  }
0x22: {  	[simem:s7], [sflag:s8] =	dma.local @!p0 [hbm:s6], $0xF7A  }
0x23: {  	s9 =	sor.u32 $0xD0000000, s2;
	s6 =	simm.s32 $0x108;
	_ =	swait.ge @!p0 [sflag:s8], $0x0  }
0x24: {  	s3 =	sadd.s32 $0x88, s3;
	s6 =	simm.s32 @!p1 $0x1082;
	[sflag:s4] =	ssyncset.s32 $0xFFFFF086  }
0x25: {  	[simem:s6], [sflag:s4] =	dma.local [hbm:s3], $0xF7A  }
0x26: {  	[smem:$0x3F97] =	sst s1;
	(tag) =	ssettag s2;
	_ =	strace s9  }
0x27: {  	s1 =	sld [smem:$0x3FA7]  }
0x28: {  	s2 =	sld [smem:$0x3FA8]  }
0x29: {  	s4 =	sld [smem:$0x3FAA]  }
0x2a: {  	p0 =	seq.s32 s5, $0x0;
	s5 =	sld [smem:$0x3FAB]  }
0x2b: {  	s6 =	sld [smem:$0x3FAC]  }
0x2c: {  	s7 =	sld [smem:$0x3FAD]  }
0x2d: {  	s3 =	simm.s32 $0x108;
	s8 =	sld [smem:$0x3FAE]  }
0x2e: {  	s3 =	simm.s32 @!p0 $0x1082;
	s9 =	sld [smem:$0x3FAF]  }
0x2f: {  	lr =	sadd.s32 s0, s3;
	s0 =	sld [smem:$0x3FA6]  }
0x30: {  	s3 =	sld [smem:$0x3FA9]  }
0x31: {  	[smem:$0x3FB2] =	sst s10  }
0x32: {  	s10 =	sld [smem:$0x3FB0];
	_ =	sdelay $0x3  }
0x33: {  	p0 =	seq.s32 s10, $0x1;
	s10 =	sld [smem:$0x3FB2];
	_ =	sdelay $0x3  }
0x34: {  	[smem:$0x3FB2] =	sst s10  }
0x35: {  	s10 =	sld [smem:$0x3FB1];
	_ =	sdelay $0x3  }
0x36: {  	p1 =	seq.s32 s10, $0x1;
	s10 =	sld [smem:$0x3FB2];
	_ =	sdelay $0x3  }
0x37: {  	[smem:$0x3FB2] =	sst s10  }
0x38: {  	s10 =	sld [smem:$0x3FB3]  }
0x39: {  	_ = 	snop;
	(pc) =	sbr.ind lr, $3  }
0x3a: {  	_ = 	snop  }
0x3b: {  	_ = 	snop  }
0x3c: {  	p2 =	seq.s32 s10, $0x1;
	s10 =	sld [smem:$0x3FB2]  }
0x3d: {  	_ =	shalt  }
0x3e: {  	_ =	shalt  }
0x3f: {  	_ =	shalt  }
0x40: {  	_ =	shalt  }
0x41: {  	_ =	shalt  }
0x42: {  	_ =	shalt  }
0x43: {  	_ =	shalt  }
0x44: {  	_ =	shalt  }
0x45: {  	_ =	shalt  }
0x46: {  	_ =	shalt  }
0x47: {  	_ =	shalt  }
0x48: {  	_ =	shalt  }
0x49: {  	_ =	shalt  }
0x4a: {  	_ =	shalt  }
0x4b: {  	_ =	shalt  }
0x4c: {  	_ =	shalt  }
0x4d: {  	_ =	shalt  }
0x4e: {  	_ =	shalt  }
0x4f: {  	_ =	shalt  }
0x50: {  	_ =	shalt  }
0x51: {  	_ =	shalt  }
0x52: {  	_ =	shalt  }
0x53: {  	_ =	shalt  }
0x54: {  	_ =	shalt  }
0x55: {  	_ =	shalt  }
0x56: {  	_ =	shalt  }
0x57: {  	_ =	shalt  }
0x58: {  	_ =	shalt  }
0x59: {  	_ =	shalt  }
0x5a: {  	_ =	shalt  }
0x5b: {  	_ =	shalt  }
0x5c: {  	_ =	shalt  }
0x5d: {  	_ =	shalt  }
0x5e: {  	_ =	shalt  }
0x5f: {  	_ =	shalt  }
0x60: {  	_ =	shalt  }
0x61: {  	_ =	shalt  }
0x62: {  	_ =	shalt  }
0x63: {  	_ =	shalt  }
0x64: {  	_ =	shalt  }
0x65: {  	_ =	shalt  }
0x66: {  	_ =	shalt  }
0x67: {  	_ =	shalt  }
0x68: {  	_ =	shalt  }
0x69: {  	_ =	shalt  }
0x6a: {  	_ =	shalt  }
0x6b: {  	_ =	shalt  }
0x6c: {  	_ =	shalt  }
0x6d: {  	_ =	shalt  }
0x6e: {  	_ =	shalt  }
0x6f: {  	_ =	shalt  }
0x70: {  	_ =	shalt  }
0x71: {  	_ =	shalt  }
0x72: {  	_ =	shalt  }
0x73: {  	_ =	shalt  }
0x74: {  	_ =	shalt  }
0x75: {  	_ =	shalt  }
0x76: {  	_ =	shalt  }
0x77: {  	_ =	shalt  }
0x78: {  	_ =	shalt  }
0x79: {  	_ =	shalt  }
0x7a: {  	_ =	shalt  }
0x7b: {  	_ =	shalt  }
0x7c: {  	_ =	shalt  }
0x7d: {  	_ =	shalt  }
0x7e: {  	_ =	shalt  }
0x7f: {  	_ =	shalt  }
0x80: {  	_ =	shalt  }
0x81: {  	_ =	shalt  }
0x82: {  	_ =	shalt  }
0x83: {  	_ =	shalt  }
0x84: {  	_ =	shalt  }
0x85: {  	_ =	shalt  }
0x86: {  	_ =	shalt  }
0x87: {  	_ =	shalt  }
.Lfunc_end0:
.L_simem_size_0:
called_computation.3_lowered:
.L_overlay_start_0:
0x88: {  	s2 =	sld [smem:$0x3FD9]  }
0x89: {  	s3 =	sld [smem:$0x3FFE];
	_ =	sdelay $0x1  }
0x8a: {  	s1 =	srdreg.scid  }
0x8b: {  	s0 =	sand.u32 $0x1, s1  }
0x8c: {  	s16 =	sshll.u32 s0, $0xA;
	s2 =	sadd.s32 s3, s2  }
0x8d: {  	s2 =	sadd.s32 s2, s16  }
0x8e: {  	[smem:$0x3FBE] =	sst s2  }
0x8f: {  	_ = 	snop  }
0x90: {  	(tm) =	ssettm $0x1  }
0x91: {  	s17 =	sld [smem:$0x3FFB];
	_ =	sdelay $0x3  }
0x92: {  	_ =	strace s17  }
0x93: {  	s2 =	sld [smem:$0x3FFC];
	_ =	sdelay $0x3  }
0x94: {  	_ =	strace s2  }
0x95: {  	s2 =	sld [smem:$0x3FFD];
	_ =	sdelay $0x3  }
0x96: {  	_ =	strace s2  }
0x97: {  	_ =	strace $0x8FFFFFFF  }
0x98: {  	s18 =	sld [smem:$0x3FDB];
	_ =	sdelay $0x1  }
0x99: {  	s19 =	simm.s32 $_scs_section_size  }
0x9a: {  	s4 =	simm.s32 $_size__tile_overlayer_lowered;
	s5 =	simm.s32 $_tile_overlayer_lowered  }
0x9b: {  	s22 =	simm.s32 $0x1BFF;
	s21 =	sshll.u32 s5, $0x1;
	s2 =	sadd.s32 s19, s18  }
0x9c: {  	s6 =	simm.s32 $0x0;
	s20 =	sshll.u32 s4, $0x1;
	s4 =	sadd.s32 s21, s2  }
0x9d: {  	[timem:s6], [sflag:s22] =	dma.local [hbm:s4], s20  }
0x9e: {  	_ =	swait.ge [sflag:s22], s20  }
0x9f: {  	s3 =	ssub.s32 $0x0, s20;
	[sflag:s22] =	ssyncset.done $0x0  }
0xa0: {  	[sflag:s22] =	ssyncadd.s32 s3;
	_ =	sdelay $0x1  }
0xa1: {  	s23 =	simm.s32 $0x1B8B  }
0xa2: {  	_ =	swait.ge [sflag:s23], $0x1  }
0xa3: {  	[sflag:s23] =	ssyncset.done $0x0  }
0xa4: {  	s25 =	simm.s32 $0x1B8E;
	s24 =	sld [smem:$0x3FFE];
	[sflag:s23] =	ssyncadd.s32 $0xFFFFFFFF  }
0xa5: {  	s26 =	simm.s32 $execute0_lowered;
	[smem:$0x3FD2] =	sst s25  }
0xa6: {  	s4 =	sshll.u32 s26, $0x1;
	_ =	strace $0x8000004F;
	[dreg:$0x1] =	wrdreg $0xFFFFFFFF  }
0xa7: {  	s28 =	simm.s32 $_size_execute0_lowered;
	s2 =	sadd.s32 s2, s4;
	[dreg:$0x0] =	wrdreg $0x0  }
0xa8: {  	s4 =	sshll.u32 s28, $0x1;
	[dreg:$0x2] =	wrdreg s2  }
0xa9: {  	[dreg:$0x3] =	wrdreg s4  }
0xaa: {  	[dreg:$0x4] =	wrdreg $0xC0  }
0xab: {  	_ =	task [dreg:s6], $0x5FFFF  }
0xac: {  	[dreg:$0x1] =	wrdreg $0xFFFFFFFF  }
0xad: {  	[dreg:$0x0] =	wrdreg $0x60  }
0xae: {  	[dreg:$0x2] =	wrdreg s24  }
0xaf: {  	[dreg:$0x3] =	wrdreg $0xBA900  }
0xb0: {  	[dreg:$0x4] =	wrdreg $0x9  }
0xb1: {  	_ =	task.clear_ibuf [dreg:s6], $0x5FFFF;
	_ =	strace $0x9000004F  }
0xb2: {  	s29 =	simm.s32 $0x9;
	_ =	strace $0x80000051  }
0xb3: {  	_ =	swait.ge [sflag:s29], $0x1  }
0xb4: {  	[sflag:s29] =	ssyncadd.s32 $0xFFFFFFFF  }
0xb5: {  	_ =	strace $0x90000051  }
0xb6: {  	_ =	sfence  }
0xb7: {  	s30 =	sld [smem:$0x0];
	_ =	sdelay $0x2  }
0xb8: {  	s31 =	sshll.u32 s1, $0xD;
	s1 =	sshrl.u32 s1, $0x2  }
0xb9: {  	s3 =	sand.u32 $0x4000, s31;
	s1 =	sadd.s32 s1, s30  }
0xba: {  	s0 =	sor.u32 s3, s0;
	s1 =	sshll.u32 s1, $0x11  }
0xbb: {  	s0 =	sor.u32 s1, s0  }
0xbc: {  	s0 =	sadd.s32 $0x8F2B, s0  }
0xbd: {  	[sflag:s0] =	ssyncadd.remote.s32 $0x1  }
0xbe: {  	_ =	sfence.sel $0xFFFF  }
0xbf: {  	[dreg:$0x0] =	wrdreg $0xFFFFFFFF;
	(pc) =	sbr.abs _section_cstart, $3  }
0xc0: {  	[dreg:$0x1] =	wrdreg $0xFFFFFFFF  }
0xc1: {  	_ =	task.clear_ibuf [dreg:s6], $0x2FFFF;
	_ =	strace $0x9FFFFFFF  }
0xc2: {  	(tm) =	ssettm $0x7FFFFFFF  }
0xc3: {  	_ =	shalt  }
tec
execute0_lowered:
.L_overlay_start_1:
0x0: {  	(tag) =	ssettag $0x1  }
0x1: {  	s0 =	srdreg.scid;
	s5 =	rddreg [dreg:$0x0]  }
0x2: {  	s10 =	stileid.u32;
	s2 =	rddreg [dreg:$0x1];
	s3 =	simm.s32 $0x0  }
0x3: {  	s18 =	simm.s32 $0xB600;
	s19 =	simm.s32 $0x7;
	s20 =	simm.s32 $0x2C00  }
0x4: {  	s21 =	simm.s32 $0x200;
	s22 =	simm.s32 $0x5600;
	s23 =	simm.s32 $0x7600  }
0x5: {  	s28 =	simm.s32 $0x1;
	s29 =	simm.s32 $0x6;
	s31 =	simm.s32 $0x2  }
0x6: {  	s30 =	simm.s32 $0x3;
	s24 =	simm.s32 $0x5;
	s8 =	smul.u32 $0x2910, s10  }
0x7: {  	s0 =	sand.u32 $0x1, s0;
	s1 =	sshll.u32 s10, $0x1;
	s10 =	smul.u32 $0xA440, s10  }
0x8: {  	[smem:$0x7FF] =	sst s3;
	s1 =	sor.u32 s0, s1;
	s7 =	smul.u32 $0x29100, s0  }
0x9: {  	s4 =	sadd.s32 $0x2400, s5;
	s0 =	ssub.s32 $0x2, s0;
	s6 =	smul.u32 $0x580, s1  }
0xa: {  	_ =	strace $0x80000050;
	s1 =	smul.u32 $0x540, s1;
	s9 =	sshrl.u32 s0, $0x1  }
0xb: {  	s25 =	sshrl.u32 s10, $0x2;
	s26 =	sadd.s32 s8, s2;
	s7 =	sadd.s32 s8, s7  }
0xc: {  	s0 =	ssub.s32 s0, s9;
	s9 =	sadd.s32 s25, s2;
	s25 =	sshrl.u32 s26, $0x3  }
0xd: {  	s26 =	simm.s32 $0x9600;
	s6 =	sadd.s32 s6, s5;
	s1 =	sadd.s32 s1, s5  }
0xe: {  	s7 =	sshrl.u32 s7, $0x3;
	s8 =	smax.u32 s0, $0x1;
	s10 =	sadd.s32 $0x490, s9  }
0xf: {  	s11 =	sadd.s32 $0x920, s9;
	s12 =	sadd.s32 $0xDB0, s9;
	s13 =	sadd.s32 $0x1240, s9  }
0x10: {  	s14 =	sadd.s32 $0x16D0, s9;
	s15 =	sadd.s32 $0x1B60, s9;
	s16 =	sadd.s32 $0x1FF0, s9  }
0x11: {  	s17 =	sadd.s32 $0x2480, s9;
	s0 =	simm.s32 $0x4;
	s6 =	sadd.s32 $0x5E200, s6  }
0x12: {  	s5 =	sadd.s32 s7, s5;
	s1 =	sadd.s32 $0x69200, s1;
	[dreg:$0x3] =	wrdreg s6  }
0x13: {  	v0 =	vimm.f32 $0.0e+00;
	[dreg:$0x4] =	wrdreg s1;
	s7 =	sadd.s32 $0x7400, s5;
	s1 =	simm.s32 $0x0  }
.LBB2_1:
0x14: {  	s5 =	simm.s32 $0x40;
	s6 =	simm.s32 $0x0  }
.LBB2_2:
0x15: {  	p0 =	sne.s32 s5, $0x1200;
	[tilespmem:s6+$0xB600] =	vst v0;
	s6 =	smov.u32 s5;
	s5 =	sadd.s32 $0x40, s5  }
.Ltmp0:
0x16: {  	(pc) =	sbr.rel @p0 .LBB2_2-.Ltmp0, $2  }
0x17: {  	_ =	sdelay $0x2  }
0x18: {  	s6 =	sshra.s32 s6, $0x2  }
0x19: {  	[tilespmem:s6+$0xB600] =	vst v0  }
0x1a: {  	[spmem:s9] =	stream.linear.scatter [tilespmem:s18], [sflag:$0x7], $0x490, $0x38;
	[tilespmem:$0xE3A0] =	vst v63  }
0x1b: {  	_ =	swait.ge [sflag:s19], $0x490  }
0x1c: {  	[sflag:s19] =	ssyncset.done $0x0  }
0x1d: {  	[sflag:s19] =	ssyncadd.s32 $0xFFFFFB70  }
0x1e: {  	[spmem:s10] =	stream.linear.scatter [tilespmem:s18], [sflag:$0x7], $0x490, $0x38;
	[tilespmem:$0xE3A0] =	vst v63  }
0x1f: {  	_ =	swait.ge [sflag:s19], $0x490  }
0x20: {  	[sflag:s19] =	ssyncset.done $0x0  }
0x21: {  	[sflag:s19] =	ssyncadd.s32 $0xFFFFFB70  }
0x22: {  	[spmem:s11] =	stream.linear.scatter [tilespmem:s18], [sflag:$0x7], $0x490, $0x38;
	[tilespmem:$0xE3A0] =	vst v63  }
0x23: {  	_ =	swait.ge [sflag:s19], $0x490  }
0x24: {  	[sflag:s19] =	ssyncset.done $0x0  }
0x25: {  	[sflag:s19] =	ssyncadd.s32 $0xFFFFFB70  }
0x26: {  	[spmem:s12] =	stream.linear.scatter [tilespmem:s18], [sflag:$0x7], $0x490, $0x38;
	[tilespmem:$0xE3A0] =	vst v63  }
0x27: {  	_ =	swait.ge [sflag:s19], $0x490  }
0x28: {  	[sflag:s19] =	ssyncset.done $0x0  }
0x29: {  	[sflag:s19] =	ssyncadd.s32 $0xFFFFFB70  }
0x2a: {  	[spmem:s13] =	stream.linear.scatter [tilespmem:s18], [sflag:$0x7], $0x490, $0x38;
	[tilespmem:$0xE3A0] =	vst v63  }
0x2b: {  	_ =	swait.ge [sflag:s19], $0x490  }
0x2c: {  	[sflag:s19] =	ssyncset.done $0x0  }
0x2d: {  	[sflag:s19] =	ssyncadd.s32 $0xFFFFFB70  }
0x2e: {  	[spmem:s14] =	stream.linear.scatter [tilespmem:s18], [sflag:$0x7], $0x490, $0x38;
	[tilespmem:$0xE3A0] =	vst v63  }
0x2f: {  	_ =	swait.ge [sflag:s19], $0x490  }
0x30: {  	[sflag:s19] =	ssyncset.done $0x0  }
0x31: {  	[sflag:s19] =	ssyncadd.s32 $0xFFFFFB70  }
0x32: {  	[spmem:s15] =	stream.linear.scatter [tilespmem:s18], [sflag:$0x7], $0x490, $0x38;
	[tilespmem:$0xE3A0] =	vst v63  }
0x33: {  	_ =	swait.ge [sflag:s19], $0x490  }
0x34: {  	[sflag:s19] =	ssyncset.done $0x0  }
0x35: {  	[sflag:s19] =	ssyncadd.s32 $0xFFFFFB70  }
0x36: {  	[spmem:s16] =	stream.linear.scatter [tilespmem:s18], [sflag:$0x7], $0x490, $0x38;
	[tilespmem:$0xE3A0] =	vst v63  }
0x37: {  	_ =	swait.ge [sflag:s19], $0x490  }
0x38: {  	[sflag:s19] =	ssyncset.done $0x0  }
0x39: {  	[sflag:s19] =	ssyncadd.s32 $0xFFFFFB70  }
0x3a: {  	[spmem:s17] =	stream.linear.scatter [tilespmem:s18], [sflag:$0x7], $0x490, $0x38;
	[tilespmem:$0xE3A0] =	vst v63  }
0x3b: {  	_ =	swait.ge [sflag:s19], $0x490  }
0x3c: {  	[sflag:s19] =	ssyncset.done $0x0  }
0x3d: {  	s5 =	rddreg [dreg:$0x3];
	[sflag:s19] =	ssyncadd.s32 $0xFFFFFB70  }
0x3e: {  	[tilespmem:s3], [sflag:$0x7] =	stream.linear.gather [hbm4b:s5+s3], $0x2C00, $0x38;
	[tilespmem:$0xE3A0] =	vst v63  }
0x3f: {  	_ =	swait.ge [sflag:s19], $0x2C00  }
0x40: {  	[sflag:s19] =	ssyncset.done $0x0  }
0x41: {  	s6 =	rddreg [dreg:$0x4];
	[sflag:s19] =	ssyncadd.s32 $0xFFFFD400  }
0x42: {  	[tilespmem:s20], [sflag:$0x7] =	stream.linear.gather [hbm4b:s6+s3], $0x2A00, $0x38;
	[tilespmem:$0xE3A0] =	vst v63  }
0x43: {  	_ =	swait.ge [sflag:s19], $0x2A00  }
0x44: {  	[sflag:s19] =	ssyncset.done $0x0  }
0x45: {  	[sflag:s19] =	ssyncadd.s32 $0xFFFFD600  }
0x46: {  	[bflag:$0x0] =	sbarrier.arrive $0xFFFF  }
0x47: {  	[tilespmem:s22], [sflag:$0x1] =	stream.indirect.gather [hbm4b:s4+s21], $0x10, s3, s21, $0xb8;
	[tilespmem:$0xE3A0] =	vst v63  }
0x48: {  	_ = 	snop  }
0x49: {  	[tilespmem:s23], [sflag:$0x2] =	stream.indirect.gather [hbm4b:s4+s21], $0x10, s21, s21, $0xb8;
	[tilespmem:$0xE3A0] =	vst v63  }
0x4a: {  	s6 =	simm.s32 $0x5400  }
0x4b: {  	[spmem:s2] =	stream.indirect.scatter.add.f32 [tilespmem:s26], [sflag:$0x6], $0x10, s6, s21, $0xb8;
	[tilespmem:$0xE3A0] =	vst v63  }
0x4c: {  	_ =	swait.ge [sflag:s28], $0x2000  }
0x4d: {  	[sflag:s28] =	ssyncset.done $0x0  }
0x4e: {  	[sflag:s28] =	ssyncadd.s32 $0xFFFFE000  }
0x4f: {  	[spmem:s2] =	stream.indirect.scatter.add.f32 [tilespmem:s22], [sflag:$0x4], $0x10, s20, s21, $0xb8;
	[tilespmem:$0xE3A0] =	vst v63  }
0x50: {  	_ =	swait.ge [sflag:s29], $0x2000  }
0x51: {  	[sflag:s29] =	ssyncset.done $0x0  }
0x52: {  	s6 =	simm.s32 $0x400;
	[sflag:s29] =	ssyncadd.s32 $0xFFFFE000  }
0x53: {  	[tilespmem:s26], [sflag:$0x3] =	stream.indirect.gather [hbm4b:s4+s21], $0x10, s6, s21, $0xb8;
	[tilespmem:$0xE3A0] =	vst v63  }
0x54: {  	_ =	swait.ge [sflag:s31], $0x2000  }
0x55: {  	[sflag:s31] =	ssyncset.done $0x0  }
0x56: {  	s6 =	simm.s32 $0x2E00;
	[sflag:s31] =	ssyncadd.s32 $0xFFFFE000  }
0x57: {  	[spmem:s2] =	stream.indirect.scatter.add.f32 [tilespmem:s23], [sflag:$0x5], $0x10, s6, s21, $0xb8;
	[tilespmem:$0xE3A0] =	vst v63  }
0x58: {  	_ =	swait.ge [sflag:s0], $0x2000  }
0x59: {  	[sflag:s0] =	ssyncset.done $0x0  }
0x5a: {  	s6 =	simm.s32 $0x600;
	[sflag:s0] =	ssyncadd.s32 $0xFFFFE000  }
0x5b: {  	[tilespmem:s22], [sflag:$0x1] =	stream.indirect.gather [hbm4b:s4+s21], $0x10, s6, s21, $0xb8;
	[tilespmem:$0xE3A0] =	vst v63  }
0x5c: {  	_ =	swait.ge [sflag:s30], $0x2000  }
0x5d: {  	[sflag:s30] =	ssyncset.done $0x0  }
0x5e: {  	s6 =	simm.s32 $0x3000;
	[sflag:s30] =	ssyncadd.s32 $0xFFFFE000  }
0x5f: {  	[spmem:s2] =	stream.indirect.scatter.add.f32 [tilespmem:s26], [sflag:$0x6], $0x10, s6, s21, $0xb8;
	[tilespmem:$0xE3A0] =	vst v63  }
0x60: {  	_ =	swait.ge [sflag:s24], $0x2000  }
0x61: {  	[sflag:s24] =	ssyncset.done $0x0  }
0x62: {  	s6 =	simm.s32 $0x800;
	[sflag:s24] =	ssyncadd.s32 $0xFFFFE000  }
0x63: {  	[tilespmem:s23], [sflag:$0x2] =	stream.indirect.gather [hbm4b:s4+s21], $0x10, s6, s21, $0xb8;
	[tilespmem:$0xE3A0] =	vst v63  }
0x64: {  	_ =	swait.ge [sflag:s28], $0x2000  }
0x65: {  	[sflag:s28] =	ssyncset.done $0x0  }
0x66: {  	s6 =	simm.s32 $0x3200;
	[sflag:s28] =	ssyncadd.s32 $0xFFFFE000  }
0x67: {  	[spmem:s2] =	stream.indirect.scatter.add.f32 [tilespmem:s22], [sflag:$0x4], $0x10, s6, s21, $0xb8;
	[tilespmem:$0xE3A0] =	vst v63  }
0x68: {  	_ =	swait.ge [sflag:s29], $0x2000  }
0x69: {  	[sflag:s29] =	ssyncset.done $0x0  }
0x6a: {  	s6 =	simm.s32 $0xA00;
	[sflag:s29] =	ssyncadd.s32 $0xFFFFE000  }
0x6b: {  	[tilespmem:s26], [sflag:$0x3] =	stream.indirect.gather [hbm4b:s4+s21], $0x10, s6, s21, $0xb8;
	[tilespmem:$0xE3A0] =	vst v63  }
0x6c: {  	_ =	swait.ge [sflag:s31], $0x2000  }
0x6d: {  	[sflag:s31] =	ssyncset.done $0x0  }
0x6e: {  	s6 =	simm.s32 $0x3400;
	[sflag:s31] =	ssyncadd.s32 $0xFFFFE000  }
0x6f: {  	[spmem:s2] =	stream.indirect.scatter.add.f32 [tilespmem:s23], [sflag:$0x5], $0x10, s6, s21, $0xb8;
	[tilespmem:$0xE3A0] =	vst v63  }
0x70: {  	_ =	swait.ge [sflag:s0], $0x2000  }
0x71: {  	[sflag:s0] =	ssyncset.done $0x0  }
0x72: {  	s6 =	simm.s32 $0xC00;
	[sflag:s0] =	ssyncadd.s32 $0xFFFFE000  }
0x73: {  	[tilespmem:s22], [sflag:$0x1] =	stream.indirect.gather [hbm4b:s4+s21], $0x10, s6, s21, $0xb8;
	[tilespmem:$0xE3A0] =	vst v63  }
0x74: {  	_ =	swait.ge [sflag:s30], $0x2000  }
0x75: {  	[sflag:s30] =	ssyncset.done $0x0  }
0x76: {  	s6 =	simm.s32 $0x3600;
	[sflag:s30] =	ssyncadd.s32 $0xFFFFE000  }
0x77: {  	[spmem:s2] =	stream.indirect.scatter.add.f32 [tilespmem:s26], [sflag:$0x6], $0x10, s6, s21, $0xb8;
	[tilespmem:$0xE3A0] =	vst v63  }
0x78: {  	_ =	swait.ge [sflag:s24], $0x2000  }
0x79: {  	[sflag:s24] =	ssyncset.done $0x0  }
0x7a: {  	s6 =	simm.s32 $0xE00;
	[sflag:s24] =	ssyncadd.s32 $0xFFFFE000  }
0x7b: {  	[tilespmem:s23], [sflag:$0x2] =	stream.indirect.gather [hbm4b:s4+s21], $0x10, s6, s21, $0xb8;
	[tilespmem:$0xE3A0] =	vst v63  }
0x7c: {  	_ =	swait.ge [sflag:s28], $0x2000  }
0x7d: {  	[sflag:s28] =	ssyncset.done $0x0  }
0x7e: {  	s6 =	simm.s32 $0x3800;
	[sflag:s28] =	ssyncadd.s32 $0xFFFFE000  }
0x7f: {  	[spmem:s2] =	stream.indirect.scatter.add.f32 [tilespmem:s22], [sflag:$0x4], $0x10, s6, s21, $0xb8;
	[tilespmem:$0xE3A0] =	vst v63  }
0x80: {  	_ =	swait.ge [sflag:s29], $0x2000  }
0x81: {  	[sflag:s29] =	ssyncset.done $0x0  }
0x82: {  	s6 =	simm.s32 $0x1000;
	[sflag:s29] =	ssyncadd.s32 $0xFFFFE000  }
0x83: {  	[tilespmem:s26], [sflag:$0x3] =	stream.indirect.gather [hbm4b:s4+s21], $0x10, s6, s21, $0xb8;
	[tilespmem:$0xE3A0] =	vst v63  }
0x84: {  	_ =	swait.ge [sflag:s31], $0x2000  }
0x85: {  	[sflag:s31] =	ssyncset.done $0x0  }
0x86: {  	s6 =	simm.s32 $0x3A00;
	[sflag:s31] =	ssyncadd.s32 $0xFFFFE000  }
0x87: {  	[spmem:s2] =	stream.indirect.scatter.add.f32 [tilespmem:s23], [sflag:$0x5], $0x10, s6, s21, $0xb8;
	[tilespmem:$0xE3A0] =	vst v63  }
0x88: {  	_ =	swait.ge [sflag:s0], $0x2000  }
0x89: {  	[sflag:s0] =	ssyncset.done $0x0  }
0x8a: {  	s6 =	simm.s32 $0x1200;
	[sflag:s0] =	ssyncadd.s32 $0xFFFFE000  }
0x8b: {  	[tilespmem:s22], [sflag:$0x1] =	stream.indirect.gather [hbm4b:s4+s21], $0x10, s6, s21, $0xb8;
	[tilespmem:$0xE3A0] =	vst v63  }
0x8c: {  	_ =	swait.ge [sflag:s30], $0x2000  }
0x8d: {  	[sflag:s30] =	ssyncset.done $0x0  }
0x8e: {  	s6 =	simm.s32 $0x3C00;
	[sflag:s30] =	ssyncadd.s32 $0xFFFFE000  }
0x8f: {  	[spmem:s2] =	stream.indirect.scatter.add.f32 [tilespmem:s26], [sflag:$0x6], $0x10, s6, s21, $0xb8;
	[tilespmem:$0xE3A0] =	vst v63  }
0x90: {  	_ =	swait.ge [sflag:s24], $0x2000  }
0x91: {  	[sflag:s24] =	ssyncset.done $0x0  }
0x92: {  	s6 =	simm.s32 $0x1400;
	[sflag:s24] =	ssyncadd.s32 $0xFFFFE000  }
0x93: {  	[tilespmem:s23], [sflag:$0x2] =	stream.indirect.gather [hbm4b:s4+s21], $0x10, s6, s21, $0xb8;
	[tilespmem:$0xE3A0] =	vst v63  }
0x94: {  	_ =	swait.ge [sflag:s28], $0x2000  }
0x95: {  	[sflag:s28] =	ssyncset.done $0x0  }
0x96: {  	s6 =	simm.s32 $0x3E00;
	[sflag:s28] =	ssyncadd.s32 $0xFFFFE000  }
0x97: {  	[spmem:s2] =	stream.indirect.scatter.add.f32 [tilespmem:s22], [sflag:$0x4], $0x10, s6, s21, $0xb8;
	[tilespmem:$0xE3A0] =	vst v63  }
0x98: {  	_ =	swait.ge [sflag:s29], $0x2000  }
0x99: {  	[sflag:s29] =	ssyncset.done $0x0  }
0x9a: {  	s6 =	simm.s32 $0x1600;
	[sflag:s29] =	ssyncadd.s32 $0xFFFFE000  }
0x9b: {  	[tilespmem:s26], [sflag:$0x3] =	stream.indirect.gather [hbm4b:s4+s21], $0x10, s6, s21, $0xb8;
	[tilespmem:$0xE3A0] =	vst v63  }
0x9c: {  	_ =	swait.ge [sflag:s31], $0x2000  }
0x9d: {  	[sflag:s31] =	ssyncset.done $0x0  }
0x9e: {  	s6 =	simm.s32 $0x4000;
	[sflag:s31] =	ssyncadd.s32 $0xFFFFE000  }
0x9f: {  	[spmem:s2] =	stream.indirect.scatter.add.f32 [tilespmem:s23], [sflag:$0x5], $0x10, s6, s21, $0xb8;
	[tilespmem:$0xE3A0] =	vst v63  }
0xa0: {  	_ =	swait.ge [sflag:s0], $0x2000  }
0xa1: {  	[sflag:s0] =	ssyncset.done $0x0  }
0xa2: {  	s6 =	simm.s32 $0x1800;
	[sflag:s0] =	ssyncadd.s32 $0xFFFFE000  }
0xa3: {  	[tilespmem:s22], [sflag:$0x1] =	stream.indirect.gather [hbm4b:s4+s21], $0x10, s6, s21, $0xb8;
	[tilespmem:$0xE3A0] =	vst v63  }
0xa4: {  	_ =	swait.ge [sflag:s30], $0x2000  }
0xa5: {  	[sflag:s30] =	ssyncset.done $0x0  }
0xa6: {  	s6 =	simm.s32 $0x4200;
	[sflag:s30] =	ssyncadd.s32 $0xFFFFE000  }
0xa7: {  	[spmem:s2] =	stream.indirect.scatter.add.f32 [tilespmem:s26], [sflag:$0x6], $0x10, s6, s21, $0xb8;
	[tilespmem:$0xE3A0] =	vst v63  }
0xa8: {  	_ =	swait.ge [sflag:s24], $0x2000  }
0xa9: {  	[sflag:s24] =	ssyncset.done $0x0  }
0xaa: {  	s6 =	simm.s32 $0x1A00;
	[sflag:s24] =	ssyncadd.s32 $0xFFFFE000  }
0xab: {  	[tilespmem:s23], [sflag:$0x2] =	stream.indirect.gather [hbm4b:s4+s21], $0x10, s6, s21, $0xb8;
	[tilespmem:$0xE3A0] =	vst v63  }
0xac: {  	_ =	swait.ge [sflag:s28], $0x2000  }
0xad: {  	[sflag:s28] =	ssyncset.done $0x0  }
0xae: {  	s6 =	simm.s32 $0x4400;
	[sflag:s28] =	ssyncadd.s32 $0xFFFFE000  }
0xaf: {  	[spmem:s2] =	stream.indirect.scatter.add.f32 [tilespmem:s22], [sflag:$0x4], $0x10, s6, s21, $0xb8;
	[tilespmem:$0xE3A0] =	vst v63  }
0xb0: {  	_ =	swait.ge [sflag:s29], $0x2000  }
0xb1: {  	[sflag:s29] =	ssyncset.done $0x0  }
0xb2: {  	s6 =	simm.s32 $0x1C00;
	[sflag:s29] =	ssyncadd.s32 $0xFFFFE000  }
0xb3: {  	[tilespmem:s26], [sflag:$0x3] =	stream.indirect.gather [hbm4b:s4+s21], $0x10, s6, s21, $0xb8;
	[tilespmem:$0xE3A0] =	vst v63  }
0xb4: {  	_ =	swait.ge [sflag:s31], $0x2000  }
0xb5: {  	[sflag:s31] =	ssyncset.done $0x0  }
0xb6: {  	s6 =	simm.s32 $0x4600;
	[sflag:s31] =	ssyncadd.s32 $0xFFFFE000  }
0xb7: {  	[spmem:s2] =	stream.indirect.scatter.add.f32 [tilespmem:s23], [sflag:$0x5], $0x10, s6, s21, $0xb8;
	[tilespmem:$0xE3A0] =	vst v63  }
0xb8: {  	_ =	swait.ge [sflag:s0], $0x2000  }
0xb9: {  	[sflag:s0] =	ssyncset.done $0x0  }
0xba: {  	s6 =	simm.s32 $0x1E00;
	[sflag:s0] =	ssyncadd.s32 $0xFFFFE000  }
0xbb: {  	[tilespmem:s22], [sflag:$0x1] =	stream.indirect.gather [hbm4b:s4+s21], $0x10, s6, s21, $0xb8;
	[tilespmem:$0xE3A0] =	vst v63  }
0xbc: {  	_ =	swait.ge [sflag:s30], $0x2000  }
0xbd: {  	[sflag:s30] =	ssyncset.done $0x0  }
0xbe: {  	s6 =	simm.s32 $0x4800;
	[sflag:s30] =	ssyncadd.s32 $0xFFFFE000  }
0xbf: {  	[spmem:s2] =	stream.indirect.scatter.add.f32 [tilespmem:s26], [sflag:$0x6], $0x10, s6, s21, $0xb8;
	[tilespmem:$0xE3A0] =	vst v63  }
0xc0: {  	_ =	swait.ge [sflag:s24], $0x2000  }
0xc1: {  	[sflag:s24] =	ssyncset.done $0x0  }
0xc2: {  	s6 =	simm.s32 $0x2000;
	[sflag:s24] =	ssyncadd.s32 $0xFFFFE000  }
0xc3: {  	[tilespmem:s23], [sflag:$0x2] =	stream.indirect.gather [hbm4b:s4+s21], $0x10, s6, s21, $0xb8;
	[tilespmem:$0xE3A0] =	vst v63  }
0xc4: {  	_ =	swait.ge [sflag:s28], $0x2000  }
0xc5: {  	[sflag:s28] =	ssyncset.done $0x0  }
0xc6: {  	s6 =	simm.s32 $0x4A00;
	[sflag:s28] =	ssyncadd.s32 $0xFFFFE000  }
0xc7: {  	[spmem:s2] =	stream.indirect.scatter.add.f32 [tilespmem:s22], [sflag:$0x4], $0x10, s6, s21, $0xb8;
	[tilespmem:$0xE3A0] =	vst v63  }
0xc8: {  	_ =	swait.ge [sflag:s29], $0x2000  }
0xc9: {  	[sflag:s29] =	ssyncset.done $0x0  }
0xca: {  	s6 =	simm.s32 $0x2200;
	[sflag:s29] =	ssyncadd.s32 $0xFFFFE000  }
0xcb: {  	[tilespmem:s26], [sflag:$0x3] =	stream.indirect.gather [hbm4b:s4+s21], $0x10, s6, s21, $0xb8;
	[tilespmem:$0xE3A0] =	vst v63  }
0xcc: {  	_ =	swait.ge [sflag:s31], $0x2000  }
0xcd: {  	[sflag:s31] =	ssyncset.done $0x0  }
0xce: {  	s6 =	simm.s32 $0x4C00;
	[sflag:s31] =	ssyncadd.s32 $0xFFFFE000  }
0xcf: {  	[spmem:s2] =	stream.indirect.scatter.add.f32 [tilespmem:s23], [sflag:$0x5], $0x10, s6, s21, $0xb8;
	[tilespmem:$0xE3A0] =	vst v63  }
0xd0: {  	_ =	swait.ge [sflag:s0], $0x2000  }
0xd1: {  	[sflag:s0] =	ssyncset.done $0x0  }
0xd2: {  	s6 =	simm.s32 $0x2400;
	[sflag:s0] =	ssyncadd.s32 $0xFFFFE000  }
0xd3: {  	[tilespmem:s22], [sflag:$0x1] =	stream.indirect.gather [hbm4b:s4+s21], $0x10, s6, s21, $0xb8;
	[tilespmem:$0xE3A0] =	vst v63  }
0xd4: {  	_ =	swait.ge [sflag:s30], $0x2000  }
0xd5: {  	[sflag:s30] =	ssyncset.done $0x0  }
0xd6: {  	s6 =	simm.s32 $0x4E00;
	[sflag:s30] =	ssyncadd.s32 $0xFFFFE000  }
0xd7: {  	[spmem:s2] =	stream.indirect.scatter.add.f32 [tilespmem:s26], [sflag:$0x6], $0x10, s6, s21, $0xb8;
	[tilespmem:$0xE3A0] =	vst v63  }
0xd8: {  	_ =	swait.ge [sflag:s24], $0x2000  }
0xd9: {  	[sflag:s24] =	ssyncset.done $0x0  }
0xda: {  	s6 =	simm.s32 $0x2600;
	[sflag:s24] =	ssyncadd.s32 $0xFFFFE000  }
0xdb: {  	[tilespmem:s23], [sflag:$0x2] =	stream.indirect.gather [hbm4b:s4+s21], $0x10, s6, s21, $0xb8;
	[tilespmem:$0xE3A0] =	vst v63  }
0xdc: {  	_ =	swait.ge [sflag:s28], $0x2000  }
0xdd: {  	[sflag:s28] =	ssyncset.done $0x0  }
0xde: {  	s6 =	simm.s32 $0x5000;
	[sflag:s28] =	ssyncadd.s32 $0xFFFFE000  }
0xdf: {  	[spmem:s2] =	stream.indirect.scatter.add.f32 [tilespmem:s22], [sflag:$0x4], $0x10, s6, s21, $0xb8;
	[tilespmem:$0xE3A0] =	vst v63  }
0xe0: {  	_ =	swait.ge [sflag:s29], $0x2000  }
0xe1: {  	[sflag:s29] =	ssyncset.done $0x0  }
0xe2: {  	s6 =	simm.s32 $0x2800;
	[sflag:s29] =	ssyncadd.s32 $0xFFFFE000  }
0xe3: {  	[tilespmem:s26], [sflag:$0x3] =	stream.indirect.gather [hbm4b:s4+s21], $0x10, s6, s21, $0xb8;
	[tilespmem:$0xE3A0] =	vst v63  }
0xe4: {  	_ =	swait.ge [sflag:s31], $0x2000  }
0xe5: {  	[sflag:s31] =	ssyncset.done $0x0  }
0xe6: {  	s6 =	simm.s32 $0x5200;
	[sflag:s31] =	ssyncadd.s32 $0xFFFFE000  }
0xe7: {  	[spmem:s2] =	stream.indirect.scatter.add.f32 [tilespmem:s23], [sflag:$0x5], $0x10, s6, s21, $0xb8;
	[tilespmem:$0xE3A0] =	vst v63  }
0xe8: {  	_ =	swait.ge [sflag:s0], $0x2000  }
0xe9: {  	[sflag:s0] =	ssyncset.done $0x0  }
0xea: {  	s6 =	simm.s32 $0x2A00;
	[sflag:s0] =	ssyncadd.s32 $0xFFFFE000  }
0xeb: {  	[tilespmem:s22], [sflag:$0x1] =	stream.indirect.gather [hbm4b:s4+s21], $0x10, s6, s21, $0xb8;
	[tilespmem:$0xE3A0] =	vst v63  }
0xec: {  	_ =	swait.ge [sflag:s24], $0x2000  }
0xed: {  	[sflag:s24] =	ssyncset.done $0x0  }
0xee: {  	[sflag:s24] =	ssyncadd.s32 $0xFFFFE000  }
0xef: {  	_ =	swait.ge [sflag:s30], $0x2000  }
0xf0: {  	[sflag:s30] =	ssyncset.done $0x0  }
0xf1: {  	[sflag:s30] =	ssyncadd.s32 $0xFFFFE000  }
0xf2: {  	_ =	swait.ge [sflag:s28], $0x2000  }
0xf3: {  	s1 =	sadd.s32 $0x1, s1;
	s6 =	stileid.u32;
	[sflag:s28] =	ssyncset.done $0x0  }
0xf4: {  	p0 =	sne.s32 s1, s8;
	s5 =	sshll.u32 s6, $0x6;
	[sflag:s28] =	ssyncadd.s32 $0xFFFFE000  }
.Ltmp1:
0xf5: {  	s5 =	sor.u32 $0x1C07, s5;
	[bflag:$0x0] =	sbarrier.arrive $0xFFFF;
	(pc) =	sbr.rel @p0 .LBB2_1-.Ltmp1, $4  }
0xf6: {  	[hbm:s7], [sflag:s5] =	dma.local [spmem:s25], $0x522  }
0xf7: {  	_ =	swait.ge [sflag:s19], $0x522  }
0xf8: {  	[sflag:s19] =	ssyncset.done $0x0  }
0xf9: {  	[sflag:s19] =	ssyncadd.s32 $0xFFFFFADE  }
0xfa: {  	_ =	sfence.sel $0x180000  }
0xfb: {  	[bflag:$0x0] =	sbarrier.arrive $0xFFFF  }
0xfc: {  	_ =	strace $0x90000050  }
0xfd: {  	s0 =	stileid.u32;
	[bflag:$0x2] =	sbarrier.arrive $0xFFFF  }
0xfe: {  	p0 =	sne.s32 s0, $0x0;
	s0 =	rddreg [dreg:$0x2]  }
0xff: {  	s0 =	sadd.s32 @!p0 $0x100000, s0  }
0x100: {  	[sflag:s0] =	ssyncadd.tile.s32 @!p0 $0x1;
	_ =	shalt  }
.Lfunc_end2:
_tile_overlayer_lowered:
.L_overlay_start_2:
0x101: {  	(tag) =	ssettag $0x2  }
0x102: {  	s0 =	rddreg [dreg:$0x0];
	s2 =	stileid.u32  }
0x103: {  	s1 =	rddreg [dreg:$0x1];
	p0 =	sne.s32 s2, $0x0  }
0x104: {  	s3 =	rddreg [dreg:$0x2];
	[bflag:$0x3] =	sbarrier.arrive $0xFFFF;
	s2 =	simm.s32 @!p0 $0x1C07  }
0x105: {  	[timem:s3], [sflag:s2] =	dma.local @!p0 [hbm:s0], s1  }
0x106: {  	s0 =	simm.s32 @!p0 $0x7  }
0x107: {  	_ =	swait.ge @!p0 [sflag:s0], s1  }
0x108: {  	s1 =	ssub.s32 @!p0 $0x0, s1;
	[sflag:s0] =	ssyncset.done @!p0 $0x0  }
0x109: {  	[sflag:s0] =	ssyncadd.s32 @!p0 s1  }
0x10a: {  	[bflag:$0x3] =	sbarrier.arrive $0xFFFF  }
0x10b: {  	_ =	shalt  }

</sc_bundles>
